<compile_context>
chip_gen: v7x
topology: tpu7x:2x2x1
jax: 0.10.2.dev20260603
libtpu: 0.0.44.dev20260713+nightly
codegen_flags: <defaults>
</compile_context>

<pallas_src>
import jax
import jax.numpy as jnp
from jax import lax
from jax.experimental import pallas as pl
from jax.experimental.pallas import tpu as pltpu
from jax.experimental.pallas import tpu_sc as plsc

_BATCH = 32768
_NIN = 64
_NOUT = 256
_NC = 2
_NS = 16
_NW = _NC * _NS
_ROWS_PER_W = _BATCH // _NW
_CHUNK = 128
_NCHUNKS = _ROWS_PER_W // _CHUNK
_L = 16
_G = _NIN // _L
_U = 8


def _sc_body(x_hbm, w_hbm, idx_hbm, out_hbm,
             x_v0, x_v1, out_v0, out_v1, w_v, idx_v,
             sem_x0, sem_x1, sem_o0, sem_o1):
    wid = lax.axis_index("s") * _NC + lax.axis_index("c")
    base_row = wid * _ROWS_PER_W

    x_bufs = (x_v0, x_v1)
    out_bufs = (out_v0, out_v1)
    x_sems = (sem_x0, sem_x1)
    o_sems = (sem_o0, sem_o1)

    x_dma0 = pltpu.async_copy(x_hbm.at[pl.ds(base_row, _CHUNK)], x_v0, sem_x0)

    pltpu.sync_copy(w_hbm, w_v)
    pltpu.sync_copy(idx_hbm, idx_v)

    zero = jnp.zeros((_L,), jnp.float32)

    def zero_body(i, carry):
        r = i // (_NOUT // _L)
        k = (i % (_NOUT // _L)) * _L
        for b in range(2):
            out_bufs[b][r, pl.ds(k, _L)] = zero
            out_bufs[b][r + _CHUNK // 2, pl.ds(k, _L)] = zero
        return carry

    lax.fori_loop(0, _CHUNK // 2 * (_NOUT // _L), zero_body, 0,
                  unroll=4)

    w_regs = tuple(w_v[pl.ds(g * _L, _L)] for g in range(_G))
    idx_regs = tuple(idx_v[pl.ds(g * _L, _L)] for g in range(_G))

    x_dmas = [x_dma0, None]
    o_dmas = [None, None]
    for ci in range(_NCHUNKS):
        b = ci % 2
        row0 = base_row + ci * _CHUNK
        if ci + 1 < _NCHUNKS:
            nb = (ci + 1) % 2
            x_dmas[nb] = pltpu.async_copy(
                x_hbm.at[pl.ds(row0 + _CHUNK, _CHUNK)], x_bufs[nb], x_sems[nb])
        x_dmas[b].wait()
        if o_dmas[b] is not None:
            o_dmas[b].wait()

        x_v = x_bufs[b]
        out_v = out_bufs[b]

        def row_body(i, carry):
            w_r, idx_r = carry
            for u in range(_U):
                r = i * _U + u
                vals = tuple(x_v[r, pl.ds(g * _L, _L)] * w_r[g]
                             for g in range(_G))
                rsplat = jnp.full((_L,), r, jnp.int32)
                for g in range(_G):
                    plsc.store_scatter(out_v, [rsplat, idx_r[g]], vals[g])
            return carry

        lax.fori_loop(0, _CHUNK // _U, row_body, (w_regs, idx_regs))

        o_dmas[b] = pltpu.async_copy(
            out_v, out_hbm.at[pl.ds(row0, _CHUNK)], o_sems[b])

    for d in o_dmas:
        if d is not None:
            d.wait()


def kernel(X_in, weights, input_node_order):
    mesh = plsc.VectorSubcoreMesh(
        core_axis_name="c", subcore_axis_name="s",
        num_cores=_NC, num_subcores=_NS,
    )
    f = pl.kernel(
        _sc_body,
        out_type=jax.ShapeDtypeStruct((_BATCH, _NOUT), jnp.float32),
        mesh=mesh,
        compiler_params=pltpu.CompilerParams(needs_layout_passes=False),
        scratch_types=[
            pltpu.VMEM((_CHUNK, _NIN), jnp.float32),
            pltpu.VMEM((_CHUNK, _NIN), jnp.float32),
            pltpu.VMEM((_CHUNK, _NOUT), jnp.float32),
            pltpu.VMEM((_CHUNK, _NOUT), jnp.float32),
            pltpu.VMEM((_NIN,), jnp.float32),
            pltpu.VMEM((_NIN,), jnp.int32),
            pltpu.SemaphoreType.DMA,
            pltpu.SemaphoreType.DMA,
            pltpu.SemaphoreType.DMA,
            pltpu.SemaphoreType.DMA,
        ],
    )
    return f(X_in, weights, input_node_order)

# --- scband reference (transcript-rebuilt; emitter-appended) ---
"""Pipeline reference for scband-project-input-44959717654533 (READ-ONLY COPY).

The authoritative reference and input builder live on the scoring server;
editing this copy changes nothing except your own understanding.
"""

import jax, jax.numpy as jnp
import numpy as np

BATCH = 32768
N_INPUTS = 64
SIZE_OUT = 256
PROJECTION_AMPLITUDE = 1.2


def setup_inputs(seed: int = 0) -> dict:
    key = jax.random.key(seed)
    X_in = jax.random.normal(jax.random.fold_in(key, 0), (BATCH, N_INPUTS), dtype=jnp.float32)
    # node_idx_map maps label str(i) -> i, input_labels are '0','4',...,'252'
    input_node_order = jnp.arange(0, SIZE_OUT, 4, dtype=jnp.int32)
    # learned parameter: weights initialized to projection_amplitude * ones
    weights = PROJECTION_AMPLITUDE * jnp.ones((N_INPUTS,), dtype=jnp.float32)
    return {"X_in": X_in, "weights": weights, "input_node_order": input_node_order}


def reference(X_in, weights, input_node_order):
    # X_full = zeros([B, size_out]); X_full[:, input_node_order] = weights * X_in
    X_full = jnp.zeros((X_in.shape[0], SIZE_OUT), dtype=X_in.dtype)
    X_full = X_full.at[:, input_node_order].set(weights * X_in)
    return X_full

if __name__ == "__main__":
    import jax
    _d = setup_inputs()
    print(jax.jit(kernel)(*tuple(_d.values())))

</pallas_src>

<mosaic_0001>
#map = affine_map<(d0, d1) -> (0, 0)>
#map1 = affine_map<(d0, d1) -> (0)>
module attributes {stable_mosaic.version = 14 : i64} {
  func.func @_sc_body(%arg0: i32, %arg1: i32, %arg2: memref<32768x64xf32, #tpu.memory_space<hbm>>, %arg3: memref<64xf32, #tpu.memory_space<hbm>>, %arg4: memref<64xi32, #tpu.memory_space<hbm>>, %arg5: memref<32768x256xf32, #tpu.memory_space<hbm>>, %arg6: memref<128x64xf32, #tpu.memory_space<vmem>>, %arg7: memref<128x64xf32, #tpu.memory_space<vmem>>, %arg8: memref<128x256xf32, #tpu.memory_space<vmem>>, %arg9: memref<128x256xf32, #tpu.memory_space<vmem>>, %arg10: memref<64xf32, #tpu.memory_space<vmem>>, %arg11: memref<64xi32, #tpu.memory_space<vmem>>, %arg12: memref<!tpu.dma_semaphore, #tpu.memory_space<semaphore_mem>>, %arg13: memref<!tpu.dma_semaphore, #tpu.memory_space<semaphore_mem>>, %arg14: memref<!tpu.dma_semaphore, #tpu.memory_space<semaphore_mem>>, %arg15: memref<!tpu.dma_semaphore, #tpu.memory_space<semaphore_mem>>) attributes {dimension_semantics = [#tpu.dimension_semantics<core_parallel>, #tpu.dimension_semantics<subcore_parallel>], iteration_bounds = array<i64: 2, 16>, scalar_prefetch = 0 : i64, scratch_operands = 10 : i64, tpu.core_type = #tpu.core_type<sc_vector_subcore>, window_params = [{transform_indices = #map}, {transform_indices = #map1}, {transform_indices = #map1}, {transform_indices = #map}]} {
    %mul3A = arith.constant 2 : i32
    %mul3A_0 = arith.muli %arg1, %mul3A : i32
    %add3A = arith.addi %mul3A_0, %arg0 : i32
    %mul3A_1 = arith.constant 1024 : i32
    %mul3A_2 = arith.muli %add3A, %mul3A_1 : i32
    %dma_start3A = arith.constant 0 : i32
    %dma_start3A_3 = tpu.memref_slice %arg2[%mul3A_2, %dma_start3A] : memref<32768x64xf32, #tpu.memory_space<hbm>> -> memref<128x64xf32, #tpu.memory_space<hbm>>
    %dma_start3A_4 = arith.constant 0 : i32
    %dma_start3A_5 = tpu.memref_slice %arg2[%mul3A_2, %dma_start3A_4] : memref<32768x64xf32, #tpu.memory_space<hbm>> -> memref<128x64xf32, #tpu.memory_space<hbm>>
    tpu.enqueue_dma source(%dma_start3A_5 : memref<128x64xf32, #tpu.memory_space<hbm>>) target(%arg6 : memref<128x64xf32, #tpu.memory_space<vmem>>) target_semaphore(%arg12 : memref<!tpu.dma_semaphore, #tpu.memory_space<semaphore_mem>>)
    "tpu.region"() ({
      %run_scoped3A = tpu.sem_alloc : memref<!tpu.dma_semaphore, #tpu.memory_space<semaphore_mem>>
      tpu.enqueue_dma source(%arg3 : memref<64xf32, #tpu.memory_space<hbm>>) target(%arg10 : memref<64xf32, #tpu.memory_space<vmem>>) target_semaphore(%run_scoped3A : memref<!tpu.dma_semaphore, #tpu.memory_space<semaphore_mem>>)
      tpu.wait_dma2 semaphore(%run_scoped3A : memref<!tpu.dma_semaphore, #tpu.memory_space<semaphore_mem>>) src(%arg3 : memref<64xf32, #tpu.memory_space<hbm>>) dst(%arg10 : memref<64xf32, #tpu.memory_space<vmem>>)
      tpu.yield
    }) : () -> ()
    "tpu.region"() ({
      %run_scoped3A = tpu.sem_alloc : memref<!tpu.dma_semaphore, #tpu.memory_space<semaphore_mem>>
      tpu.enqueue_dma source(%arg4 : memref<64xi32, #tpu.memory_space<hbm>>) target(%arg11 : memref<64xi32, #tpu.memory_space<vmem>>) target_semaphore(%run_scoped3A : memref<!tpu.dma_semaphore, #tpu.memory_space<semaphore_mem>>)
      tpu.wait_dma2 semaphore(%run_scoped3A : memref<!tpu.dma_semaphore, #tpu.memory_space<semaphore_mem>>) src(%arg4 : memref<64xi32, #tpu.memory_space<hbm>>) dst(%arg11 : memref<64xi32, #tpu.memory_space<vmem>>)
      tpu.yield
    }) : () -> ()
    %broadcast_in_dim3A = arith.constant 0.000000e+00 : f32
    %broadcast_in_dim3A_6 = vector.broadcast %broadcast_in_dim3A : f32 to vector<16xf32>
    %scan3A = arith.constant 0 : i32
    %scan3A_7 = arith.constant 0 : i32
    %scan3A_8 = arith.constant 1024 : i32
    %scan3A_9 = arith.addi %scan3A_7, %scan3A_8 : i32
    %scan3A_10 = arith.constant 4 : i32
    scf.for %scan3A_220 = %scan3A_7 to %scan3A_9 step %scan3A_10  : i32 {
      %jit3A = arith.constant 16 : i32
      %div3A = arith.divsi %scan3A_220, %jit3A : i32
      %sign3A = arith.constant 0 : i32
      %sign3A_221 = arith.cmpi sgt, %scan3A_220, %sign3A : i32
      %sign3A_222 = arith.extui %sign3A_221 : i1 to i32
      %sign3A_223 = arith.constant 0 : i32
      %sign3A_224 = arith.cmpi slt, %scan3A_220, %sign3A_223 : i32
      %sign3A_225 = arith.extui %sign3A_224 : i1 to i32
      %sign3A_226 = arith.subi %sign3A_222, %sign3A_225 : i32
      %sign3A_227 = arith.constant 0 : i32
      %sign3A_228 = arith.cmpi sgt, %jit3A, %sign3A_227 : i32
      %sign3A_229 = arith.extui %sign3A_228 : i1 to i32
      %sign3A_230 = arith.constant 0 : i32
      %sign3A_231 = arith.cmpi slt, %jit3A, %sign3A_230 : i32
      %sign3A_232 = arith.extui %sign3A_231 : i1 to i32
      %sign3A_233 = arith.subi %sign3A_229, %sign3A_232 : i32
      %ne3A = arith.cmpi ne, %sign3A_226, %sign3A_233 : i32
      %rem3A = arith.remsi %scan3A_220, %jit3A : i32
      %ne3A_234 = arith.constant 0 : i32
      %ne3A_235 = arith.cmpi ne, %rem3A, %ne3A_234 : i32
      %and3A = arith.andi %ne3A, %ne3A_235 : i1
      %sub3A = arith.constant 1 : i32
      %sub3A_236 = arith.subi %div3A, %sub3A : i32
      %select_n3A = arith.select %and3A, %sub3A_236, %div3A : i32
      %jit3A_237 = arith.constant 16 : i32
      %eq3A = arith.constant 0 : i32
      %eq3A_238 = arith.cmpi eq, %jit3A_237, %eq3A : i32
      %jit3A_239 = arith.constant 1 : i32
      %select_n3A_240 = arith.select %eq3A_238, %jit3A_239, %jit3A_237 : i32
      %rem3A_241 = arith.remsi %scan3A_220, %select_n3A_240 : i32
      %ne3A_242 = arith.constant 0 : i32
      %ne3A_243 = arith.cmpi ne, %rem3A_241, %ne3A_242 : i32
      %lt3A = arith.constant 0 : i32
      %lt3A_244 = arith.cmpi slt, %rem3A_241, %lt3A : i32
      %lt3A_245 = arith.constant 0 : i32
      %lt3A_246 = arith.cmpi slt, %select_n3A_240, %lt3A_245 : i32
      %ne3A_247 = arith.xori %lt3A_244, %lt3A_246 : i1
      %and3A_248 = arith.andi %ne3A_247, %ne3A_243 : i1
      %add3A_249 = arith.addi %rem3A_241, %select_n3A_240 : i32
      %select_n3A_250 = arith.select %and3A_248, %add3A_249, %rem3A_241 : i32
      %mul3A_251 = arith.constant 16 : i32
      %mul3A_252 = arith.muli %select_n3A_250, %mul3A_251 : i32
      %swap3A = arith.index_cast %select_n3A : i32 to index
      %swap3A_253 = arith.index_cast %mul3A_252 : i32 to index
      %swap3A_254 = tpu.vector_load %arg8[%swap3A, %swap3A_253] {strides = array<i32>} : memref<128x256xf32, #tpu.memory_space<vmem>>, vector<16xf32>,
      tpu.vector_store %arg8[%swap3A, %swap3A_253], %broadcast_in_dim3A_6 {strides = array<i32>} : memref<128x256xf32, #tpu.memory_space<vmem>>, vector<16xf32>,
      %add3A_255 = arith.constant 64 : i32
      %add3A_256 = arith.addi %select_n3A, %add3A_255 : i32
      %swap3A_257 = arith.index_cast %add3A_256 : i32 to index
      %swap3A_258 = arith.index_cast %mul3A_252 : i32 to index
      %swap3A_259 = tpu.vector_load %arg8[%swap3A_257, %swap3A_258] {strides = array<i32>} : memref<128x256xf32, #tpu.memory_space<vmem>>, vector<16xf32>,
      tpu.vector_store %arg8[%swap3A_257, %swap3A_258], %broadcast_in_dim3A_6 {strides = array<i32>} : memref<128x256xf32, #tpu.memory_space<vmem>>, vector<16xf32>,
      %swap3A_260 = arith.index_cast %select_n3A : i32 to index
      %swap3A_261 = arith.index_cast %mul3A_252 : i32 to index
      %swap3A_262 = tpu.vector_load %arg9[%swap3A_260, %swap3A_261] {strides = array<i32>} : memref<128x256xf32, #tpu.memory_space<vmem>>, vector<16xf32>,
      tpu.vector_store %arg9[%swap3A_260, %swap3A_261], %broadcast_in_dim3A_6 {strides = array<i32>} : memref<128x256xf32, #tpu.memory_space<vmem>>, vector<16xf32>,
      %add3A_263 = arith.constant 64 : i32
      %add3A_264 = arith.addi %select_n3A, %add3A_263 : i32
      %swap3A_265 = arith.index_cast %add3A_264 : i32 to index
      %swap3A_266 = arith.index_cast %mul3A_252 : i32 to index
      %swap3A_267 = tpu.vector_load %arg9[%swap3A_265, %swap3A_266] {strides = array<i32>} : memref<128x256xf32, #tpu.memory_space<vmem>>, vector<16xf32>,
      tpu.vector_store %arg9[%swap3A_265, %swap3A_266], %broadcast_in_dim3A_6 {strides = array<i32>} : memref<128x256xf32, #tpu.memory_space<vmem>>, vector<16xf32>,
      %scan3A_268 = arith.constant 1 : i32
      %scan3A_269 = arith.addi %scan3A_220, %scan3A_268 : i32
      %jit3A_270 = arith.constant 16 : i32
      %div3A_271 = arith.divsi %scan3A_269, %jit3A_270 : i32
      %sign3A_272 = arith.constant 0 : i32
      %sign3A_273 = arith.cmpi sgt, %scan3A_269, %sign3A_272 : i32
      %sign3A_274 = arith.extui %sign3A_273 : i1 to i32
      %sign3A_275 = arith.constant 0 : i32
      %sign3A_276 = arith.cmpi slt, %scan3A_269, %sign3A_275 : i32
      %sign3A_277 = arith.extui %sign3A_276 : i1 to i32
      %sign3A_278 = arith.subi %sign3A_274, %sign3A_277 : i32
      %sign3A_279 = arith.constant 0 : i32
      %sign3A_280 = arith.cmpi sgt, %jit3A_270, %sign3A_279 : i32
      %sign3A_281 = arith.extui %sign3A_280 : i1 to i32
      %sign3A_282 = arith.constant 0 : i32
      %sign3A_283 = arith.cmpi slt, %jit3A_270, %sign3A_282 : i32
      %sign3A_284 = arith.extui %sign3A_283 : i1 to i32
      %sign3A_285 = arith.subi %sign3A_281, %sign3A_284 : i32
      %ne3A_286 = arith.cmpi ne, %sign3A_278, %sign3A_285 : i32
      %rem3A_287 = arith.remsi %scan3A_269, %jit3A_270 : i32
      %ne3A_288 = arith.constant 0 : i32
      %ne3A_289 = arith.cmpi ne, %rem3A_287, %ne3A_288 : i32
      %and3A_290 = arith.andi %ne3A_286, %ne3A_289 : i1
      %sub3A_291 = arith.constant 1 : i32
      %sub3A_292 = arith.subi %div3A_271, %sub3A_291 : i32
      %select_n3A_293 = arith.select %and3A_290, %sub3A_292, %div3A_271 : i32
      %jit3A_294 = arith.constant 16 : i32
      %eq3A_295 = arith.constant 0 : i32
      %eq3A_296 = arith.cmpi eq, %jit3A_294, %eq3A_295 : i32
      %jit3A_297 = arith.constant 1 : i32
      %select_n3A_298 = arith.select %eq3A_296, %jit3A_297, %jit3A_294 : i32
      %rem3A_299 = arith.remsi %scan3A_269, %select_n3A_298 : i32
      %ne3A_300 = arith.constant 0 : i32
      %ne3A_301 = arith.cmpi ne, %rem3A_299, %ne3A_300 : i32
      %lt3A_302 = arith.constant 0 : i32
      %lt3A_303 = arith.cmpi slt, %rem3A_299, %lt3A_302 : i32
      %lt3A_304 = arith.constant 0 : i32
      %lt3A_305 = arith.cmpi slt, %select_n3A_298, %lt3A_304 : i32
      %ne3A_306 = arith.xori %lt3A_303, %lt3A_305 : i1
      %and3A_307 = arith.andi %ne3A_306, %ne3A_301 : i1
      %add3A_308 = arith.addi %rem3A_299, %select_n3A_298 : i32
      %select_n3A_309 = arith.select %and3A_307, %add3A_308, %rem3A_299 : i32
      %mul3A_310 = arith.constant 16 : i32
      %mul3A_311 = arith.muli %select_n3A_309, %mul3A_310 : i32
      %swap3A_312 = arith.index_cast %select_n3A_293 : i32 to index
      %swap3A_313 = arith.index_cast %mul3A_311 : i32 to index
      %swap3A_314 = tpu.vector_load %arg8[%swap3A_312, %swap3A_313] {strides = array<i32>} : memref<128x256xf32, #tpu.memory_space<vmem>>, vector<16xf32>,
      tpu.vector_store %arg8[%swap3A_312, %swap3A_313], %broadcast_in_dim3A_6 {strides = array<i32>} : memref<128x256xf32, #tpu.memory_space<vmem>>, vector<16xf32>,
      %add3A_315 = arith.constant 64 : i32
      %add3A_316 = arith.addi %select_n3A_293, %add3A_315 : i32
      %swap3A_317 = arith.index_cast %add3A_316 : i32 to index
      %swap3A_318 = arith.index_cast %mul3A_311 : i32 to index
      %swap3A_319 = tpu.vector_load %arg8[%swap3A_317, %swap3A_318] {strides = array<i32>} : memref<128x256xf32, #tpu.memory_space<vmem>>, vector<16xf32>,
      tpu.vector_store %arg8[%swap3A_317, %swap3A_318], %broadcast_in_dim3A_6 {strides = array<i32>} : memref<128x256xf32, #tpu.memory_space<vmem>>, vector<16xf32>,
      %swap3A_320 = arith.index_cast %select_n3A_293 : i32 to index
      %swap3A_321 = arith.index_cast %mul3A_311 : i32 to index
      %swap3A_322 = tpu.vector_load %arg9[%swap3A_320, %swap3A_321] {strides = array<i32>} : memref<128x256xf32, #tpu.memory_space<vmem>>, vector<16xf32>,
      tpu.vector_store %arg9[%swap3A_320, %swap3A_321], %broadcast_in_dim3A_6 {strides = array<i32>} : memref<128x256xf32, #tpu.memory_space<vmem>>, vector<16xf32>,
      %add3A_323 = arith.constant 64 : i32
      %add3A_324 = arith.addi %select_n3A_293, %add3A_323 : i32
      %swap3A_325 = arith.index_cast %add3A_324 : i32 to index
      %swap3A_326 = arith.index_cast %mul3A_311 : i32 to index
      %swap3A_327 = tpu.vector_load %arg9[%swap3A_325, %swap3A_326] {strides = array<i32>} : memref<128x256xf32, #tpu.memory_space<vmem>>, vector<16xf32>,
      tpu.vector_store %arg9[%swap3A_325, %swap3A_326], %broadcast_in_dim3A_6 {strides = array<i32>} : memref<128x256xf32, #tpu.memory_space<vmem>>, vector<16xf32>,
      %scan3A_328 = arith.constant 2 : i32
      %scan3A_329 = arith.addi %scan3A_220, %scan3A_328 : i32
      %jit3A_330 = arith.constant 16 : i32
      %div3A_331 = arith.divsi %scan3A_329, %jit3A_330 : i32
      %sign3A_332 = arith.constant 0 : i32
      %sign3A_333 = arith.cmpi sgt, %scan3A_329, %sign3A_332 : i32
      %sign3A_334 = arith.extui %sign3A_333 : i1 to i32
      %sign3A_335 = arith.constant 0 : i32
      %sign3A_336 = arith.cmpi slt, %scan3A_329, %sign3A_335 : i32
      %sign3A_337 = arith.extui %sign3A_336 : i1 to i32
      %sign3A_338 = arith.subi %sign3A_334, %sign3A_337 : i32
      %sign3A_339 = arith.constant 0 : i32
      %sign3A_340 = arith.cmpi sgt, %jit3A_330, %sign3A_339 : i32
      %sign3A_341 = arith.extui %sign3A_340 : i1 to i32
      %sign3A_342 = arith.constant 0 : i32
      %sign3A_343 = arith.cmpi slt, %jit3A_330, %sign3A_342 : i32
      %sign3A_344 = arith.extui %sign3A_343 : i1 to i32
      %sign3A_345 = arith.subi %sign3A_341, %sign3A_344 : i32
      %ne3A_346 = arith.cmpi ne, %sign3A_338, %sign3A_345 : i32
      %rem3A_347 = arith.remsi %scan3A_329, %jit3A_330 : i32
      %ne3A_348 = arith.constant 0 : i32
      %ne3A_349 = arith.cmpi ne, %rem3A_347, %ne3A_348 : i32
      %and3A_350 = arith.andi %ne3A_346, %ne3A_349 : i1
      %sub3A_351 = arith.constant 1 : i32
      %sub3A_352 = arith.subi %div3A_331, %sub3A_351 : i32
      %select_n3A_353 = arith.select %and3A_350, %sub3A_352, %div3A_331 : i32
      %jit3A_354 = arith.constant 16 : i32
      %eq3A_355 = arith.constant 0 : i32
      %eq3A_356 = arith.cmpi eq, %jit3A_354, %eq3A_355 : i32
      %jit3A_357 = arith.constant 1 : i32
      %select_n3A_358 = arith.select %eq3A_356, %jit3A_357, %jit3A_354 : i32
      %rem3A_359 = arith.remsi %scan3A_329, %select_n3A_358 : i32
      %ne3A_360 = arith.constant 0 : i32
      %ne3A_361 = arith.cmpi ne, %rem3A_359, %ne3A_360 : i32
      %lt3A_362 = arith.constant 0 : i32
      %lt3A_363 = arith.cmpi slt, %rem3A_359, %lt3A_362 : i32
      %lt3A_364 = arith.constant 0 : i32
      %lt3A_365 = arith.cmpi slt, %select_n3A_358, %lt3A_364 : i32
      %ne3A_366 = arith.xori %lt3A_363, %lt3A_365 : i1
      %and3A_367 = arith.andi %ne3A_366, %ne3A_361 : i1
      %add3A_368 = arith.addi %rem3A_359, %select_n3A_358 : i32
      %select_n3A_369 = arith.select %and3A_367, %add3A_368, %rem3A_359 : i32
      %mul3A_370 = arith.constant 16 : i32
      %mul3A_371 = arith.muli %select_n3A_369, %mul3A_370 : i32
      %swap3A_372 = arith.index_cast %select_n3A_353 : i32 to index
      %swap3A_373 = arith.index_cast %mul3A_371 : i32 to index
      %swap3A_374 = tpu.vector_load %arg8[%swap3A_372, %swap3A_373] {strides = array<i32>} : memref<128x256xf32, #tpu.memory_space<vmem>>, vector<16xf32>,
      tpu.vector_store %arg8[%swap3A_372, %swap3A_373], %broadcast_in_dim3A_6 {strides = array<i32>} : memref<128x256xf32, #tpu.memory_space<vmem>>, vector<16xf32>,
      %add3A_375 = arith.constant 64 : i32
      %add3A_376 = arith.addi %select_n3A_353, %add3A_375 : i32
      %swap3A_377 = arith.index_cast %add3A_376 : i32 to index
      %swap3A_378 = arith.index_cast %mul3A_371 : i32 to index
      %swap3A_379 = tpu.vector_load %arg8[%swap3A_377, %swap3A_378] {strides = array<i32>} : memref<128x256xf32, #tpu.memory_space<vmem>>, vector<16xf32>,
      tpu.vector_store %arg8[%swap3A_377, %swap3A_378], %broadcast_in_dim3A_6 {strides = array<i32>} : memref<128x256xf32, #tpu.memory_space<vmem>>, vector<16xf32>,
      %swap3A_380 = arith.index_cast %select_n3A_353 : i32 to index
      %swap3A_381 = arith.index_cast %mul3A_371 : i32 to index
      %swap3A_382 = tpu.vector_load %arg9[%swap3A_380, %swap3A_381] {strides = array<i32>} : memref<128x256xf32, #tpu.memory_space<vmem>>, vector<16xf32>,
      tpu.vector_store %arg9[%swap3A_380, %swap3A_381], %broadcast_in_dim3A_6 {strides = array<i32>} : memref<128x256xf32, #tpu.memory_space<vmem>>, vector<16xf32>,
      %add3A_383 = arith.constant 64 : i32
      %add3A_384 = arith.addi %select_n3A_353, %add3A_383 : i32
      %swap3A_385 = arith.index_cast %add3A_384 : i32 to index
      %swap3A_386 = arith.index_cast %mul3A_371 : i32 to index
      %swap3A_387 = tpu.vector_load %arg9[%swap3A_385, %swap3A_386] {strides = array<i32>} : memref<128x256xf32, #tpu.memory_space<vmem>>, vector<16xf32>,
      tpu.vector_store %arg9[%swap3A_385, %swap3A_386], %broadcast_in_dim3A_6 {strides = array<i32>} : memref<128x256xf32, #tpu.memory_space<vmem>>, vector<16xf32>,
      %scan3A_388 = arith.constant 3 : i32
      %scan3A_389 = arith.addi %scan3A_220, %scan3A_388 : i32
      %jit3A_390 = arith.constant 16 : i32
      %div3A_391 = arith.divsi %scan3A_389, %jit3A_390 : i32
      %sign3A_392 = arith.constant 0 : i32
      %sign3A_393 = arith.cmpi sgt, %scan3A_389, %sign3A_392 : i32
      %sign3A_394 = arith.extui %sign3A_393 : i1 to i32
      %sign3A_395 = arith.constant 0 : i32
      %sign3A_396 = arith.cmpi slt, %scan3A_389, %sign3A_395 : i32
      %sign3A_397 = arith.extui %sign3A_396 : i1 to i32
      %sign3A_398 = arith.subi %sign3A_394, %sign3A_397 : i32
      %sign3A_399 = arith.constant 0 : i32
      %sign3A_400 = arith.cmpi sgt, %jit3A_390, %sign3A_399 : i32
      %sign3A_401 = arith.extui %sign3A_400 : i1 to i32
      %sign3A_402 = arith.constant 0 : i32
      %sign3A_403 = arith.cmpi slt, %jit3A_390, %sign3A_402 : i32
      %sign3A_404 = arith.extui %sign3A_403 : i1 to i32
      %sign3A_405 = arith.subi %sign3A_401, %sign3A_404 : i32
      %ne3A_406 = arith.cmpi ne, %sign3A_398, %sign3A_405 : i32
      %rem3A_407 = arith.remsi %scan3A_389, %jit3A_390 : i32
      %ne3A_408 = arith.constant 0 : i32
      %ne3A_409 = arith.cmpi ne, %rem3A_407, %ne3A_408 : i32
      %and3A_410 = arith.andi %ne3A_406, %ne3A_409 : i1
      %sub3A_411 = arith.constant 1 : i32
      %sub3A_412 = arith.subi %div3A_391, %sub3A_411 : i32
      %select_n3A_413 = arith.select %and3A_410, %sub3A_412, %div3A_391 : i32
      %jit3A_414 = arith.constant 16 : i32
      %eq3A_415 = arith.constant 0 : i32
      %eq3A_416 = arith.cmpi eq, %jit3A_414, %eq3A_415 : i32
      %jit3A_417 = arith.constant 1 : i32
      %select_n3A_418 = arith.select %eq3A_416, %jit3A_417, %jit3A_414 : i32
      %rem3A_419 = arith.remsi %scan3A_389, %select_n3A_418 : i32
      %ne3A_420 = arith.constant 0 : i32
      %ne3A_421 = arith.cmpi ne, %rem3A_419, %ne3A_420 : i32
      %lt3A_422 = arith.constant 0 : i32
      %lt3A_423 = arith.cmpi slt, %rem3A_419, %lt3A_422 : i32
      %lt3A_424 = arith.constant 0 : i32
      %lt3A_425 = arith.cmpi slt, %select_n3A_418, %lt3A_424 : i32
      %ne3A_426 = arith.xori %lt3A_423, %lt3A_425 : i1
      %and3A_427 = arith.andi %ne3A_426, %ne3A_421 : i1
      %add3A_428 = arith.addi %rem3A_419, %select_n3A_418 : i32
      %select_n3A_429 = arith.select %and3A_427, %add3A_428, %rem3A_419 : i32
      %mul3A_430 = arith.constant 16 : i32
      %mul3A_431 = arith.muli %select_n3A_429, %mul3A_430 : i32
      %swap3A_432 = arith.index_cast %select_n3A_413 : i32 to index
      %swap3A_433 = arith.index_cast %mul3A_431 : i32 to index
      %swap3A_434 = tpu.vector_load %arg8[%swap3A_432, %swap3A_433] {strides = array<i32>} : memref<128x256xf32, #tpu.memory_space<vmem>>, vector<16xf32>,
      tpu.vector_store %arg8[%swap3A_432, %swap3A_433], %broadcast_in_dim3A_6 {strides = array<i32>} : memref<128x256xf32, #tpu.memory_space<vmem>>, vector<16xf32>,
      %add3A_435 = arith.constant 64 : i32
      %add3A_436 = arith.addi %select_n3A_413, %add3A_435 : i32
      %swap3A_437 = arith.index_cast %add3A_436 : i32 to index
      %swap3A_438 = arith.index_cast %mul3A_431 : i32 to index
      %swap3A_439 = tpu.vector_load %arg8[%swap3A_437, %swap3A_438] {strides = array<i32>} : memref<128x256xf32, #tpu.memory_space<vmem>>, vector<16xf32>,
      tpu.vector_store %arg8[%swap3A_437, %swap3A_438], %broadcast_in_dim3A_6 {strides = array<i32>} : memref<128x256xf32, #tpu.memory_space<vmem>>, vector<16xf32>,
      %swap3A_440 = arith.index_cast %select_n3A_413 : i32 to index
      %swap3A_441 = arith.index_cast %mul3A_431 : i32 to index
      %swap3A_442 = tpu.vector_load %arg9[%swap3A_440, %swap3A_441] {strides = array<i32>} : memref<128x256xf32, #tpu.memory_space<vmem>>, vector<16xf32>,
      tpu.vector_store %arg9[%swap3A_440, %swap3A_441], %broadcast_in_dim3A_6 {strides = array<i32>} : memref<128x256xf32, #tpu.memory_space<vmem>>, vector<16xf32>,
      %add3A_443 = arith.constant 64 : i32
      %add3A_444 = arith.addi %select_n3A_413, %add3A_443 : i32
      %swap3A_445 = arith.index_cast %add3A_444 : i32 to index
      %swap3A_446 = arith.index_cast %mul3A_431 : i32 to index
      %swap3A_447 = tpu.vector_load %arg9[%swap3A_445, %swap3A_446] {strides = array<i32>} : memref<128x256xf32, #tpu.memory_space<vmem>>, vector<16xf32>,
      tpu.vector_store %arg9[%swap3A_445, %swap3A_446], %broadcast_in_dim3A_6 {strides = array<i32>} : memref<128x256xf32, #tpu.memory_space<vmem>>, vector<16xf32>,
    }
    %scan3A_11 = arith.constant 1024 : i32
    %get3A = arith.constant 0 : index
    %get3A_12 = tpu.vector_load %arg10[%get3A] {strides = array<i32>} : memref<64xf32, #tpu.memory_space<vmem>>, vector<16xf32>,
    %get3A_13 = arith.constant 16 : index
    %get3A_14 = tpu.vector_load %arg10[%get3A_13] {strides = array<i32>} : memref<64xf32, #tpu.memory_space<vmem>>, vector<16xf32>,
    %get3A_15 = arith.constant 32 : index
    %get3A_16 = tpu.vector_load %arg10[%get3A_15] {strides = array<i32>} : memref<64xf32, #tpu.memory_space<vmem>>, vector<16xf32>,
    %get3A_17 = arith.constant 48 : index
    %get3A_18 = tpu.vector_load %arg10[%get3A_17] {strides = array<i32>} : memref<64xf32, #tpu.memory_space<vmem>>, vector<16xf32>,
    %get3A_19 = arith.constant 0 : index
    %get3A_20 = tpu.vector_load %arg11[%get3A_19] {strides = array<i32>} : memref<64xi32, #tpu.memory_space<vmem>>, vector<16xi32>,
    %get3A_21 = arith.constant 16 : index
    %get3A_22 = tpu.vector_load %arg11[%get3A_21] {strides = array<i32>} : memref<64xi32, #tpu.memory_space<vmem>>, vector<16xi32>,
    %get3A_23 = arith.constant 32 : index
    %get3A_24 = tpu.vector_load %arg11[%get3A_23] {strides = array<i32>} : memref<64xi32, #tpu.memory_space<vmem>>, vector<16xi32>,
    %get3A_25 = arith.constant 48 : index
    %get3A_26 = tpu.vector_load %arg11[%get3A_25] {strides = array<i32>} : memref<64xi32, #tpu.memory_space<vmem>>, vector<16xi32>,
    %add3A_27 = arith.constant 0 : i32
    %add3A_28 = arith.addi %mul3A_2, %add3A_27 : i32
    %add3A_29 = arith.constant 128 : i32
    %add3A_30 = arith.addi %add3A_28, %add3A_29 : i32
    %dma_start3A_31 = arith.constant 0 : i32
    %dma_start3A_32 = tpu.memref_slice %arg2[%add3A_30, %dma_start3A_31] : memref<32768x64xf32, #tpu.memory_space<hbm>> -> memref<128x64xf32, #tpu.memory_space<hbm>>
    %dma_start3A_33 = arith.constant 0 : i32
    %dma_start3A_34 = tpu.memref_slice %arg2[%add3A_30, %dma_start3A_33] : memref<32768x64xf32, #tpu.memory_space<hbm>> -> memref<128x64xf32, #tpu.memory_space<hbm>>
    tpu.enqueue_dma source(%dma_start3A_34 : memref<128x64xf32, #tpu.memory_space<hbm>>) target(%arg7 : memref<128x64xf32, #tpu.memory_space<vmem>>) target_semaphore(%arg13 : memref<!tpu.dma_semaphore, #tpu.memory_space<semaphore_mem>>)
    %dma_wait3A = arith.constant 0 : i32
    %dma_wait3A_35 = tpu.memref_slice %arg2[%mul3A_2, %dma_wait3A] : memref<32768x64xf32, #tpu.memory_space<hbm>> -> memref<128x64xf32, #tpu.memory_space<hbm>>
    %dma_wait3A_36 = arith.constant 0 : i32
    %dma_wait3A_37 = tpu.memref_slice %arg2[%mul3A_2, %dma_wait3A_36] : memref<32768x64xf32, #tpu.memory_space<hbm>> -> memref<128x64xf32, #tpu.memory_space<hbm>>
    tpu.wait_dma2 semaphore(%arg12 : memref<!tpu.dma_semaphore, #tpu.memory_space<semaphore_mem>>) src(%dma_wait3A_37 : memref<128x64xf32, #tpu.memory_space<hbm>>) dst(%arg6 : memref<128x64xf32, #tpu.memory_space<vmem>>)
    %scan3A_38 = arith.constant 0 : i32
    %scan3A_39 = arith.constant 16 : i32
    %scan3A_40 = arith.addi %scan3A_38, %scan3A_39 : i32
    %scan3A_41 = arith.constant 1 : i32
    scf.for %scan3A_220 = %scan3A_38 to %scan3A_40 step %scan3A_41  : i32 {
      %mul3A_221 = arith.constant 8 : i32
      %mul3A_222 = arith.muli %scan3A_220, %mul3A_221 : i32
      %add3A_223 = arith.constant 0 : i32
      %add3A_224 = arith.addi %mul3A_222, %add3A_223 : i32
      %get3A_225 = arith.index_cast %add3A_224 : i32 to index
      %get3A_226 = arith.constant 0 : index
      %get3A_227 = tpu.vector_load %arg6[%get3A_225, %get3A_226] {strides = array<i32>} : memref<128x64xf32, #tpu.memory_space<vmem>>, vector<16xf32>,
      %mul3A_228 = arith.mulf %get3A_227, %get3A_12 : vector<16xf32>
      %get3A_229 = arith.index_cast %add3A_224 : i32 to index
      %get3A_230 = arith.constant 16 : index
      %get3A_231 = tpu.vector_load %arg6[%get3A_229, %get3A_230] {strides = array<i32>} : memref<128x64xf32, #tpu.memory_space<vmem>>, vector<16xf32>,
      %mul3A_232 = arith.mulf %get3A_231, %get3A_14 : vector<16xf32>
      %get3A_233 = arith.index_cast %add3A_224 : i32 to index
      %get3A_234 = arith.constant 32 : index
      %get3A_235 = tpu.vector_load %arg6[%get3A_233, %get3A_234] {strides = array<i32>} : memref<128x64xf32, #tpu.memory_space<vmem>>, vector<16xf32>,
      %mul3A_236 = arith.mulf %get3A_235, %get3A_16 : vector<16xf32>
      %get3A_237 = arith.index_cast %add3A_224 : i32 to index
      %get3A_238 = arith.constant 48 : index
      %get3A_239 = tpu.vector_load %arg6[%get3A_237, %get3A_238] {strides = array<i32>} : memref<128x64xf32, #tpu.memory_space<vmem>>, vector<16xf32>,
      %mul3A_240 = arith.mulf %get3A_239, %get3A_18 : vector<16xf32>
      %broadcast_in_dim3A_241 = vector.broadcast %add3A_224 : i32 to vector<16xi32>
      tpu.vector_store_idx %arg8[%broadcast_in_dim3A_241, %get3A_20], %mul3A_228 : memref<128x256xf32, #tpu.memory_space<vmem>>[vector<16xi32>, vector<16xi32>], vector<16xf32>,
      tpu.vector_store_idx %arg8[%broadcast_in_dim3A_241, %get3A_22], %mul3A_232 : memref<128x256xf32, #tpu.memory_space<vmem>>[vector<16xi32>, vector<16xi32>], vector<16xf32>,
      tpu.vector_store_idx %arg8[%broadcast_in_dim3A_241, %get3A_24], %mul3A_236 : memref<128x256xf32, #tpu.memory_space<vmem>>[vector<16xi32>, vector<16xi32>], vector<16xf32>,
      tpu.vector_store_idx %arg8[%broadcast_in_dim3A_241, %get3A_26], %mul3A_240 : memref<128x256xf32, #tpu.memory_space<vmem>>[vector<16xi32>, vector<16xi32>], vector<16xf32>,
      %mul3A_242 = arith.constant 8 : i32
      %mul3A_243 = arith.muli %scan3A_220, %mul3A_242 : i32
      %add3A_244 = arith.constant 1 : i32
      %add3A_245 = arith.addi %mul3A_243, %add3A_244 : i32
      %get3A_246 = arith.index_cast %add3A_245 : i32 to index
      %get3A_247 = arith.constant 0 : index
      %get3A_248 = tpu.vector_load %arg6[%get3A_246, %get3A_247] {strides = array<i32>} : memref<128x64xf32, #tpu.memory_space<vmem>>, vector<16xf32>,
      %mul3A_249 = arith.mulf %get3A_248, %get3A_12 : vector<16xf32>
      %get3A_250 = arith.index_cast %add3A_245 : i32 to index
      %get3A_251 = arith.constant 16 : index
      %get3A_252 = tpu.vector_load %arg6[%get3A_250, %get3A_251] {strides = array<i32>} : memref<128x64xf32, #tpu.memory_space<vmem>>, vector<16xf32>,
      %mul3A_253 = arith.mulf %get3A_252, %get3A_14 : vector<16xf32>
      %get3A_254 = arith.index_cast %add3A_245 : i32 to index
      %get3A_255 = arith.constant 32 : index
      %get3A_256 = tpu.vector_load %arg6[%get3A_254, %get3A_255] {strides = array<i32>} : memref<128x64xf32, #tpu.memory_space<vmem>>, vector<16xf32>,
      %mul3A_257 = arith.mulf %get3A_256, %get3A_16 : vector<16xf32>
      %get3A_258 = arith.index_cast %add3A_245 : i32 to index
      %get3A_259 = arith.constant 48 : index
      %get3A_260 = tpu.vector_load %arg6[%get3A_258, %get3A_259] {strides = array<i32>} : memref<128x64xf32, #tpu.memory_space<vmem>>, vector<16xf32>,
      %mul3A_261 = arith.mulf %get3A_260, %get3A_18 : vector<16xf32>
      %broadcast_in_dim3A_262 = vector.broadcast %add3A_245 : i32 to vector<16xi32>
      tpu.vector_store_idx %arg8[%broadcast_in_dim3A_262, %get3A_20], %mul3A_249 : memref<128x256xf32, #tpu.memory_space<vmem>>[vector<16xi32>, vector<16xi32>], vector<16xf32>,
      tpu.vector_store_idx %arg8[%broadcast_in_dim3A_262, %get3A_22], %mul3A_253 : memref<128x256xf32, #tpu.memory_space<vmem>>[vector<16xi32>, vector<16xi32>], vector<16xf32>,
      tpu.vector_store_idx %arg8[%broadcast_in_dim3A_262, %get3A_24], %mul3A_257 : memref<128x256xf32, #tpu.memory_space<vmem>>[vector<16xi32>, vector<16xi32>], vector<16xf32>,
      tpu.vector_store_idx %arg8[%broadcast_in_dim3A_262, %get3A_26], %mul3A_261 : memref<128x256xf32, #tpu.memory_space<vmem>>[vector<16xi32>, vector<16xi32>], vector<16xf32>,
      %mul3A_263 = arith.constant 8 : i32
      %mul3A_264 = arith.muli %scan3A_220, %mul3A_263 : i32
      %add3A_265 = arith.constant 2 : i32
      %add3A_266 = arith.addi %mul3A_264, %add3A_265 : i32
      %get3A_267 = arith.index_cast %add3A_266 : i32 to index
      %get3A_268 = arith.constant 0 : index
      %get3A_269 = tpu.vector_load %arg6[%get3A_267, %get3A_268] {strides = array<i32>} : memref<128x64xf32, #tpu.memory_space<vmem>>, vector<16xf32>,
      %mul3A_270 = arith.mulf %get3A_269, %get3A_12 : vector<16xf32>
      %get3A_271 = arith.index_cast %add3A_266 : i32 to index
      %get3A_272 = arith.constant 16 : index
      %get3A_273 = tpu.vector_load %arg6[%get3A_271, %get3A_272] {strides = array<i32>} : memref<128x64xf32, #tpu.memory_space<vmem>>, vector<16xf32>,
      %mul3A_274 = arith.mulf %get3A_273, %get3A_14 : vector<16xf32>
      %get3A_275 = arith.index_cast %add3A_266 : i32 to index
      %get3A_276 = arith.constant 32 : index
      %get3A_277 = tpu.vector_load %arg6[%get3A_275, %get3A_276] {strides = array<i32>} : memref<128x64xf32, #tpu.memory_space<vmem>>, vector<16xf32>,
      %mul3A_278 = arith.mulf %get3A_277, %get3A_16 : vector<16xf32>
      %get3A_279 = arith.index_cast %add3A_266 : i32 to index
      %get3A_280 = arith.constant 48 : index
      %get3A_281 = tpu.vector_load %arg6[%get3A_279, %get3A_280] {strides = array<i32>} : memref<128x64xf32, #tpu.memory_space<vmem>>, vector<16xf32>,
      %mul3A_282 = arith.mulf %get3A_281, %get3A_18 : vector<16xf32>
      %broadcast_in_dim3A_283 = vector.broadcast %add3A_266 : i32 to vector<16xi32>
      tpu.vector_store_idx %arg8[%broadcast_in_dim3A_283, %get3A_20], %mul3A_270 : memref<128x256xf32, #tpu.memory_space<vmem>>[vector<16xi32>, vector<16xi32>], vector<16xf32>,
      tpu.vector_store_idx %arg8[%broadcast_in_dim3A_283, %get3A_22], %mul3A_274 : memref<128x256xf32, #tpu.memory_space<vmem>>[vector<16xi32>, vector<16xi32>], vector<16xf32>,
      tpu.vector_store_idx %arg8[%broadcast_in_dim3A_283, %get3A_24], %mul3A_278 : memref<128x256xf32, #tpu.memory_space<vmem>>[vector<16xi32>, vector<16xi32>], vector<16xf32>,
      tpu.vector_store_idx %arg8[%broadcast_in_dim3A_283, %get3A_26], %mul3A_282 : memref<128x256xf32, #tpu.memory_space<vmem>>[vector<16xi32>, vector<16xi32>], vector<16xf32>,
      %mul3A_284 = arith.constant 8 : i32
      %mul3A_285 = arith.muli %scan3A_220, %mul3A_284 : i32
      %add3A_286 = arith.constant 3 : i32
      %add3A_287 = arith.addi %mul3A_285, %add3A_286 : i32
      %get3A_288 = arith.index_cast %add3A_287 : i32 to index
      %get3A_289 = arith.constant 0 : index
      %get3A_290 = tpu.vector_load %arg6[%get3A_288, %get3A_289] {strides = array<i32>} : memref<128x64xf32, #tpu.memory_space<vmem>>, vector<16xf32>,
      %mul3A_291 = arith.mulf %get3A_290, %get3A_12 : vector<16xf32>
      %get3A_292 = arith.index_cast %add3A_287 : i32 to index
      %get3A_293 = arith.constant 16 : index
      %get3A_294 = tpu.vector_load %arg6[%get3A_292, %get3A_293] {strides = array<i32>} : memref<128x64xf32, #tpu.memory_space<vmem>>, vector<16xf32>,
      %mul3A_295 = arith.mulf %get3A_294, %get3A_14 : vector<16xf32>
      %get3A_296 = arith.index_cast %add3A_287 : i32 to index
      %get3A_297 = arith.constant 32 : index
      %get3A_298 = tpu.vector_load %arg6[%get3A_296, %get3A_297] {strides = array<i32>} : memref<128x64xf32, #tpu.memory_space<vmem>>, vector<16xf32>,
      %mul3A_299 = arith.mulf %get3A_298, %get3A_16 : vector<16xf32>
      %get3A_300 = arith.index_cast %add3A_287 : i32 to index
      %get3A_301 = arith.constant 48 : index
      %get3A_302 = tpu.vector_load %arg6[%get3A_300, %get3A_301] {strides = array<i32>} : memref<128x64xf32, #tpu.memory_space<vmem>>, vector<16xf32>,
      %mul3A_303 = arith.mulf %get3A_302, %get3A_18 : vector<16xf32>
      %broadcast_in_dim3A_304 = vector.broadcast %add3A_287 : i32 to vector<16xi32>
      tpu.vector_store_idx %arg8[%broadcast_in_dim3A_304, %get3A_20], %mul3A_291 : memref<128x256xf32, #tpu.memory_space<vmem>>[vector<16xi32>, vector<16xi32>], vector<16xf32>,
      tpu.vector_store_idx %arg8[%broadcast_in_dim3A_304, %get3A_22], %mul3A_295 : memref<128x256xf32, #tpu.memory_space<vmem>>[vector<16xi32>, vector<16xi32>], vector<16xf32>,
      tpu.vector_store_idx %arg8[%broadcast_in_dim3A_304, %get3A_24], %mul3A_299 : memref<128x256xf32, #tpu.memory_space<vmem>>[vector<16xi32>, vector<16xi32>], vector<16xf32>,
      tpu.vector_store_idx %arg8[%broadcast_in_dim3A_304, %get3A_26], %mul3A_303 : memref<128x256xf32, #tpu.memory_space<vmem>>[vector<16xi32>, vector<16xi32>], vector<16xf32>,
      %mul3A_305 = arith.constant 8 : i32
      %mul3A_306 = arith.muli %scan3A_220, %mul3A_305 : i32
      %add3A_307 = arith.constant 4 : i32
      %add3A_308 = arith.addi %mul3A_306, %add3A_307 : i32
      %get3A_309 = arith.index_cast %add3A_308 : i32 to index
      %get3A_310 = arith.constant 0 : index
      %get3A_311 = tpu.vector_load %arg6[%get3A_309, %get3A_310] {strides = array<i32>} : memref<128x64xf32, #tpu.memory_space<vmem>>, vector<16xf32>,
      %mul3A_312 = arith.mulf %get3A_311, %get3A_12 : vector<16xf32>
      %get3A_313 = arith.index_cast %add3A_308 : i32 to index
      %get3A_314 = arith.constant 16 : index
      %get3A_315 = tpu.vector_load %arg6[%get3A_313, %get3A_314] {strides = array<i32>} : memref<128x64xf32, #tpu.memory_space<vmem>>, vector<16xf32>,
      %mul3A_316 = arith.mulf %get3A_315, %get3A_14 : vector<16xf32>
      %get3A_317 = arith.index_cast %add3A_308 : i32 to index
      %get3A_318 = arith.constant 32 : index
      %get3A_319 = tpu.vector_load %arg6[%get3A_317, %get3A_318] {strides = array<i32>} : memref<128x64xf32, #tpu.memory_space<vmem>>, vector<16xf32>,
      %mul3A_320 = arith.mulf %get3A_319, %get3A_16 : vector<16xf32>
      %get3A_321 = arith.index_cast %add3A_308 : i32 to index
      %get3A_322 = arith.constant 48 : index
      %get3A_323 = tpu.vector_load %arg6[%get3A_321, %get3A_322] {strides = array<i32>} : memref<128x64xf32, #tpu.memory_space<vmem>>, vector<16xf32>,
      %mul3A_324 = arith.mulf %get3A_323, %get3A_18 : vector<16xf32>
      %broadcast_in_dim3A_325 = vector.broadcast %add3A_308 : i32 to vector<16xi32>
      tpu.vector_store_idx %arg8[%broadcast_in_dim3A_325, %get3A_20], %mul3A_312 : memref<128x256xf32, #tpu.memory_space<vmem>>[vector<16xi32>, vector<16xi32>], vector<16xf32>,
      tpu.vector_store_idx %arg8[%broadcast_in_dim3A_325, %get3A_22], %mul3A_316 : memref<128x256xf32, #tpu.memory_space<vmem>>[vector<16xi32>, vector<16xi32>], vector<16xf32>,
      tpu.vector_store_idx %arg8[%broadcast_in_dim3A_325, %get3A_24], %mul3A_320 : memref<128x256xf32, #tpu.memory_space<vmem>>[vector<16xi32>, vector<16xi32>], vector<16xf32>,
      tpu.vector_store_idx %arg8[%broadcast_in_dim3A_325, %get3A_26], %mul3A_324 : memref<128x256xf32, #tpu.memory_space<vmem>>[vector<16xi32>, vector<16xi32>], vector<16xf32>,
      %mul3A_326 = arith.constant 8 : i32
      %mul3A_327 = arith.muli %scan3A_220, %mul3A_326 : i32
      %add3A_328 = arith.constant 5 : i32
      %add3A_329 = arith.addi %mul3A_327, %add3A_328 : i32
      %get3A_330 = arith.index_cast %add3A_329 : i32 to index
      %get3A_331 = arith.constant 0 : index
      %get3A_332 = tpu.vector_load %arg6[%get3A_330, %get3A_331] {strides = array<i32>} : memref<128x64xf32, #tpu.memory_space<vmem>>, vector<16xf32>,
      %mul3A_333 = arith.mulf %get3A_332, %get3A_12 : vector<16xf32>
      %get3A_334 = arith.index_cast %add3A_329 : i32 to index
      %get3A_335 = arith.constant 16 : index
      %get3A_336 = tpu.vector_load %arg6[%get3A_334, %get3A_335] {strides = array<i32>} : memref<128x64xf32, #tpu.memory_space<vmem>>, vector<16xf32>,
      %mul3A_337 = arith.mulf %get3A_336, %get3A_14 : vector<16xf32>
      %get3A_338 = arith.index_cast %add3A_329 : i32 to index
      %get3A_339 = arith.constant 32 : index
      %get3A_340 = tpu.vector_load %arg6[%get3A_338, %get3A_339] {strides = array<i32>} : memref<128x64xf32, #tpu.memory_space<vmem>>, vector<16xf32>,
      %mul3A_341 = arith.mulf %get3A_340, %get3A_16 : vector<16xf32>
      %get3A_342 = arith.index_cast %add3A_329 : i32 to index
      %get3A_343 = arith.constant 48 : index
      %get3A_344 = tpu.vector_load %arg6[%get3A_342, %get3A_343] {strides = array<i32>} : memref<128x64xf32, #tpu.memory_space<vmem>>, vector<16xf32>,
      %mul3A_345 = arith.mulf %get3A_344, %get3A_18 : vector<16xf32>
      %broadcast_in_dim3A_346 = vector.broadcast %add3A_329 : i32 to vector<16xi32>
      tpu.vector_store_idx %arg8[%broadcast_in_dim3A_346, %get3A_20], %mul3A_333 : memref<128x256xf32, #tpu.memory_space<vmem>>[vector<16xi32>, vector<16xi32>], vector<16xf32>,
      tpu.vector_store_idx %arg8[%broadcast_in_dim3A_346, %get3A_22], %mul3A_337 : memref<128x256xf32, #tpu.memory_space<vmem>>[vector<16xi32>, vector<16xi32>], vector<16xf32>,
      tpu.vector_store_idx %arg8[%broadcast_in_dim3A_346, %get3A_24], %mul3A_341 : memref<128x256xf32, #tpu.memory_space<vmem>>[vector<16xi32>, vector<16xi32>], vector<16xf32>,
      tpu.vector_store_idx %arg8[%broadcast_in_dim3A_346, %get3A_26], %mul3A_345 : memref<128x256xf32, #tpu.memory_space<vmem>>[vector<16xi32>, vector<16xi32>], vector<16xf32>,
      %mul3A_347 = arith.constant 8 : i32
      %mul3A_348 = arith.muli %scan3A_220, %mul3A_347 : i32
      %add3A_349 = arith.constant 6 : i32
      %add3A_350 = arith.addi %mul3A_348, %add3A_349 : i32
      %get3A_351 = arith.index_cast %add3A_350 : i32 to index
      %get3A_352 = arith.constant 0 : index
      %get3A_353 = tpu.vector_load %arg6[%get3A_351, %get3A_352] {strides = array<i32>} : memref<128x64xf32, #tpu.memory_space<vmem>>, vector<16xf32>,
      %mul3A_354 = arith.mulf %get3A_353, %get3A_12 : vector<16xf32>
      %get3A_355 = arith.index_cast %add3A_350 : i32 to index
      %get3A_356 = arith.constant 16 : index
      %get3A_357 = tpu.vector_load %arg6[%get3A_355, %get3A_356] {strides = array<i32>} : memref<128x64xf32, #tpu.memory_space<vmem>>, vector<16xf32>,
      %mul3A_358 = arith.mulf %get3A_357, %get3A_14 : vector<16xf32>
      %get3A_359 = arith.index_cast %add3A_350 : i32 to index
      %get3A_360 = arith.constant 32 : index
      %get3A_361 = tpu.vector_load %arg6[%get3A_359, %get3A_360] {strides = array<i32>} : memref<128x64xf32, #tpu.memory_space<vmem>>, vector<16xf32>,
      %mul3A_362 = arith.mulf %get3A_361, %get3A_16 : vector<16xf32>
      %get3A_363 = arith.index_cast %add3A_350 : i32 to index
      %get3A_364 = arith.constant 48 : index
      %get3A_365 = tpu.vector_load %arg6[%get3A_363, %get3A_364] {strides = array<i32>} : memref<128x64xf32, #tpu.memory_space<vmem>>, vector<16xf32>,
      %mul3A_366 = arith.mulf %get3A_365, %get3A_18 : vector<16xf32>
      %broadcast_in_dim3A_367 = vector.broadcast %add3A_350 : i32 to vector<16xi32>
      tpu.vector_store_idx %arg8[%broadcast_in_dim3A_367, %get3A_20], %mul3A_354 : memref<128x256xf32, #tpu.memory_space<vmem>>[vector<16xi32>, vector<16xi32>], vector<16xf32>,
      tpu.vector_store_idx %arg8[%broadcast_in_dim3A_367, %get3A_22], %mul3A_358 : memref<128x256xf32, #tpu.memory_space<vmem>>[vector<16xi32>, vector<16xi32>], vector<16xf32>,
      tpu.vector_store_idx %arg8[%broadcast_in_dim3A_367, %get3A_24], %mul3A_362 : memref<128x256xf32, #tpu.memory_space<vmem>>[vector<16xi32>, vector<16xi32>], vector<16xf32>,
      tpu.vector_store_idx %arg8[%broadcast_in_dim3A_367, %get3A_26], %mul3A_366 : memref<128x256xf32, #tpu.memory_space<vmem>>[vector<16xi32>, vector<16xi32>], vector<16xf32>,
      %mul3A_368 = arith.constant 8 : i32
      %mul3A_369 = arith.muli %scan3A_220, %mul3A_368 : i32
      %add3A_370 = arith.constant 7 : i32
      %add3A_371 = arith.addi %mul3A_369, %add3A_370 : i32
      %get3A_372 = arith.index_cast %add3A_371 : i32 to index
      %get3A_373 = arith.constant 0 : index
      %get3A_374 = tpu.vector_load %arg6[%get3A_372, %get3A_373] {strides = array<i32>} : memref<128x64xf32, #tpu.memory_space<vmem>>, vector<16xf32>,
      %mul3A_375 = arith.mulf %get3A_374, %get3A_12 : vector<16xf32>
      %get3A_376 = arith.index_cast %add3A_371 : i32 to index
      %get3A_377 = arith.constant 16 : index
      %get3A_378 = tpu.vector_load %arg6[%get3A_376, %get3A_377] {strides = array<i32>} : memref<128x64xf32, #tpu.memory_space<vmem>>, vector<16xf32>,
      %mul3A_379 = arith.mulf %get3A_378, %get3A_14 : vector<16xf32>
      %get3A_380 = arith.index_cast %add3A_371 : i32 to index
      %get3A_381 = arith.constant 32 : index
      %get3A_382 = tpu.vector_load %arg6[%get3A_380, %get3A_381] {strides = array<i32>} : memref<128x64xf32, #tpu.memory_space<vmem>>, vector<16xf32>,
      %mul3A_383 = arith.mulf %get3A_382, %get3A_16 : vector<16xf32>
      %get3A_384 = arith.index_cast %add3A_371 : i32 to index
      %get3A_385 = arith.constant 48 : index
      %get3A_386 = tpu.vector_load %arg6[%get3A_384, %get3A_385] {strides = array<i32>} : memref<128x64xf32, #tpu.memory_space<vmem>>, vector<16xf32>,
      %mul3A_387 = arith.mulf %get3A_386, %get3A_18 : vector<16xf32>
      %broadcast_in_dim3A_388 = vector.broadcast %add3A_371 : i32 to vector<16xi32>
      tpu.vector_store_idx %arg8[%broadcast_in_dim3A_388, %get3A_20], %mul3A_375 : memref<128x256xf32, #tpu.memory_space<vmem>>[vector<16xi32>, vector<16xi32>], vector<16xf32>,
      tpu.vector_store_idx %arg8[%broadcast_in_dim3A_388, %get3A_22], %mul3A_379 : memref<128x256xf32, #tpu.memory_space<vmem>>[vector<16xi32>, vector<16xi32>], vector<16xf32>,
      tpu.vector_store_idx %arg8[%broadcast_in_dim3A_388, %get3A_24], %mul3A_383 : memref<128x256xf32, #tpu.memory_space<vmem>>[vector<16xi32>, vector<16xi32>], vector<16xf32>,
      tpu.vector_store_idx %arg8[%broadcast_in_dim3A_388, %get3A_26], %mul3A_387 : memref<128x256xf32, #tpu.memory_space<vmem>>[vector<16xi32>, vector<16xi32>], vector<16xf32>,
    }
    %scan3A_42 = arith.constant 16 : i32
    %dma_start3A_43 = arith.constant 0 : i32
    %dma_start3A_44 = tpu.memref_slice %arg5[%add3A_28, %dma_start3A_43] : memref<32768x256xf32, #tpu.memory_space<hbm>> -> memref<128x256xf32, #tpu.memory_space<hbm>>
    %dma_start3A_45 = arith.constant 0 : i32
    %dma_start3A_46 = tpu.memref_slice %arg5[%add3A_28, %dma_start3A_45] : memref<32768x256xf32, #tpu.memory_space<hbm>> -> memref<128x256xf32, #tpu.memory_space<hbm>>
    tpu.enqueue_dma source(%arg8 : memref<128x256xf32, #tpu.memory_space<vmem>>) target(%dma_start3A_46 : memref<128x256xf32, #tpu.memory_space<hbm>>) target_semaphore(%arg14 : memref<!tpu.dma_semaphore, #tpu.memory_space<semaphore_mem>>)
    %add3A_47 = arith.constant 128 : i32
    %add3A_48 = arith.addi %mul3A_2, %add3A_47 : i32
    %add3A_49 = arith.constant 128 : i32
    %add3A_50 = arith.addi %add3A_48, %add3A_49 : i32
    %dma_start3A_51 = arith.constant 0 : i32
    %dma_start3A_52 = tpu.memref_slice %arg2[%add3A_50, %dma_start3A_51] : memref<32768x64xf32, #tpu.memory_space<hbm>> -> memref<128x64xf32, #tpu.memory_space<hbm>>
    %dma_start3A_53 = arith.constant 0 : i32
    %dma_start3A_54 = tpu.memref_slice %arg2[%add3A_50, %dma_start3A_53] : memref<32768x64xf32, #tpu.memory_space<hbm>> -> memref<128x64xf32, #tpu.memory_space<hbm>>
    tpu.enqueue_dma source(%dma_start3A_54 : memref<128x64xf32, #tpu.memory_space<hbm>>) target(%arg6 : memref<128x64xf32, #tpu.memory_space<vmem>>) target_semaphore(%arg12 : memref<!tpu.dma_semaphore, #tpu.memory_space<semaphore_mem>>)
    %dma_wait3A_55 = arith.constant 0 : i32
    %dma_wait3A_56 = tpu.memref_slice %arg2[%add3A_30, %dma_wait3A_55] : memref<32768x64xf32, #tpu.memory_space<hbm>> -> memref<128x64xf32, #tpu.memory_space<hbm>>
    %dma_wait3A_57 = arith.constant 0 : i32
    %dma_wait3A_58 = tpu.memref_slice %arg2[%add3A_30, %dma_wait3A_57] : memref<32768x64xf32, #tpu.memory_space<hbm>> -> memref<128x64xf32, #tpu.memory_space<hbm>>
    tpu.wait_dma2 semaphore(%arg13 : memref<!tpu.dma_semaphore, #tpu.memory_space<semaphore_mem>>) src(%dma_wait3A_58 : memref<128x64xf32, #tpu.memory_space<hbm>>) dst(%arg7 : memref<128x64xf32, #tpu.memory_space<vmem>>)
    %scan3A_59 = arith.constant 0 : i32
    %scan3A_60 = arith.constant 16 : i32
    %scan3A_61 = arith.addi %scan3A_59, %scan3A_60 : i32
    %scan3A_62 = arith.constant 1 : i32
    scf.for %scan3A_220 = %scan3A_59 to %scan3A_61 step %scan3A_62  : i32 {
      %mul3A_221 = arith.constant 8 : i32
      %mul3A_222 = arith.muli %scan3A_220, %mul3A_221 : i32
      %add3A_223 = arith.constant 0 : i32
      %add3A_224 = arith.addi %mul3A_222, %add3A_223 : i32
      %get3A_225 = arith.index_cast %add3A_224 : i32 to index
      %get3A_226 = arith.constant 0 : index
      %get3A_227 = tpu.vector_load %arg7[%get3A_225, %get3A_226] {strides = array<i32>} : memref<128x64xf32, #tpu.memory_space<vmem>>, vector<16xf32>,
      %mul3A_228 = arith.mulf %get3A_227, %get3A_12 : vector<16xf32>
      %get3A_229 = arith.index_cast %add3A_224 : i32 to index
      %get3A_230 = arith.constant 16 : index
      %get3A_231 = tpu.vector_load %arg7[%get3A_229, %get3A_230] {strides = array<i32>} : memref<128x64xf32, #tpu.memory_space<vmem>>, vector<16xf32>,
      %mul3A_232 = arith.mulf %get3A_231, %get3A_14 : vector<16xf32>
      %get3A_233 = arith.index_cast %add3A_224 : i32 to index
      %get3A_234 = arith.constant 32 : index
      %get3A_235 = tpu.vector_load %arg7[%get3A_233, %get3A_234] {strides = array<i32>} : memref<128x64xf32, #tpu.memory_space<vmem>>, vector<16xf32>,
      %mul3A_236 = arith.mulf %get3A_235, %get3A_16 : vector<16xf32>
      %get3A_237 = arith.index_cast %add3A_224 : i32 to index
      %get3A_238 = arith.constant 48 : index
      %get3A_239 = tpu.vector_load %arg7[%get3A_237, %get3A_238] {strides = array<i32>} : memref<128x64xf32, #tpu.memory_space<vmem>>, vector<16xf32>,
      %mul3A_240 = arith.mulf %get3A_239, %get3A_18 : vector<16xf32>
      %broadcast_in_dim3A_241 = vector.broadcast %add3A_224 : i32 to vector<16xi32>
      tpu.vector_store_idx %arg9[%broadcast_in_dim3A_241, %get3A_20], %mul3A_228 : memref<128x256xf32, #tpu.memory_space<vmem>>[vector<16xi32>, vector<16xi32>], vector<16xf32>,
      tpu.vector_store_idx %arg9[%broadcast_in_dim3A_241, %get3A_22], %mul3A_232 : memref<128x256xf32, #tpu.memory_space<vmem>>[vector<16xi32>, vector<16xi32>], vector<16xf32>,
      tpu.vector_store_idx %arg9[%broadcast_in_dim3A_241, %get3A_24], %mul3A_236 : memref<128x256xf32, #tpu.memory_space<vmem>>[vector<16xi32>, vector<16xi32>], vector<16xf32>,
      tpu.vector_store_idx %arg9[%broadcast_in_dim3A_241, %get3A_26], %mul3A_240 : memref<128x256xf32, #tpu.memory_space<vmem>>[vector<16xi32>, vector<16xi32>], vector<16xf32>,
      %mul3A_242 = arith.constant 8 : i32
      %mul3A_243 = arith.muli %scan3A_220, %mul3A_242 : i32
      %add3A_244 = arith.constant 1 : i32
      %add3A_245 = arith.addi %mul3A_243, %add3A_244 : i32
      %get3A_246 = arith.index_cast %add3A_245 : i32 to index
      %get3A_247 = arith.constant 0 : index
      %get3A_248 = tpu.vector_load %arg7[%get3A_246, %get3A_247] {strides = array<i32>} : memref<128x64xf32, #tpu.memory_space<vmem>>, vector<16xf32>,
      %mul3A_249 = arith.mulf %get3A_248, %get3A_12 : vector<16xf32>
      %get3A_250 = arith.index_cast %add3A_245 : i32 to index
      %get3A_251 = arith.constant 16 : index
      %get3A_252 = tpu.vector_load %arg7[%get3A_250, %get3A_251] {strides = array<i32>} : memref<128x64xf32, #tpu.memory_space<vmem>>, vector<16xf32>,
      %mul3A_253 = arith.mulf %get3A_252, %get3A_14 : vector<16xf32>
      %get3A_254 = arith.index_cast %add3A_245 : i32 to index
      %get3A_255 = arith.constant 32 : index
      %get3A_256 = tpu.vector_load %arg7[%get3A_254, %get3A_255] {strides = array<i32>} : memref<128x64xf32, #tpu.memory_space<vmem>>, vector<16xf32>,
      %mul3A_257 = arith.mulf %get3A_256, %get3A_16 : vector<16xf32>
      %get3A_258 = arith.index_cast %add3A_245 : i32 to index
      %get3A_259 = arith.constant 48 : index
      %get3A_260 = tpu.vector_load %arg7[%get3A_258, %get3A_259] {strides = array<i32>} : memref<128x64xf32, #tpu.memory_space<vmem>>, vector<16xf32>,
      %mul3A_261 = arith.mulf %get3A_260, %get3A_18 : vector<16xf32>
      %broadcast_in_dim3A_262 = vector.broadcast %add3A_245 : i32 to vector<16xi32>
      tpu.vector_store_idx %arg9[%broadcast_in_dim3A_262, %get3A_20], %mul3A_249 : memref<128x256xf32, #tpu.memory_space<vmem>>[vector<16xi32>, vector<16xi32>], vector<16xf32>,
      tpu.vector_store_idx %arg9[%broadcast_in_dim3A_262, %get3A_22], %mul3A_253 : memref<128x256xf32, #tpu.memory_space<vmem>>[vector<16xi32>, vector<16xi32>], vector<16xf32>,
      tpu.vector_store_idx %arg9[%broadcast_in_dim3A_262, %get3A_24], %mul3A_257 : memref<128x256xf32, #tpu.memory_space<vmem>>[vector<16xi32>, vector<16xi32>], vector<16xf32>,
      tpu.vector_store_idx %arg9[%broadcast_in_dim3A_262, %get3A_26], %mul3A_261 : memref<128x256xf32, #tpu.memory_space<vmem>>[vector<16xi32>, vector<16xi32>], vector<16xf32>,
      %mul3A_263 = arith.constant 8 : i32
      %mul3A_264 = arith.muli %scan3A_220, %mul3A_263 : i32
      %add3A_265 = arith.constant 2 : i32
      %add3A_266 = arith.addi %mul3A_264, %add3A_265 : i32
      %get3A_267 = arith.index_cast %add3A_266 : i32 to index
      %get3A_268 = arith.constant 0 : index
      %get3A_269 = tpu.vector_load %arg7[%get3A_267, %get3A_268] {strides = array<i32>} : memref<128x64xf32, #tpu.memory_space<vmem>>, vector<16xf32>,
      %mul3A_270 = arith.mulf %get3A_269, %get3A_12 : vector<16xf32>
      %get3A_271 = arith.index_cast %add3A_266 : i32 to index
      %get3A_272 = arith.constant 16 : index
      %get3A_273 = tpu.vector_load %arg7[%get3A_271, %get3A_272] {strides = array<i32>} : memref<128x64xf32, #tpu.memory_space<vmem>>, vector<16xf32>,
      %mul3A_274 = arith.mulf %get3A_273, %get3A_14 : vector<16xf32>
      %get3A_275 = arith.index_cast %add3A_266 : i32 to index
      %get3A_276 = arith.constant 32 : index
      %get3A_277 = tpu.vector_load %arg7[%get3A_275, %get3A_276] {strides = array<i32>} : memref<128x64xf32, #tpu.memory_space<vmem>>, vector<16xf32>,
      %mul3A_278 = arith.mulf %get3A_277, %get3A_16 : vector<16xf32>
      %get3A_279 = arith.index_cast %add3A_266 : i32 to index
      %get3A_280 = arith.constant 48 : index
      %get3A_281 = tpu.vector_load %arg7[%get3A_279, %get3A_280] {strides = array<i32>} : memref<128x64xf32, #tpu.memory_space<vmem>>, vector<16xf32>,
      %mul3A_282 = arith.mulf %get3A_281, %get3A_18 : vector<16xf32>
      %broadcast_in_dim3A_283 = vector.broadcast %add3A_266 : i32 to vector<16xi32>
      tpu.vector_store_idx %arg9[%broadcast_in_dim3A_283, %get3A_20], %mul3A_270 : memref<128x256xf32, #tpu.memory_space<vmem>>[vector<16xi32>, vector<16xi32>], vector<16xf32>,
      tpu.vector_store_idx %arg9[%broadcast_in_dim3A_283, %get3A_22], %mul3A_274 : memref<128x256xf32, #tpu.memory_space<vmem>>[vector<16xi32>, vector<16xi32>], vector<16xf32>,
      tpu.vector_store_idx %arg9[%broadcast_in_dim3A_283, %get3A_24], %mul3A_278 : memref<128x256xf32, #tpu.memory_space<vmem>>[vector<16xi32>, vector<16xi32>], vector<16xf32>,
      tpu.vector_store_idx %arg9[%broadcast_in_dim3A_283, %get3A_26], %mul3A_282 : memref<128x256xf32, #tpu.memory_space<vmem>>[vector<16xi32>, vector<16xi32>], vector<16xf32>,
      %mul3A_284 = arith.constant 8 : i32
      %mul3A_285 = arith.muli %scan3A_220, %mul3A_284 : i32
      %add3A_286 = arith.constant 3 : i32
      %add3A_287 = arith.addi %mul3A_285, %add3A_286 : i32
      %get3A_288 = arith.index_cast %add3A_287 : i32 to index
      %get3A_289 = arith.constant 0 : index
      %get3A_290 = tpu.vector_load %arg7[%get3A_288, %get3A_289] {strides = array<i32>} : memref<128x64xf32, #tpu.memory_space<vmem>>, vector<16xf32>,
      %mul3A_291 = arith.mulf %get3A_290, %get3A_12 : vector<16xf32>
      %get3A_292 = arith.index_cast %add3A_287 : i32 to index
      %get3A_293 = arith.constant 16 : index
      %get3A_294 = tpu.vector_load %arg7[%get3A_292, %get3A_293] {strides = array<i32>} : memref<128x64xf32, #tpu.memory_space<vmem>>, vector<16xf32>,
      %mul3A_295 = arith.mulf %get3A_294, %get3A_14 : vector<16xf32>
      %get3A_296 = arith.index_cast %add3A_287 : i32 to index
      %get3A_297 = arith.constant 32 : index
      %get3A_298 = tpu.vector_load %arg7[%get3A_296, %get3A_297] {strides = array<i32>} : memref<128x64xf32, #tpu.memory_space<vmem>>, vector<16xf32>,
      %mul3A_299 = arith.mulf %get3A_298, %get3A_16 : vector<16xf32>
      %get3A_300 = arith.index_cast %add3A_287 : i32 to index
      %get3A_301 = arith.constant 48 : index
      %get3A_302 = tpu.vector_load %arg7[%get3A_300, %get3A_301] {strides = array<i32>} : memref<128x64xf32, #tpu.memory_space<vmem>>, vector<16xf32>,
      %mul3A_303 = arith.mulf %get3A_302, %get3A_18 : vector<16xf32>
      %broadcast_in_dim3A_304 = vector.broadcast %add3A_287 : i32 to vector<16xi32>
      tpu.vector_store_idx %arg9[%broadcast_in_dim3A_304, %get3A_20], %mul3A_291 : memref<128x256xf32, #tpu.memory_space<vmem>>[vector<16xi32>, vector<16xi32>], vector<16xf32>,
      tpu.vector_store_idx %arg9[%broadcast_in_dim3A_304, %get3A_22], %mul3A_295 : memref<128x256xf32, #tpu.memory_space<vmem>>[vector<16xi32>, vector<16xi32>], vector<16xf32>,
      tpu.vector_store_idx %arg9[%broadcast_in_dim3A_304, %get3A_24], %mul3A_299 : memref<128x256xf32, #tpu.memory_space<vmem>>[vector<16xi32>, vector<16xi32>], vector<16xf32>,
      tpu.vector_store_idx %arg9[%broadcast_in_dim3A_304, %get3A_26], %mul3A_303 : memref<128x256xf32, #tpu.memory_space<vmem>>[vector<16xi32>, vector<16xi32>], vector<16xf32>,
      %mul3A_305 = arith.constant 8 : i32
      %mul3A_306 = arith.muli %scan3A_220, %mul3A_305 : i32
      %add3A_307 = arith.constant 4 : i32
      %add3A_308 = arith.addi %mul3A_306, %add3A_307 : i32
      %get3A_309 = arith.index_cast %add3A_308 : i32 to index
      %get3A_310 = arith.constant 0 : index
      %get3A_311 = tpu.vector_load %arg7[%get3A_309, %get3A_310] {strides = array<i32>} : memref<128x64xf32, #tpu.memory_space<vmem>>, vector<16xf32>,
      %mul3A_312 = arith.mulf %get3A_311, %get3A_12 : vector<16xf32>
      %get3A_313 = arith.index_cast %add3A_308 : i32 to index
      %get3A_314 = arith.constant 16 : index
      %get3A_315 = tpu.vector_load %arg7[%get3A_313, %get3A_314] {strides = array<i32>} : memref<128x64xf32, #tpu.memory_space<vmem>>, vector<16xf32>,
      %mul3A_316 = arith.mulf %get3A_315, %get3A_14 : vector<16xf32>
      %get3A_317 = arith.index_cast %add3A_308 : i32 to index
      %get3A_318 = arith.constant 32 : index
      %get3A_319 = tpu.vector_load %arg7[%get3A_317, %get3A_318] {strides = array<i32>} : memref<128x64xf32, #tpu.memory_space<vmem>>, vector<16xf32>,
      %mul3A_320 = arith.mulf %get3A_319, %get3A_16 : vector<16xf32>
      %get3A_321 = arith.index_cast %add3A_308 : i32 to index
      %get3A_322 = arith.constant 48 : index
      %get3A_323 = tpu.vector_load %arg7[%get3A_321, %get3A_322] {strides = array<i32>} : memref<128x64xf32, #tpu.memory_space<vmem>>, vector<16xf32>,
      %mul3A_324 = arith.mulf %get3A_323, %get3A_18 : vector<16xf32>
      %broadcast_in_dim3A_325 = vector.broadcast %add3A_308 : i32 to vector<16xi32>
      tpu.vector_store_idx %arg9[%broadcast_in_dim3A_325, %get3A_20], %mul3A_312 : memref<128x256xf32, #tpu.memory_space<vmem>>[vector<16xi32>, vector<16xi32>], vector<16xf32>,
      tpu.vector_store_idx %arg9[%broadcast_in_dim3A_325, %get3A_22], %mul3A_316 : memref<128x256xf32, #tpu.memory_space<vmem>>[vector<16xi32>, vector<16xi32>], vector<16xf32>,
      tpu.vector_store_idx %arg9[%broadcast_in_dim3A_325, %get3A_24], %mul3A_320 : memref<128x256xf32, #tpu.memory_space<vmem>>[vector<16xi32>, vector<16xi32>], vector<16xf32>,
      tpu.vector_store_idx %arg9[%broadcast_in_dim3A_325, %get3A_26], %mul3A_324 : memref<128x256xf32, #tpu.memory_space<vmem>>[vector<16xi32>, vector<16xi32>], vector<16xf32>,
      %mul3A_326 = arith.constant 8 : i32
      %mul3A_327 = arith.muli %scan3A_220, %mul3A_326 : i32
      %add3A_328 = arith.constant 5 : i32
      %add3A_329 = arith.addi %mul3A_327, %add3A_328 : i32
      %get3A_330 = arith.index_cast %add3A_329 : i32 to index
      %get3A_331 = arith.constant 0 : index
      %get3A_332 = tpu.vector_load %arg7[%get3A_330, %get3A_331] {strides = array<i32>} : memref<128x64xf32, #tpu.memory_space<vmem>>, vector<16xf32>,
      %mul3A_333 = arith.mulf %get3A_332, %get3A_12 : vector<16xf32>
      %get3A_334 = arith.index_cast %add3A_329 : i32 to index
      %get3A_335 = arith.constant 16 : index
      %get3A_336 = tpu.vector_load %arg7[%get3A_334, %get3A_335] {strides = array<i32>} : memref<128x64xf32, #tpu.memory_space<vmem>>, vector<16xf32>,
      %mul3A_337 = arith.mulf %get3A_336, %get3A_14 : vector<16xf32>
      %get3A_338 = arith.index_cast %add3A_329 : i32 to index
      %get3A_339 = arith.constant 32 : index
      %get3A_340 = tpu.vector_load %arg7[%get3A_338, %get3A_339] {strides = array<i32>} : memref<128x64xf32, #tpu.memory_space<vmem>>, vector<16xf32>,
      %mul3A_341 = arith.mulf %get3A_340, %get3A_16 : vector<16xf32>
      %get3A_342 = arith.index_cast %add3A_329 : i32 to index
      %get3A_343 = arith.constant 48 : index
      %get3A_344 = tpu.vector_load %arg7[%get3A_342, %get3A_343] {strides = array<i32>} : memref<128x64xf32, #tpu.memory_space<vmem>>, vector<16xf32>,
      %mul3A_345 = arith.mulf %get3A_344, %get3A_18 : vector<16xf32>
      %broadcast_in_dim3A_346 = vector.broadcast %add3A_329 : i32 to vector<16xi32>
      tpu.vector_store_idx %arg9[%broadcast_in_dim3A_346, %get3A_20], %mul3A_333 : memref<128x256xf32, #tpu.memory_space<vmem>>[vector<16xi32>, vector<16xi32>], vector<16xf32>,
      tpu.vector_store_idx %arg9[%broadcast_in_dim3A_346, %get3A_22], %mul3A_337 : memref<128x256xf32, #tpu.memory_space<vmem>>[vector<16xi32>, vector<16xi32>], vector<16xf32>,
      tpu.vector_store_idx %arg9[%broadcast_in_dim3A_346, %get3A_24], %mul3A_341 : memref<128x256xf32, #tpu.memory_space<vmem>>[vector<16xi32>, vector<16xi32>], vector<16xf32>,
      tpu.vector_store_idx %arg9[%broadcast_in_dim3A_346, %get3A_26], %mul3A_345 : memref<128x256xf32, #tpu.memory_space<vmem>>[vector<16xi32>, vector<16xi32>], vector<16xf32>,
      %mul3A_347 = arith.constant 8 : i32
      %mul3A_348 = arith.muli %scan3A_220, %mul3A_347 : i32
      %add3A_349 = arith.constant 6 : i32
      %add3A_350 = arith.addi %mul3A_348, %add3A_349 : i32
      %get3A_351 = arith.index_cast %add3A_350 : i32 to index
      %get3A_352 = arith.constant 0 : index
      %get3A_353 = tpu.vector_load %arg7[%get3A_351, %get3A_352] {strides = array<i32>} : memref<128x64xf32, #tpu.memory_space<vmem>>, vector<16xf32>,
      %mul3A_354 = arith.mulf %get3A_353, %get3A_12 : vector<16xf32>
      %get3A_355 = arith.index_cast %add3A_350 : i32 to index
      %get3A_356 = arith.constant 16 : index
      %get3A_357 = tpu.vector_load %arg7[%get3A_355, %get3A_356] {strides = array<i32>} : memref<128x64xf32, #tpu.memory_space<vmem>>, vector<16xf32>,
      %mul3A_358 = arith.mulf %get3A_357, %get3A_14 : vector<16xf32>
      %get3A_359 = arith.index_cast %add3A_350 : i32 to index
      %get3A_360 = arith.constant 32 : index
      %get3A_361 = tpu.vector_load %arg7[%get3A_359, %get3A_360] {strides = array<i32>} : memref<128x64xf32, #tpu.memory_space<vmem>>, vector<16xf32>,
      %mul3A_362 = arith.mulf %get3A_361, %get3A_16 : vector<16xf32>
      %get3A_363 = arith.index_cast %add3A_350 : i32 to index
      %get3A_364 = arith.constant 48 : index
      %get3A_365 = tpu.vector_load %arg7[%get3A_363, %get3A_364] {strides = array<i32>} : memref<128x64xf32, #tpu.memory_space<vmem>>, vector<16xf32>,
      %mul3A_366 = arith.mulf %get3A_365, %get3A_18 : vector<16xf32>
      %broadcast_in_dim3A_367 = vector.broadcast %add3A_350 : i32 to vector<16xi32>
      tpu.vector_store_idx %arg9[%broadcast_in_dim3A_367, %get3A_20], %mul3A_354 : memref<128x256xf32, #tpu.memory_space<vmem>>[vector<16xi32>, vector<16xi32>], vector<16xf32>,
      tpu.vector_store_idx %arg9[%broadcast_in_dim3A_367, %get3A_22], %mul3A_358 : memref<128x256xf32, #tpu.memory_space<vmem>>[vector<16xi32>, vector<16xi32>], vector<16xf32>,
      tpu.vector_store_idx %arg9[%broadcast_in_dim3A_367, %get3A_24], %mul3A_362 : memref<128x256xf32, #tpu.memory_space<vmem>>[vector<16xi32>, vector<16xi32>], vector<16xf32>,
      tpu.vector_store_idx %arg9[%broadcast_in_dim3A_367, %get3A_26], %mul3A_366 : memref<128x256xf32, #tpu.memory_space<vmem>>[vector<16xi32>, vector<16xi32>], vector<16xf32>,
      %mul3A_368 = arith.constant 8 : i32
      %mul3A_369 = arith.muli %scan3A_220, %mul3A_368 : i32
      %add3A_370 = arith.constant 7 : i32
      %add3A_371 = arith.addi %mul3A_369, %add3A_370 : i32
      %get3A_372 = arith.index_cast %add3A_371 : i32 to index
      %get3A_373 = arith.constant 0 : index
      %get3A_374 = tpu.vector_load %arg7[%get3A_372, %get3A_373] {strides = array<i32>} : memref<128x64xf32, #tpu.memory_space<vmem>>, vector<16xf32>,
      %mul3A_375 = arith.mulf %get3A_374, %get3A_12 : vector<16xf32>
      %get3A_376 = arith.index_cast %add3A_371 : i32 to index
      %get3A_377 = arith.constant 16 : index
      %get3A_378 = tpu.vector_load %arg7[%get3A_376, %get3A_377] {strides = array<i32>} : memref<128x64xf32, #tpu.memory_space<vmem>>, vector<16xf32>,
      %mul3A_379 = arith.mulf %get3A_378, %get3A_14 : vector<16xf32>
      %get3A_380 = arith.index_cast %add3A_371 : i32 to index
      %get3A_381 = arith.constant 32 : index
      %get3A_382 = tpu.vector_load %arg7[%get3A_380, %get3A_381] {strides = array<i32>} : memref<128x64xf32, #tpu.memory_space<vmem>>, vector<16xf32>,
      %mul3A_383 = arith.mulf %get3A_382, %get3A_16 : vector<16xf32>
      %get3A_384 = arith.index_cast %add3A_371 : i32 to index
      %get3A_385 = arith.constant 48 : index
      %get3A_386 = tpu.vector_load %arg7[%get3A_384, %get3A_385] {strides = array<i32>} : memref<128x64xf32, #tpu.memory_space<vmem>>, vector<16xf32>,
      %mul3A_387 = arith.mulf %get3A_386, %get3A_18 : vector<16xf32>
      %broadcast_in_dim3A_388 = vector.broadcast %add3A_371 : i32 to vector<16xi32>
      tpu.vector_store_idx %arg9[%broadcast_in_dim3A_388, %get3A_20], %mul3A_375 : memref<128x256xf32, #tpu.memory_space<vmem>>[vector<16xi32>, vector<16xi32>], vector<16xf32>,
      tpu.vector_store_idx %arg9[%broadcast_in_dim3A_388, %get3A_22], %mul3A_379 : memref<128x256xf32, #tpu.memory_space<vmem>>[vector<16xi32>, vector<16xi32>], vector<16xf32>,
      tpu.vector_store_idx %arg9[%broadcast_in_dim3A_388, %get3A_24], %mul3A_383 : memref<128x256xf32, #tpu.memory_space<vmem>>[vector<16xi32>, vector<16xi32>], vector<16xf32>,
      tpu.vector_store_idx %arg9[%broadcast_in_dim3A_388, %get3A_26], %mul3A_387 : memref<128x256xf32, #tpu.memory_space<vmem>>[vector<16xi32>, vector<16xi32>], vector<16xf32>,
    }
    %scan3A_63 = arith.constant 16 : i32
    %dma_start3A_64 = arith.constant 0 : i32
    %dma_start3A_65 = tpu.memref_slice %arg5[%add3A_48, %dma_start3A_64] : memref<32768x256xf32, #tpu.memory_space<hbm>> -> memref<128x256xf32, #tpu.memory_space<hbm>>
    %dma_start3A_66 = arith.constant 0 : i32
    %dma_start3A_67 = tpu.memref_slice %arg5[%add3A_48, %dma_start3A_66] : memref<32768x256xf32, #tpu.memory_space<hbm>> -> memref<128x256xf32, #tpu.memory_space<hbm>>
    tpu.enqueue_dma source(%arg9 : memref<128x256xf32, #tpu.memory_space<vmem>>) target(%dma_start3A_67 : memref<128x256xf32, #tpu.memory_space<hbm>>) target_semaphore(%arg15 : memref<!tpu.dma_semaphore, #tpu.memory_space<semaphore_mem>>)
    %add3A_68 = arith.constant 256 : i32
    %add3A_69 = arith.addi %mul3A_2, %add3A_68 : i32
    %add3A_70 = arith.constant 128 : i32
    %add3A_71 = arith.addi %add3A_69, %add3A_70 : i32
    %dma_start3A_72 = arith.constant 0 : i32
    %dma_start3A_73 = tpu.memref_slice %arg2[%add3A_71, %dma_start3A_72] : memref<32768x64xf32, #tpu.memory_space<hbm>> -> memref<128x64xf32, #tpu.memory_space<hbm>>
    %dma_start3A_74 = arith.constant 0 : i32
    %dma_start3A_75 = tpu.memref_slice %arg2[%add3A_71, %dma_start3A_74] : memref<32768x64xf32, #tpu.memory_space<hbm>> -> memref<128x64xf32, #tpu.memory_space<hbm>>
    tpu.enqueue_dma source(%dma_start3A_75 : memref<128x64xf32, #tpu.memory_space<hbm>>) target(%arg7 : memref<128x64xf32, #tpu.memory_space<vmem>>) target_semaphore(%arg13 : memref<!tpu.dma_semaphore, #tpu.memory_space<semaphore_mem>>)
    %dma_wait3A_76 = arith.constant 0 : i32
    %dma_wait3A_77 = tpu.memref_slice %arg2[%add3A_50, %dma_wait3A_76] : memref<32768x64xf32, #tpu.memory_space<hbm>> -> memref<128x64xf32, #tpu.memory_space<hbm>>
    %dma_wait3A_78 = arith.constant 0 : i32
    %dma_wait3A_79 = tpu.memref_slice %arg2[%add3A_50, %dma_wait3A_78] : memref<32768x64xf32, #tpu.memory_space<hbm>> -> memref<128x64xf32, #tpu.memory_space<hbm>>
    tpu.wait_dma2 semaphore(%arg12 : memref<!tpu.dma_semaphore, #tpu.memory_space<semaphore_mem>>) src(%dma_wait3A_79 : memref<128x64xf32, #tpu.memory_space<hbm>>) dst(%arg6 : memref<128x64xf32, #tpu.memory_space<vmem>>)
    %dma_wait3A_80 = arith.constant 0 : i32
    %dma_wait3A_81 = tpu.memref_slice %arg5[%add3A_28, %dma_wait3A_80] : memref<32768x256xf32, #tpu.memory_space<hbm>> -> memref<128x256xf32, #tpu.memory_space<hbm>>
    %dma_wait3A_82 = arith.constant 0 : i32
    %dma_wait3A_83 = tpu.memref_slice %arg5[%add3A_28, %dma_wait3A_82] : memref<32768x256xf32, #tpu.memory_space<hbm>> -> memref<128x256xf32, #tpu.memory_space<hbm>>
    tpu.wait_dma2 semaphore(%arg14 : memref<!tpu.dma_semaphore, #tpu.memory_space<semaphore_mem>>) src(%arg8 : memref<128x256xf32, #tpu.memory_space<vmem>>) dst(%dma_wait3A_83 : memref<128x256xf32, #tpu.memory_space<hbm>>)
    %scan3A_84 = arith.constant 0 : i32
    %scan3A_85 = arith.constant 16 : i32
    %scan3A_86 = arith.addi %scan3A_84, %scan3A_85 : i32
    %scan3A_87 = arith.constant 1 : i32
    scf.for %scan3A_220 = %scan3A_84 to %scan3A_86 step %scan3A_87  : i32 {
      %mul3A_221 = arith.constant 8 : i32
      %mul3A_222 = arith.muli %scan3A_220, %mul3A_221 : i32
      %add3A_223 = arith.constant 0 : i32
      %add3A_224 = arith.addi %mul3A_222, %add3A_223 : i32
      %get3A_225 = arith.index_cast %add3A_224 : i32 to index
      %get3A_226 = arith.constant 0 : index
      %get3A_227 = tpu.vector_load %arg6[%get3A_225, %get3A_226] {strides = array<i32>} : memref<128x64xf32, #tpu.memory_space<vmem>>, vector<16xf32>,
      %mul3A_228 = arith.mulf %get3A_227, %get3A_12 : vector<16xf32>
      %get3A_229 = arith.index_cast %add3A_224 : i32 to index
      %get3A_230 = arith.constant 16 : index
      %get3A_231 = tpu.vector_load %arg6[%get3A_229, %get3A_230] {strides = array<i32>} : memref<128x64xf32, #tpu.memory_space<vmem>>, vector<16xf32>,
      %mul3A_232 = arith.mulf %get3A_231, %get3A_14 : vector<16xf32>
      %get3A_233 = arith.index_cast %add3A_224 : i32 to index
      %get3A_234 = arith.constant 32 : index
      %get3A_235 = tpu.vector_load %arg6[%get3A_233, %get3A_234] {strides = array<i32>} : memref<128x64xf32, #tpu.memory_space<vmem>>, vector<16xf32>,
      %mul3A_236 = arith.mulf %get3A_235, %get3A_16 : vector<16xf32>
      %get3A_237 = arith.index_cast %add3A_224 : i32 to index
      %get3A_238 = arith.constant 48 : index
      %get3A_239 = tpu.vector_load %arg6[%get3A_237, %get3A_238] {strides = array<i32>} : memref<128x64xf32, #tpu.memory_space<vmem>>, vector<16xf32>,
      %mul3A_240 = arith.mulf %get3A_239, %get3A_18 : vector<16xf32>
      %broadcast_in_dim3A_241 = vector.broadcast %add3A_224 : i32 to vector<16xi32>
      tpu.vector_store_idx %arg8[%broadcast_in_dim3A_241, %get3A_20], %mul3A_228 : memref<128x256xf32, #tpu.memory_space<vmem>>[vector<16xi32>, vector<16xi32>], vector<16xf32>,
      tpu.vector_store_idx %arg8[%broadcast_in_dim3A_241, %get3A_22], %mul3A_232 : memref<128x256xf32, #tpu.memory_space<vmem>>[vector<16xi32>, vector<16xi32>], vector<16xf32>,
      tpu.vector_store_idx %arg8[%broadcast_in_dim3A_241, %get3A_24], %mul3A_236 : memref<128x256xf32, #tpu.memory_space<vmem>>[vector<16xi32>, vector<16xi32>], vector<16xf32>,
      tpu.vector_store_idx %arg8[%broadcast_in_dim3A_241, %get3A_26], %mul3A_240 : memref<128x256xf32, #tpu.memory_space<vmem>>[vector<16xi32>, vector<16xi32>], vector<16xf32>,
      %mul3A_242 = arith.constant 8 : i32
      %mul3A_243 = arith.muli %scan3A_220, %mul3A_242 : i32
      %add3A_244 = arith.constant 1 : i32
      %add3A_245 = arith.addi %mul3A_243, %add3A_244 : i32
      %get3A_246 = arith.index_cast %add3A_245 : i32 to index
      %get3A_247 = arith.constant 0 : index
      %get3A_248 = tpu.vector_load %arg6[%get3A_246, %get3A_247] {strides = array<i32>} : memref<128x64xf32, #tpu.memory_space<vmem>>, vector<16xf32>,
      %mul3A_249 = arith.mulf %get3A_248, %get3A_12 : vector<16xf32>
      %get3A_250 = arith.index_cast %add3A_245 : i32 to index
      %get3A_251 = arith.constant 16 : index
      %get3A_252 = tpu.vector_load %arg6[%get3A_250, %get3A_251] {strides = array<i32>} : memref<128x64xf32, #tpu.memory_space<vmem>>, vector<16xf32>,
      %mul3A_253 = arith.mulf %get3A_252, %get3A_14 : vector<16xf32>
      %get3A_254 = arith.index_cast %add3A_245 : i32 to index
      %get3A_255 = arith.constant 32 : index
      %get3A_256 = tpu.vector_load %arg6[%get3A_254, %get3A_255] {strides = array<i32>} : memref<128x64xf32, #tpu.memory_space<vmem>>, vector<16xf32>,
      %mul3A_257 = arith.mulf %get3A_256, %get3A_16 : vector<16xf32>
      %get3A_258 = arith.index_cast %add3A_245 : i32 to index
      %get3A_259 = arith.constant 48 : index
      %get3A_260 = tpu.vector_load %arg6[%get3A_258, %get3A_259] {strides = array<i32>} : memref<128x64xf32, #tpu.memory_space<vmem>>, vector<16xf32>,
      %mul3A_261 = arith.mulf %get3A_260, %get3A_18 : vector<16xf32>
      %broadcast_in_dim3A_262 = vector.broadcast %add3A_245 : i32 to vector<16xi32>
      tpu.vector_store_idx %arg8[%broadcast_in_dim3A_262, %get3A_20], %mul3A_249 : memref<128x256xf32, #tpu.memory_space<vmem>>[vector<16xi32>, vector<16xi32>], vector<16xf32>,
      tpu.vector_store_idx %arg8[%broadcast_in_dim3A_262, %get3A_22], %mul3A_253 : memref<128x256xf32, #tpu.memory_space<vmem>>[vector<16xi32>, vector<16xi32>], vector<16xf32>,
      tpu.vector_store_idx %arg8[%broadcast_in_dim3A_262, %get3A_24], %mul3A_257 : memref<128x256xf32, #tpu.memory_space<vmem>>[vector<16xi32>, vector<16xi32>], vector<16xf32>,
      tpu.vector_store_idx %arg8[%broadcast_in_dim3A_262, %get3A_26], %mul3A_261 : memref<128x256xf32, #tpu.memory_space<vmem>>[vector<16xi32>, vector<16xi32>], vector<16xf32>,
      %mul3A_263 = arith.constant 8 : i32
      %mul3A_264 = arith.muli %scan3A_220, %mul3A_263 : i32
      %add3A_265 = arith.constant 2 : i32
      %add3A_266 = arith.addi %mul3A_264, %add3A_265 : i32
      %get3A_267 = arith.index_cast %add3A_266 : i32 to index
      %get3A_268 = arith.constant 0 : index
      %get3A_269 = tpu.vector_load %arg6[%get3A_267, %get3A_268] {strides = array<i32>} : memref<128x64xf32, #tpu.memory_space<vmem>>, vector<16xf32>,
      %mul3A_270 = arith.mulf %get3A_269, %get3A_12 : vector<16xf32>
      %get3A_271 = arith.index_cast %add3A_266 : i32 to index
      %get3A_272 = arith.constant 16 : index
      %get3A_273 = tpu.vector_load %arg6[%get3A_271, %get3A_272] {strides = array<i32>} : memref<128x64xf32, #tpu.memory_space<vmem>>, vector<16xf32>,
      %mul3A_274 = arith.mulf %get3A_273, %get3A_14 : vector<16xf32>
      %get3A_275 = arith.index_cast %add3A_266 : i32 to index
      %get3A_276 = arith.constant 32 : index
      %get3A_277 = tpu.vector_load %arg6[%get3A_275, %get3A_276] {strides = array<i32>} : memref<128x64xf32, #tpu.memory_space<vmem>>, vector<16xf32>,
      %mul3A_278 = arith.mulf %get3A_277, %get3A_16 : vector<16xf32>
      %get3A_279 = arith.index_cast %add3A_266 : i32 to index
      %get3A_280 = arith.constant 48 : index
      %get3A_281 = tpu.vector_load %arg6[%get3A_279, %get3A_280] {strides = array<i32>} : memref<128x64xf32, #tpu.memory_space<vmem>>, vector<16xf32>,
      %mul3A_282 = arith.mulf %get3A_281, %get3A_18 : vector<16xf32>
      %broadcast_in_dim3A_283 = vector.broadcast %add3A_266 : i32 to vector<16xi32>
      tpu.vector_store_idx %arg8[%broadcast_in_dim3A_283, %get3A_20], %mul3A_270 : memref<128x256xf32, #tpu.memory_space<vmem>>[vector<16xi32>, vector<16xi32>], vector<16xf32>,
      tpu.vector_store_idx %arg8[%broadcast_in_dim3A_283, %get3A_22], %mul3A_274 : memref<128x256xf32, #tpu.memory_space<vmem>>[vector<16xi32>, vector<16xi32>], vector<16xf32>,
      tpu.vector_store_idx %arg8[%broadcast_in_dim3A_283, %get3A_24], %mul3A_278 : memref<128x256xf32, #tpu.memory_space<vmem>>[vector<16xi32>, vector<16xi32>], vector<16xf32>,
      tpu.vector_store_idx %arg8[%broadcast_in_dim3A_283, %get3A_26], %mul3A_282 : memref<128x256xf32, #tpu.memory_space<vmem>>[vector<16xi32>, vector<16xi32>], vector<16xf32>,
      %mul3A_284 = arith.constant 8 : i32
      %mul3A_285 = arith.muli %scan3A_220, %mul3A_284 : i32
      %add3A_286 = arith.constant 3 : i32
      %add3A_287 = arith.addi %mul3A_285, %add3A_286 : i32
      %get3A_288 = arith.index_cast %add3A_287 : i32 to index
      %get3A_289 = arith.constant 0 : index
      %get3A_290 = tpu.vector_load %arg6[%get3A_288, %get3A_289] {strides = array<i32>} : memref<128x64xf32, #tpu.memory_space<vmem>>, vector<16xf32>,
      %mul3A_291 = arith.mulf %get3A_290, %get3A_12 : vector<16xf32>
      %get3A_292 = arith.index_cast %add3A_287 : i32 to index
      %get3A_293 = arith.constant 16 : index
      %get3A_294 = tpu.vector_load %arg6[%get3A_292, %get3A_293] {strides = array<i32>} : memref<128x64xf32, #tpu.memory_space<vmem>>, vector<16xf32>,
      %mul3A_295 = arith.mulf %get3A_294, %get3A_14 : vector<16xf32>
      %get3A_296 = arith.index_cast %add3A_287 : i32 to index
      %get3A_297 = arith.constant 32 : index
      %get3A_298 = tpu.vector_load %arg6[%get3A_296, %get3A_297] {strides = array<i32>} : memref<128x64xf32, #tpu.memory_space<vmem>>, vector<16xf32>,
      %mul3A_299 = arith.mulf %get3A_298, %get3A_16 : vector<16xf32>
      %get3A_300 = arith.index_cast %add3A_287 : i32 to index
      %get3A_301 = arith.constant 48 : index
      %get3A_302 = tpu.vector_load %arg6[%get3A_300, %get3A_301] {strides = array<i32>} : memref<128x64xf32, #tpu.memory_space<vmem>>, vector<16xf32>,
      %mul3A_303 = arith.mulf %get3A_302, %get3A_18 : vector<16xf32>
      %broadcast_in_dim3A_304 = vector.broadcast %add3A_287 : i32 to vector<16xi32>
      tpu.vector_store_idx %arg8[%broadcast_in_dim3A_304, %get3A_20], %mul3A_291 : memref<128x256xf32, #tpu.memory_space<vmem>>[vector<16xi32>, vector<16xi32>], vector<16xf32>,
      tpu.vector_store_idx %arg8[%broadcast_in_dim3A_304, %get3A_22], %mul3A_295 : memref<128x256xf32, #tpu.memory_space<vmem>>[vector<16xi32>, vector<16xi32>], vector<16xf32>,
      tpu.vector_store_idx %arg8[%broadcast_in_dim3A_304, %get3A_24], %mul3A_299 : memref<128x256xf32, #tpu.memory_space<vmem>>[vector<16xi32>, vector<16xi32>], vector<16xf32>,
      tpu.vector_store_idx %arg8[%broadcast_in_dim3A_304, %get3A_26], %mul3A_303 : memref<128x256xf32, #tpu.memory_space<vmem>>[vector<16xi32>, vector<16xi32>], vector<16xf32>,
      %mul3A_305 = arith.constant 8 : i32
      %mul3A_306 = arith.muli %scan3A_220, %mul3A_305 : i32
      %add3A_307 = arith.constant 4 : i32
      %add3A_308 = arith.addi %mul3A_306, %add3A_307 : i32
      %get3A_309 = arith.index_cast %add3A_308 : i32 to index
      %get3A_310 = arith.constant 0 : index
      %get3A_311 = tpu.vector_load %arg6[%get3A_309, %get3A_310] {strides = array<i32>} : memref<128x64xf32, #tpu.memory_space<vmem>>, vector<16xf32>,
      %mul3A_312 = arith.mulf %get3A_311, %get3A_12 : vector<16xf32>
      %get3A_313 = arith.index_cast %add3A_308 : i32 to index
      %get3A_314 = arith.constant 16 : index
      %get3A_315 = tpu.vector_load %arg6[%get3A_313, %get3A_314] {strides = array<i32>} : memref<128x64xf32, #tpu.memory_space<vmem>>, vector<16xf32>,
      %mul3A_316 = arith.mulf %get3A_315, %get3A_14 : vector<16xf32>
      %get3A_317 = arith.index_cast %add3A_308 : i32 to index
      %get3A_318 = arith.constant 32 : index
      %get3A_319 = tpu.vector_load %arg6[%get3A_317, %get3A_318] {strides = array<i32>} : memref<128x64xf32, #tpu.memory_space<vmem>>, vector<16xf32>,
      %mul3A_320 = arith.mulf %get3A_319, %get3A_16 : vector<16xf32>
      %get3A_321 = arith.index_cast %add3A_308 : i32 to index
      %get3A_322 = arith.constant 48 : index
      %get3A_323 = tpu.vector_load %arg6[%get3A_321, %get3A_322] {strides = array<i32>} : memref<128x64xf32, #tpu.memory_space<vmem>>, vector<16xf32>,
      %mul3A_324 = arith.mulf %get3A_323, %get3A_18 : vector<16xf32>
      %broadcast_in_dim3A_325 = vector.broadcast %add3A_308 : i32 to vector<16xi32>
      tpu.vector_store_idx %arg8[%broadcast_in_dim3A_325, %get3A_20], %mul3A_312 : memref<128x256xf32, #tpu.memory_space<vmem>>[vector<16xi32>, vector<16xi32>], vector<16xf32>,
      tpu.vector_store_idx %arg8[%broadcast_in_dim3A_325, %get3A_22], %mul3A_316 : memref<128x256xf32, #tpu.memory_space<vmem>>[vector<16xi32>, vector<16xi32>], vector<16xf32>,
      tpu.vector_store_idx %arg8[%broadcast_in_dim3A_325, %get3A_24], %mul3A_320 : memref<128x256xf32, #tpu.memory_space<vmem>>[vector<16xi32>, vector<16xi32>], vector<16xf32>,
      tpu.vector_store_idx %arg8[%broadcast_in_dim3A_325, %get3A_26], %mul3A_324 : memref<128x256xf32, #tpu.memory_space<vmem>>[vector<16xi32>, vector<16xi32>], vector<16xf32>,
      %mul3A_326 = arith.constant 8 : i32
      %mul3A_327 = arith.muli %scan3A_220, %mul3A_326 : i32
      %add3A_328 = arith.constant 5 : i32
      %add3A_329 = arith.addi %mul3A_327, %add3A_328 : i32
      %get3A_330 = arith.index_cast %add3A_329 : i32 to index
      %get3A_331 = arith.constant 0 : index
      %get3A_332 = tpu.vector_load %arg6[%get3A_330, %get3A_331] {strides = array<i32>} : memref<128x64xf32, #tpu.memory_space<vmem>>, vector<16xf32>,
      %mul3A_333 = arith.mulf %get3A_332, %get3A_12 : vector<16xf32>
      %get3A_334 = arith.index_cast %add3A_329 : i32 to index
      %get3A_335 = arith.constant 16 : index
      %get3A_336 = tpu.vector_load %arg6[%get3A_334, %get3A_335] {strides = array<i32>} : memref<128x64xf32, #tpu.memory_space<vmem>>, vector<16xf32>,
      %mul3A_337 = arith.mulf %get3A_336, %get3A_14 : vector<16xf32>
      %get3A_338 = arith.index_cast %add3A_329 : i32 to index
      %get3A_339 = arith.constant 32 : index
      %get3A_340 = tpu.vector_load %arg6[%get3A_338, %get3A_339] {strides = array<i32>} : memref<128x64xf32, #tpu.memory_space<vmem>>, vector<16xf32>,
      %mul3A_341 = arith.mulf %get3A_340, %get3A_16 : vector<16xf32>
      %get3A_342 = arith.index_cast %add3A_329 : i32 to index
      %get3A_343 = arith.constant 48 : index
      %get3A_344 = tpu.vector_load %arg6[%get3A_342, %get3A_343] {strides = array<i32>} : memref<128x64xf32, #tpu.memory_space<vmem>>, vector<16xf32>,
      %mul3A_345 = arith.mulf %get3A_344, %get3A_18 : vector<16xf32>
      %broadcast_in_dim3A_346 = vector.broadcast %add3A_329 : i32 to vector<16xi32>
      tpu.vector_store_idx %arg8[%broadcast_in_dim3A_346, %get3A_20], %mul3A_333 : memref<128x256xf32, #tpu.memory_space<vmem>>[vector<16xi32>, vector<16xi32>], vector<16xf32>,
      tpu.vector_store_idx %arg8[%broadcast_in_dim3A_346, %get3A_22], %mul3A_337 : memref<128x256xf32, #tpu.memory_space<vmem>>[vector<16xi32>, vector<16xi32>], vector<16xf32>,
      tpu.vector_store_idx %arg8[%broadcast_in_dim3A_346, %get3A_24], %mul3A_341 : memref<128x256xf32, #tpu.memory_space<vmem>>[vector<16xi32>, vector<16xi32>], vector<16xf32>,
      tpu.vector_store_idx %arg8[%broadcast_in_dim3A_346, %get3A_26], %mul3A_345 : memref<128x256xf32, #tpu.memory_space<vmem>>[vector<16xi32>, vector<16xi32>], vector<16xf32>,
      %mul3A_347 = arith.constant 8 : i32
      %mul3A_348 = arith.muli %scan3A_220, %mul3A_347 : i32
      %add3A_349 = arith.constant 6 : i32
      %add3A_350 = arith.addi %mul3A_348, %add3A_349 : i32
      %get3A_351 = arith.index_cast %add3A_350 : i32 to index
      %get3A_352 = arith.constant 0 : index
      %get3A_353 = tpu.vector_load %arg6[%get3A_351, %get3A_352] {strides = array<i32>} : memref<128x64xf32, #tpu.memory_space<vmem>>, vector<16xf32>,
      %mul3A_354 = arith.mulf %get3A_353, %get3A_12 : vector<16xf32>
      %get3A_355 = arith.index_cast %add3A_350 : i32 to index
      %get3A_356 = arith.constant 16 : index
      %get3A_357 = tpu.vector_load %arg6[%get3A_355, %get3A_356] {strides = array<i32>} : memref<128x64xf32, #tpu.memory_space<vmem>>, vector<16xf32>,
      %mul3A_358 = arith.mulf %get3A_357, %get3A_14 : vector<16xf32>
      %get3A_359 = arith.index_cast %add3A_350 : i32 to index
      %get3A_360 = arith.constant 32 : index
      %get3A_361 = tpu.vector_load %arg6[%get3A_359, %get3A_360] {strides = array<i32>} : memref<128x64xf32, #tpu.memory_space<vmem>>, vector<16xf32>,
      %mul3A_362 = arith.mulf %get3A_361, %get3A_16 : vector<16xf32>
      %get3A_363 = arith.index_cast %add3A_350 : i32 to index
      %get3A_364 = arith.constant 48 : index
      %get3A_365 = tpu.vector_load %arg6[%get3A_363, %get3A_364] {strides = array<i32>} : memref<128x64xf32, #tpu.memory_space<vmem>>, vector<16xf32>,
      %mul3A_366 = arith.mulf %get3A_365, %get3A_18 : vector<16xf32>
      %broadcast_in_dim3A_367 = vector.broadcast %add3A_350 : i32 to vector<16xi32>
      tpu.vector_store_idx %arg8[%broadcast_in_dim3A_367, %get3A_20], %mul3A_354 : memref<128x256xf32, #tpu.memory_space<vmem>>[vector<16xi32>, vector<16xi32>], vector<16xf32>,
      tpu.vector_store_idx %arg8[%broadcast_in_dim3A_367, %get3A_22], %mul3A_358 : memref<128x256xf32, #tpu.memory_space<vmem>>[vector<16xi32>, vector<16xi32>], vector<16xf32>,
      tpu.vector_store_idx %arg8[%broadcast_in_dim3A_367, %get3A_24], %mul3A_362 : memref<128x256xf32, #tpu.memory_space<vmem>>[vector<16xi32>, vector<16xi32>], vector<16xf32>,
      tpu.vector_store_idx %arg8[%broadcast_in_dim3A_367, %get3A_26], %mul3A_366 : memref<128x256xf32, #tpu.memory_space<vmem>>[vector<16xi32>, vector<16xi32>], vector<16xf32>,
      %mul3A_368 = arith.constant 8 : i32
      %mul3A_369 = arith.muli %scan3A_220, %mul3A_368 : i32
      %add3A_370 = arith.constant 7 : i32
      %add3A_371 = arith.addi %mul3A_369, %add3A_370 : i32
      %get3A_372 = arith.index_cast %add3A_371 : i32 to index
      %get3A_373 = arith.constant 0 : index
      %get3A_374 = tpu.vector_load %arg6[%get3A_372, %get3A_373] {strides = array<i32>} : memref<128x64xf32, #tpu.memory_space<vmem>>, vector<16xf32>,
      %mul3A_375 = arith.mulf %get3A_374, %get3A_12 : vector<16xf32>
      %get3A_376 = arith.index_cast %add3A_371 : i32 to index
      %get3A_377 = arith.constant 16 : index
      %get3A_378 = tpu.vector_load %arg6[%get3A_376, %get3A_377] {strides = array<i32>} : memref<128x64xf32, #tpu.memory_space<vmem>>, vector<16xf32>,
      %mul3A_379 = arith.mulf %get3A_378, %get3A_14 : vector<16xf32>
      %get3A_380 = arith.index_cast %add3A_371 : i32 to index
      %get3A_381 = arith.constant 32 : index
      %get3A_382 = tpu.vector_load %arg6[%get3A_380, %get3A_381] {strides = array<i32>} : memref<128x64xf32, #tpu.memory_space<vmem>>, vector<16xf32>,
      %mul3A_383 = arith.mulf %get3A_382, %get3A_16 : vector<16xf32>
      %get3A_384 = arith.index_cast %add3A_371 : i32 to index
      %get3A_385 = arith.constant 48 : index
      %get3A_386 = tpu.vector_load %arg6[%get3A_384, %get3A_385] {strides = array<i32>} : memref<128x64xf32, #tpu.memory_space<vmem>>, vector<16xf32>,
      %mul3A_387 = arith.mulf %get3A_386, %get3A_18 : vector<16xf32>
      %broadcast_in_dim3A_388 = vector.broadcast %add3A_371 : i32 to vector<16xi32>
      tpu.vector_store_idx %arg8[%broadcast_in_dim3A_388, %get3A_20], %mul3A_375 : memref<128x256xf32, #tpu.memory_space<vmem>>[vector<16xi32>, vector<16xi32>], vector<16xf32>,
      tpu.vector_store_idx %arg8[%broadcast_in_dim3A_388, %get3A_22], %mul3A_379 : memref<128x256xf32, #tpu.memory_space<vmem>>[vector<16xi32>, vector<16xi32>], vector<16xf32>,
      tpu.vector_store_idx %arg8[%broadcast_in_dim3A_388, %get3A_24], %mul3A_383 : memref<128x256xf32, #tpu.memory_space<vmem>>[vector<16xi32>, vector<16xi32>], vector<16xf32>,
      tpu.vector_store_idx %arg8[%broadcast_in_dim3A_388, %get3A_26], %mul3A_387 : memref<128x256xf32, #tpu.memory_space<vmem>>[vector<16xi32>, vector<16xi32>], vector<16xf32>,
    }
    %scan3A_88 = arith.constant 16 : i32
    %dma_start3A_89 = arith.constant 0 : i32
    %dma_start3A_90 = tpu.memref_slice %arg5[%add3A_69, %dma_start3A_89] : memref<32768x256xf32, #tpu.memory_space<hbm>> -> memref<128x256xf32, #tpu.memory_space<hbm>>
    %dma_start3A_91 = arith.constant 0 : i32
    %dma_start3A_92 = tpu.memref_slice %arg5[%add3A_69, %dma_start3A_91] : memref<32768x256xf32, #tpu.memory_space<hbm>> -> memref<128x256xf32, #tpu.memory_space<hbm>>
    tpu.enqueue_dma source(%arg8 : memref<128x256xf32, #tpu.memory_space<vmem>>) target(%dma_start3A_92 : memref<128x256xf32, #tpu.memory_space<hbm>>) target_semaphore(%arg14 : memref<!tpu.dma_semaphore, #tpu.memory_space<semaphore_mem>>)
    %add3A_93 = arith.constant 384 : i32
    %add3A_94 = arith.addi %mul3A_2, %add3A_93 : i32
    %add3A_95 = arith.constant 128 : i32
    %add3A_96 = arith.addi %add3A_94, %add3A_95 : i32
    %dma_start3A_97 = arith.constant 0 : i32
    %dma_start3A_98 = tpu.memref_slice %arg2[%add3A_96, %dma_start3A_97] : memref<32768x64xf32, #tpu.memory_space<hbm>> -> memref<128x64xf32, #tpu.memory_space<hbm>>
    %dma_start3A_99 = arith.constant 0 : i32
    %dma_start3A_100 = tpu.memref_slice %arg2[%add3A_96, %dma_start3A_99] : memref<32768x64xf32, #tpu.memory_space<hbm>> -> memref<128x64xf32, #tpu.memory_space<hbm>>
    tpu.enqueue_dma source(%dma_start3A_100 : memref<128x64xf32, #tpu.memory_space<hbm>>) target(%arg6 : memref<128x64xf32, #tpu.memory_space<vmem>>) target_semaphore(%arg12 : memref<!tpu.dma_semaphore, #tpu.memory_space<semaphore_mem>>)
    %dma_wait3A_101 = arith.constant 0 : i32
    %dma_wait3A_102 = tpu.memref_slice %arg2[%add3A_71, %dma_wait3A_101] : memref<32768x64xf32, #tpu.memory_space<hbm>> -> memref<128x64xf32, #tpu.memory_space<hbm>>
    %dma_wait3A_103 = arith.constant 0 : i32
    %dma_wait3A_104 = tpu.memref_slice %arg2[%add3A_71, %dma_wait3A_103] : memref<32768x64xf32, #tpu.memory_space<hbm>> -> memref<128x64xf32, #tpu.memory_space<hbm>>
    tpu.wait_dma2 semaphore(%arg13 : memref<!tpu.dma_semaphore, #tpu.memory_space<semaphore_mem>>) src(%dma_wait3A_104 : memref<128x64xf32, #tpu.memory_space<hbm>>) dst(%arg7 : memref<128x64xf32, #tpu.memory_space<vmem>>)
    %dma_wait3A_105 = arith.constant 0 : i32
    %dma_wait3A_106 = tpu.memref_slice %arg5[%add3A_48, %dma_wait3A_105] : memref<32768x256xf32, #tpu.memory_space<hbm>> -> memref<128x256xf32, #tpu.memory_space<hbm>>
    %dma_wait3A_107 = arith.constant 0 : i32
    %dma_wait3A_108 = tpu.memref_slice %arg5[%add3A_48, %dma_wait3A_107] : memref<32768x256xf32, #tpu.memory_space<hbm>> -> memref<128x256xf32, #tpu.memory_space<hbm>>
    tpu.wait_dma2 semaphore(%arg15 : memref<!tpu.dma_semaphore, #tpu.memory_space<semaphore_mem>>) src(%arg9 : memref<128x256xf32, #tpu.memory_space<vmem>>) dst(%dma_wait3A_108 : memref<128x256xf32, #tpu.memory_space<hbm>>)
    %scan3A_109 = arith.constant 0 : i32
    %scan3A_110 = arith.constant 16 : i32
    %scan3A_111 = arith.addi %scan3A_109, %scan3A_110 : i32
    %scan3A_112 = arith.constant 1 : i32
    scf.for %scan3A_220 = %scan3A_109 to %scan3A_111 step %scan3A_112  : i32 {
      %mul3A_221 = arith.constant 8 : i32
      %mul3A_222 = arith.muli %scan3A_220, %mul3A_221 : i32
      %add3A_223 = arith.constant 0 : i32
      %add3A_224 = arith.addi %mul3A_222, %add3A_223 : i32
      %get3A_225 = arith.index_cast %add3A_224 : i32 to index
      %get3A_226 = arith.constant 0 : index
      %get3A_227 = tpu.vector_load %arg7[%get3A_225, %get3A_226] {strides = array<i32>} : memref<128x64xf32, #tpu.memory_space<vmem>>, vector<16xf32>,
      %mul3A_228 = arith.mulf %get3A_227, %get3A_12 : vector<16xf32>
      %get3A_229 = arith.index_cast %add3A_224 : i32 to index
      %get3A_230 = arith.constant 16 : index
      %get3A_231 = tpu.vector_load %arg7[%get3A_229, %get3A_230] {strides = array<i32>} : memref<128x64xf32, #tpu.memory_space<vmem>>, vector<16xf32>,
      %mul3A_232 = arith.mulf %get3A_231, %get3A_14 : vector<16xf32>
      %get3A_233 = arith.index_cast %add3A_224 : i32 to index
      %get3A_234 = arith.constant 32 : index
      %get3A_235 = tpu.vector_load %arg7[%get3A_233, %get3A_234] {strides = array<i32>} : memref<128x64xf32, #tpu.memory_space<vmem>>, vector<16xf32>,
      %mul3A_236 = arith.mulf %get3A_235, %get3A_16 : vector<16xf32>
      %get3A_237 = arith.index_cast %add3A_224 : i32 to index
      %get3A_238 = arith.constant 48 : index
      %get3A_239 = tpu.vector_load %arg7[%get3A_237, %get3A_238] {strides = array<i32>} : memref<128x64xf32, #tpu.memory_space<vmem>>, vector<16xf32>,
      %mul3A_240 = arith.mulf %get3A_239, %get3A_18 : vector<16xf32>
      %broadcast_in_dim3A_241 = vector.broadcast %add3A_224 : i32 to vector<16xi32>
      tpu.vector_store_idx %arg9[%broadcast_in_dim3A_241, %get3A_20], %mul3A_228 : memref<128x256xf32, #tpu.memory_space<vmem>>[vector<16xi32>, vector<16xi32>], vector<16xf32>,
      tpu.vector_store_idx %arg9[%broadcast_in_dim3A_241, %get3A_22], %mul3A_232 : memref<128x256xf32, #tpu.memory_space<vmem>>[vector<16xi32>, vector<16xi32>], vector<16xf32>,
      tpu.vector_store_idx %arg9[%broadcast_in_dim3A_241, %get3A_24], %mul3A_236 : memref<128x256xf32, #tpu.memory_space<vmem>>[vector<16xi32>, vector<16xi32>], vector<16xf32>,
      tpu.vector_store_idx %arg9[%broadcast_in_dim3A_241, %get3A_26], %mul3A_240 : memref<128x256xf32, #tpu.memory_space<vmem>>[vector<16xi32>, vector<16xi32>], vector<16xf32>,
      %mul3A_242 = arith.constant 8 : i32
      %mul3A_243 = arith.muli %scan3A_220, %mul3A_242 : i32
      %add3A_244 = arith.constant 1 : i32
      %add3A_245 = arith.addi %mul3A_243, %add3A_244 : i32
      %get3A_246 = arith.index_cast %add3A_245 : i32 to index
      %get3A_247 = arith.constant 0 : index
      %get3A_248 = tpu.vector_load %arg7[%get3A_246, %get3A_247] {strides = array<i32>} : memref<128x64xf32, #tpu.memory_space<vmem>>, vector<16xf32>,
      %mul3A_249 = arith.mulf %get3A_248, %get3A_12 : vector<16xf32>
      %get3A_250 = arith.index_cast %add3A_245 : i32 to index
      %get3A_251 = arith.constant 16 : index
      %get3A_252 = tpu.vector_load %arg7[%get3A_250, %get3A_251] {strides = array<i32>} : memref<128x64xf32, #tpu.memory_space<vmem>>, vector<16xf32>,
      %mul3A_253 = arith.mulf %get3A_252, %get3A_14 : vector<16xf32>
      %get3A_254 = arith.index_cast %add3A_245 : i32 to index
      %get3A_255 = arith.constant 32 : index
      %get3A_256 = tpu.vector_load %arg7[%get3A_254, %get3A_255] {strides = array<i32>} : memref<128x64xf32, #tpu.memory_space<vmem>>, vector<16xf32>,
      %mul3A_257 = arith.mulf %get3A_256, %get3A_16 : vector<16xf32>
      %get3A_258 = arith.index_cast %add3A_245 : i32 to index
      %get3A_259 = arith.constant 48 : index
      %get3A_260 = tpu.vector_load %arg7[%get3A_258, %get3A_259] {strides = array<i32>} : memref<128x64xf32, #tpu.memory_space<vmem>>, vector<16xf32>,
      %mul3A_261 = arith.mulf %get3A_260, %get3A_18 : vector<16xf32>
      %broadcast_in_dim3A_262 = vector.broadcast %add3A_245 : i32 to vector<16xi32>
      tpu.vector_store_idx %arg9[%broadcast_in_dim3A_262, %get3A_20], %mul3A_249 : memref<128x256xf32, #tpu.memory_space<vmem>>[vector<16xi32>, vector<16xi32>], vector<16xf32>,
      tpu.vector_store_idx %arg9[%broadcast_in_dim3A_262, %get3A_22], %mul3A_253 : memref<128x256xf32, #tpu.memory_space<vmem>>[vector<16xi32>, vector<16xi32>], vector<16xf32>,
      tpu.vector_store_idx %arg9[%broadcast_in_dim3A_262, %get3A_24], %mul3A_257 : memref<128x256xf32, #tpu.memory_space<vmem>>[vector<16xi32>, vector<16xi32>], vector<16xf32>,
      tpu.vector_store_idx %arg9[%broadcast_in_dim3A_262, %get3A_26], %mul3A_261 : memref<128x256xf32, #tpu.memory_space<vmem>>[vector<16xi32>, vector<16xi32>], vector<16xf32>,
      %mul3A_263 = arith.constant 8 : i32
      %mul3A_264 = arith.muli %scan3A_220, %mul3A_263 : i32
      %add3A_265 = arith.constant 2 : i32
      %add3A_266 = arith.addi %mul3A_264, %add3A_265 : i32
      %get3A_267 = arith.index_cast %add3A_266 : i32 to index
      %get3A_268 = arith.constant 0 : index
      %get3A_269 = tpu.vector_load %arg7[%get3A_267, %get3A_268] {strides = array<i32>} : memref<128x64xf32, #tpu.memory_space<vmem>>, vector<16xf32>,
      %mul3A_270 = arith.mulf %get3A_269, %get3A_12 : vector<16xf32>
      %get3A_271 = arith.index_cast %add3A_266 : i32 to index
      %get3A_272 = arith.constant 16 : index
      %get3A_273 = tpu.vector_load %arg7[%get3A_271, %get3A_272] {strides = array<i32>} : memref<128x64xf32, #tpu.memory_space<vmem>>, vector<16xf32>,
      %mul3A_274 = arith.mulf %get3A_273, %get3A_14 : vector<16xf32>
      %get3A_275 = arith.index_cast %add3A_266 : i32 to index
      %get3A_276 = arith.constant 32 : index
      %get3A_277 = tpu.vector_load %arg7[%get3A_275, %get3A_276] {strides = array<i32>} : memref<128x64xf32, #tpu.memory_space<vmem>>, vector<16xf32>,
      %mul3A_278 = arith.mulf %get3A_277, %get3A_16 : vector<16xf32>
      %get3A_279 = arith.index_cast %add3A_266 : i32 to index
      %get3A_280 = arith.constant 48 : index
      %get3A_281 = tpu.vector_load %arg7[%get3A_279, %get3A_280] {strides = array<i32>} : memref<128x64xf32, #tpu.memory_space<vmem>>, vector<16xf32>,
      %mul3A_282 = arith.mulf %get3A_281, %get3A_18 : vector<16xf32>
      %broadcast_in_dim3A_283 = vector.broadcast %add3A_266 : i32 to vector<16xi32>
      tpu.vector_store_idx %arg9[%broadcast_in_dim3A_283, %get3A_20], %mul3A_270 : memref<128x256xf32, #tpu.memory_space<vmem>>[vector<16xi32>, vector<16xi32>], vector<16xf32>,
      tpu.vector_store_idx %arg9[%broadcast_in_dim3A_283, %get3A_22], %mul3A_274 : memref<128x256xf32, #tpu.memory_space<vmem>>[vector<16xi32>, vector<16xi32>], vector<16xf32>,
      tpu.vector_store_idx %arg9[%broadcast_in_dim3A_283, %get3A_24], %mul3A_278 : memref<128x256xf32, #tpu.memory_space<vmem>>[vector<16xi32>, vector<16xi32>], vector<16xf32>,
      tpu.vector_store_idx %arg9[%broadcast_in_dim3A_283, %get3A_26], %mul3A_282 : memref<128x256xf32, #tpu.memory_space<vmem>>[vector<16xi32>, vector<16xi32>], vector<16xf32>,
      %mul3A_284 = arith.constant 8 : i32
      %mul3A_285 = arith.muli %scan3A_220, %mul3A_284 : i32
      %add3A_286 = arith.constant 3 : i32
      %add3A_287 = arith.addi %mul3A_285, %add3A_286 : i32
      %get3A_288 = arith.index_cast %add3A_287 : i32 to index
      %get3A_289 = arith.constant 0 : index
      %get3A_290 = tpu.vector_load %arg7[%get3A_288, %get3A_289] {strides = array<i32>} : memref<128x64xf32, #tpu.memory_space<vmem>>, vector<16xf32>,
      %mul3A_291 = arith.mulf %get3A_290, %get3A_12 : vector<16xf32>
      %get3A_292 = arith.index_cast %add3A_287 : i32 to index
      %get3A_293 = arith.constant 16 : index
      %get3A_294 = tpu.vector_load %arg7[%get3A_292, %get3A_293] {strides = array<i32>} : memref<128x64xf32, #tpu.memory_space<vmem>>, vector<16xf32>,
      %mul3A_295 = arith.mulf %get3A_294, %get3A_14 : vector<16xf32>
      %get3A_296 = arith.index_cast %add3A_287 : i32 to index
      %get3A_297 = arith.constant 32 : index
      %get3A_298 = tpu.vector_load %arg7[%get3A_296, %get3A_297] {strides = array<i32>} : memref<128x64xf32, #tpu.memory_space<vmem>>, vector<16xf32>,
      %mul3A_299 = arith.mulf %get3A_298, %get3A_16 : vector<16xf32>
      %get3A_300 = arith.index_cast %add3A_287 : i32 to index
      %get3A_301 = arith.constant 48 : index
      %get3A_302 = tpu.vector_load %arg7[%get3A_300, %get3A_301] {strides = array<i32>} : memref<128x64xf32, #tpu.memory_space<vmem>>, vector<16xf32>,
      %mul3A_303 = arith.mulf %get3A_302, %get3A_18 : vector<16xf32>
      %broadcast_in_dim3A_304 = vector.broadcast %add3A_287 : i32 to vector<16xi32>
      tpu.vector_store_idx %arg9[%broadcast_in_dim3A_304, %get3A_20], %mul3A_291 : memref<128x256xf32, #tpu.memory_space<vmem>>[vector<16xi32>, vector<16xi32>], vector<16xf32>,
      tpu.vector_store_idx %arg9[%broadcast_in_dim3A_304, %get3A_22], %mul3A_295 : memref<128x256xf32, #tpu.memory_space<vmem>>[vector<16xi32>, vector<16xi32>], vector<16xf32>,
      tpu.vector_store_idx %arg9[%broadcast_in_dim3A_304, %get3A_24], %mul3A_299 : memref<128x256xf32, #tpu.memory_space<vmem>>[vector<16xi32>, vector<16xi32>], vector<16xf32>,
      tpu.vector_store_idx %arg9[%broadcast_in_dim3A_304, %get3A_26], %mul3A_303 : memref<128x256xf32, #tpu.memory_space<vmem>>[vector<16xi32>, vector<16xi32>], vector<16xf32>,
      %mul3A_305 = arith.constant 8 : i32
      %mul3A_306 = arith.muli %scan3A_220, %mul3A_305 : i32
      %add3A_307 = arith.constant 4 : i32
      %add3A_308 = arith.addi %mul3A_306, %add3A_307 : i32
      %get3A_309 = arith.index_cast %add3A_308 : i32 to index
      %get3A_310 = arith.constant 0 : index
      %get3A_311 = tpu.vector_load %arg7[%get3A_309, %get3A_310] {strides = array<i32>} : memref<128x64xf32, #tpu.memory_space<vmem>>, vector<16xf32>,
      %mul3A_312 = arith.mulf %get3A_311, %get3A_12 : vector<16xf32>
      %get3A_313 = arith.index_cast %add3A_308 : i32 to index
      %get3A_314 = arith.constant 16 : index
      %get3A_315 = tpu.vector_load %arg7[%get3A_313, %get3A_314] {strides = array<i32>} : memref<128x64xf32, #tpu.memory_space<vmem>>, vector<16xf32>,
      %mul3A_316 = arith.mulf %get3A_315, %get3A_14 : vector<16xf32>
      %get3A_317 = arith.index_cast %add3A_308 : i32 to index
      %get3A_318 = arith.constant 32 : index
      %get3A_319 = tpu.vector_load %arg7[%get3A_317, %get3A_318] {strides = array<i32>} : memref<128x64xf32, #tpu.memory_space<vmem>>, vector<16xf32>,
      %mul3A_320 = arith.mulf %get3A_319, %get3A_16 : vector<16xf32>
      %get3A_321 = arith.index_cast %add3A_308 : i32 to index
      %get3A_322 = arith.constant 48 : index
      %get3A_323 = tpu.vector_load %arg7[%get3A_321, %get3A_322] {strides = array<i32>} : memref<128x64xf32, #tpu.memory_space<vmem>>, vector<16xf32>,
      %mul3A_324 = arith.mulf %get3A_323, %get3A_18 : vector<16xf32>
      %broadcast_in_dim3A_325 = vector.broadcast %add3A_308 : i32 to vector<16xi32>
      tpu.vector_store_idx %arg9[%broadcast_in_dim3A_325, %get3A_20], %mul3A_312 : memref<128x256xf32, #tpu.memory_space<vmem>>[vector<16xi32>, vector<16xi32>], vector<16xf32>,
      tpu.vector_store_idx %arg9[%broadcast_in_dim3A_325, %get3A_22], %mul3A_316 : memref<128x256xf32, #tpu.memory_space<vmem>>[vector<16xi32>, vector<16xi32>], vector<16xf32>,
      tpu.vector_store_idx %arg9[%broadcast_in_dim3A_325, %get3A_24], %mul3A_320 : memref<128x256xf32, #tpu.memory_space<vmem>>[vector<16xi32>, vector<16xi32>], vector<16xf32>,
      tpu.vector_store_idx %arg9[%broadcast_in_dim3A_325, %get3A_26], %mul3A_324 : memref<128x256xf32, #tpu.memory_space<vmem>>[vector<16xi32>, vector<16xi32>], vector<16xf32>,
      %mul3A_326 = arith.constant 8 : i32
      %mul3A_327 = arith.muli %scan3A_220, %mul3A_326 : i32
      %add3A_328 = arith.constant 5 : i32
      %add3A_329 = arith.addi %mul3A_327, %add3A_328 : i32
      %get3A_330 = arith.index_cast %add3A_329 : i32 to index
      %get3A_331 = arith.constant 0 : index
      %get3A_332 = tpu.vector_load %arg7[%get3A_330, %get3A_331] {strides = array<i32>} : memref<128x64xf32, #tpu.memory_space<vmem>>, vector<16xf32>,
      %mul3A_333 = arith.mulf %get3A_332, %get3A_12 : vector<16xf32>
      %get3A_334 = arith.index_cast %add3A_329 : i32 to index
      %get3A_335 = arith.constant 16 : index
      %get3A_336 = tpu.vector_load %arg7[%get3A_334, %get3A_335] {strides = array<i32>} : memref<128x64xf32, #tpu.memory_space<vmem>>, vector<16xf32>,
      %mul3A_337 = arith.mulf %get3A_336, %get3A_14 : vector<16xf32>
      %get3A_338 = arith.index_cast %add3A_329 : i32 to index
      %get3A_339 = arith.constant 32 : index
      %get3A_340 = tpu.vector_load %arg7[%get3A_338, %get3A_339] {strides = array<i32>} : memref<128x64xf32, #tpu.memory_space<vmem>>, vector<16xf32>,
      %mul3A_341 = arith.mulf %get3A_340, %get3A_16 : vector<16xf32>
      %get3A_342 = arith.index_cast %add3A_329 : i32 to index
      %get3A_343 = arith.constant 48 : index
      %get3A_344 = tpu.vector_load %arg7[%get3A_342, %get3A_343] {strides = array<i32>} : memref<128x64xf32, #tpu.memory_space<vmem>>, vector<16xf32>,
      %mul3A_345 = arith.mulf %get3A_344, %get3A_18 : vector<16xf32>
      %broadcast_in_dim3A_346 = vector.broadcast %add3A_329 : i32 to vector<16xi32>
      tpu.vector_store_idx %arg9[%broadcast_in_dim3A_346, %get3A_20], %mul3A_333 : memref<128x256xf32, #tpu.memory_space<vmem>>[vector<16xi32>, vector<16xi32>], vector<16xf32>,
      tpu.vector_store_idx %arg9[%broadcast_in_dim3A_346, %get3A_22], %mul3A_337 : memref<128x256xf32, #tpu.memory_space<vmem>>[vector<16xi32>, vector<16xi32>], vector<16xf32>,
      tpu.vector_store_idx %arg9[%broadcast_in_dim3A_346, %get3A_24], %mul3A_341 : memref<128x256xf32, #tpu.memory_space<vmem>>[vector<16xi32>, vector<16xi32>], vector<16xf32>,
      tpu.vector_store_idx %arg9[%broadcast_in_dim3A_346, %get3A_26], %mul3A_345 : memref<128x256xf32, #tpu.memory_space<vmem>>[vector<16xi32>, vector<16xi32>], vector<16xf32>,
      %mul3A_347 = arith.constant 8 : i32
      %mul3A_348 = arith.muli %scan3A_220, %mul3A_347 : i32
      %add3A_349 = arith.constant 6 : i32
      %add3A_350 = arith.addi %mul3A_348, %add3A_349 : i32
      %get3A_351 = arith.index_cast %add3A_350 : i32 to index
      %get3A_352 = arith.constant 0 : index
      %get3A_353 = tpu.vector_load %arg7[%get3A_351, %get3A_352] {strides = array<i32>} : memref<128x64xf32, #tpu.memory_space<vmem>>, vector<16xf32>,
      %mul3A_354 = arith.mulf %get3A_353, %get3A_12 : vector<16xf32>
      %get3A_355 = arith.index_cast %add3A_350 : i32 to index
      %get3A_356 = arith.constant 16 : index
      %get3A_357 = tpu.vector_load %arg7[%get3A_355, %get3A_356] {strides = array<i32>} : memref<128x64xf32, #tpu.memory_space<vmem>>, vector<16xf32>,
      %mul3A_358 = arith.mulf %get3A_357, %get3A_14 : vector<16xf32>
      %get3A_359 = arith.index_cast %add3A_350 : i32 to index
      %get3A_360 = arith.constant 32 : index
      %get3A_361 = tpu.vector_load %arg7[%get3A_359, %get3A_360] {strides = array<i32>} : memref<128x64xf32, #tpu.memory_space<vmem>>, vector<16xf32>,
      %mul3A_362 = arith.mulf %get3A_361, %get3A_16 : vector<16xf32>
      %get3A_363 = arith.index_cast %add3A_350 : i32 to index
      %get3A_364 = arith.constant 48 : index
      %get3A_365 = tpu.vector_load %arg7[%get3A_363, %get3A_364] {strides = array<i32>} : memref<128x64xf32, #tpu.memory_space<vmem>>, vector<16xf32>,
      %mul3A_366 = arith.mulf %get3A_365, %get3A_18 : vector<16xf32>
      %broadcast_in_dim3A_367 = vector.broadcast %add3A_350 : i32 to vector<16xi32>
      tpu.vector_store_idx %arg9[%broadcast_in_dim3A_367, %get3A_20], %mul3A_354 : memref<128x256xf32, #tpu.memory_space<vmem>>[vector<16xi32>, vector<16xi32>], vector<16xf32>,
      tpu.vector_store_idx %arg9[%broadcast_in_dim3A_367, %get3A_22], %mul3A_358 : memref<128x256xf32, #tpu.memory_space<vmem>>[vector<16xi32>, vector<16xi32>], vector<16xf32>,
      tpu.vector_store_idx %arg9[%broadcast_in_dim3A_367, %get3A_24], %mul3A_362 : memref<128x256xf32, #tpu.memory_space<vmem>>[vector<16xi32>, vector<16xi32>], vector<16xf32>,
      tpu.vector_store_idx %arg9[%broadcast_in_dim3A_367, %get3A_26], %mul3A_366 : memref<128x256xf32, #tpu.memory_space<vmem>>[vector<16xi32>, vector<16xi32>], vector<16xf32>,
      %mul3A_368 = arith.constant 8 : i32
      %mul3A_369 = arith.muli %scan3A_220, %mul3A_368 : i32
      %add3A_370 = arith.constant 7 : i32
      %add3A_371 = arith.addi %mul3A_369, %add3A_370 : i32
      %get3A_372 = arith.index_cast %add3A_371 : i32 to index
      %get3A_373 = arith.constant 0 : index
      %get3A_374 = tpu.vector_load %arg7[%get3A_372, %get3A_373] {strides = array<i32>} : memref<128x64xf32, #tpu.memory_space<vmem>>, vector<16xf32>,
      %mul3A_375 = arith.mulf %get3A_374, %get3A_12 : vector<16xf32>
      %get3A_376 = arith.index_cast %add3A_371 : i32 to index
      %get3A_377 = arith.constant 16 : index
      %get3A_378 = tpu.vector_load %arg7[%get3A_376, %get3A_377] {strides = array<i32>} : memref<128x64xf32, #tpu.memory_space<vmem>>, vector<16xf32>,
      %mul3A_379 = arith.mulf %get3A_378, %get3A_14 : vector<16xf32>
      %get3A_380 = arith.index_cast %add3A_371 : i32 to index
      %get3A_381 = arith.constant 32 : index
      %get3A_382 = tpu.vector_load %arg7[%get3A_380, %get3A_381] {strides = array<i32>} : memref<128x64xf32, #tpu.memory_space<vmem>>, vector<16xf32>,
      %mul3A_383 = arith.mulf %get3A_382, %get3A_16 : vector<16xf32>
      %get3A_384 = arith.index_cast %add3A_371 : i32 to index
      %get3A_385 = arith.constant 48 : index
      %get3A_386 = tpu.vector_load %arg7[%get3A_384, %get3A_385] {strides = array<i32>} : memref<128x64xf32, #tpu.memory_space<vmem>>, vector<16xf32>,
      %mul3A_387 = arith.mulf %get3A_386, %get3A_18 : vector<16xf32>
      %broadcast_in_dim3A_388 = vector.broadcast %add3A_371 : i32 to vector<16xi32>
      tpu.vector_store_idx %arg9[%broadcast_in_dim3A_388, %get3A_20], %mul3A_375 : memref<128x256xf32, #tpu.memory_space<vmem>>[vector<16xi32>, vector<16xi32>], vector<16xf32>,
      tpu.vector_store_idx %arg9[%broadcast_in_dim3A_388, %get3A_22], %mul3A_379 : memref<128x256xf32, #tpu.memory_space<vmem>>[vector<16xi32>, vector<16xi32>], vector<16xf32>,
      tpu.vector_store_idx %arg9[%broadcast_in_dim3A_388, %get3A_24], %mul3A_383 : memref<128x256xf32, #tpu.memory_space<vmem>>[vector<16xi32>, vector<16xi32>], vector<16xf32>,
      tpu.vector_store_idx %arg9[%broadcast_in_dim3A_388, %get3A_26], %mul3A_387 : memref<128x256xf32, #tpu.memory_space<vmem>>[vector<16xi32>, vector<16xi32>], vector<16xf32>,
    }
    %scan3A_113 = arith.constant 16 : i32
    %dma_start3A_114 = arith.constant 0 : i32
    %dma_start3A_115 = tpu.memref_slice %arg5[%add3A_94, %dma_start3A_114] : memref<32768x256xf32, #tpu.memory_space<hbm>> -> memref<128x256xf32, #tpu.memory_space<hbm>>
    %dma_start3A_116 = arith.constant 0 : i32
    %dma_start3A_117 = tpu.memref_slice %arg5[%add3A_94, %dma_start3A_116] : memref<32768x256xf32, #tpu.memory_space<hbm>> -> memref<128x256xf32, #tpu.memory_space<hbm>>
    tpu.enqueue_dma source(%arg9 : memref<128x256xf32, #tpu.memory_space<vmem>>) target(%dma_start3A_117 : memref<128x256xf32, #tpu.memory_space<hbm>>) target_semaphore(%arg15 : memref<!tpu.dma_semaphore, #tpu.memory_space<semaphore_mem>>)
    %add3A_118 = arith.constant 512 : i32
    %add3A_119 = arith.addi %mul3A_2, %add3A_118 : i32
    %add3A_120 = arith.constant 128 : i32
    %add3A_121 = arith.addi %add3A_119, %add3A_120 : i32
    %dma_start3A_122 = arith.constant 0 : i32
    %dma_start3A_123 = tpu.memref_slice %arg2[%add3A_121, %dma_start3A_122] : memref<32768x64xf32, #tpu.memory_space<hbm>> -> memref<128x64xf32, #tpu.memory_space<hbm>>
    %dma_start3A_124 = arith.constant 0 : i32
    %dma_start3A_125 = tpu.memref_slice %arg2[%add3A_121, %dma_start3A_124] : memref<32768x64xf32, #tpu.memory_space<hbm>> -> memref<128x64xf32, #tpu.memory_space<hbm>>
    tpu.enqueue_dma source(%dma_start3A_125 : memref<128x64xf32, #tpu.memory_space<hbm>>) target(%arg7 : memref<128x64xf32, #tpu.memory_space<vmem>>) target_semaphore(%arg13 : memref<!tpu.dma_semaphore, #tpu.memory_space<semaphore_mem>>)
    %dma_wait3A_126 = arith.constant 0 : i32
    %dma_wait3A_127 = tpu.memref_slice %arg2[%add3A_96, %dma_wait3A_126] : memref<32768x64xf32, #tpu.memory_space<hbm>> -> memref<128x64xf32, #tpu.memory_space<hbm>>
    %dma_wait3A_128 = arith.constant 0 : i32
    %dma_wait3A_129 = tpu.memref_slice %arg2[%add3A_96, %dma_wait3A_128] : memref<32768x64xf32, #tpu.memory_space<hbm>> -> memref<128x64xf32, #tpu.memory_space<hbm>>
    tpu.wait_dma2 semaphore(%arg12 : memref<!tpu.dma_semaphore, #tpu.memory_space<semaphore_mem>>) src(%dma_wait3A_129 : memref<128x64xf32, #tpu.memory_space<hbm>>) dst(%arg6 : memref<128x64xf32, #tpu.memory_space<vmem>>)
    %dma_wait3A_130 = arith.constant 0 : i32
    %dma_wait3A_131 = tpu.memref_slice %arg5[%add3A_69, %dma_wait3A_130] : memref<32768x256xf32, #tpu.memory_space<hbm>> -> memref<128x256xf32, #tpu.memory_space<hbm>>
    %dma_wait3A_132 = arith.constant 0 : i32
    %dma_wait3A_133 = tpu.memref_slice %arg5[%add3A_69, %dma_wait3A_132] : memref<32768x256xf32, #tpu.memory_space<hbm>> -> memref<128x256xf32, #tpu.memory_space<hbm>>
    tpu.wait_dma2 semaphore(%arg14 : memref<!tpu.dma_semaphore, #tpu.memory_space<semaphore_mem>>) src(%arg8 : memref<128x256xf32, #tpu.memory_space<vmem>>) dst(%dma_wait3A_133 : memref<128x256xf32, #tpu.memory_space<hbm>>)
    %scan3A_134 = arith.constant 0 : i32
    %scan3A_135 = arith.constant 16 : i32
    %scan3A_136 = arith.addi %scan3A_134, %scan3A_135 : i32
    %scan3A_137 = arith.constant 1 : i32
    scf.for %scan3A_220 = %scan3A_134 to %scan3A_136 step %scan3A_137  : i32 {
      %mul3A_221 = arith.constant 8 : i32
      %mul3A_222 = arith.muli %scan3A_220, %mul3A_221 : i32
      %add3A_223 = arith.constant 0 : i32
      %add3A_224 = arith.addi %mul3A_222, %add3A_223 : i32
      %get3A_225 = arith.index_cast %add3A_224 : i32 to index
      %get3A_226 = arith.constant 0 : index
      %get3A_227 = tpu.vector_load %arg6[%get3A_225, %get3A_226] {strides = array<i32>} : memref<128x64xf32, #tpu.memory_space<vmem>>, vector<16xf32>,
      %mul3A_228 = arith.mulf %get3A_227, %get3A_12 : vector<16xf32>
      %get3A_229 = arith.index_cast %add3A_224 : i32 to index
      %get3A_230 = arith.constant 16 : index
      %get3A_231 = tpu.vector_load %arg6[%get3A_229, %get3A_230] {strides = array<i32>} : memref<128x64xf32, #tpu.memory_space<vmem>>, vector<16xf32>,
      %mul3A_232 = arith.mulf %get3A_231, %get3A_14 : vector<16xf32>
      %get3A_233 = arith.index_cast %add3A_224 : i32 to index
      %get3A_234 = arith.constant 32 : index
      %get3A_235 = tpu.vector_load %arg6[%get3A_233, %get3A_234] {strides = array<i32>} : memref<128x64xf32, #tpu.memory_space<vmem>>, vector<16xf32>,
      %mul3A_236 = arith.mulf %get3A_235, %get3A_16 : vector<16xf32>
      %get3A_237 = arith.index_cast %add3A_224 : i32 to index
      %get3A_238 = arith.constant 48 : index
      %get3A_239 = tpu.vector_load %arg6[%get3A_237, %get3A_238] {strides = array<i32>} : memref<128x64xf32, #tpu.memory_space<vmem>>, vector<16xf32>,
      %mul3A_240 = arith.mulf %get3A_239, %get3A_18 : vector<16xf32>
      %broadcast_in_dim3A_241 = vector.broadcast %add3A_224 : i32 to vector<16xi32>
      tpu.vector_store_idx %arg8[%broadcast_in_dim3A_241, %get3A_20], %mul3A_228 : memref<128x256xf32, #tpu.memory_space<vmem>>[vector<16xi32>, vector<16xi32>], vector<16xf32>,
      tpu.vector_store_idx %arg8[%broadcast_in_dim3A_241, %get3A_22], %mul3A_232 : memref<128x256xf32, #tpu.memory_space<vmem>>[vector<16xi32>, vector<16xi32>], vector<16xf32>,
      tpu.vector_store_idx %arg8[%broadcast_in_dim3A_241, %get3A_24], %mul3A_236 : memref<128x256xf32, #tpu.memory_space<vmem>>[vector<16xi32>, vector<16xi32>], vector<16xf32>,
      tpu.vector_store_idx %arg8[%broadcast_in_dim3A_241, %get3A_26], %mul3A_240 : memref<128x256xf32, #tpu.memory_space<vmem>>[vector<16xi32>, vector<16xi32>], vector<16xf32>,
      %mul3A_242 = arith.constant 8 : i32
      %mul3A_243 = arith.muli %scan3A_220, %mul3A_242 : i32
      %add3A_244 = arith.constant 1 : i32
      %add3A_245 = arith.addi %mul3A_243, %add3A_244 : i32
      %get3A_246 = arith.index_cast %add3A_245 : i32 to index
      %get3A_247 = arith.constant 0 : index
      %get3A_248 = tpu.vector_load %arg6[%get3A_246, %get3A_247] {strides = array<i32>} : memref<128x64xf32, #tpu.memory_space<vmem>>, vector<16xf32>,
      %mul3A_249 = arith.mulf %get3A_248, %get3A_12 : vector<16xf32>
      %get3A_250 = arith.index_cast %add3A_245 : i32 to index
      %get3A_251 = arith.constant 16 : index
      %get3A_252 = tpu.vector_load %arg6[%get3A_250, %get3A_251] {strides = array<i32>} : memref<128x64xf32, #tpu.memory_space<vmem>>, vector<16xf32>,
      %mul3A_253 = arith.mulf %get3A_252, %get3A_14 : vector<16xf32>
      %get3A_254 = arith.index_cast %add3A_245 : i32 to index
      %get3A_255 = arith.constant 32 : index
      %get3A_256 = tpu.vector_load %arg6[%get3A_254, %get3A_255] {strides = array<i32>} : memref<128x64xf32, #tpu.memory_space<vmem>>, vector<16xf32>,
      %mul3A_257 = arith.mulf %get3A_256, %get3A_16 : vector<16xf32>
      %get3A_258 = arith.index_cast %add3A_245 : i32 to index
      %get3A_259 = arith.constant 48 : index
      %get3A_260 = tpu.vector_load %arg6[%get3A_258, %get3A_259] {strides = array<i32>} : memref<128x64xf32, #tpu.memory_space<vmem>>, vector<16xf32>,
      %mul3A_261 = arith.mulf %get3A_260, %get3A_18 : vector<16xf32>
      %broadcast_in_dim3A_262 = vector.broadcast %add3A_245 : i32 to vector<16xi32>
      tpu.vector_store_idx %arg8[%broadcast_in_dim3A_262, %get3A_20], %mul3A_249 : memref<128x256xf32, #tpu.memory_space<vmem>>[vector<16xi32>, vector<16xi32>], vector<16xf32>,
      tpu.vector_store_idx %arg8[%broadcast_in_dim3A_262, %get3A_22], %mul3A_253 : memref<128x256xf32, #tpu.memory_space<vmem>>[vector<16xi32>, vector<16xi32>], vector<16xf32>,
      tpu.vector_store_idx %arg8[%broadcast_in_dim3A_262, %get3A_24], %mul3A_257 : memref<128x256xf32, #tpu.memory_space<vmem>>[vector<16xi32>, vector<16xi32>], vector<16xf32>,
      tpu.vector_store_idx %arg8[%broadcast_in_dim3A_262, %get3A_26], %mul3A_261 : memref<128x256xf32, #tpu.memory_space<vmem>>[vector<16xi32>, vector<16xi32>], vector<16xf32>,
      %mul3A_263 = arith.constant 8 : i32
      %mul3A_264 = arith.muli %scan3A_220, %mul3A_263 : i32
      %add3A_265 = arith.constant 2 : i32
      %add3A_266 = arith.addi %mul3A_264, %add3A_265 : i32
      %get3A_267 = arith.index_cast %add3A_266 : i32 to index
      %get3A_268 = arith.constant 0 : index
      %get3A_269 = tpu.vector_load %arg6[%get3A_267, %get3A_268] {strides = array<i32>} : memref<128x64xf32, #tpu.memory_space<vmem>>, vector<16xf32>,
      %mul3A_270 = arith.mulf %get3A_269, %get3A_12 : vector<16xf32>
      %get3A_271 = arith.index_cast %add3A_266 : i32 to index
      %get3A_272 = arith.constant 16 : index
      %get3A_273 = tpu.vector_load %arg6[%get3A_271, %get3A_272] {strides = array<i32>} : memref<128x64xf32, #tpu.memory_space<vmem>>, vector<16xf32>,
      %mul3A_274 = arith.mulf %get3A_273, %get3A_14 : vector<16xf32>
      %get3A_275 = arith.index_cast %add3A_266 : i32 to index
      %get3A_276 = arith.constant 32 : index
      %get3A_277 = tpu.vector_load %arg6[%get3A_275, %get3A_276] {strides = array<i32>} : memref<128x64xf32, #tpu.memory_space<vmem>>, vector<16xf32>,
      %mul3A_278 = arith.mulf %get3A_277, %get3A_16 : vector<16xf32>
      %get3A_279 = arith.index_cast %add3A_266 : i32 to index
      %get3A_280 = arith.constant 48 : index
      %get3A_281 = tpu.vector_load %arg6[%get3A_279, %get3A_280] {strides = array<i32>} : memref<128x64xf32, #tpu.memory_space<vmem>>, vector<16xf32>,
      %mul3A_282 = arith.mulf %get3A_281, %get3A_18 : vector<16xf32>
      %broadcast_in_dim3A_283 = vector.broadcast %add3A_266 : i32 to vector<16xi32>
      tpu.vector_store_idx %arg8[%broadcast_in_dim3A_283, %get3A_20], %mul3A_270 : memref<128x256xf32, #tpu.memory_space<vmem>>[vector<16xi32>, vector<16xi32>], vector<16xf32>,
      tpu.vector_store_idx %arg8[%broadcast_in_dim3A_283, %get3A_22], %mul3A_274 : memref<128x256xf32, #tpu.memory_space<vmem>>[vector<16xi32>, vector<16xi32>], vector<16xf32>,
      tpu.vector_store_idx %arg8[%broadcast_in_dim3A_283, %get3A_24], %mul3A_278 : memref<128x256xf32, #tpu.memory_space<vmem>>[vector<16xi32>, vector<16xi32>], vector<16xf32>,
      tpu.vector_store_idx %arg8[%broadcast_in_dim3A_283, %get3A_26], %mul3A_282 : memref<128x256xf32, #tpu.memory_space<vmem>>[vector<16xi32>, vector<16xi32>], vector<16xf32>,
      %mul3A_284 = arith.constant 8 : i32
      %mul3A_285 = arith.muli %scan3A_220, %mul3A_284 : i32
      %add3A_286 = arith.constant 3 : i32
      %add3A_287 = arith.addi %mul3A_285, %add3A_286 : i32
      %get3A_288 = arith.index_cast %add3A_287 : i32 to index
      %get3A_289 = arith.constant 0 : index
      %get3A_290 = tpu.vector_load %arg6[%get3A_288, %get3A_289] {strides = array<i32>} : memref<128x64xf32, #tpu.memory_space<vmem>>, vector<16xf32>,
      %mul3A_291 = arith.mulf %get3A_290, %get3A_12 : vector<16xf32>
      %get3A_292 = arith.index_cast %add3A_287 : i32 to index
      %get3A_293 = arith.constant 16 : index
      %get3A_294 = tpu.vector_load %arg6[%get3A_292, %get3A_293] {strides = array<i32>} : memref<128x64xf32, #tpu.memory_space<vmem>>, vector<16xf32>,
      %mul3A_295 = arith.mulf %get3A_294, %get3A_14 : vector<16xf32>
      %get3A_296 = arith.index_cast %add3A_287 : i32 to index
      %get3A_297 = arith.constant 32 : index
      %get3A_298 = tpu.vector_load %arg6[%get3A_296, %get3A_297] {strides = array<i32>} : memref<128x64xf32, #tpu.memory_space<vmem>>, vector<16xf32>,
      %mul3A_299 = arith.mulf %get3A_298, %get3A_16 : vector<16xf32>
      %get3A_300 = arith.index_cast %add3A_287 : i32 to index
      %get3A_301 = arith.constant 48 : index
      %get3A_302 = tpu.vector_load %arg6[%get3A_300, %get3A_301] {strides = array<i32>} : memref<128x64xf32, #tpu.memory_space<vmem>>, vector<16xf32>,
      %mul3A_303 = arith.mulf %get3A_302, %get3A_18 : vector<16xf32>
      %broadcast_in_dim3A_304 = vector.broadcast %add3A_287 : i32 to vector<16xi32>
      tpu.vector_store_idx %arg8[%broadcast_in_dim3A_304, %get3A_20], %mul3A_291 : memref<128x256xf32, #tpu.memory_space<vmem>>[vector<16xi32>, vector<16xi32>], vector<16xf32>,
      tpu.vector_store_idx %arg8[%broadcast_in_dim3A_304, %get3A_22], %mul3A_295 : memref<128x256xf32, #tpu.memory_space<vmem>>[vector<16xi32>, vector<16xi32>], vector<16xf32>,
      tpu.vector_store_idx %arg8[%broadcast_in_dim3A_304, %get3A_24], %mul3A_299 : memref<128x256xf32, #tpu.memory_space<vmem>>[vector<16xi32>, vector<16xi32>], vector<16xf32>,
      tpu.vector_store_idx %arg8[%broadcast_in_dim3A_304, %get3A_26], %mul3A_303 : memref<128x256xf32, #tpu.memory_space<vmem>>[vector<16xi32>, vector<16xi32>], vector<16xf32>,
      %mul3A_305 = arith.constant 8 : i32
      %mul3A_306 = arith.muli %scan3A_220, %mul3A_305 : i32
      %add3A_307 = arith.constant 4 : i32
      %add3A_308 = arith.addi %mul3A_306, %add3A_307 : i32
      %get3A_309 = arith.index_cast %add3A_308 : i32 to index
      %get3A_310 = arith.constant 0 : index
      %get3A_311 = tpu.vector_load %arg6[%get3A_309, %get3A_310] {strides = array<i32>} : memref<128x64xf32, #tpu.memory_space<vmem>>, vector<16xf32>,
      %mul3A_312 = arith.mulf %get3A_311, %get3A_12 : vector<16xf32>
      %get3A_313 = arith.index_cast %add3A_308 : i32 to index
      %get3A_314 = arith.constant 16 : index
      %get3A_315 = tpu.vector_load %arg6[%get3A_313, %get3A_314] {strides = array<i32>} : memref<128x64xf32, #tpu.memory_space<vmem>>, vector<16xf32>,
      %mul3A_316 = arith.mulf %get3A_315, %get3A_14 : vector<16xf32>
      %get3A_317 = arith.index_cast %add3A_308 : i32 to index
      %get3A_318 = arith.constant 32 : index
      %get3A_319 = tpu.vector_load %arg6[%get3A_317, %get3A_318] {strides = array<i32>} : memref<128x64xf32, #tpu.memory_space<vmem>>, vector<16xf32>,
      %mul3A_320 = arith.mulf %get3A_319, %get3A_16 : vector<16xf32>
      %get3A_321 = arith.index_cast %add3A_308 : i32 to index
      %get3A_322 = arith.constant 48 : index
      %get3A_323 = tpu.vector_load %arg6[%get3A_321, %get3A_322] {strides = array<i32>} : memref<128x64xf32, #tpu.memory_space<vmem>>, vector<16xf32>,
      %mul3A_324 = arith.mulf %get3A_323, %get3A_18 : vector<16xf32>
      %broadcast_in_dim3A_325 = vector.broadcast %add3A_308 : i32 to vector<16xi32>
      tpu.vector_store_idx %arg8[%broadcast_in_dim3A_325, %get3A_20], %mul3A_312 : memref<128x256xf32, #tpu.memory_space<vmem>>[vector<16xi32>, vector<16xi32>], vector<16xf32>,
      tpu.vector_store_idx %arg8[%broadcast_in_dim3A_325, %get3A_22], %mul3A_316 : memref<128x256xf32, #tpu.memory_space<vmem>>[vector<16xi32>, vector<16xi32>], vector<16xf32>,
      tpu.vector_store_idx %arg8[%broadcast_in_dim3A_325, %get3A_24], %mul3A_320 : memref<128x256xf32, #tpu.memory_space<vmem>>[vector<16xi32>, vector<16xi32>], vector<16xf32>,
      tpu.vector_store_idx %arg8[%broadcast_in_dim3A_325, %get3A_26], %mul3A_324 : memref<128x256xf32, #tpu.memory_space<vmem>>[vector<16xi32>, vector<16xi32>], vector<16xf32>,
      %mul3A_326 = arith.constant 8 : i32
      %mul3A_327 = arith.muli %scan3A_220, %mul3A_326 : i32
      %add3A_328 = arith.constant 5 : i32
      %add3A_329 = arith.addi %mul3A_327, %add3A_328 : i32
      %get3A_330 = arith.index_cast %add3A_329 : i32 to index
      %get3A_331 = arith.constant 0 : index
      %get3A_332 = tpu.vector_load %arg6[%get3A_330, %get3A_331] {strides = array<i32>} : memref<128x64xf32, #tpu.memory_space<vmem>>, vector<16xf32>,
      %mul3A_333 = arith.mulf %get3A_332, %get3A_12 : vector<16xf32>
      %get3A_334 = arith.index_cast %add3A_329 : i32 to index
      %get3A_335 = arith.constant 16 : index
      %get3A_336 = tpu.vector_load %arg6[%get3A_334, %get3A_335] {strides = array<i32>} : memref<128x64xf32, #tpu.memory_space<vmem>>, vector<16xf32>,
      %mul3A_337 = arith.mulf %get3A_336, %get3A_14 : vector<16xf32>
      %get3A_338 = arith.index_cast %add3A_329 : i32 to index
      %get3A_339 = arith.constant 32 : index
      %get3A_340 = tpu.vector_load %arg6[%get3A_338, %get3A_339] {strides = array<i32>} : memref<128x64xf32, #tpu.memory_space<vmem>>, vector<16xf32>,
      %mul3A_341 = arith.mulf %get3A_340, %get3A_16 : vector<16xf32>
      %get3A_342 = arith.index_cast %add3A_329 : i32 to index
      %get3A_343 = arith.constant 48 : index
      %get3A_344 = tpu.vector_load %arg6[%get3A_342, %get3A_343] {strides = array<i32>} : memref<128x64xf32, #tpu.memory_space<vmem>>, vector<16xf32>,
      %mul3A_345 = arith.mulf %get3A_344, %get3A_18 : vector<16xf32>
      %broadcast_in_dim3A_346 = vector.broadcast %add3A_329 : i32 to vector<16xi32>
      tpu.vector_store_idx %arg8[%broadcast_in_dim3A_346, %get3A_20], %mul3A_333 : memref<128x256xf32, #tpu.memory_space<vmem>>[vector<16xi32>, vector<16xi32>], vector<16xf32>,
      tpu.vector_store_idx %arg8[%broadcast_in_dim3A_346, %get3A_22], %mul3A_337 : memref<128x256xf32, #tpu.memory_space<vmem>>[vector<16xi32>, vector<16xi32>], vector<16xf32>,
      tpu.vector_store_idx %arg8[%broadcast_in_dim3A_346, %get3A_24], %mul3A_341 : memref<128x256xf32, #tpu.memory_space<vmem>>[vector<16xi32>, vector<16xi32>], vector<16xf32>,
      tpu.vector_store_idx %arg8[%broadcast_in_dim3A_346, %get3A_26], %mul3A_345 : memref<128x256xf32, #tpu.memory_space<vmem>>[vector<16xi32>, vector<16xi32>], vector<16xf32>,
      %mul3A_347 = arith.constant 8 : i32
      %mul3A_348 = arith.muli %scan3A_220, %mul3A_347 : i32
      %add3A_349 = arith.constant 6 : i32
      %add3A_350 = arith.addi %mul3A_348, %add3A_349 : i32
      %get3A_351 = arith.index_cast %add3A_350 : i32 to index
      %get3A_352 = arith.constant 0 : index
      %get3A_353 = tpu.vector_load %arg6[%get3A_351, %get3A_352] {strides = array<i32>} : memref<128x64xf32, #tpu.memory_space<vmem>>, vector<16xf32>,
      %mul3A_354 = arith.mulf %get3A_353, %get3A_12 : vector<16xf32>
      %get3A_355 = arith.index_cast %add3A_350 : i32 to index
      %get3A_356 = arith.constant 16 : index
      %get3A_357 = tpu.vector_load %arg6[%get3A_355, %get3A_356] {strides = array<i32>} : memref<128x64xf32, #tpu.memory_space<vmem>>, vector<16xf32>,
      %mul3A_358 = arith.mulf %get3A_357, %get3A_14 : vector<16xf32>
      %get3A_359 = arith.index_cast %add3A_350 : i32 to index
      %get3A_360 = arith.constant 32 : index
      %get3A_361 = tpu.vector_load %arg6[%get3A_359, %get3A_360] {strides = array<i32>} : memref<128x64xf32, #tpu.memory_space<vmem>>, vector<16xf32>,
      %mul3A_362 = arith.mulf %get3A_361, %get3A_16 : vector<16xf32>
      %get3A_363 = arith.index_cast %add3A_350 : i32 to index
      %get3A_364 = arith.constant 48 : index
      %get3A_365 = tpu.vector_load %arg6[%get3A_363, %get3A_364] {strides = array<i32>} : memref<128x64xf32, #tpu.memory_space<vmem>>, vector<16xf32>,
      %mul3A_366 = arith.mulf %get3A_365, %get3A_18 : vector<16xf32>
      %broadcast_in_dim3A_367 = vector.broadcast %add3A_350 : i32 to vector<16xi32>
      tpu.vector_store_idx %arg8[%broadcast_in_dim3A_367, %get3A_20], %mul3A_354 : memref<128x256xf32, #tpu.memory_space<vmem>>[vector<16xi32>, vector<16xi32>], vector<16xf32>,
      tpu.vector_store_idx %arg8[%broadcast_in_dim3A_367, %get3A_22], %mul3A_358 : memref<128x256xf32, #tpu.memory_space<vmem>>[vector<16xi32>, vector<16xi32>], vector<16xf32>,
      tpu.vector_store_idx %arg8[%broadcast_in_dim3A_367, %get3A_24], %mul3A_362 : memref<128x256xf32, #tpu.memory_space<vmem>>[vector<16xi32>, vector<16xi32>], vector<16xf32>,
      tpu.vector_store_idx %arg8[%broadcast_in_dim3A_367, %get3A_26], %mul3A_366 : memref<128x256xf32, #tpu.memory_space<vmem>>[vector<16xi32>, vector<16xi32>], vector<16xf32>,
      %mul3A_368 = arith.constant 8 : i32
      %mul3A_369 = arith.muli %scan3A_220, %mul3A_368 : i32
      %add3A_370 = arith.constant 7 : i32
      %add3A_371 = arith.addi %mul3A_369, %add3A_370 : i32
      %get3A_372 = arith.index_cast %add3A_371 : i32 to index
      %get3A_373 = arith.constant 0 : index
      %get3A_374 = tpu.vector_load %arg6[%get3A_372, %get3A_373] {strides = array<i32>} : memref<128x64xf32, #tpu.memory_space<vmem>>, vector<16xf32>,
      %mul3A_375 = arith.mulf %get3A_374, %get3A_12 : vector<16xf32>
      %get3A_376 = arith.index_cast %add3A_371 : i32 to index
      %get3A_377 = arith.constant 16 : index
      %get3A_378 = tpu.vector_load %arg6[%get3A_376, %get3A_377] {strides = array<i32>} : memref<128x64xf32, #tpu.memory_space<vmem>>, vector<16xf32>,
      %mul3A_379 = arith.mulf %get3A_378, %get3A_14 : vector<16xf32>
      %get3A_380 = arith.index_cast %add3A_371 : i32 to index
      %get3A_381 = arith.constant 32 : index
      %get3A_382 = tpu.vector_load %arg6[%get3A_380, %get3A_381] {strides = array<i32>} : memref<128x64xf32, #tpu.memory_space<vmem>>, vector<16xf32>,
      %mul3A_383 = arith.mulf %get3A_382, %get3A_16 : vector<16xf32>
      %get3A_384 = arith.index_cast %add3A_371 : i32 to index
      %get3A_385 = arith.constant 48 : index
      %get3A_386 = tpu.vector_load %arg6[%get3A_384, %get3A_385] {strides = array<i32>} : memref<128x64xf32, #tpu.memory_space<vmem>>, vector<16xf32>,
      %mul3A_387 = arith.mulf %get3A_386, %get3A_18 : vector<16xf32>
      %broadcast_in_dim3A_388 = vector.broadcast %add3A_371 : i32 to vector<16xi32>
      tpu.vector_store_idx %arg8[%broadcast_in_dim3A_388, %get3A_20], %mul3A_375 : memref<128x256xf32, #tpu.memory_space<vmem>>[vector<16xi32>, vector<16xi32>], vector<16xf32>,
      tpu.vector_store_idx %arg8[%broadcast_in_dim3A_388, %get3A_22], %mul3A_379 : memref<128x256xf32, #tpu.memory_space<vmem>>[vector<16xi32>, vector<16xi32>], vector<16xf32>,
      tpu.vector_store_idx %arg8[%broadcast_in_dim3A_388, %get3A_24], %mul3A_383 : memref<128x256xf32, #tpu.memory_space<vmem>>[vector<16xi32>, vector<16xi32>], vector<16xf32>,
      tpu.vector_store_idx %arg8[%broadcast_in_dim3A_388, %get3A_26], %mul3A_387 : memref<128x256xf32, #tpu.memory_space<vmem>>[vector<16xi32>, vector<16xi32>], vector<16xf32>,
    }
    %scan3A_138 = arith.constant 16 : i32
    %dma_start3A_139 = arith.constant 0 : i32
    %dma_start3A_140 = tpu.memref_slice %arg5[%add3A_119, %dma_start3A_139] : memref<32768x256xf32, #tpu.memory_space<hbm>> -> memref<128x256xf32, #tpu.memory_space<hbm>>
    %dma_start3A_141 = arith.constant 0 : i32
    %dma_start3A_142 = tpu.memref_slice %arg5[%add3A_119, %dma_start3A_141] : memref<32768x256xf32, #tpu.memory_space<hbm>> -> memref<128x256xf32, #tpu.memory_space<hbm>>
    tpu.enqueue_dma source(%arg8 : memref<128x256xf32, #tpu.memory_space<vmem>>) target(%dma_start3A_142 : memref<128x256xf32, #tpu.memory_space<hbm>>) target_semaphore(%arg14 : memref<!tpu.dma_semaphore, #tpu.memory_space<semaphore_mem>>)
    %add3A_143 = arith.constant 640 : i32
    %add3A_144 = arith.addi %mul3A_2, %add3A_143 : i32
    %add3A_145 = arith.constant 128 : i32
    %add3A_146 = arith.addi %add3A_144, %add3A_145 : i32
    %dma_start3A_147 = arith.constant 0 : i32
    %dma_start3A_148 = tpu.memref_slice %arg2[%add3A_146, %dma_start3A_147] : memref<32768x64xf32, #tpu.memory_space<hbm>> -> memref<128x64xf32, #tpu.memory_space<hbm>>
    %dma_start3A_149 = arith.constant 0 : i32
    %dma_start3A_150 = tpu.memref_slice %arg2[%add3A_146, %dma_start3A_149] : memref<32768x64xf32, #tpu.memory_space<hbm>> -> memref<128x64xf32, #tpu.memory_space<hbm>>
    tpu.enqueue_dma source(%dma_start3A_150 : memref<128x64xf32, #tpu.memory_space<hbm>>) target(%arg6 : memref<128x64xf32, #tpu.memory_space<vmem>>) target_semaphore(%arg12 : memref<!tpu.dma_semaphore, #tpu.memory_space<semaphore_mem>>)
    %dma_wait3A_151 = arith.constant 0 : i32
    %dma_wait3A_152 = tpu.memref_slice %arg2[%add3A_121, %dma_wait3A_151] : memref<32768x64xf32, #tpu.memory_space<hbm>> -> memref<128x64xf32, #tpu.memory_space<hbm>>
    %dma_wait3A_153 = arith.constant 0 : i32
    %dma_wait3A_154 = tpu.memref_slice %arg2[%add3A_121, %dma_wait3A_153] : memref<32768x64xf32, #tpu.memory_space<hbm>> -> memref<128x64xf32, #tpu.memory_space<hbm>>
    tpu.wait_dma2 semaphore(%arg13 : memref<!tpu.dma_semaphore, #tpu.memory_space<semaphore_mem>>) src(%dma_wait3A_154 : memref<128x64xf32, #tpu.memory_space<hbm>>) dst(%arg7 : memref<128x64xf32, #tpu.memory_space<vmem>>)
    %dma_wait3A_155 = arith.constant 0 : i32
    %dma_wait3A_156 = tpu.memref_slice %arg5[%add3A_94, %dma_wait3A_155] : memref<32768x256xf32, #tpu.memory_space<hbm>> -> memref<128x256xf32, #tpu.memory_space<hbm>>
    %dma_wait3A_157 = arith.constant 0 : i32
    %dma_wait3A_158 = tpu.memref_slice %arg5[%add3A_94, %dma_wait3A_157] : memref<32768x256xf32, #tpu.memory_space<hbm>> -> memref<128x256xf32, #tpu.memory_space<hbm>>
    tpu.wait_dma2 semaphore(%arg15 : memref<!tpu.dma_semaphore, #tpu.memory_space<semaphore_mem>>) src(%arg9 : memref<128x256xf32, #tpu.memory_space<vmem>>) dst(%dma_wait3A_158 : memref<128x256xf32, #tpu.memory_space<hbm>>)
    %scan3A_159 = arith.constant 0 : i32
    %scan3A_160 = arith.constant 16 : i32
    %scan3A_161 = arith.addi %scan3A_159, %scan3A_160 : i32
    %scan3A_162 = arith.constant 1 : i32
    scf.for %scan3A_220 = %scan3A_159 to %scan3A_161 step %scan3A_162  : i32 {
      %mul3A_221 = arith.constant 8 : i32
      %mul3A_222 = arith.muli %scan3A_220, %mul3A_221 : i32
      %add3A_223 = arith.constant 0 : i32
      %add3A_224 = arith.addi %mul3A_222, %add3A_223 : i32
      %get3A_225 = arith.index_cast %add3A_224 : i32 to index
      %get3A_226 = arith.constant 0 : index
      %get3A_227 = tpu.vector_load %arg7[%get3A_225, %get3A_226] {strides = array<i32>} : memref<128x64xf32, #tpu.memory_space<vmem>>, vector<16xf32>,
      %mul3A_228 = arith.mulf %get3A_227, %get3A_12 : vector<16xf32>
      %get3A_229 = arith.index_cast %add3A_224 : i32 to index
      %get3A_230 = arith.constant 16 : index
      %get3A_231 = tpu.vector_load %arg7[%get3A_229, %get3A_230] {strides = array<i32>} : memref<128x64xf32, #tpu.memory_space<vmem>>, vector<16xf32>,
      %mul3A_232 = arith.mulf %get3A_231, %get3A_14 : vector<16xf32>
      %get3A_233 = arith.index_cast %add3A_224 : i32 to index
      %get3A_234 = arith.constant 32 : index
      %get3A_235 = tpu.vector_load %arg7[%get3A_233, %get3A_234] {strides = array<i32>} : memref<128x64xf32, #tpu.memory_space<vmem>>, vector<16xf32>,
      %mul3A_236 = arith.mulf %get3A_235, %get3A_16 : vector<16xf32>
      %get3A_237 = arith.index_cast %add3A_224 : i32 to index
      %get3A_238 = arith.constant 48 : index
      %get3A_239 = tpu.vector_load %arg7[%get3A_237, %get3A_238] {strides = array<i32>} : memref<128x64xf32, #tpu.memory_space<vmem>>, vector<16xf32>,
      %mul3A_240 = arith.mulf %get3A_239, %get3A_18 : vector<16xf32>
      %broadcast_in_dim3A_241 = vector.broadcast %add3A_224 : i32 to vector<16xi32>
      tpu.vector_store_idx %arg9[%broadcast_in_dim3A_241, %get3A_20], %mul3A_228 : memref<128x256xf32, #tpu.memory_space<vmem>>[vector<16xi32>, vector<16xi32>], vector<16xf32>,
      tpu.vector_store_idx %arg9[%broadcast_in_dim3A_241, %get3A_22], %mul3A_232 : memref<128x256xf32, #tpu.memory_space<vmem>>[vector<16xi32>, vector<16xi32>], vector<16xf32>,
      tpu.vector_store_idx %arg9[%broadcast_in_dim3A_241, %get3A_24], %mul3A_236 : memref<128x256xf32, #tpu.memory_space<vmem>>[vector<16xi32>, vector<16xi32>], vector<16xf32>,
      tpu.vector_store_idx %arg9[%broadcast_in_dim3A_241, %get3A_26], %mul3A_240 : memref<128x256xf32, #tpu.memory_space<vmem>>[vector<16xi32>, vector<16xi32>], vector<16xf32>,
      %mul3A_242 = arith.constant 8 : i32
      %mul3A_243 = arith.muli %scan3A_220, %mul3A_242 : i32
      %add3A_244 = arith.constant 1 : i32
      %add3A_245 = arith.addi %mul3A_243, %add3A_244 : i32
      %get3A_246 = arith.index_cast %add3A_245 : i32 to index
      %get3A_247 = arith.constant 0 : index
      %get3A_248 = tpu.vector_load %arg7[%get3A_246, %get3A_247] {strides = array<i32>} : memref<128x64xf32, #tpu.memory_space<vmem>>, vector<16xf32>,
      %mul3A_249 = arith.mulf %get3A_248, %get3A_12 : vector<16xf32>
      %get3A_250 = arith.index_cast %add3A_245 : i32 to index
      %get3A_251 = arith.constant 16 : index
      %get3A_252 = tpu.vector_load %arg7[%get3A_250, %get3A_251] {strides = array<i32>} : memref<128x64xf32, #tpu.memory_space<vmem>>, vector<16xf32>,
      %mul3A_253 = arith.mulf %get3A_252, %get3A_14 : vector<16xf32>
      %get3A_254 = arith.index_cast %add3A_245 : i32 to index
      %get3A_255 = arith.constant 32 : index
      %get3A_256 = tpu.vector_load %arg7[%get3A_254, %get3A_255] {strides = array<i32>} : memref<128x64xf32, #tpu.memory_space<vmem>>, vector<16xf32>,
      %mul3A_257 = arith.mulf %get3A_256, %get3A_16 : vector<16xf32>
      %get3A_258 = arith.index_cast %add3A_245 : i32 to index
      %get3A_259 = arith.constant 48 : index
      %get3A_260 = tpu.vector_load %arg7[%get3A_258, %get3A_259] {strides = array<i32>} : memref<128x64xf32, #tpu.memory_space<vmem>>, vector<16xf32>,
      %mul3A_261 = arith.mulf %get3A_260, %get3A_18 : vector<16xf32>
      %broadcast_in_dim3A_262 = vector.broadcast %add3A_245 : i32 to vector<16xi32>
      tpu.vector_store_idx %arg9[%broadcast_in_dim3A_262, %get3A_20], %mul3A_249 : memref<128x256xf32, #tpu.memory_space<vmem>>[vector<16xi32>, vector<16xi32>], vector<16xf32>,
      tpu.vector_store_idx %arg9[%broadcast_in_dim3A_262, %get3A_22], %mul3A_253 : memref<128x256xf32, #tpu.memory_space<vmem>>[vector<16xi32>, vector<16xi32>], vector<16xf32>,
      tpu.vector_store_idx %arg9[%broadcast_in_dim3A_262, %get3A_24], %mul3A_257 : memref<128x256xf32, #tpu.memory_space<vmem>>[vector<16xi32>, vector<16xi32>], vector<16xf32>,
      tpu.vector_store_idx %arg9[%broadcast_in_dim3A_262, %get3A_26], %mul3A_261 : memref<128x256xf32, #tpu.memory_space<vmem>>[vector<16xi32>, vector<16xi32>], vector<16xf32>,
      %mul3A_263 = arith.constant 8 : i32
      %mul3A_264 = arith.muli %scan3A_220, %mul3A_263 : i32
      %add3A_265 = arith.constant 2 : i32
      %add3A_266 = arith.addi %mul3A_264, %add3A_265 : i32
      %get3A_267 = arith.index_cast %add3A_266 : i32 to index
      %get3A_268 = arith.constant 0 : index
      %get3A_269 = tpu.vector_load %arg7[%get3A_267, %get3A_268] {strides = array<i32>} : memref<128x64xf32, #tpu.memory_space<vmem>>, vector<16xf32>,
      %mul3A_270 = arith.mulf %get3A_269, %get3A_12 : vector<16xf32>
      %get3A_271 = arith.index_cast %add3A_266 : i32 to index
      %get3A_272 = arith.constant 16 : index
      %get3A_273 = tpu.vector_load %arg7[%get3A_271, %get3A_272] {strides = array<i32>} : memref<128x64xf32, #tpu.memory_space<vmem>>, vector<16xf32>,
      %mul3A_274 = arith.mulf %get3A_273, %get3A_14 : vector<16xf32>
      %get3A_275 = arith.index_cast %add3A_266 : i32 to index
      %get3A_276 = arith.constant 32 : index
      %get3A_277 = tpu.vector_load %arg7[%get3A_275, %get3A_276] {strides = array<i32>} : memref<128x64xf32, #tpu.memory_space<vmem>>, vector<16xf32>,
      %mul3A_278 = arith.mulf %get3A_277, %get3A_16 : vector<16xf32>
      %get3A_279 = arith.index_cast %add3A_266 : i32 to index
      %get3A_280 = arith.constant 48 : index
      %get3A_281 = tpu.vector_load %arg7[%get3A_279, %get3A_280] {strides = array<i32>} : memref<128x64xf32, #tpu.memory_space<vmem>>, vector<16xf32>,
      %mul3A_282 = arith.mulf %get3A_281, %get3A_18 : vector<16xf32>
      %broadcast_in_dim3A_283 = vector.broadcast %add3A_266 : i32 to vector<16xi32>
      tpu.vector_store_idx %arg9[%broadcast_in_dim3A_283, %get3A_20], %mul3A_270 : memref<128x256xf32, #tpu.memory_space<vmem>>[vector<16xi32>, vector<16xi32>], vector<16xf32>,
      tpu.vector_store_idx %arg9[%broadcast_in_dim3A_283, %get3A_22], %mul3A_274 : memref<128x256xf32, #tpu.memory_space<vmem>>[vector<16xi32>, vector<16xi32>], vector<16xf32>,
      tpu.vector_store_idx %arg9[%broadcast_in_dim3A_283, %get3A_24], %mul3A_278 : memref<128x256xf32, #tpu.memory_space<vmem>>[vector<16xi32>, vector<16xi32>], vector<16xf32>,
      tpu.vector_store_idx %arg9[%broadcast_in_dim3A_283, %get3A_26], %mul3A_282 : memref<128x256xf32, #tpu.memory_space<vmem>>[vector<16xi32>, vector<16xi32>], vector<16xf32>,
      %mul3A_284 = arith.constant 8 : i32
      %mul3A_285 = arith.muli %scan3A_220, %mul3A_284 : i32
      %add3A_286 = arith.constant 3 : i32
      %add3A_287 = arith.addi %mul3A_285, %add3A_286 : i32
      %get3A_288 = arith.index_cast %add3A_287 : i32 to index
      %get3A_289 = arith.constant 0 : index
      %get3A_290 = tpu.vector_load %arg7[%get3A_288, %get3A_289] {strides = array<i32>} : memref<128x64xf32, #tpu.memory_space<vmem>>, vector<16xf32>,
      %mul3A_291 = arith.mulf %get3A_290, %get3A_12 : vector<16xf32>
      %get3A_292 = arith.index_cast %add3A_287 : i32 to index
      %get3A_293 = arith.constant 16 : index
      %get3A_294 = tpu.vector_load %arg7[%get3A_292, %get3A_293] {strides = array<i32>} : memref<128x64xf32, #tpu.memory_space<vmem>>, vector<16xf32>,
      %mul3A_295 = arith.mulf %get3A_294, %get3A_14 : vector<16xf32>
      %get3A_296 = arith.index_cast %add3A_287 : i32 to index
      %get3A_297 = arith.constant 32 : index
      %get3A_298 = tpu.vector_load %arg7[%get3A_296, %get3A_297] {strides = array<i32>} : memref<128x64xf32, #tpu.memory_space<vmem>>, vector<16xf32>,
      %mul3A_299 = arith.mulf %get3A_298, %get3A_16 : vector<16xf32>
      %get3A_300 = arith.index_cast %add3A_287 : i32 to index
      %get3A_301 = arith.constant 48 : index
      %get3A_302 = tpu.vector_load %arg7[%get3A_300, %get3A_301] {strides = array<i32>} : memref<128x64xf32, #tpu.memory_space<vmem>>, vector<16xf32>,
      %mul3A_303 = arith.mulf %get3A_302, %get3A_18 : vector<16xf32>
      %broadcast_in_dim3A_304 = vector.broadcast %add3A_287 : i32 to vector<16xi32>
      tpu.vector_store_idx %arg9[%broadcast_in_dim3A_304, %get3A_20], %mul3A_291 : memref<128x256xf32, #tpu.memory_space<vmem>>[vector<16xi32>, vector<16xi32>], vector<16xf32>,
      tpu.vector_store_idx %arg9[%broadcast_in_dim3A_304, %get3A_22], %mul3A_295 : memref<128x256xf32, #tpu.memory_space<vmem>>[vector<16xi32>, vector<16xi32>], vector<16xf32>,
      tpu.vector_store_idx %arg9[%broadcast_in_dim3A_304, %get3A_24], %mul3A_299 : memref<128x256xf32, #tpu.memory_space<vmem>>[vector<16xi32>, vector<16xi32>], vector<16xf32>,
      tpu.vector_store_idx %arg9[%broadcast_in_dim3A_304, %get3A_26], %mul3A_303 : memref<128x256xf32, #tpu.memory_space<vmem>>[vector<16xi32>, vector<16xi32>], vector<16xf32>,
      %mul3A_305 = arith.constant 8 : i32
      %mul3A_306 = arith.muli %scan3A_220, %mul3A_305 : i32
      %add3A_307 = arith.constant 4 : i32
      %add3A_308 = arith.addi %mul3A_306, %add3A_307 : i32
      %get3A_309 = arith.index_cast %add3A_308 : i32 to index
      %get3A_310 = arith.constant 0 : index
      %get3A_311 = tpu.vector_load %arg7[%get3A_309, %get3A_310] {strides = array<i32>} : memref<128x64xf32, #tpu.memory_space<vmem>>, vector<16xf32>,
      %mul3A_312 = arith.mulf %get3A_311, %get3A_12 : vector<16xf32>
      %get3A_313 = arith.index_cast %add3A_308 : i32 to index
      %get3A_314 = arith.constant 16 : index
      %get3A_315 = tpu.vector_load %arg7[%get3A_313, %get3A_314] {strides = array<i32>} : memref<128x64xf32, #tpu.memory_space<vmem>>, vector<16xf32>,
      %mul3A_316 = arith.mulf %get3A_315, %get3A_14 : vector<16xf32>
      %get3A_317 = arith.index_cast %add3A_308 : i32 to index
      %get3A_318 = arith.constant 32 : index
      %get3A_319 = tpu.vector_load %arg7[%get3A_317, %get3A_318] {strides = array<i32>} : memref<128x64xf32, #tpu.memory_space<vmem>>, vector<16xf32>,
      %mul3A_320 = arith.mulf %get3A_319, %get3A_16 : vector<16xf32>
      %get3A_321 = arith.index_cast %add3A_308 : i32 to index
      %get3A_322 = arith.constant 48 : index
      %get3A_323 = tpu.vector_load %arg7[%get3A_321, %get3A_322] {strides = array<i32>} : memref<128x64xf32, #tpu.memory_space<vmem>>, vector<16xf32>,
      %mul3A_324 = arith.mulf %get3A_323, %get3A_18 : vector<16xf32>
      %broadcast_in_dim3A_325 = vector.broadcast %add3A_308 : i32 to vector<16xi32>
      tpu.vector_store_idx %arg9[%broadcast_in_dim3A_325, %get3A_20], %mul3A_312 : memref<128x256xf32, #tpu.memory_space<vmem>>[vector<16xi32>, vector<16xi32>], vector<16xf32>,
      tpu.vector_store_idx %arg9[%broadcast_in_dim3A_325, %get3A_22], %mul3A_316 : memref<128x256xf32, #tpu.memory_space<vmem>>[vector<16xi32>, vector<16xi32>], vector<16xf32>,
      tpu.vector_store_idx %arg9[%broadcast_in_dim3A_325, %get3A_24], %mul3A_320 : memref<128x256xf32, #tpu.memory_space<vmem>>[vector<16xi32>, vector<16xi32>], vector<16xf32>,
      tpu.vector_store_idx %arg9[%broadcast_in_dim3A_325, %get3A_26], %mul3A_324 : memref<128x256xf32, #tpu.memory_space<vmem>>[vector<16xi32>, vector<16xi32>], vector<16xf32>,
      %mul3A_326 = arith.constant 8 : i32
      %mul3A_327 = arith.muli %scan3A_220, %mul3A_326 : i32
      %add3A_328 = arith.constant 5 : i32
      %add3A_329 = arith.addi %mul3A_327, %add3A_328 : i32
      %get3A_330 = arith.index_cast %add3A_329 : i32 to index
      %get3A_331 = arith.constant 0 : index
      %get3A_332 = tpu.vector_load %arg7[%get3A_330, %get3A_331] {strides = array<i32>} : memref<128x64xf32, #tpu.memory_space<vmem>>, vector<16xf32>,
      %mul3A_333 = arith.mulf %get3A_332, %get3A_12 : vector<16xf32>
      %get3A_334 = arith.index_cast %add3A_329 : i32 to index
      %get3A_335 = arith.constant 16 : index
      %get3A_336 = tpu.vector_load %arg7[%get3A_334, %get3A_335] {strides = array<i32>} : memref<128x64xf32, #tpu.memory_space<vmem>>, vector<16xf32>,
      %mul3A_337 = arith.mulf %get3A_336, %get3A_14 : vector<16xf32>
      %get3A_338 = arith.index_cast %add3A_329 : i32 to index
      %get3A_339 = arith.constant 32 : index
      %get3A_340 = tpu.vector_load %arg7[%get3A_338, %get3A_339] {strides = array<i32>} : memref<128x64xf32, #tpu.memory_space<vmem>>, vector<16xf32>,
      %mul3A_341 = arith.mulf %get3A_340, %get3A_16 : vector<16xf32>
      %get3A_342 = arith.index_cast %add3A_329 : i32 to index
      %get3A_343 = arith.constant 48 : index
      %get3A_344 = tpu.vector_load %arg7[%get3A_342, %get3A_343] {strides = array<i32>} : memref<128x64xf32, #tpu.memory_space<vmem>>, vector<16xf32>,
      %mul3A_345 = arith.mulf %get3A_344, %get3A_18 : vector<16xf32>
      %broadcast_in_dim3A_346 = vector.broadcast %add3A_329 : i32 to vector<16xi32>
      tpu.vector_store_idx %arg9[%broadcast_in_dim3A_346, %get3A_20], %mul3A_333 : memref<128x256xf32, #tpu.memory_space<vmem>>[vector<16xi32>, vector<16xi32>], vector<16xf32>,
      tpu.vector_store_idx %arg9[%broadcast_in_dim3A_346, %get3A_22], %mul3A_337 : memref<128x256xf32, #tpu.memory_space<vmem>>[vector<16xi32>, vector<16xi32>], vector<16xf32>,
      tpu.vector_store_idx %arg9[%broadcast_in_dim3A_346, %get3A_24], %mul3A_341 : memref<128x256xf32, #tpu.memory_space<vmem>>[vector<16xi32>, vector<16xi32>], vector<16xf32>,
      tpu.vector_store_idx %arg9[%broadcast_in_dim3A_346, %get3A_26], %mul3A_345 : memref<128x256xf32, #tpu.memory_space<vmem>>[vector<16xi32>, vector<16xi32>], vector<16xf32>,
      %mul3A_347 = arith.constant 8 : i32
      %mul3A_348 = arith.muli %scan3A_220, %mul3A_347 : i32
      %add3A_349 = arith.constant 6 : i32
      %add3A_350 = arith.addi %mul3A_348, %add3A_349 : i32
      %get3A_351 = arith.index_cast %add3A_350 : i32 to index
      %get3A_352 = arith.constant 0 : index
      %get3A_353 = tpu.vector_load %arg7[%get3A_351, %get3A_352] {strides = array<i32>} : memref<128x64xf32, #tpu.memory_space<vmem>>, vector<16xf32>,
      %mul3A_354 = arith.mulf %get3A_353, %get3A_12 : vector<16xf32>
      %get3A_355 = arith.index_cast %add3A_350 : i32 to index
      %get3A_356 = arith.constant 16 : index
      %get3A_357 = tpu.vector_load %arg7[%get3A_355, %get3A_356] {strides = array<i32>} : memref<128x64xf32, #tpu.memory_space<vmem>>, vector<16xf32>,
      %mul3A_358 = arith.mulf %get3A_357, %get3A_14 : vector<16xf32>
      %get3A_359 = arith.index_cast %add3A_350 : i32 to index
      %get3A_360 = arith.constant 32 : index
      %get3A_361 = tpu.vector_load %arg7[%get3A_359, %get3A_360] {strides = array<i32>} : memref<128x64xf32, #tpu.memory_space<vmem>>, vector<16xf32>,
      %mul3A_362 = arith.mulf %get3A_361, %get3A_16 : vector<16xf32>
      %get3A_363 = arith.index_cast %add3A_350 : i32 to index
      %get3A_364 = arith.constant 48 : index
      %get3A_365 = tpu.vector_load %arg7[%get3A_363, %get3A_364] {strides = array<i32>} : memref<128x64xf32, #tpu.memory_space<vmem>>, vector<16xf32>,
      %mul3A_366 = arith.mulf %get3A_365, %get3A_18 : vector<16xf32>
      %broadcast_in_dim3A_367 = vector.broadcast %add3A_350 : i32 to vector<16xi32>
      tpu.vector_store_idx %arg9[%broadcast_in_dim3A_367, %get3A_20], %mul3A_354 : memref<128x256xf32, #tpu.memory_space<vmem>>[vector<16xi32>, vector<16xi32>], vector<16xf32>,
      tpu.vector_store_idx %arg9[%broadcast_in_dim3A_367, %get3A_22], %mul3A_358 : memref<128x256xf32, #tpu.memory_space<vmem>>[vector<16xi32>, vector<16xi32>], vector<16xf32>,
      tpu.vector_store_idx %arg9[%broadcast_in_dim3A_367, %get3A_24], %mul3A_362 : memref<128x256xf32, #tpu.memory_space<vmem>>[vector<16xi32>, vector<16xi32>], vector<16xf32>,
      tpu.vector_store_idx %arg9[%broadcast_in_dim3A_367, %get3A_26], %mul3A_366 : memref<128x256xf32, #tpu.memory_space<vmem>>[vector<16xi32>, vector<16xi32>], vector<16xf32>,
      %mul3A_368 = arith.constant 8 : i32
      %mul3A_369 = arith.muli %scan3A_220, %mul3A_368 : i32
      %add3A_370 = arith.constant 7 : i32
      %add3A_371 = arith.addi %mul3A_369, %add3A_370 : i32
      %get3A_372 = arith.index_cast %add3A_371 : i32 to index
      %get3A_373 = arith.constant 0 : index
      %get3A_374 = tpu.vector_load %arg7[%get3A_372, %get3A_373] {strides = array<i32>} : memref<128x64xf32, #tpu.memory_space<vmem>>, vector<16xf32>,
      %mul3A_375 = arith.mulf %get3A_374, %get3A_12 : vector<16xf32>
      %get3A_376 = arith.index_cast %add3A_371 : i32 to index
      %get3A_377 = arith.constant 16 : index
      %get3A_378 = tpu.vector_load %arg7[%get3A_376, %get3A_377] {strides = array<i32>} : memref<128x64xf32, #tpu.memory_space<vmem>>, vector<16xf32>,
      %mul3A_379 = arith.mulf %get3A_378, %get3A_14 : vector<16xf32>
      %get3A_380 = arith.index_cast %add3A_371 : i32 to index
      %get3A_381 = arith.constant 32 : index
      %get3A_382 = tpu.vector_load %arg7[%get3A_380, %get3A_381] {strides = array<i32>} : memref<128x64xf32, #tpu.memory_space<vmem>>, vector<16xf32>,
      %mul3A_383 = arith.mulf %get3A_382, %get3A_16 : vector<16xf32>
      %get3A_384 = arith.index_cast %add3A_371 : i32 to index
      %get3A_385 = arith.constant 48 : index
      %get3A_386 = tpu.vector_load %arg7[%get3A_384, %get3A_385] {strides = array<i32>} : memref<128x64xf32, #tpu.memory_space<vmem>>, vector<16xf32>,
      %mul3A_387 = arith.mulf %get3A_386, %get3A_18 : vector<16xf32>
      %broadcast_in_dim3A_388 = vector.broadcast %add3A_371 : i32 to vector<16xi32>
      tpu.vector_store_idx %arg9[%broadcast_in_dim3A_388, %get3A_20], %mul3A_375 : memref<128x256xf32, #tpu.memory_space<vmem>>[vector<16xi32>, vector<16xi32>], vector<16xf32>,
      tpu.vector_store_idx %arg9[%broadcast_in_dim3A_388, %get3A_22], %mul3A_379 : memref<128x256xf32, #tpu.memory_space<vmem>>[vector<16xi32>, vector<16xi32>], vector<16xf32>,
      tpu.vector_store_idx %arg9[%broadcast_in_dim3A_388, %get3A_24], %mul3A_383 : memref<128x256xf32, #tpu.memory_space<vmem>>[vector<16xi32>, vector<16xi32>], vector<16xf32>,
      tpu.vector_store_idx %arg9[%broadcast_in_dim3A_388, %get3A_26], %mul3A_387 : memref<128x256xf32, #tpu.memory_space<vmem>>[vector<16xi32>, vector<16xi32>], vector<16xf32>,
    }
    %scan3A_163 = arith.constant 16 : i32
    %dma_start3A_164 = arith.constant 0 : i32
    %dma_start3A_165 = tpu.memref_slice %arg5[%add3A_144, %dma_start3A_164] : memref<32768x256xf32, #tpu.memory_space<hbm>> -> memref<128x256xf32, #tpu.memory_space<hbm>>
    %dma_start3A_166 = arith.constant 0 : i32
    %dma_start3A_167 = tpu.memref_slice %arg5[%add3A_144, %dma_start3A_166] : memref<32768x256xf32, #tpu.memory_space<hbm>> -> memref<128x256xf32, #tpu.memory_space<hbm>>
    tpu.enqueue_dma source(%arg9 : memref<128x256xf32, #tpu.memory_space<vmem>>) target(%dma_start3A_167 : memref<128x256xf32, #tpu.memory_space<hbm>>) target_semaphore(%arg15 : memref<!tpu.dma_semaphore, #tpu.memory_space<semaphore_mem>>)
    %add3A_168 = arith.constant 768 : i32
    %add3A_169 = arith.addi %mul3A_2, %add3A_168 : i32
    %add3A_170 = arith.constant 128 : i32
    %add3A_171 = arith.addi %add3A_169, %add3A_170 : i32
    %dma_start3A_172 = arith.constant 0 : i32
    %dma_start3A_173 = tpu.memref_slice %arg2[%add3A_171, %dma_start3A_172] : memref<32768x64xf32, #tpu.memory_space<hbm>> -> memref<128x64xf32, #tpu.memory_space<hbm>>
    %dma_start3A_174 = arith.constant 0 : i32
    %dma_start3A_175 = tpu.memref_slice %arg2[%add3A_171, %dma_start3A_174] : memref<32768x64xf32, #tpu.memory_space<hbm>> -> memref<128x64xf32, #tpu.memory_space<hbm>>
    tpu.enqueue_dma source(%dma_start3A_175 : memref<128x64xf32, #tpu.memory_space<hbm>>) target(%arg7 : memref<128x64xf32, #tpu.memory_space<vmem>>) target_semaphore(%arg13 : memref<!tpu.dma_semaphore, #tpu.memory_space<semaphore_mem>>)
    %dma_wait3A_176 = arith.constant 0 : i32
    %dma_wait3A_177 = tpu.memref_slice %arg2[%add3A_146, %dma_wait3A_176] : memref<32768x64xf32, #tpu.memory_space<hbm>> -> memref<128x64xf32, #tpu.memory_space<hbm>>
    %dma_wait3A_178 = arith.constant 0 : i32
    %dma_wait3A_179 = tpu.memref_slice %arg2[%add3A_146, %dma_wait3A_178] : memref<32768x64xf32, #tpu.memory_space<hbm>> -> memref<128x64xf32, #tpu.memory_space<hbm>>
    tpu.wait_dma2 semaphore(%arg12 : memref<!tpu.dma_semaphore, #tpu.memory_space<semaphore_mem>>) src(%dma_wait3A_179 : memref<128x64xf32, #tpu.memory_space<hbm>>) dst(%arg6 : memref<128x64xf32, #tpu.memory_space<vmem>>)
    %dma_wait3A_180 = arith.constant 0 : i32
    %dma_wait3A_181 = tpu.memref_slice %arg5[%add3A_119, %dma_wait3A_180] : memref<32768x256xf32, #tpu.memory_space<hbm>> -> memref<128x256xf32, #tpu.memory_space<hbm>>
    %dma_wait3A_182 = arith.constant 0 : i32
    %dma_wait3A_183 = tpu.memref_slice %arg5[%add3A_119, %dma_wait3A_182] : memref<32768x256xf32, #tpu.memory_space<hbm>> -> memref<128x256xf32, #tpu.memory_space<hbm>>
    tpu.wait_dma2 semaphore(%arg14 : memref<!tpu.dma_semaphore, #tpu.memory_space<semaphore_mem>>) src(%arg8 : memref<128x256xf32, #tpu.memory_space<vmem>>) dst(%dma_wait3A_183 : memref<128x256xf32, #tpu.memory_space<hbm>>)
    %scan3A_184 = arith.constant 0 : i32
    %scan3A_185 = arith.constant 16 : i32
    %scan3A_186 = arith.addi %scan3A_184, %scan3A_185 : i32
    %scan3A_187 = arith.constant 1 : i32
    scf.for %scan3A_220 = %scan3A_184 to %scan3A_186 step %scan3A_187  : i32 {
      %mul3A_221 = arith.constant 8 : i32
      %mul3A_222 = arith.muli %scan3A_220, %mul3A_221 : i32
      %add3A_223 = arith.constant 0 : i32
      %add3A_224 = arith.addi %mul3A_222, %add3A_223 : i32
      %get3A_225 = arith.index_cast %add3A_224 : i32 to index
      %get3A_226 = arith.constant 0 : index
      %get3A_227 = tpu.vector_load %arg6[%get3A_225, %get3A_226] {strides = array<i32>} : memref<128x64xf32, #tpu.memory_space<vmem>>, vector<16xf32>,
      %mul3A_228 = arith.mulf %get3A_227, %get3A_12 : vector<16xf32>
      %get3A_229 = arith.index_cast %add3A_224 : i32 to index
      %get3A_230 = arith.constant 16 : index
      %get3A_231 = tpu.vector_load %arg6[%get3A_229, %get3A_230] {strides = array<i32>} : memref<128x64xf32, #tpu.memory_space<vmem>>, vector<16xf32>,
      %mul3A_232 = arith.mulf %get3A_231, %get3A_14 : vector<16xf32>
      %get3A_233 = arith.index_cast %add3A_224 : i32 to index
      %get3A_234 = arith.constant 32 : index
      %get3A_235 = tpu.vector_load %arg6[%get3A_233, %get3A_234] {strides = array<i32>} : memref<128x64xf32, #tpu.memory_space<vmem>>, vector<16xf32>,
      %mul3A_236 = arith.mulf %get3A_235, %get3A_16 : vector<16xf32>
      %get3A_237 = arith.index_cast %add3A_224 : i32 to index
      %get3A_238 = arith.constant 48 : index
      %get3A_239 = tpu.vector_load %arg6[%get3A_237, %get3A_238] {strides = array<i32>} : memref<128x64xf32, #tpu.memory_space<vmem>>, vector<16xf32>,
      %mul3A_240 = arith.mulf %get3A_239, %get3A_18 : vector<16xf32>
      %broadcast_in_dim3A_241 = vector.broadcast %add3A_224 : i32 to vector<16xi32>
      tpu.vector_store_idx %arg8[%broadcast_in_dim3A_241, %get3A_20], %mul3A_228 : memref<128x256xf32, #tpu.memory_space<vmem>>[vector<16xi32>, vector<16xi32>], vector<16xf32>,
      tpu.vector_store_idx %arg8[%broadcast_in_dim3A_241, %get3A_22], %mul3A_232 : memref<128x256xf32, #tpu.memory_space<vmem>>[vector<16xi32>, vector<16xi32>], vector<16xf32>,
      tpu.vector_store_idx %arg8[%broadcast_in_dim3A_241, %get3A_24], %mul3A_236 : memref<128x256xf32, #tpu.memory_space<vmem>>[vector<16xi32>, vector<16xi32>], vector<16xf32>,
      tpu.vector_store_idx %arg8[%broadcast_in_dim3A_241, %get3A_26], %mul3A_240 : memref<128x256xf32, #tpu.memory_space<vmem>>[vector<16xi32>, vector<16xi32>], vector<16xf32>,
      %mul3A_242 = arith.constant 8 : i32
      %mul3A_243 = arith.muli %scan3A_220, %mul3A_242 : i32
      %add3A_244 = arith.constant 1 : i32
      %add3A_245 = arith.addi %mul3A_243, %add3A_244 : i32
      %get3A_246 = arith.index_cast %add3A_245 : i32 to index
      %get3A_247 = arith.constant 0 : index
      %get3A_248 = tpu.vector_load %arg6[%get3A_246, %get3A_247] {strides = array<i32>} : memref<128x64xf32, #tpu.memory_space<vmem>>, vector<16xf32>,
      %mul3A_249 = arith.mulf %get3A_248, %get3A_12 : vector<16xf32>
      %get3A_250 = arith.index_cast %add3A_245 : i32 to index
      %get3A_251 = arith.constant 16 : index
      %get3A_252 = tpu.vector_load %arg6[%get3A_250, %get3A_251] {strides = array<i32>} : memref<128x64xf32, #tpu.memory_space<vmem>>, vector<16xf32>,
      %mul3A_253 = arith.mulf %get3A_252, %get3A_14 : vector<16xf32>
      %get3A_254 = arith.index_cast %add3A_245 : i32 to index
      %get3A_255 = arith.constant 32 : index
      %get3A_256 = tpu.vector_load %arg6[%get3A_254, %get3A_255] {strides = array<i32>} : memref<128x64xf32, #tpu.memory_space<vmem>>, vector<16xf32>,
      %mul3A_257 = arith.mulf %get3A_256, %get3A_16 : vector<16xf32>
      %get3A_258 = arith.index_cast %add3A_245 : i32 to index
      %get3A_259 = arith.constant 48 : index
      %get3A_260 = tpu.vector_load %arg6[%get3A_258, %get3A_259] {strides = array<i32>} : memref<128x64xf32, #tpu.memory_space<vmem>>, vector<16xf32>,
      %mul3A_261 = arith.mulf %get3A_260, %get3A_18 : vector<16xf32>
      %broadcast_in_dim3A_262 = vector.broadcast %add3A_245 : i32 to vector<16xi32>
      tpu.vector_store_idx %arg8[%broadcast_in_dim3A_262, %get3A_20], %mul3A_249 : memref<128x256xf32, #tpu.memory_space<vmem>>[vector<16xi32>, vector<16xi32>], vector<16xf32>,
      tpu.vector_store_idx %arg8[%broadcast_in_dim3A_262, %get3A_22], %mul3A_253 : memref<128x256xf32, #tpu.memory_space<vmem>>[vector<16xi32>, vector<16xi32>], vector<16xf32>,
      tpu.vector_store_idx %arg8[%broadcast_in_dim3A_262, %get3A_24], %mul3A_257 : memref<128x256xf32, #tpu.memory_space<vmem>>[vector<16xi32>, vector<16xi32>], vector<16xf32>,
      tpu.vector_store_idx %arg8[%broadcast_in_dim3A_262, %get3A_26], %mul3A_261 : memref<128x256xf32, #tpu.memory_space<vmem>>[vector<16xi32>, vector<16xi32>], vector<16xf32>,
      %mul3A_263 = arith.constant 8 : i32
      %mul3A_264 = arith.muli %scan3A_220, %mul3A_263 : i32
      %add3A_265 = arith.constant 2 : i32
      %add3A_266 = arith.addi %mul3A_264, %add3A_265 : i32
      %get3A_267 = arith.index_cast %add3A_266 : i32 to index
      %get3A_268 = arith.constant 0 : index
      %get3A_269 = tpu.vector_load %arg6[%get3A_267, %get3A_268] {strides = array<i32>} : memref<128x64xf32, #tpu.memory_space<vmem>>, vector<16xf32>,
      %mul3A_270 = arith.mulf %get3A_269, %get3A_12 : vector<16xf32>
      %get3A_271 = arith.index_cast %add3A_266 : i32 to index
      %get3A_272 = arith.constant 16 : index
      %get3A_273 = tpu.vector_load %arg6[%get3A_271, %get3A_272] {strides = array<i32>} : memref<128x64xf32, #tpu.memory_space<vmem>>, vector<16xf32>,
      %mul3A_274 = arith.mulf %get3A_273, %get3A_14 : vector<16xf32>
      %get3A_275 = arith.index_cast %add3A_266 : i32 to index
      %get3A_276 = arith.constant 32 : index
      %get3A_277 = tpu.vector_load %arg6[%get3A_275, %get3A_276] {strides = array<i32>} : memref<128x64xf32, #tpu.memory_space<vmem>>, vector<16xf32>,
      %mul3A_278 = arith.mulf %get3A_277, %get3A_16 : vector<16xf32>
      %get3A_279 = arith.index_cast %add3A_266 : i32 to index
      %get3A_280 = arith.constant 48 : index
      %get3A_281 = tpu.vector_load %arg6[%get3A_279, %get3A_280] {strides = array<i32>} : memref<128x64xf32, #tpu.memory_space<vmem>>, vector<16xf32>,
      %mul3A_282 = arith.mulf %get3A_281, %get3A_18 : vector<16xf32>
      %broadcast_in_dim3A_283 = vector.broadcast %add3A_266 : i32 to vector<16xi32>
      tpu.vector_store_idx %arg8[%broadcast_in_dim3A_283, %get3A_20], %mul3A_270 : memref<128x256xf32, #tpu.memory_space<vmem>>[vector<16xi32>, vector<16xi32>], vector<16xf32>,
      tpu.vector_store_idx %arg8[%broadcast_in_dim3A_283, %get3A_22], %mul3A_274 : memref<128x256xf32, #tpu.memory_space<vmem>>[vector<16xi32>, vector<16xi32>], vector<16xf32>,
      tpu.vector_store_idx %arg8[%broadcast_in_dim3A_283, %get3A_24], %mul3A_278 : memref<128x256xf32, #tpu.memory_space<vmem>>[vector<16xi32>, vector<16xi32>], vector<16xf32>,
      tpu.vector_store_idx %arg8[%broadcast_in_dim3A_283, %get3A_26], %mul3A_282 : memref<128x256xf32, #tpu.memory_space<vmem>>[vector<16xi32>, vector<16xi32>], vector<16xf32>,
      %mul3A_284 = arith.constant 8 : i32
      %mul3A_285 = arith.muli %scan3A_220, %mul3A_284 : i32
      %add3A_286 = arith.constant 3 : i32
      %add3A_287 = arith.addi %mul3A_285, %add3A_286 : i32
      %get3A_288 = arith.index_cast %add3A_287 : i32 to index
      %get3A_289 = arith.constant 0 : index
      %get3A_290 = tpu.vector_load %arg6[%get3A_288, %get3A_289] {strides = array<i32>} : memref<128x64xf32, #tpu.memory_space<vmem>>, vector<16xf32>,
      %mul3A_291 = arith.mulf %get3A_290, %get3A_12 : vector<16xf32>
      %get3A_292 = arith.index_cast %add3A_287 : i32 to index
      %get3A_293 = arith.constant 16 : index
      %get3A_294 = tpu.vector_load %arg6[%get3A_292, %get3A_293] {strides = array<i32>} : memref<128x64xf32, #tpu.memory_space<vmem>>, vector<16xf32>,
      %mul3A_295 = arith.mulf %get3A_294, %get3A_14 : vector<16xf32>
      %get3A_296 = arith.index_cast %add3A_287 : i32 to index
      %get3A_297 = arith.constant 32 : index
      %get3A_298 = tpu.vector_load %arg6[%get3A_296, %get3A_297] {strides = array<i32>} : memref<128x64xf32, #tpu.memory_space<vmem>>, vector<16xf32>,
      %mul3A_299 = arith.mulf %get3A_298, %get3A_16 : vector<16xf32>
      %get3A_300 = arith.index_cast %add3A_287 : i32 to index
      %get3A_301 = arith.constant 48 : index
      %get3A_302 = tpu.vector_load %arg6[%get3A_300, %get3A_301] {strides = array<i32>} : memref<128x64xf32, #tpu.memory_space<vmem>>, vector<16xf32>,
      %mul3A_303 = arith.mulf %get3A_302, %get3A_18 : vector<16xf32>
      %broadcast_in_dim3A_304 = vector.broadcast %add3A_287 : i32 to vector<16xi32>
      tpu.vector_store_idx %arg8[%broadcast_in_dim3A_304, %get3A_20], %mul3A_291 : memref<128x256xf32, #tpu.memory_space<vmem>>[vector<16xi32>, vector<16xi32>], vector<16xf32>,
      tpu.vector_store_idx %arg8[%broadcast_in_dim3A_304, %get3A_22], %mul3A_295 : memref<128x256xf32, #tpu.memory_space<vmem>>[vector<16xi32>, vector<16xi32>], vector<16xf32>,
      tpu.vector_store_idx %arg8[%broadcast_in_dim3A_304, %get3A_24], %mul3A_299 : memref<128x256xf32, #tpu.memory_space<vmem>>[vector<16xi32>, vector<16xi32>], vector<16xf32>,
      tpu.vector_store_idx %arg8[%broadcast_in_dim3A_304, %get3A_26], %mul3A_303 : memref<128x256xf32, #tpu.memory_space<vmem>>[vector<16xi32>, vector<16xi32>], vector<16xf32>,
      %mul3A_305 = arith.constant 8 : i32
      %mul3A_306 = arith.muli %scan3A_220, %mul3A_305 : i32
      %add3A_307 = arith.constant 4 : i32
      %add3A_308 = arith.addi %mul3A_306, %add3A_307 : i32
      %get3A_309 = arith.index_cast %add3A_308 : i32 to index
      %get3A_310 = arith.constant 0 : index
      %get3A_311 = tpu.vector_load %arg6[%get3A_309, %get3A_310] {strides = array<i32>} : memref<128x64xf32, #tpu.memory_space<vmem>>, vector<16xf32>,
      %mul3A_312 = arith.mulf %get3A_311, %get3A_12 : vector<16xf32>
      %get3A_313 = arith.index_cast %add3A_308 : i32 to index
      %get3A_314 = arith.constant 16 : index
      %get3A_315 = tpu.vector_load %arg6[%get3A_313, %get3A_314] {strides = array<i32>} : memref<128x64xf32, #tpu.memory_space<vmem>>, vector<16xf32>,
      %mul3A_316 = arith.mulf %get3A_315, %get3A_14 : vector<16xf32>
      %get3A_317 = arith.index_cast %add3A_308 : i32 to index
      %get3A_318 = arith.constant 32 : index
      %get3A_319 = tpu.vector_load %arg6[%get3A_317, %get3A_318] {strides = array<i32>} : memref<128x64xf32, #tpu.memory_space<vmem>>, vector<16xf32>,
      %mul3A_320 = arith.mulf %get3A_319, %get3A_16 : vector<16xf32>
      %get3A_321 = arith.index_cast %add3A_308 : i32 to index
      %get3A_322 = arith.constant 48 : index
      %get3A_323 = tpu.vector_load %arg6[%get3A_321, %get3A_322] {strides = array<i32>} : memref<128x64xf32, #tpu.memory_space<vmem>>, vector<16xf32>,
      %mul3A_324 = arith.mulf %get3A_323, %get3A_18 : vector<16xf32>
      %broadcast_in_dim3A_325 = vector.broadcast %add3A_308 : i32 to vector<16xi32>
      tpu.vector_store_idx %arg8[%broadcast_in_dim3A_325, %get3A_20], %mul3A_312 : memref<128x256xf32, #tpu.memory_space<vmem>>[vector<16xi32>, vector<16xi32>], vector<16xf32>,
      tpu.vector_store_idx %arg8[%broadcast_in_dim3A_325, %get3A_22], %mul3A_316 : memref<128x256xf32, #tpu.memory_space<vmem>>[vector<16xi32>, vector<16xi32>], vector<16xf32>,
      tpu.vector_store_idx %arg8[%broadcast_in_dim3A_325, %get3A_24], %mul3A_320 : memref<128x256xf32, #tpu.memory_space<vmem>>[vector<16xi32>, vector<16xi32>], vector<16xf32>,
      tpu.vector_store_idx %arg8[%broadcast_in_dim3A_325, %get3A_26], %mul3A_324 : memref<128x256xf32, #tpu.memory_space<vmem>>[vector<16xi32>, vector<16xi32>], vector<16xf32>,
      %mul3A_326 = arith.constant 8 : i32
      %mul3A_327 = arith.muli %scan3A_220, %mul3A_326 : i32
      %add3A_328 = arith.constant 5 : i32
      %add3A_329 = arith.addi %mul3A_327, %add3A_328 : i32
      %get3A_330 = arith.index_cast %add3A_329 : i32 to index
      %get3A_331 = arith.constant 0 : index
      %get3A_332 = tpu.vector_load %arg6[%get3A_330, %get3A_331] {strides = array<i32>} : memref<128x64xf32, #tpu.memory_space<vmem>>, vector<16xf32>,
      %mul3A_333 = arith.mulf %get3A_332, %get3A_12 : vector<16xf32>
      %get3A_334 = arith.index_cast %add3A_329 : i32 to index
      %get3A_335 = arith.constant 16 : index
      %get3A_336 = tpu.vector_load %arg6[%get3A_334, %get3A_335] {strides = array<i32>} : memref<128x64xf32, #tpu.memory_space<vmem>>, vector<16xf32>,
      %mul3A_337 = arith.mulf %get3A_336, %get3A_14 : vector<16xf32>
      %get3A_338 = arith.index_cast %add3A_329 : i32 to index
      %get3A_339 = arith.constant 32 : index
      %get3A_340 = tpu.vector_load %arg6[%get3A_338, %get3A_339] {strides = array<i32>} : memref<128x64xf32, #tpu.memory_space<vmem>>, vector<16xf32>,
      %mul3A_341 = arith.mulf %get3A_340, %get3A_16 : vector<16xf32>
      %get3A_342 = arith.index_cast %add3A_329 : i32 to index
      %get3A_343 = arith.constant 48 : index
      %get3A_344 = tpu.vector_load %arg6[%get3A_342, %get3A_343] {strides = array<i32>} : memref<128x64xf32, #tpu.memory_space<vmem>>, vector<16xf32>,
      %mul3A_345 = arith.mulf %get3A_344, %get3A_18 : vector<16xf32>
      %broadcast_in_dim3A_346 = vector.broadcast %add3A_329 : i32 to vector<16xi32>
      tpu.vector_store_idx %arg8[%broadcast_in_dim3A_346, %get3A_20], %mul3A_333 : memref<128x256xf32, #tpu.memory_space<vmem>>[vector<16xi32>, vector<16xi32>], vector<16xf32>,
      tpu.vector_store_idx %arg8[%broadcast_in_dim3A_346, %get3A_22], %mul3A_337 : memref<128x256xf32, #tpu.memory_space<vmem>>[vector<16xi32>, vector<16xi32>], vector<16xf32>,
      tpu.vector_store_idx %arg8[%broadcast_in_dim3A_346, %get3A_24], %mul3A_341 : memref<128x256xf32, #tpu.memory_space<vmem>>[vector<16xi32>, vector<16xi32>], vector<16xf32>,
      tpu.vector_store_idx %arg8[%broadcast_in_dim3A_346, %get3A_26], %mul3A_345 : memref<128x256xf32, #tpu.memory_space<vmem>>[vector<16xi32>, vector<16xi32>], vector<16xf32>,
      %mul3A_347 = arith.constant 8 : i32
      %mul3A_348 = arith.muli %scan3A_220, %mul3A_347 : i32
      %add3A_349 = arith.constant 6 : i32
      %add3A_350 = arith.addi %mul3A_348, %add3A_349 : i32
      %get3A_351 = arith.index_cast %add3A_350 : i32 to index
      %get3A_352 = arith.constant 0 : index
      %get3A_353 = tpu.vector_load %arg6[%get3A_351, %get3A_352] {strides = array<i32>} : memref<128x64xf32, #tpu.memory_space<vmem>>, vector<16xf32>,
      %mul3A_354 = arith.mulf %get3A_353, %get3A_12 : vector<16xf32>
      %get3A_355 = arith.index_cast %add3A_350 : i32 to index
      %get3A_356 = arith.constant 16 : index
      %get3A_357 = tpu.vector_load %arg6[%get3A_355, %get3A_356] {strides = array<i32>} : memref<128x64xf32, #tpu.memory_space<vmem>>, vector<16xf32>,
      %mul3A_358 = arith.mulf %get3A_357, %get3A_14 : vector<16xf32>
      %get3A_359 = arith.index_cast %add3A_350 : i32 to index
      %get3A_360 = arith.constant 32 : index
      %get3A_361 = tpu.vector_load %arg6[%get3A_359, %get3A_360] {strides = array<i32>} : memref<128x64xf32, #tpu.memory_space<vmem>>, vector<16xf32>,
      %mul3A_362 = arith.mulf %get3A_361, %get3A_16 : vector<16xf32>
      %get3A_363 = arith.index_cast %add3A_350 : i32 to index
      %get3A_364 = arith.constant 48 : index
      %get3A_365 = tpu.vector_load %arg6[%get3A_363, %get3A_364] {strides = array<i32>} : memref<128x64xf32, #tpu.memory_space<vmem>>, vector<16xf32>,
      %mul3A_366 = arith.mulf %get3A_365, %get3A_18 : vector<16xf32>
      %broadcast_in_dim3A_367 = vector.broadcast %add3A_350 : i32 to vector<16xi32>
      tpu.vector_store_idx %arg8[%broadcast_in_dim3A_367, %get3A_20], %mul3A_354 : memref<128x256xf32, #tpu.memory_space<vmem>>[vector<16xi32>, vector<16xi32>], vector<16xf32>,
      tpu.vector_store_idx %arg8[%broadcast_in_dim3A_367, %get3A_22], %mul3A_358 : memref<128x256xf32, #tpu.memory_space<vmem>>[vector<16xi32>, vector<16xi32>], vector<16xf32>,
      tpu.vector_store_idx %arg8[%broadcast_in_dim3A_367, %get3A_24], %mul3A_362 : memref<128x256xf32, #tpu.memory_space<vmem>>[vector<16xi32>, vector<16xi32>], vector<16xf32>,
      tpu.vector_store_idx %arg8[%broadcast_in_dim3A_367, %get3A_26], %mul3A_366 : memref<128x256xf32, #tpu.memory_space<vmem>>[vector<16xi32>, vector<16xi32>], vector<16xf32>,
      %mul3A_368 = arith.constant 8 : i32
      %mul3A_369 = arith.muli %scan3A_220, %mul3A_368 : i32
      %add3A_370 = arith.constant 7 : i32
      %add3A_371 = arith.addi %mul3A_369, %add3A_370 : i32
      %get3A_372 = arith.index_cast %add3A_371 : i32 to index
      %get3A_373 = arith.constant 0 : index
      %get3A_374 = tpu.vector_load %arg6[%get3A_372, %get3A_373] {strides = array<i32>} : memref<128x64xf32, #tpu.memory_space<vmem>>, vector<16xf32>,
      %mul3A_375 = arith.mulf %get3A_374, %get3A_12 : vector<16xf32>
      %get3A_376 = arith.index_cast %add3A_371 : i32 to index
      %get3A_377 = arith.constant 16 : index
      %get3A_378 = tpu.vector_load %arg6[%get3A_376, %get3A_377] {strides = array<i32>} : memref<128x64xf32, #tpu.memory_space<vmem>>, vector<16xf32>,
      %mul3A_379 = arith.mulf %get3A_378, %get3A_14 : vector<16xf32>
      %get3A_380 = arith.index_cast %add3A_371 : i32 to index
      %get3A_381 = arith.constant 32 : index
      %get3A_382 = tpu.vector_load %arg6[%get3A_380, %get3A_381] {strides = array<i32>} : memref<128x64xf32, #tpu.memory_space<vmem>>, vector<16xf32>,
      %mul3A_383 = arith.mulf %get3A_382, %get3A_16 : vector<16xf32>
      %get3A_384 = arith.index_cast %add3A_371 : i32 to index
      %get3A_385 = arith.constant 48 : index
      %get3A_386 = tpu.vector_load %arg6[%get3A_384, %get3A_385] {strides = array<i32>} : memref<128x64xf32, #tpu.memory_space<vmem>>, vector<16xf32>,
      %mul3A_387 = arith.mulf %get3A_386, %get3A_18 : vector<16xf32>
      %broadcast_in_dim3A_388 = vector.broadcast %add3A_371 : i32 to vector<16xi32>
      tpu.vector_store_idx %arg8[%broadcast_in_dim3A_388, %get3A_20], %mul3A_375 : memref<128x256xf32, #tpu.memory_space<vmem>>[vector<16xi32>, vector<16xi32>], vector<16xf32>,
      tpu.vector_store_idx %arg8[%broadcast_in_dim3A_388, %get3A_22], %mul3A_379 : memref<128x256xf32, #tpu.memory_space<vmem>>[vector<16xi32>, vector<16xi32>], vector<16xf32>,
      tpu.vector_store_idx %arg8[%broadcast_in_dim3A_388, %get3A_24], %mul3A_383 : memref<128x256xf32, #tpu.memory_space<vmem>>[vector<16xi32>, vector<16xi32>], vector<16xf32>,
      tpu.vector_store_idx %arg8[%broadcast_in_dim3A_388, %get3A_26], %mul3A_387 : memref<128x256xf32, #tpu.memory_space<vmem>>[vector<16xi32>, vector<16xi32>], vector<16xf32>,
    }
    %scan3A_188 = arith.constant 16 : i32
    %dma_start3A_189 = arith.constant 0 : i32
    %dma_start3A_190 = tpu.memref_slice %arg5[%add3A_169, %dma_start3A_189] : memref<32768x256xf32, #tpu.memory_space<hbm>> -> memref<128x256xf32, #tpu.memory_space<hbm>>
    %dma_start3A_191 = arith.constant 0 : i32
    %dma_start3A_192 = tpu.memref_slice %arg5[%add3A_169, %dma_start3A_191] : memref<32768x256xf32, #tpu.memory_space<hbm>> -> memref<128x256xf32, #tpu.memory_space<hbm>>
    tpu.enqueue_dma source(%arg8 : memref<128x256xf32, #tpu.memory_space<vmem>>) target(%dma_start3A_192 : memref<128x256xf32, #tpu.memory_space<hbm>>) target_semaphore(%arg14 : memref<!tpu.dma_semaphore, #tpu.memory_space<semaphore_mem>>)
    %add3A_193 = arith.constant 896 : i32
    %add3A_194 = arith.addi %mul3A_2, %add3A_193 : i32
    %dma_wait3A_195 = arith.constant 0 : i32
    %dma_wait3A_196 = tpu.memref_slice %arg2[%add3A_171, %dma_wait3A_195] : memref<32768x64xf32, #tpu.memory_space<hbm>> -> memref<128x64xf32, #tpu.memory_space<hbm>>
    %dma_wait3A_197 = arith.constant 0 : i32
    %dma_wait3A_198 = tpu.memref_slice %arg2[%add3A_171, %dma_wait3A_197] : memref<32768x64xf32, #tpu.memory_space<hbm>> -> memref<128x64xf32, #tpu.memory_space<hbm>>
    tpu.wait_dma2 semaphore(%arg13 : memref<!tpu.dma_semaphore, #tpu.memory_space<semaphore_mem>>) src(%dma_wait3A_198 : memref<128x64xf32, #tpu.memory_space<hbm>>) dst(%arg7 : memref<128x64xf32, #tpu.memory_space<vmem>>)
    %dma_wait3A_199 = arith.constant 0 : i32
    %dma_wait3A_200 = tpu.memref_slice %arg5[%add3A_144, %dma_wait3A_199] : memref<32768x256xf32, #tpu.memory_space<hbm>> -> memref<128x256xf32, #tpu.memory_space<hbm>>
    %dma_wait3A_201 = arith.constant 0 : i32
    %dma_wait3A_202 = tpu.memref_slice %arg5[%add3A_144, %dma_wait3A_201] : memref<32768x256xf32, #tpu.memory_space<hbm>> -> memref<128x256xf32, #tpu.memory_space<hbm>>
    tpu.wait_dma2 semaphore(%arg15 : memref<!tpu.dma_semaphore, #tpu.memory_space<semaphore_mem>>) src(%arg9 : memref<128x256xf32, #tpu.memory_space<vmem>>) dst(%dma_wait3A_202 : memref<128x256xf32, #tpu.memory_space<hbm>>)
    %scan3A_203 = arith.constant 0 : i32
    %scan3A_204 = arith.constant 16 : i32
    %scan3A_205 = arith.addi %scan3A_203, %scan3A_204 : i32
    %scan3A_206 = arith.constant 1 : i32
    scf.for %scan3A_220 = %scan3A_203 to %scan3A_205 step %scan3A_206  : i32 {
      %mul3A_221 = arith.constant 8 : i32
      %mul3A_222 = arith.muli %scan3A_220, %mul3A_221 : i32
      %add3A_223 = arith.constant 0 : i32
      %add3A_224 = arith.addi %mul3A_222, %add3A_223 : i32
      %get3A_225 = arith.index_cast %add3A_224 : i32 to index
      %get3A_226 = arith.constant 0 : index
      %get3A_227 = tpu.vector_load %arg7[%get3A_225, %get3A_226] {strides = array<i32>} : memref<128x64xf32, #tpu.memory_space<vmem>>, vector<16xf32>,
      %mul3A_228 = arith.mulf %get3A_227, %get3A_12 : vector<16xf32>
      %get3A_229 = arith.index_cast %add3A_224 : i32 to index
      %get3A_230 = arith.constant 16 : index
      %get3A_231 = tpu.vector_load %arg7[%get3A_229, %get3A_230] {strides = array<i32>} : memref<128x64xf32, #tpu.memory_space<vmem>>, vector<16xf32>,
      %mul3A_232 = arith.mulf %get3A_231, %get3A_14 : vector<16xf32>
      %get3A_233 = arith.index_cast %add3A_224 : i32 to index
      %get3A_234 = arith.constant 32 : index
      %get3A_235 = tpu.vector_load %arg7[%get3A_233, %get3A_234] {strides = array<i32>} : memref<128x64xf32, #tpu.memory_space<vmem>>, vector<16xf32>,
      %mul3A_236 = arith.mulf %get3A_235, %get3A_16 : vector<16xf32>
      %get3A_237 = arith.index_cast %add3A_224 : i32 to index
      %get3A_238 = arith.constant 48 : index
      %get3A_239 = tpu.vector_load %arg7[%get3A_237, %get3A_238] {strides = array<i32>} : memref<128x64xf32, #tpu.memory_space<vmem>>, vector<16xf32>,
      %mul3A_240 = arith.mulf %get3A_239, %get3A_18 : vector<16xf32>
      %broadcast_in_dim3A_241 = vector.broadcast %add3A_224 : i32 to vector<16xi32>
      tpu.vector_store_idx %arg9[%broadcast_in_dim3A_241, %get3A_20], %mul3A_228 : memref<128x256xf32, #tpu.memory_space<vmem>>[vector<16xi32>, vector<16xi32>], vector<16xf32>,
      tpu.vector_store_idx %arg9[%broadcast_in_dim3A_241, %get3A_22], %mul3A_232 : memref<128x256xf32, #tpu.memory_space<vmem>>[vector<16xi32>, vector<16xi32>], vector<16xf32>,
      tpu.vector_store_idx %arg9[%broadcast_in_dim3A_241, %get3A_24], %mul3A_236 : memref<128x256xf32, #tpu.memory_space<vmem>>[vector<16xi32>, vector<16xi32>], vector<16xf32>,
      tpu.vector_store_idx %arg9[%broadcast_in_dim3A_241, %get3A_26], %mul3A_240 : memref<128x256xf32, #tpu.memory_space<vmem>>[vector<16xi32>, vector<16xi32>], vector<16xf32>,
      %mul3A_242 = arith.constant 8 : i32
      %mul3A_243 = arith.muli %scan3A_220, %mul3A_242 : i32
      %add3A_244 = arith.constant 1 : i32
      %add3A_245 = arith.addi %mul3A_243, %add3A_244 : i32
      %get3A_246 = arith.index_cast %add3A_245 : i32 to index
      %get3A_247 = arith.constant 0 : index
      %get3A_248 = tpu.vector_load %arg7[%get3A_246, %get3A_247] {strides = array<i32>} : memref<128x64xf32, #tpu.memory_space<vmem>>, vector<16xf32>,
      %mul3A_249 = arith.mulf %get3A_248, %get3A_12 : vector<16xf32>
      %get3A_250 = arith.index_cast %add3A_245 : i32 to index
      %get3A_251 = arith.constant 16 : index
      %get3A_252 = tpu.vector_load %arg7[%get3A_250, %get3A_251] {strides = array<i32>} : memref<128x64xf32, #tpu.memory_space<vmem>>, vector<16xf32>,
      %mul3A_253 = arith.mulf %get3A_252, %get3A_14 : vector<16xf32>
      %get3A_254 = arith.index_cast %add3A_245 : i32 to index
      %get3A_255 = arith.constant 32 : index
      %get3A_256 = tpu.vector_load %arg7[%get3A_254, %get3A_255] {strides = array<i32>} : memref<128x64xf32, #tpu.memory_space<vmem>>, vector<16xf32>,
      %mul3A_257 = arith.mulf %get3A_256, %get3A_16 : vector<16xf32>
      %get3A_258 = arith.index_cast %add3A_245 : i32 to index
      %get3A_259 = arith.constant 48 : index
      %get3A_260 = tpu.vector_load %arg7[%get3A_258, %get3A_259] {strides = array<i32>} : memref<128x64xf32, #tpu.memory_space<vmem>>, vector<16xf32>,
      %mul3A_261 = arith.mulf %get3A_260, %get3A_18 : vector<16xf32>
      %broadcast_in_dim3A_262 = vector.broadcast %add3A_245 : i32 to vector<16xi32>
      tpu.vector_store_idx %arg9[%broadcast_in_dim3A_262, %get3A_20], %mul3A_249 : memref<128x256xf32, #tpu.memory_space<vmem>>[vector<16xi32>, vector<16xi32>], vector<16xf32>,
      tpu.vector_store_idx %arg9[%broadcast_in_dim3A_262, %get3A_22], %mul3A_253 : memref<128x256xf32, #tpu.memory_space<vmem>>[vector<16xi32>, vector<16xi32>], vector<16xf32>,
      tpu.vector_store_idx %arg9[%broadcast_in_dim3A_262, %get3A_24], %mul3A_257 : memref<128x256xf32, #tpu.memory_space<vmem>>[vector<16xi32>, vector<16xi32>], vector<16xf32>,
      tpu.vector_store_idx %arg9[%broadcast_in_dim3A_262, %get3A_26], %mul3A_261 : memref<128x256xf32, #tpu.memory_space<vmem>>[vector<16xi32>, vector<16xi32>], vector<16xf32>,
      %mul3A_263 = arith.constant 8 : i32
      %mul3A_264 = arith.muli %scan3A_220, %mul3A_263 : i32
      %add3A_265 = arith.constant 2 : i32
      %add3A_266 = arith.addi %mul3A_264, %add3A_265 : i32
      %get3A_267 = arith.index_cast %add3A_266 : i32 to index
      %get3A_268 = arith.constant 0 : index
      %get3A_269 = tpu.vector_load %arg7[%get3A_267, %get3A_268] {strides = array<i32>} : memref<128x64xf32, #tpu.memory_space<vmem>>, vector<16xf32>,
      %mul3A_270 = arith.mulf %get3A_269, %get3A_12 : vector<16xf32>
      %get3A_271 = arith.index_cast %add3A_266 : i32 to index
      %get3A_272 = arith.constant 16 : index
      %get3A_273 = tpu.vector_load %arg7[%get3A_271, %get3A_272] {strides = array<i32>} : memref<128x64xf32, #tpu.memory_space<vmem>>, vector<16xf32>,
      %mul3A_274 = arith.mulf %get3A_273, %get3A_14 : vector<16xf32>
      %get3A_275 = arith.index_cast %add3A_266 : i32 to index
      %get3A_276 = arith.constant 32 : index
      %get3A_277 = tpu.vector_load %arg7[%get3A_275, %get3A_276] {strides = array<i32>} : memref<128x64xf32, #tpu.memory_space<vmem>>, vector<16xf32>,
      %mul3A_278 = arith.mulf %get3A_277, %get3A_16 : vector<16xf32>
      %get3A_279 = arith.index_cast %add3A_266 : i32 to index
      %get3A_280 = arith.constant 48 : index
      %get3A_281 = tpu.vector_load %arg7[%get3A_279, %get3A_280] {strides = array<i32>} : memref<128x64xf32, #tpu.memory_space<vmem>>, vector<16xf32>,
      %mul3A_282 = arith.mulf %get3A_281, %get3A_18 : vector<16xf32>
      %broadcast_in_dim3A_283 = vector.broadcast %add3A_266 : i32 to vector<16xi32>
      tpu.vector_store_idx %arg9[%broadcast_in_dim3A_283, %get3A_20], %mul3A_270 : memref<128x256xf32, #tpu.memory_space<vmem>>[vector<16xi32>, vector<16xi32>], vector<16xf32>,
      tpu.vector_store_idx %arg9[%broadcast_in_dim3A_283, %get3A_22], %mul3A_274 : memref<128x256xf32, #tpu.memory_space<vmem>>[vector<16xi32>, vector<16xi32>], vector<16xf32>,
      tpu.vector_store_idx %arg9[%broadcast_in_dim3A_283, %get3A_24], %mul3A_278 : memref<128x256xf32, #tpu.memory_space<vmem>>[vector<16xi32>, vector<16xi32>], vector<16xf32>,
      tpu.vector_store_idx %arg9[%broadcast_in_dim3A_283, %get3A_26], %mul3A_282 : memref<128x256xf32, #tpu.memory_space<vmem>>[vector<16xi32>, vector<16xi32>], vector<16xf32>,
      %mul3A_284 = arith.constant 8 : i32
      %mul3A_285 = arith.muli %scan3A_220, %mul3A_284 : i32
      %add3A_286 = arith.constant 3 : i32
      %add3A_287 = arith.addi %mul3A_285, %add3A_286 : i32
      %get3A_288 = arith.index_cast %add3A_287 : i32 to index
      %get3A_289 = arith.constant 0 : index
      %get3A_290 = tpu.vector_load %arg7[%get3A_288, %get3A_289] {strides = array<i32>} : memref<128x64xf32, #tpu.memory_space<vmem>>, vector<16xf32>,
      %mul3A_291 = arith.mulf %get3A_290, %get3A_12 : vector<16xf32>
      %get3A_292 = arith.index_cast %add3A_287 : i32 to index
      %get3A_293 = arith.constant 16 : index
      %get3A_294 = tpu.vector_load %arg7[%get3A_292, %get3A_293] {strides = array<i32>} : memref<128x64xf32, #tpu.memory_space<vmem>>, vector<16xf32>,
      %mul3A_295 = arith.mulf %get3A_294, %get3A_14 : vector<16xf32>
      %get3A_296 = arith.index_cast %add3A_287 : i32 to index
      %get3A_297 = arith.constant 32 : index
      %get3A_298 = tpu.vector_load %arg7[%get3A_296, %get3A_297] {strides = array<i32>} : memref<128x64xf32, #tpu.memory_space<vmem>>, vector<16xf32>,
      %mul3A_299 = arith.mulf %get3A_298, %get3A_16 : vector<16xf32>
      %get3A_300 = arith.index_cast %add3A_287 : i32 to index
      %get3A_301 = arith.constant 48 : index
      %get3A_302 = tpu.vector_load %arg7[%get3A_300, %get3A_301] {strides = array<i32>} : memref<128x64xf32, #tpu.memory_space<vmem>>, vector<16xf32>,
      %mul3A_303 = arith.mulf %get3A_302, %get3A_18 : vector<16xf32>
      %broadcast_in_dim3A_304 = vector.broadcast %add3A_287 : i32 to vector<16xi32>
      tpu.vector_store_idx %arg9[%broadcast_in_dim3A_304, %get3A_20], %mul3A_291 : memref<128x256xf32, #tpu.memory_space<vmem>>[vector<16xi32>, vector<16xi32>], vector<16xf32>,
      tpu.vector_store_idx %arg9[%broadcast_in_dim3A_304, %get3A_22], %mul3A_295 : memref<128x256xf32, #tpu.memory_space<vmem>>[vector<16xi32>, vector<16xi32>], vector<16xf32>,
      tpu.vector_store_idx %arg9[%broadcast_in_dim3A_304, %get3A_24], %mul3A_299 : memref<128x256xf32, #tpu.memory_space<vmem>>[vector<16xi32>, vector<16xi32>], vector<16xf32>,
      tpu.vector_store_idx %arg9[%broadcast_in_dim3A_304, %get3A_26], %mul3A_303 : memref<128x256xf32, #tpu.memory_space<vmem>>[vector<16xi32>, vector<16xi32>], vector<16xf32>,
      %mul3A_305 = arith.constant 8 : i32
      %mul3A_306 = arith.muli %scan3A_220, %mul3A_305 : i32
      %add3A_307 = arith.constant 4 : i32
      %add3A_308 = arith.addi %mul3A_306, %add3A_307 : i32
      %get3A_309 = arith.index_cast %add3A_308 : i32 to index
      %get3A_310 = arith.constant 0 : index
      %get3A_311 = tpu.vector_load %arg7[%get3A_309, %get3A_310] {strides = array<i32>} : memref<128x64xf32, #tpu.memory_space<vmem>>, vector<16xf32>,
      %mul3A_312 = arith.mulf %get3A_311, %get3A_12 : vector<16xf32>
      %get3A_313 = arith.index_cast %add3A_308 : i32 to index
      %get3A_314 = arith.constant 16 : index
      %get3A_315 = tpu.vector_load %arg7[%get3A_313, %get3A_314] {strides = array<i32>} : memref<128x64xf32, #tpu.memory_space<vmem>>, vector<16xf32>,
      %mul3A_316 = arith.mulf %get3A_315, %get3A_14 : vector<16xf32>
      %get3A_317 = arith.index_cast %add3A_308 : i32 to index
      %get3A_318 = arith.constant 32 : index
      %get3A_319 = tpu.vector_load %arg7[%get3A_317, %get3A_318] {strides = array<i32>} : memref<128x64xf32, #tpu.memory_space<vmem>>, vector<16xf32>,
      %mul3A_320 = arith.mulf %get3A_319, %get3A_16 : vector<16xf32>
      %get3A_321 = arith.index_cast %add3A_308 : i32 to index
      %get3A_322 = arith.constant 48 : index
      %get3A_323 = tpu.vector_load %arg7[%get3A_321, %get3A_322] {strides = array<i32>} : memref<128x64xf32, #tpu.memory_space<vmem>>, vector<16xf32>,
      %mul3A_324 = arith.mulf %get3A_323, %get3A_18 : vector<16xf32>
      %broadcast_in_dim3A_325 = vector.broadcast %add3A_308 : i32 to vector<16xi32>
      tpu.vector_store_idx %arg9[%broadcast_in_dim3A_325, %get3A_20], %mul3A_312 : memref<128x256xf32, #tpu.memory_space<vmem>>[vector<16xi32>, vector<16xi32>], vector<16xf32>,
      tpu.vector_store_idx %arg9[%broadcast_in_dim3A_325, %get3A_22], %mul3A_316 : memref<128x256xf32, #tpu.memory_space<vmem>>[vector<16xi32>, vector<16xi32>], vector<16xf32>,
      tpu.vector_store_idx %arg9[%broadcast_in_dim3A_325, %get3A_24], %mul3A_320 : memref<128x256xf32, #tpu.memory_space<vmem>>[vector<16xi32>, vector<16xi32>], vector<16xf32>,
      tpu.vector_store_idx %arg9[%broadcast_in_dim3A_325, %get3A_26], %mul3A_324 : memref<128x256xf32, #tpu.memory_space<vmem>>[vector<16xi32>, vector<16xi32>], vector<16xf32>,
      %mul3A_326 = arith.constant 8 : i32
      %mul3A_327 = arith.muli %scan3A_220, %mul3A_326 : i32
      %add3A_328 = arith.constant 5 : i32
      %add3A_329 = arith.addi %mul3A_327, %add3A_328 : i32
      %get3A_330 = arith.index_cast %add3A_329 : i32 to index
      %get3A_331 = arith.constant 0 : index
      %get3A_332 = tpu.vector_load %arg7[%get3A_330, %get3A_331] {strides = array<i32>} : memref<128x64xf32, #tpu.memory_space<vmem>>, vector<16xf32>,
      %mul3A_333 = arith.mulf %get3A_332, %get3A_12 : vector<16xf32>
      %get3A_334 = arith.index_cast %add3A_329 : i32 to index
      %get3A_335 = arith.constant 16 : index
      %get3A_336 = tpu.vector_load %arg7[%get3A_334, %get3A_335] {strides = array<i32>} : memref<128x64xf32, #tpu.memory_space<vmem>>, vector<16xf32>,
      %mul3A_337 = arith.mulf %get3A_336, %get3A_14 : vector<16xf32>
      %get3A_338 = arith.index_cast %add3A_329 : i32 to index
      %get3A_339 = arith.constant 32 : index
      %get3A_340 = tpu.vector_load %arg7[%get3A_338, %get3A_339] {strides = array<i32>} : memref<128x64xf32, #tpu.memory_space<vmem>>, vector<16xf32>,
      %mul3A_341 = arith.mulf %get3A_340, %get3A_16 : vector<16xf32>
      %get3A_342 = arith.index_cast %add3A_329 : i32 to index
      %get3A_343 = arith.constant 48 : index
      %get3A_344 = tpu.vector_load %arg7[%get3A_342, %get3A_343] {strides = array<i32>} : memref<128x64xf32, #tpu.memory_space<vmem>>, vector<16xf32>,
      %mul3A_345 = arith.mulf %get3A_344, %get3A_18 : vector<16xf32>
      %broadcast_in_dim3A_346 = vector.broadcast %add3A_329 : i32 to vector<16xi32>
      tpu.vector_store_idx %arg9[%broadcast_in_dim3A_346, %get3A_20], %mul3A_333 : memref<128x256xf32, #tpu.memory_space<vmem>>[vector<16xi32>, vector<16xi32>], vector<16xf32>,
      tpu.vector_store_idx %arg9[%broadcast_in_dim3A_346, %get3A_22], %mul3A_337 : memref<128x256xf32, #tpu.memory_space<vmem>>[vector<16xi32>, vector<16xi32>], vector<16xf32>,
      tpu.vector_store_idx %arg9[%broadcast_in_dim3A_346, %get3A_24], %mul3A_341 : memref<128x256xf32, #tpu.memory_space<vmem>>[vector<16xi32>, vector<16xi32>], vector<16xf32>,
      tpu.vector_store_idx %arg9[%broadcast_in_dim3A_346, %get3A_26], %mul3A_345 : memref<128x256xf32, #tpu.memory_space<vmem>>[vector<16xi32>, vector<16xi32>], vector<16xf32>,
      %mul3A_347 = arith.constant 8 : i32
      %mul3A_348 = arith.muli %scan3A_220, %mul3A_347 : i32
      %add3A_349 = arith.constant 6 : i32
      %add3A_350 = arith.addi %mul3A_348, %add3A_349 : i32
      %get3A_351 = arith.index_cast %add3A_350 : i32 to index
      %get3A_352 = arith.constant 0 : index
      %get3A_353 = tpu.vector_load %arg7[%get3A_351, %get3A_352] {strides = array<i32>} : memref<128x64xf32, #tpu.memory_space<vmem>>, vector<16xf32>,
      %mul3A_354 = arith.mulf %get3A_353, %get3A_12 : vector<16xf32>
      %get3A_355 = arith.index_cast %add3A_350 : i32 to index
      %get3A_356 = arith.constant 16 : index
      %get3A_357 = tpu.vector_load %arg7[%get3A_355, %get3A_356] {strides = array<i32>} : memref<128x64xf32, #tpu.memory_space<vmem>>, vector<16xf32>,
      %mul3A_358 = arith.mulf %get3A_357, %get3A_14 : vector<16xf32>
      %get3A_359 = arith.index_cast %add3A_350 : i32 to index
      %get3A_360 = arith.constant 32 : index
      %get3A_361 = tpu.vector_load %arg7[%get3A_359, %get3A_360] {strides = array<i32>} : memref<128x64xf32, #tpu.memory_space<vmem>>, vector<16xf32>,
      %mul3A_362 = arith.mulf %get3A_361, %get3A_16 : vector<16xf32>
      %get3A_363 = arith.index_cast %add3A_350 : i32 to index
      %get3A_364 = arith.constant 48 : index
      %get3A_365 = tpu.vector_load %arg7[%get3A_363, %get3A_364] {strides = array<i32>} : memref<128x64xf32, #tpu.memory_space<vmem>>, vector<16xf32>,
      %mul3A_366 = arith.mulf %get3A_365, %get3A_18 : vector<16xf32>
      %broadcast_in_dim3A_367 = vector.broadcast %add3A_350 : i32 to vector<16xi32>
      tpu.vector_store_idx %arg9[%broadcast_in_dim3A_367, %get3A_20], %mul3A_354 : memref<128x256xf32, #tpu.memory_space<vmem>>[vector<16xi32>, vector<16xi32>], vector<16xf32>,
      tpu.vector_store_idx %arg9[%broadcast_in_dim3A_367, %get3A_22], %mul3A_358 : memref<128x256xf32, #tpu.memory_space<vmem>>[vector<16xi32>, vector<16xi32>], vector<16xf32>,
      tpu.vector_store_idx %arg9[%broadcast_in_dim3A_367, %get3A_24], %mul3A_362 : memref<128x256xf32, #tpu.memory_space<vmem>>[vector<16xi32>, vector<16xi32>], vector<16xf32>,
      tpu.vector_store_idx %arg9[%broadcast_in_dim3A_367, %get3A_26], %mul3A_366 : memref<128x256xf32, #tpu.memory_space<vmem>>[vector<16xi32>, vector<16xi32>], vector<16xf32>,
      %mul3A_368 = arith.constant 8 : i32
      %mul3A_369 = arith.muli %scan3A_220, %mul3A_368 : i32
      %add3A_370 = arith.constant 7 : i32
      %add3A_371 = arith.addi %mul3A_369, %add3A_370 : i32
      %get3A_372 = arith.index_cast %add3A_371 : i32 to index
      %get3A_373 = arith.constant 0 : index
      %get3A_374 = tpu.vector_load %arg7[%get3A_372, %get3A_373] {strides = array<i32>} : memref<128x64xf32, #tpu.memory_space<vmem>>, vector<16xf32>,
      %mul3A_375 = arith.mulf %get3A_374, %get3A_12 : vector<16xf32>
      %get3A_376 = arith.index_cast %add3A_371 : i32 to index
      %get3A_377 = arith.constant 16 : index
      %get3A_378 = tpu.vector_load %arg7[%get3A_376, %get3A_377] {strides = array<i32>} : memref<128x64xf32, #tpu.memory_space<vmem>>, vector<16xf32>,
      %mul3A_379 = arith.mulf %get3A_378, %get3A_14 : vector<16xf32>
      %get3A_380 = arith.index_cast %add3A_371 : i32 to index
      %get3A_381 = arith.constant 32 : index
      %get3A_382 = tpu.vector_load %arg7[%get3A_380, %get3A_381] {strides = array<i32>} : memref<128x64xf32, #tpu.memory_space<vmem>>, vector<16xf32>,
      %mul3A_383 = arith.mulf %get3A_382, %get3A_16 : vector<16xf32>
      %get3A_384 = arith.index_cast %add3A_371 : i32 to index
      %get3A_385 = arith.constant 48 : index
      %get3A_386 = tpu.vector_load %arg7[%get3A_384, %get3A_385] {strides = array<i32>} : memref<128x64xf32, #tpu.memory_space<vmem>>, vector<16xf32>,
      %mul3A_387 = arith.mulf %get3A_386, %get3A_18 : vector<16xf32>
      %broadcast_in_dim3A_388 = vector.broadcast %add3A_371 : i32 to vector<16xi32>
      tpu.vector_store_idx %arg9[%broadcast_in_dim3A_388, %get3A_20], %mul3A_375 : memref<128x256xf32, #tpu.memory_space<vmem>>[vector<16xi32>, vector<16xi32>], vector<16xf32>,
      tpu.vector_store_idx %arg9[%broadcast_in_dim3A_388, %get3A_22], %mul3A_379 : memref<128x256xf32, #tpu.memory_space<vmem>>[vector<16xi32>, vector<16xi32>], vector<16xf32>,
      tpu.vector_store_idx %arg9[%broadcast_in_dim3A_388, %get3A_24], %mul3A_383 : memref<128x256xf32, #tpu.memory_space<vmem>>[vector<16xi32>, vector<16xi32>], vector<16xf32>,
      tpu.vector_store_idx %arg9[%broadcast_in_dim3A_388, %get3A_26], %mul3A_387 : memref<128x256xf32, #tpu.memory_space<vmem>>[vector<16xi32>, vector<16xi32>], vector<16xf32>,
    }
    %scan3A_207 = arith.constant 16 : i32
    %dma_start3A_208 = arith.constant 0 : i32
    %dma_start3A_209 = tpu.memref_slice %arg5[%add3A_194, %dma_start3A_208] : memref<32768x256xf32, #tpu.memory_space<hbm>> -> memref<128x256xf32, #tpu.memory_space<hbm>>
    %dma_start3A_210 = arith.constant 0 : i32
    %dma_start3A_211 = tpu.memref_slice %arg5[%add3A_194, %dma_start3A_210] : memref<32768x256xf32, #tpu.memory_space<hbm>> -> memref<128x256xf32, #tpu.memory_space<hbm>>
    tpu.enqueue_dma source(%arg9 : memref<128x256xf32, #tpu.memory_space<vmem>>) target(%dma_start3A_211 : memref<128x256xf32, #tpu.memory_space<hbm>>) target_semaphore(%arg15 : memref<!tpu.dma_semaphore, #tpu.memory_space<semaphore_mem>>)
    %dma_wait3A_212 = arith.constant 0 : i32
    %dma_wait3A_213 = tpu.memref_slice %arg5[%add3A_169, %dma_wait3A_212] : memref<32768x256xf32, #tpu.memory_space<hbm>> -> memref<128x256xf32, #tpu.memory_space<hbm>>
    %dma_wait3A_214 = arith.constant 0 : i32
    %dma_wait3A_215 = tpu.memref_slice %arg5[%add3A_169, %dma_wait3A_214] : memref<32768x256xf32, #tpu.memory_space<hbm>> -> memref<128x256xf32, #tpu.memory_space<hbm>>
    tpu.wait_dma2 semaphore(%arg14 : memref<!tpu.dma_semaphore, #tpu.memory_space<semaphore_mem>>) src(%arg8 : memref<128x256xf32, #tpu.memory_space<vmem>>) dst(%dma_wait3A_215 : memref<128x256xf32, #tpu.memory_space<hbm>>)
    %dma_wait3A_216 = arith.constant 0 : i32
    %dma_wait3A_217 = tpu.memref_slice %arg5[%add3A_194, %dma_wait3A_216] : memref<32768x256xf32, #tpu.memory_space<hbm>> -> memref<128x256xf32, #tpu.memory_space<hbm>>
    %dma_wait3A_218 = arith.constant 0 : i32
    %dma_wait3A_219 = tpu.memref_slice %arg5[%add3A_194, %dma_wait3A_218] : memref<32768x256xf32, #tpu.memory_space<hbm>> -> memref<128x256xf32, #tpu.memory_space<hbm>>
    tpu.wait_dma2 semaphore(%arg15 : memref<!tpu.dma_semaphore, #tpu.memory_space<semaphore_mem>>) src(%arg9 : memref<128x256xf32, #tpu.memory_space<vmem>>) dst(%dma_wait3A_219 : memref<128x256xf32, #tpu.memory_space<hbm>>)
    return
  }
}

</mosaic_0001>

<sc_bundles>
// kernel: kernel.3.cloned.1.call-start
scs
__scs_entry_jumppad:
0x0: {  	(pc) =	sbr.rel $0x88, $3  }
0x1: {  	(tag) =	ssettag $0x0;
	lr =	simm.s32 $0x1  }
0x2: {  	[smem:$0x3F9E] =	sst lr;
	_ =	strace $0xD0000000  }
0x3: {  	_ = 	snop  }
0x4: {  	_ = 	snop  }
0x5: {  	_ = 	snop  }
0x6: {  	_ = 	snop  }
0x7: {  	_ = 	snop  }
__scs_overlays_trampoline_lowered:
0x8: {  	[smem:$0x3FAD] =	sst s0  }
0x9: {  	[smem:$0x3FAE] =	sst s1  }
0xa: {  	[smem:$0x3FAF] =	sst s2  }
0xb: {  	[smem:$0x3FB0] =	sst s3  }
0xc: {  	[smem:$0x3FB1] =	sst s4  }
0xd: {  	[smem:$0x3FB2] =	sst s5  }
0xe: {  	[smem:$0x3FB3] =	sst s6  }
0xf: {  	[smem:$0x3FB4] =	sst s7  }
0x10: {  	[smem:$0x3FB5] =	sst s8  }
0x11: {  	[smem:$0x3FB6] =	sst s9;
	s0 =	simm.s32 @!p0 $0x0  }
0x12: {  	s1 =	sld [smem:$0x3F9C];
	s0 =	simm.s32 @p0 $0x1  }
0x13: {  	[smem:$0x3FB7] =	sst s0;
	s0 =	simm.s32 @!p1 $0x0  }
0x14: {  	s2 =	sld [smem:$0x3F9B];
	s0 =	simm.s32 @p1 $0x1  }
0x15: {  	[smem:$0x3FB8] =	sst s0;
	s0 =	simm.s32 @!p2 $0x0  }
0x16: {  	s3 =	sld [smem:$0x3FDB];
	s0 =	simm.s32 @p2 $0x1  }
0x17: {  	s4 =	simm.s32 $0x1BF5;
	[smem:$0x3FBA] =	sst s0  }
0x18: {  	s0 =	sld [smem:$0x3F9D];
	_ =	swait.ge [sflag:s4], $0x0  }
0x19: {  	s7 =	sld [smem:$0x3F9E]  }
0x1a: {  	s8 =	sadd.s32 $0xFFFFE003, lr  }
0x1b: {  	s9 =	sadd.s32 $0xFFFFFEF7, lr;
	s5 =	simm.s32 $0xFFFFFFFF;
	p2 =	slt.u32 s8, $0xFFFFF086  }
0x1c: {  	p1 =	slt.u32 s9, $0xF7A;
	s5 =	simm.s32 @!p2 $0x0  }
0x1d: {  	s5 =	simm.s32 @p1 $0x1;
	p0 =	seq.s32 s7, s2  }
0x1e: {  	s7 =	smul.u32 @!p0 $0xF7A, s2;
	p2 =	seq.s32 @!p0 s5, $0x0  }
0x1f: {  	s9 =	smul.u32 $0xF7A, s1;
	s8 =	simm.s32 @!p0 $0x1BF5;
	p2 =	por !p2, p0  }
0x20: {  	[sflag:s8] =	ssyncset.s32 @!p0 $0xFFFFF086;
	s6 =	sadd.s32 @!p0 s3, s7;
	s7 =	simm.s32 @!p0 $0x108  }
0x21: {  	s3 =	sadd.s32 s3, s9;
	s6 =	sadd.s32 @!p0 $0x88, s6;
	s7 =	simm.s32 @p2 $0x1082  }
0x22: {  	[simem:s7], [sflag:s8] =	dma.local @!p0 [hbm:s6], $0xF7A  }
0x23: {  	s9 =	sor.u32 $0xD0000000, s2;
	s6 =	simm.s32 $0x108;
	_ =	swait.ge @!p0 [sflag:s8], $0x0  }
0x24: {  	s3 =	sadd.s32 $0x88, s3;
	s6 =	simm.s32 @!p1 $0x1082;
	[sflag:s4] =	ssyncset.s32 $0xFFFFF086  }
0x25: {  	[simem:s6], [sflag:s4] =	dma.local [hbm:s3], $0xF7A  }
0x26: {  	[smem:$0x3F9E] =	sst s1;
	(tag) =	ssettag s2;
	_ =	strace s9  }
0x27: {  	s1 =	sld [smem:$0x3FAE]  }
0x28: {  	s2 =	sld [smem:$0x3FAF]  }
0x29: {  	s4 =	sld [smem:$0x3FB1]  }
0x2a: {  	p0 =	seq.s32 s5, $0x0;
	s5 =	sld [smem:$0x3FB2]  }
0x2b: {  	s6 =	sld [smem:$0x3FB3]  }
0x2c: {  	s7 =	sld [smem:$0x3FB4]  }
0x2d: {  	s3 =	simm.s32 $0x108;
	s8 =	sld [smem:$0x3FB5]  }
0x2e: {  	s3 =	simm.s32 @!p0 $0x1082;
	s9 =	sld [smem:$0x3FB6]  }
0x2f: {  	lr =	sadd.s32 s0, s3;
	s0 =	sld [smem:$0x3FAD]  }
0x30: {  	s3 =	sld [smem:$0x3FB0]  }
0x31: {  	[smem:$0x3FB9] =	sst s10  }
0x32: {  	s10 =	sld [smem:$0x3FB7];
	_ =	sdelay $0x3  }
0x33: {  	p0 =	seq.s32 s10, $0x1;
	s10 =	sld [smem:$0x3FB9];
	_ =	sdelay $0x3  }
0x34: {  	[smem:$0x3FB9] =	sst s10  }
0x35: {  	s10 =	sld [smem:$0x3FB8];
	_ =	sdelay $0x3  }
0x36: {  	p1 =	seq.s32 s10, $0x1;
	s10 =	sld [smem:$0x3FB9];
	_ =	sdelay $0x3  }
0x37: {  	[smem:$0x3FB9] =	sst s10  }
0x38: {  	s10 =	sld [smem:$0x3FBA]  }
0x39: {  	_ = 	snop;
	(pc) =	sbr.ind lr, $3  }
0x3a: {  	_ = 	snop  }
0x3b: {  	_ = 	snop  }
0x3c: {  	p2 =	seq.s32 s10, $0x1;
	s10 =	sld [smem:$0x3FB9]  }
0x3d: {  	_ =	shalt  }
0x3e: {  	_ =	shalt  }
0x3f: {  	_ =	shalt  }
0x40: {  	_ =	shalt  }
0x41: {  	_ =	shalt  }
0x42: {  	_ =	shalt  }
0x43: {  	_ =	shalt  }
0x44: {  	_ =	shalt  }
0x45: {  	_ =	shalt  }
0x46: {  	_ =	shalt  }
0x47: {  	_ =	shalt  }
0x48: {  	_ =	shalt  }
0x49: {  	_ =	shalt  }
0x4a: {  	_ =	shalt  }
0x4b: {  	_ =	shalt  }
0x4c: {  	_ =	shalt  }
0x4d: {  	_ =	shalt  }
0x4e: {  	_ =	shalt  }
0x4f: {  	_ =	shalt  }
0x50: {  	_ =	shalt  }
0x51: {  	_ =	shalt  }
0x52: {  	_ =	shalt  }
0x53: {  	_ =	shalt  }
0x54: {  	_ =	shalt  }
0x55: {  	_ =	shalt  }
0x56: {  	_ =	shalt  }
0x57: {  	_ =	shalt  }
0x58: {  	_ =	shalt  }
0x59: {  	_ =	shalt  }
0x5a: {  	_ =	shalt  }
0x5b: {  	_ =	shalt  }
0x5c: {  	_ =	shalt  }
0x5d: {  	_ =	shalt  }
0x5e: {  	_ =	shalt  }
0x5f: {  	_ =	shalt  }
0x60: {  	_ =	shalt  }
0x61: {  	_ =	shalt  }
0x62: {  	_ =	shalt  }
0x63: {  	_ =	shalt  }
0x64: {  	_ =	shalt  }
0x65: {  	_ =	shalt  }
0x66: {  	_ =	shalt  }
0x67: {  	_ =	shalt  }
0x68: {  	_ =	shalt  }
0x69: {  	_ =	shalt  }
0x6a: {  	_ =	shalt  }
0x6b: {  	_ =	shalt  }
0x6c: {  	_ =	shalt  }
0x6d: {  	_ =	shalt  }
0x6e: {  	_ =	shalt  }
0x6f: {  	_ =	shalt  }
0x70: {  	_ =	shalt  }
0x71: {  	_ =	shalt  }
0x72: {  	_ =	shalt  }
0x73: {  	_ =	shalt  }
0x74: {  	_ =	shalt  }
0x75: {  	_ =	shalt  }
0x76: {  	_ =	shalt  }
0x77: {  	_ =	shalt  }
0x78: {  	_ =	shalt  }
0x79: {  	_ =	shalt  }
0x7a: {  	_ =	shalt  }
0x7b: {  	_ =	shalt  }
0x7c: {  	_ =	shalt  }
0x7d: {  	_ =	shalt  }
0x7e: {  	_ =	shalt  }
0x7f: {  	_ =	shalt  }
0x80: {  	_ =	shalt  }
0x81: {  	_ =	shalt  }
0x82: {  	_ =	shalt  }
0x83: {  	_ =	shalt  }
0x84: {  	_ =	shalt  }
0x85: {  	_ =	shalt  }
0x86: {  	_ =	shalt  }
0x87: {  	_ =	shalt  }
.Lfunc_end0:
.L_simem_size_0:
called_computation_lowered:
.L_overlay_start_0:
0x88: {  	s2 =	sld [smem:$0x3FD9]  }
0x89: {  	s3 =	sld [smem:$0x3FFE];
	_ =	sdelay $0x1  }
0x8a: {  	s1 =	srdreg.scid  }
0x8b: {  	s0 =	sand.u32 $0x1, s1  }
0x8c: {  	s17 =	sshll.u32 s0, $0xA;
	s2 =	sadd.s32 s3, s2  }
0x8d: {  	s2 =	sadd.s32 s2, s17  }
0x8e: {  	[smem:$0x3FC5] =	sst s2  }
0x8f: {  	_ = 	snop  }
0x90: {  	s2 =	sld [smem:$0x3FC8]  }
0x91: {  	s18 =	sld [smem:$0x3FC7]  }
0x92: {  	s4 =	sld [smem:$0x3FD0];
	(tm) =	ssettm $0x1  }
0x93: {  	s5 =	sld [smem:$0x3FFB];
	_ =	sdelay $0x3  }
0x94: {  	_ =	strace s5  }
0x95: {  	s5 =	sld [smem:$0x3FFC];
	_ =	sdelay $0x3  }
0x96: {  	_ =	strace s5  }
0x97: {  	s5 =	sld [smem:$0x3FFD];
	_ =	sdelay $0x3  }
0x98: {  	_ =	strace s5  }
0x99: {  	_ =	strace $0x8FFFFFFF  }
0x9a: {  	s19 =	sld [smem:$0x3FDB];
	_ =	sdelay $0x1  }
0x9b: {  	s6 =	simm.s32 $_scs_section_size  }
0x9c: {  	s7 =	simm.s32 $_size__tile_overlayer_lowered;
	s8 =	simm.s32 $_tile_overlayer_lowered  }
0x9d: {  	s22 =	simm.s32 $0x1BFF;
	s21 =	sshll.u32 s8, $0x1;
	s5 =	sadd.s32 s6, s19  }
0x9e: {  	s9 =	simm.s32 $0x0;
	s20 =	sshll.u32 s7, $0x1;
	s7 =	sadd.s32 s21, s5  }
0x9f: {  	[timem:s9], [sflag:s22] =	dma.local [hbm:s7], s20  }
0xa0: {  	_ =	swait.ge [sflag:s22], s20  }
0xa1: {  	s6 =	ssub.s32 $0x0, s20;
	[sflag:s22] =	ssyncset.done $0x0  }
0xa2: {  	[sflag:s22] =	ssyncadd.s32 s6;
	_ =	sdelay $0x1  }
0xa3: {  	s23 =	simm.s32 $0x1B8B  }
0xa4: {  	_ =	swait.ge [sflag:s23], $0x1  }
0xa5: {  	[sflag:s23] =	ssyncset.done $0x0  }
0xa6: {  	s25 =	simm.s32 $0x1B8E;
	s24 =	sld [smem:$0x3FFE];
	[sflag:s23] =	ssyncadd.s32 $0xFFFFFFFF  }
0xa7: {  	s26 =	simm.s32 $execute0_lowered;
	[smem:$0x3FD2] =	sst s25  }
0xa8: {  	s7 =	sshll.u32 s26, $0x1;
	_ =	strace $0x80000046;
	[dreg:$0x1] =	wrdreg $0xFFFFFFFF  }
0xa9: {  	s28 =	simm.s32 $_size_execute0_lowered;
	s5 =	sadd.s32 s5, s7;
	[dreg:$0x0] =	wrdreg $0x0  }
0xaa: {  	s7 =	sshll.u32 s28, $0x1;
	[dreg:$0x2] =	wrdreg s5  }
0xab: {  	[dreg:$0x3] =	wrdreg s7  }
0xac: {  	[dreg:$0x4] =	wrdreg $0xC0  }
0xad: {  	_ =	task [dreg:s9], $0x5FFFF  }
0xae: {  	[dreg:$0x1] =	wrdreg $0xFFFFFFFF  }
0xaf: {  	[dreg:$0x0] =	wrdreg $0x60  }
0xb0: {  	[dreg:$0x2] =	wrdreg s24  }
0xb1: {  	[dreg:$0x3] =	wrdreg s2  }
0xb2: {  	[dreg:$0x4] =	wrdreg s18  }
0xb3: {  	[dreg:$0x5] =	wrdreg s4  }
0xb4: {  	[dreg:$0x6] =	wrdreg $0x9  }
0xb5: {  	_ =	task.clear_ibuf [dreg:s9], $0x7FFFF;
	_ =	strace $0x90000046  }
0xb6: {  	s29 =	simm.s32 $0x9;
	_ =	strace $0x80000048  }
0xb7: {  	_ =	swait.ge [sflag:s29], $0x1  }
0xb8: {  	[sflag:s29] =	ssyncadd.s32 $0xFFFFFFFF  }
0xb9: {  	_ =	strace $0x90000048  }
0xba: {  	_ =	sfence  }
0xbb: {  	s30 =	sld [smem:$0x0];
	_ =	sdelay $0x2  }
0xbc: {  	s31 =	sshll.u32 s1, $0xD;
	s1 =	sshrl.u32 s1, $0x2  }
0xbd: {  	s3 =	sand.u32 $0x4000, s31;
	s1 =	sadd.s32 s1, s30  }
0xbe: {  	s0 =	sor.u32 s3, s0;
	s1 =	sshll.u32 s1, $0x11  }
0xbf: {  	s0 =	sor.u32 s1, s0  }
0xc0: {  	s0 =	sadd.s32 $0x8F2B, s0  }
0xc1: {  	[sflag:s0] =	ssyncadd.remote.s32 $0x1  }
0xc2: {  	_ =	sfence.sel $0xFFFF  }
0xc3: {  	[dreg:$0x0] =	wrdreg $0xFFFFFFFF;
	(pc) =	sbr.abs _section_cstart, $3  }
0xc4: {  	[dreg:$0x1] =	wrdreg $0xFFFFFFFF  }
0xc5: {  	_ =	task.clear_ibuf [dreg:s9], $0x2FFFF;
	_ =	strace $0x9FFFFFFF  }
0xc6: {  	(tm) =	ssettm $0x7FFFFFFF  }
0xc7: {  	_ =	shalt  }
tec
execute0_lowered:
.L_overlay_start_1:
0x0: {  	(tag) =	ssettag $0x1  }
0x1: {  	s0 =	rddreg [dreg:$0x0]  }
0x2: {  	s1 =	rddreg [dreg:$0x3]  }
0x3: {  	s4 =	simm.s32 $0x0;
	s2 =	srdreg.scid;
	s3 =	stileid.u32  }
0x4: {  	s28 =	simm.s32 $0x8000;
	s29 =	simm.s32 $0x2;
	s30 =	simm.s32 $0x10000  }
0x5: {  	s31 =	simm.s32 $0x3;
	[smem:$0x7FF] =	sst s4;
	s2 =	sand.u32 $0x1, s2  }
0x6: {  	s3 =	sshll.u32 s3, $0xB;
	s0 =	sadd.s32 $0x400, s0;
	s5 =	sshll.u32 s2, $0xA  }
0x7: {  	_ =	strace $0x80000047;
	s2 =	ssub.s32 $0x2, s2;
	s3 =	sor.u32 s5, s3  }
0x8: {  	s15 =	sshrl.u32 s2, $0x1;
	s6 =	sshll.u32 s3, $0x4;
	s18 =	sshrl.u32 s3, $0x3  }
0x9: {  	s2 =	ssub.s32 s2, s15;
	s3 =	sshll.u32 s3, $0x5;
	s16 =	sadd.s32 s0, s6  }
0xa: {  	s9 =	sor.u32 $0x10, s18;
	s10 =	sor.u32 $0x20, s18;
	s3 =	sadd.s32 s1, s3  }
0xb: {  	s12 =	sor.u32 $0x30, s18;
	s23 =	sor.u32 $0x40, s18;
	[dreg:$0x5] =	wrdreg s16  }
0xc: {  	s26 =	sor.u32 $0x70, s18;
	s17 =	sshll.u32 s9, $0x7;
	[dreg:$0x7] =	wrdreg s3  }
0xd: {  	s20 =	sshll.u32 s10, $0x7;
	s21 =	sshll.u32 s9, $0x8;
	s22 =	sshll.u32 s12, $0x7  }
0xe: {  	s11 =	sshll.u32 s10, $0x8;
	s13 =	sshll.u32 s23, $0x7;
	s14 =	sshll.u32 s12, $0x8  }
0xf: {  	s16 =	sor.u32 $0x50, s18;
	s3 =	sshll.u32 s23, $0x8;
	s23 =	simm.s32 $0x5  }
0x10: {  	s19 =	sadd.s32 s0, s17;
	s8 =	sadd.s32 s0, s20;
	s9 =	sadd.s32 s1, s21  }
0x11: {  	s10 =	sadd.s32 s0, s22;
	s11 =	sadd.s32 s1, s11;
	s12 =	sadd.s32 s0, s13  }
0x12: {  	s13 =	sadd.s32 s1, s14;
	s24 =	sshll.u32 s16, $0x7;
	s15 =	sadd.s32 s1, s3  }
0x13: {  	s17 =	sshll.u32 s16, $0x8;
	s3 =	sshll.u32 s26, $0x8;
	s21 =	smax.u32 s2, $0x1  }
0x14: {  	[dreg:$0x6] =	wrdreg s19;
	s14 =	sadd.s32 s0, s24;
	s19 =	sor.u32 $0x60, s18  }
0x15: {  	s17 =	sadd.s32 s1, s17;
	s18 =	sshll.u32 s26, $0x7;
	s20 =	sadd.s32 s1, s3  }
0x16: {  	s26 =	simm.s32 $0x1;
	s3 =	simm.s32 $0x0;
	s25 =	sshll.u32 s19, $0x7  }
0x17: {  	v1 =	vimm.s32 $0x0;
	vm0 =	vcmask $0x300;
	s19 =	sshll.u32 s19, $0x8;
	s18 =	sadd.s32 s0, s18;
	s16 =	sadd.s32 s0, s25  }
0x18: {  	v0 =	vimm.f32 $0.0e+00;
	v1 =	vsel vm0, $0xB, v1;
	s19 =	sadd.s32 s1, s19;
	s25 =	simm.s32 $0x4000;
	s0 =	simm.s32 $0x4  }
.LBB2_1:
0x19: {  	s1 =	rddreg [dreg:$0x5]  }
0x1a: {  	[tilespmem:s4], [sflag:$0x1] =	stream.linear.gather [hbm4b:s1+s4], $0x4000, $0x38;
	[tilespmem:$0x18100] =	vst v63  }
0x1b: {  	s24 =	rddreg [dreg:$0x1];
	s2 =	simm.s32 $0x18000  }
0x1c: {  	[tilespmem:s2], [sflag:$0x5] =	stream.linear.gather [hbm4b:s24+s4], $0x80, $0x38;
	[tilespmem:$0x18100] =	vst v63  }
0x1d: {  	_ =	swait.ge [sflag:s23], $0x80  }
0x1e: {  	s5 =	simm.s32 $0x18080;
	[sflag:s23] =	ssyncset.done $0x0  }
0x1f: {  	s6 =	simm.s32 $0x0;
	s7 =	simm.s32 $0x0;
	[sflag:s23] =	ssyncadd.s32 $0xFFFFFF80  }
0x20: {  	s22 =	sand.u32 $0x400, s4;
	s1 =	sand.u32 $0x380, s6;
	s2 =	rddreg [dreg:$0x2]  }
0x21: {  	[tilespmem:s5], [sflag:$0x5] =	stream.linear.gather [hbm4b:s2+s4], $0x80, $0x38;
	[tilespmem:$0x18100] =	vst v63  }
0x22: {  	s1 =	sor.u32 s22, s1;
	s2 =	sand.u32 $0x3800, s7;
	_ =	swait.ge [sflag:s23], $0x80  }
0x23: {  	s24 =	sand.u32 $0x40, s4;
	s1 =	sor.u32 s2, s1;
	[sflag:s23] =	ssyncset.done $0x0  }
0x24: {  	s1 =	sor.u32 s24, s1;
	[sflag:s23] =	ssyncadd.s32 $0xFFFFFF80  }
0x25: {  	[tilespmem:s1+$0x14030] =	vst v0  }
0x26: {  	[tilespmem:s1+$0x8000] =	vst v0  }
0x27: {  	[tilespmem:s1+$0xC000] =	vst v0  }
0x28: {  	[tilespmem:s1+$0x10000] =	vst v0  }
0x29: {  	[tilespmem:s1+$0x14000] =	vst v0  }
0x2a: {  	[tilespmem:s1+$0x8010] =	vst v0  }
0x2b: {  	[tilespmem:s1+$0xC010] =	vst v0  }
0x2c: {  	[tilespmem:s1+$0x10010] =	vst v0  }
0x2d: {  	[tilespmem:s1+$0x14010] =	vst v0  }
0x2e: {  	s22 =	simm.s32 $0x0;
	s2 =	simm.s32 $0x0;
	s24 =	simm.s32 $0x0;
	[tilespmem:s1+$0x8020] =	vst v0  }
.LBB2_2:
0x2f: {  	s2 =	sadd.s32 $0x4, s2;
	[tilespmem:s1+$0xC020] =	vst v0  }
0x30: {  	s22 =	sadd.s32 $0x200, s22;
	s5 =	sshll.u32 s2, $0x3;
	p0 =	slt.u32 s2, $0x3FC;
	[tilespmem:s1+$0x10020] =	vst v0  }
0x31: {  	s6 =	sshll.u32 s2, $0x4;
	s7 =	sand.u32 $0x400, s22;
	s5 =	sand.u32 $0x380, s5;
	[tilespmem:s1+$0x14020] =	vst v0  }
0x32: {  	s24 =	sadd.s32 $0x40, s24;
	s6 =	sand.u32 $0x3800, s6;
	s5 =	sor.u32 s7, s5;
	[tilespmem:s1+$0x8030] =	vst v0  }
0x33: {  	s7 =	sand.u32 $0x40, s24;
	s5 =	sor.u32 s6, s5;
	[tilespmem:s1+$0xC030] =	vst v0  }
0x34: {  	[tilespmem:s1+$0x10030] =	vst v0;
	s1 =	sor.u32 s7, s5  }
0x35: {  	[tilespmem:s1+$0x14030] =	vst v0  }
0x36: {  	[tilespmem:s1+$0x8000] =	vst v0  }
0x37: {  	[tilespmem:s1+$0xC000] =	vst v0  }
0x38: {  	[tilespmem:s1+$0x10000] =	vst v0  }
0x39: {  	[tilespmem:s1+$0x14000] =	vst v0  }
.Ltmp0:
0x3a: {  	[tilespmem:s1+$0x8010] =	vst v0;
	(pc) =	sbr.rel @p0 .LBB2_2-.Ltmp0, $4  }
0x3b: {  	[tilespmem:s1+$0xC010] =	vst v0  }
0x3c: {  	[tilespmem:s1+$0x10010] =	vst v0  }
0x3d: {  	[tilespmem:s1+$0x14010] =	vst v0  }
0x3e: {  	[tilespmem:s1+$0x8020] =	vst v0  }
0x3f: {  	[tilespmem:s1+$0xC020] =	vst v0  }
0x40: {  	[tilespmem:s1+$0x10020] =	vst v0  }
0x41: {  	[tilespmem:s1+$0x14020] =	vst v0  }
0x42: {  	[tilespmem:s1+$0x8030] =	vst v0  }
0x43: {  	[tilespmem:s1+$0xC030] =	vst v0  }
0x44: {  	[tilespmem:s1+$0x10030] =	vst v0  }
0x45: {  	v5 =	vld [tilespmem:$0x18000]  }
0x46: {  	v3 =	vld [tilespmem:$0x18010]  }
0x47: {  	v6 =	vld [tilespmem:$0x18080]  }
0x48: {  	v4 =	vld [tilespmem:$0x18020]  }
0x49: {  	v2 =	vld [tilespmem:$0x18030]  }
0x4a: {  	v7 =	vld [tilespmem:$0x18090]  }
0x4b: {  	s6 =	rddreg [dreg:$0x6];
	s7 =	simm.s32 $0x0;
	v8 =	vld [tilespmem:$0x180A0]  }
0x4c: {  	v9 =	vld [tilespmem:$0x180B0];
	[tilespmem:s25], [sflag:$0x2] =	stream.linear.gather [hbm4b:s6+s4], $0x4000, $0x38;
	v10 =	vshll.u32 v6, $0x3  }
0x4d: {  	v11 =	vmov s7;
	_ =	swait.ge [sflag:s26], $0x4000;
	v6 =	vand.u32 $0x7F, v6;
	v10 =	vand.u32 $0xFFFFFC00, v10  }
0x4e: {  	[sflag:s26] =	ssyncset.done $0x0;
	v6 =	vor.u32 v6, v10;
	v10 =	vshrl.u32 v11, $0x3  }
0x4f: {  	s1 =	simm.s32 $0x200;
	[sflag:s26] =	ssyncadd.s32 $0xFFFFC000;
	v11 =	vand.u32 $0x7F, v7;
	v7 =	vshll.u32 v7, $0x3;
	v10 =	vshll.u32 v10, v1  }
0x50: {  	v13 =	vld [tilespmem:s1+$0xFFFFFE00];
	v12 =	vshll.u32 v8, $0x3;
	v7 =	vand.u32 $0xFFFFFC00, v7;
	v10 =	vbroadcast v10, $0x0  }
0x51: {  	v8 =	vand.u32 $0x7F, v8;
	v7 =	vor.u32 v11, v7;
	v11 =	vand.u32 $0xFFFFFC00, v12;
	v12 =	vld [tilespmem:s1+$0xFFFFFE10]  }
0x52: {  	v14 =	vld [tilespmem:s1+$0xFFFFFE20];
	v8 =	vor.u32 v8, v11;
	v11 =	vshll.u32 v9, $0x3;
	v15 =	vadd.s32 v6, v10  }
0x53: {  	v16 =	vld [tilespmem:s1+$0xFFFFFE30];
	v9 =	vand.u32 $0x7F, v9;
	v11 =	vand.u32 $0xFFFFFC00, v11;
	v17 =	vadd.s32 v7, v10  }
0x54: {  	v9 =	vor.u32 v9, v11;
	v11 =	vadd.s32 v8, v10  }
0x55: {  	v13 =	vmul.f32 v13, v5;
	v10 =	vadd.s32 v9, v10  }
0x56: {  	v12 =	vmul.f32 v12, v3  }
0x57: {  	s2 =	simm.s32 $0x1;
	v14 =	vmul.f32 v14, v4;
	[tilespmem:v15+s28+$0x0] =	vst.idx.msk $0xffff, v13  }
0x58: {  	v13 =	vmul.f32 v16, v2;
	[tilespmem:v17+s28+$0x0] =	vst.idx.msk $0xffff, v12;
	v12 =	vmov s2  }
0x59: {  	[tilespmem:v11+s28+$0x0] =	vst.idx.msk $0xffff, v14;
	v11 =	vshrl.u32 v12, $0x3  }
0x5a: {  	[tilespmem:v10+s28+$0x0] =	vst.idx.msk $0xffff, v13;
	v10 =	vshll.u32 v11, v1  }
0x5b: {  	v14 =	vld [tilespmem:s1+$0xFFFFFE80];
	v15 =	vbroadcast v10, $0x0  }
0x5c: {  	v10 =	vor.u32 $0x80, v6;
	v16 =	vld [tilespmem:s1+$0xFFFFFE90]  }
0x5d: {  	v11 =	vor.u32 $0x80, v7;
	v17 =	vld [tilespmem:s1+$0xFFFFFEA0];
	v18 =	vadd.s32 v10, v15  }
0x5e: {  	v12 =	vor.u32 $0x80, v8;
	v19 =	vld [tilespmem:s1+$0xFFFFFEB0];
	v20 =	vadd.s32 v11, v15  }
0x5f: {  	v13 =	vor.u32 $0x80, v9;
	v21 =	vadd.s32 v12, v15  }
0x60: {  	v15 =	vadd.s32 v13, v15;
	v14 =	vmul.f32 v14, v5  }
0x61: {  	v16 =	vmul.f32 v16, v3  }
0x62: {  	s22 =	simm.s32 $0x2;
	v17 =	vmul.f32 v17, v4;
	[tilespmem:v18+s28+$0x0] =	vst.idx.msk $0xffff, v14  }
0x63: {  	v14 =	vmul.f32 v19, v2;
	[tilespmem:v20+s28+$0x0] =	vst.idx.msk $0xffff, v16;
	v16 =	vmov s22  }
0x64: {  	[tilespmem:v21+s28+$0x0] =	vst.idx.msk $0xffff, v17;
	v16 =	vshrl.u32 v16, $0x3  }
0x65: {  	[tilespmem:v15+s28+$0x0] =	vst.idx.msk $0xffff, v14;
	v14 =	vshll.u32 v16, v1  }
0x66: {  	v18 =	vld [tilespmem:s1+$0xFFFFFF00];
	v19 =	vbroadcast v14, $0x0  }
0x67: {  	v14 =	vor.u32 $0x100, v6;
	v20 =	vld [tilespmem:s1+$0xFFFFFF10]  }
0x68: {  	v15 =	vor.u32 $0x100, v7;
	v21 =	vld [tilespmem:s1+$0xFFFFFF20];
	v22 =	vadd.s32 v14, v19  }
0x69: {  	v16 =	vor.u32 $0x100, v8;
	v23 =	vld [tilespmem:s1+$0xFFFFFF30];
	v24 =	vadd.s32 v15, v19  }
0x6a: {  	v17 =	vor.u32 $0x100, v9;
	v25 =	vadd.s32 v16, v19  }
0x6b: {  	v19 =	vadd.s32 v17, v19;
	v18 =	vmul.f32 v18, v5  }
0x6c: {  	v20 =	vmul.f32 v20, v3  }
0x6d: {  	s24 =	simm.s32 $0x3;
	v21 =	vmul.f32 v21, v4;
	[tilespmem:v22+s28+$0x0] =	vst.idx.msk $0xffff, v18  }
0x6e: {  	v18 =	vmul.f32 v23, v2;
	[tilespmem:v24+s28+$0x0] =	vst.idx.msk $0xffff, v20;
	v20 =	vmov s24  }
0x6f: {  	[tilespmem:v25+s28+$0x0] =	vst.idx.msk $0xffff, v21;
	v20 =	vshrl.u32 v20, $0x3  }
0x70: {  	[tilespmem:v19+s28+$0x0] =	vst.idx.msk $0xffff, v18;
	v18 =	vshll.u32 v20, v1  }
0x71: {  	v22 =	vld [tilespmem:s1+$0xFFFFFF80];
	v23 =	vbroadcast v18, $0x0  }
0x72: {  	v18 =	vor.u32 $0x180, v6;
	v24 =	vld [tilespmem:s1+$0xFFFFFF90]  }
0x73: {  	v19 =	vor.u32 $0x180, v7;
	v25 =	vld [tilespmem:s1+$0xFFFFFFA0];
	v26 =	vadd.s32 v18, v23  }
0x74: {  	v20 =	vor.u32 $0x180, v8;
	v27 =	vld [tilespmem:s1+$0xFFFFFFB0];
	v28 =	vadd.s32 v19, v23  }
0x75: {  	v21 =	vor.u32 $0x180, v9;
	v29 =	vadd.s32 v20, v23  }
0x76: {  	v23 =	vadd.s32 v21, v23;
	v22 =	vmul.f32 v22, v5  }
0x77: {  	v24 =	vmul.f32 v24, v3  }
0x78: {  	s5 =	simm.s32 $0x4;
	v25 =	vmul.f32 v25, v4;
	[tilespmem:v26+s28+$0x0] =	vst.idx.msk $0xffff, v22  }
0x79: {  	v22 =	vmul.f32 v27, v2;
	[tilespmem:v28+s28+$0x0] =	vst.idx.msk $0xffff, v24;
	v24 =	vmov s5  }
0x7a: {  	[tilespmem:v29+s28+$0x0] =	vst.idx.msk $0xffff, v25;
	v24 =	vshrl.u32 v24, $0x3  }
0x7b: {  	[tilespmem:v23+s28+$0x0] =	vst.idx.msk $0xffff, v22;
	v22 =	vshll.u32 v24, v1  }
0x7c: {  	v26 =	vld [tilespmem:s1+$0x0];
	v27 =	vbroadcast v22, $0x0  }
0x7d: {  	v22 =	vor.u32 $0x200, v6;
	v28 =	vld [tilespmem:s1+$0x10]  }
0x7e: {  	v23 =	vor.u32 $0x200, v7;
	v29 =	vld [tilespmem:s1+$0x20];
	v30 =	vadd.s32 v22, v27  }
0x7f: {  	v24 =	vor.u32 $0x200, v8;
	v31 =	vld [tilespmem:s1+$0x30];
	v32 =	vadd.s32 v23, v27  }
0x80: {  	v25 =	vor.u32 $0x200, v9;
	v33 =	vadd.s32 v24, v27  }
0x81: {  	v27 =	vadd.s32 v25, v27;
	v26 =	vmul.f32 v26, v5  }
0x82: {  	v28 =	vmul.f32 v28, v3  }
0x83: {  	s6 =	simm.s32 $0x5;
	v29 =	vmul.f32 v29, v4;
	[tilespmem:v30+s28+$0x0] =	vst.idx.msk $0xffff, v26  }
0x84: {  	v26 =	vmul.f32 v31, v2;
	[tilespmem:v32+s28+$0x0] =	vst.idx.msk $0xffff, v28;
	v28 =	vmov s6  }
0x85: {  	[tilespmem:v33+s28+$0x0] =	vst.idx.msk $0xffff, v29;
	v28 =	vshrl.u32 v28, $0x3  }
0x86: {  	[tilespmem:v27+s28+$0x0] =	vst.idx.msk $0xffff, v26;
	v26 =	vshll.u32 v28, v1  }
0x87: {  	v30 =	vld [tilespmem:s1+$0x80];
	v31 =	vbroadcast v26, $0x0  }
0x88: {  	v26 =	vor.u32 $0x280, v6;
	v32 =	vld [tilespmem:s1+$0x90]  }
0x89: {  	v27 =	vor.u32 $0x280, v7;
	v33 =	vld [tilespmem:s1+$0xA0];
	v34 =	vadd.s32 v26, v31  }
0x8a: {  	v28 =	vor.u32 $0x280, v8;
	v35 =	vld [tilespmem:s1+$0xB0];
	v36 =	vadd.s32 v27, v31  }
0x8b: {  	v29 =	vor.u32 $0x280, v9;
	v37 =	vadd.s32 v28, v31  }
0x8c: {  	v31 =	vadd.s32 v29, v31;
	v30 =	vmul.f32 v30, v5  }
0x8d: {  	v32 =	vmul.f32 v32, v3  }
0x8e: {  	s7 =	simm.s32 $0x6;
	v33 =	vmul.f32 v33, v4;
	[tilespmem:v34+s28+$0x0] =	vst.idx.msk $0xffff, v30  }
0x8f: {  	v55 =	vmov s7;
	v30 =	vmul.f32 v35, v2;
	[tilespmem:v36+s28+$0x0] =	vst.idx.msk $0xffff, v32  }
0x90: {  	v32 =	vshrl.u32 v55, $0x3;
	[tilespmem:v37+s28+$0x0] =	vst.idx.msk $0xffff, v33  }
0x91: {  	[tilespmem:v31+s28+$0x0] =	vst.idx.msk $0xffff, v30;
	v30 =	vshll.u32 v32, v1  }
0x92: {  	v34 =	vld [tilespmem:s1+$0x100];
	v56 =	vbroadcast v30, $0x0  }
0x93: {  	v30 =	vor.u32 $0x300, v6;
	v36 =	vld [tilespmem:s1+$0x110]  }
0x94: {  	v31 =	vor.u32 $0x300, v7;
	v37 =	vld [tilespmem:s1+$0x120];
	v38 =	vadd.s32 v30, v56  }
0x95: {  	v32 =	vor.u32 $0x300, v8;
	v39 =	vld [tilespmem:s1+$0x130];
	v40 =	vadd.s32 v31, v56  }
0x96: {  	v33 =	vor.u32 $0x300, v9;
	v41 =	vadd.s32 v32, v56  }
0x97: {  	v35 =	vadd.s32 v33, v56;
	v34 =	vmul.f32 v34, v5  }
0x98: {  	v36 =	vmul.f32 v36, v3  }
0x99: {  	s22 =	simm.s32 $0x7;
	v37 =	vmul.f32 v37, v4;
	[tilespmem:v38+s28+$0x0] =	vst.idx.msk $0xffff, v34  }
0x9a: {  	v58 =	vmov s22;
	v57 =	vmul.f32 v39, v2;
	[tilespmem:v40+s28+$0x0] =	vst.idx.msk $0xffff, v36  }
0x9b: {  	v36 =	vshrl.u32 v58, $0x3;
	[tilespmem:v41+s28+$0x0] =	vst.idx.msk $0xffff, v37  }
0x9c: {  	v59 =	vshll.u32 v36, v1;
	[tilespmem:v35+s28+$0x0] =	vst.idx.msk $0xffff, v57  }
0x9d: {  	v60 =	vbroadcast v59, $0x0;
	v37 =	vld [tilespmem:s1+$0x180]  }
0x9e: {  	v34 =	vor.u32 $0x380, v6  }
0x9f: {  	v62 =	vadd.s32 v34, v60  }
0xa0: {  	v61 =	vld [tilespmem:s1+$0x190]  }
0xa1: {  	v35 =	vor.u32 $0x380, v7;
	v40 =	vld [tilespmem:s1+$0x1A0]  }
0xa2: {  	v36 =	vor.u32 $0x380, v8;
	v42 =	vadd.s32 v35, v60;
	v37 =	vmul.f32 v37, v5  }
0xa3: {  	v43 =	vld [tilespmem:s1+$0x1B0];
	v44 =	vadd.s32 v36, v60  }
0xa4: {  	[tilespmem:v62+s28+$0x0] =	vst.idx.msk $0xffff, v37;
	v37 =	vor.u32 $0x380, v9  }
0xa5: {  	v39 =	vmul.f32 v61, v3;
	v38 =	vadd.s32 v37, v60  }
0xa6: {  	s24 =	simm.s32 $0x8;
	v45 =	vmul.f32 v40, v4  }
0xa7: {  	v63 =	vmov s24;
	[tilespmem:v42+s28+$0x0] =	vst.idx.msk $0xffff, v39  }
0xa8: {  	s2 =	simm.s32 $0xF;
	s22 =	simm.s32 $0x17;
	v40 =	vshrl.u32 v63, $0x3;
	v39 =	vmul.f32 v43, v2;
	[tilespmem:v44+s28+$0x0] =	vst.idx.msk $0xffff, v45  }
.LBB2_4:
0xa9: {  	p0 =	sne.s32 s22, $0x7F  }
0xaa: {  	v40 =	vshll.u32 v40, v1;
	[tilespmem:v38+s28+$0x0] =	vst.idx.msk $0xffff, v39;
	s1 =	sadd.s32 $0x400, s1;
	s24 =	smov.u32 s22;
	s22 =	sadd.s32 $0x8, s22  }
0xab: {  	v38 =	vld [tilespmem:s1+$0xFFFFFE00];
	v39 =	vbroadcast v40, $0x0  }
0xac: {  	v40 =	vld [tilespmem:s1+$0xFFFFFE10]  }
0xad: {  	v41 =	vld [tilespmem:s1+$0xFFFFFE20];
	v42 =	vadd.s32 v6, v39  }
0xae: {  	v44 =	vadd.s32 v7, v39;
	v43 =	vld [tilespmem:s1+$0xFFFFFE30]  }
0xaf: {  	v45 =	vadd.s32 v8, v39  }
0xb0: {  	v39 =	vadd.s32 v9, v39;
	v38 =	vmul.f32 v38, v5  }
0xb1: {  	v40 =	vmul.f32 v40, v3  }
0xb2: {  	s5 =	sadd.s32 $0xFFFFFFFA, s2;
	v41 =	vmul.f32 v41, v4;
	[tilespmem:v42+s28+$0x0] =	vst.idx.msk $0xffff, v38  }
0xb3: {  	v38 =	vmul.f32 v43, v2;
	[tilespmem:v44+s28+$0x0] =	vst.idx.msk $0xffff, v40;
	v40 =	vmov s5  }
0xb4: {  	[tilespmem:v45+s28+$0x0] =	vst.idx.msk $0xffff, v41;
	v40 =	vshrl.u32 v40, $0x3  }
0xb5: {  	[tilespmem:v39+s28+$0x0] =	vst.idx.msk $0xffff, v38;
	v38 =	vshll.u32 v40, v1  }
0xb6: {  	v39 =	vld [tilespmem:s1+$0xFFFFFE80];
	v38 =	vbroadcast v38, $0x0  }
0xb7: {  	v40 =	vld [tilespmem:s1+$0xFFFFFE90]  }
0xb8: {  	v41 =	vld [tilespmem:s1+$0xFFFFFEA0];
	v42 =	vadd.s32 v10, v38  }
0xb9: {  	v44 =	vadd.s32 v11, v38;
	v43 =	vld [tilespmem:s1+$0xFFFFFEB0]  }
0xba: {  	v45 =	vadd.s32 v12, v38  }
0xbb: {  	v38 =	vadd.s32 v13, v38;
	v39 =	vmul.f32 v39, v5  }
0xbc: {  	v40 =	vmul.f32 v40, v3  }
0xbd: {  	s5 =	sadd.s32 $0xFFFFFFFB, s2;
	v41 =	vmul.f32 v41, v4;
	[tilespmem:v42+s28+$0x0] =	vst.idx.msk $0xffff, v39  }
0xbe: {  	v39 =	vmul.f32 v43, v2;
	[tilespmem:v44+s28+$0x0] =	vst.idx.msk $0xffff, v40;
	v40 =	vmov s5  }
0xbf: {  	[tilespmem:v45+s28+$0x0] =	vst.idx.msk $0xffff, v41;
	v40 =	vshrl.u32 v40, $0x3  }
0xc0: {  	[tilespmem:v38+s28+$0x0] =	vst.idx.msk $0xffff, v39;
	v38 =	vshll.u32 v40, v1  }
0xc1: {  	v39 =	vld [tilespmem:s1+$0xFFFFFF00];
	v38 =	vbroadcast v38, $0x0  }
0xc2: {  	v40 =	vld [tilespmem:s1+$0xFFFFFF10]  }
0xc3: {  	v41 =	vld [tilespmem:s1+$0xFFFFFF20];
	v42 =	vadd.s32 v14, v38  }
0xc4: {  	v44 =	vadd.s32 v15, v38;
	v43 =	vld [tilespmem:s1+$0xFFFFFF30]  }
0xc5: {  	v45 =	vadd.s32 v16, v38  }
0xc6: {  	v38 =	vadd.s32 v17, v38;
	v39 =	vmul.f32 v39, v5  }
0xc7: {  	v40 =	vmul.f32 v40, v3  }
0xc8: {  	s5 =	sadd.s32 $0xFFFFFFFC, s2;
	v41 =	vmul.f32 v41, v4;
	[tilespmem:v42+s28+$0x0] =	vst.idx.msk $0xffff, v39  }
0xc9: {  	v39 =	vmul.f32 v43, v2;
	[tilespmem:v44+s28+$0x0] =	vst.idx.msk $0xffff, v40;
	v40 =	vmov s5  }
0xca: {  	[tilespmem:v45+s28+$0x0] =	vst.idx.msk $0xffff, v41;
	v40 =	vshrl.u32 v40, $0x3  }
0xcb: {  	[tilespmem:v38+s28+$0x0] =	vst.idx.msk $0xffff, v39;
	v38 =	vshll.u32 v40, v1  }
0xcc: {  	v39 =	vld [tilespmem:s1+$0xFFFFFF80];
	v38 =	vbroadcast v38, $0x0  }
0xcd: {  	v40 =	vld [tilespmem:s1+$0xFFFFFF90]  }
0xce: {  	v41 =	vld [tilespmem:s1+$0xFFFFFFA0];
	v42 =	vadd.s32 v18, v38  }
0xcf: {  	v44 =	vadd.s32 v19, v38;
	v43 =	vld [tilespmem:s1+$0xFFFFFFB0]  }
0xd0: {  	v45 =	vadd.s32 v20, v38  }
0xd1: {  	v38 =	vadd.s32 v21, v38;
	v39 =	vmul.f32 v39, v5  }
0xd2: {  	v40 =	vmul.f32 v40, v3  }
0xd3: {  	s5 =	sadd.s32 $0xFFFFFFFD, s2;
	v41 =	vmul.f32 v41, v4;
	[tilespmem:v42+s28+$0x0] =	vst.idx.msk $0xffff, v39  }
0xd4: {  	v39 =	vmul.f32 v43, v2;
	[tilespmem:v44+s28+$0x0] =	vst.idx.msk $0xffff, v40;
	v40 =	vmov s5  }
0xd5: {  	[tilespmem:v45+s28+$0x0] =	vst.idx.msk $0xffff, v41;
	v40 =	vshrl.u32 v40, $0x3  }
0xd6: {  	[tilespmem:v38+s28+$0x0] =	vst.idx.msk $0xffff, v39;
	v38 =	vshll.u32 v40, v1  }
0xd7: {  	v39 =	vld [tilespmem:s1+$0x0];
	v38 =	vbroadcast v38, $0x0  }
0xd8: {  	v40 =	vld [tilespmem:s1+$0x10]  }
0xd9: {  	v41 =	vld [tilespmem:s1+$0x20];
	v42 =	vadd.s32 v22, v38  }
0xda: {  	v44 =	vadd.s32 v23, v38;
	v43 =	vld [tilespmem:s1+$0x30]  }
0xdb: {  	v45 =	vadd.s32 v24, v38  }
0xdc: {  	v38 =	vadd.s32 v25, v38;
	v39 =	vmul.f32 v39, v5  }
0xdd: {  	v40 =	vmul.f32 v40, v3  }
0xde: {  	s5 =	sadd.s32 $0xFFFFFFFE, s2;
	v41 =	vmul.f32 v41, v4;
	[tilespmem:v42+s28+$0x0] =	vst.idx.msk $0xffff, v39  }
0xdf: {  	v39 =	vmul.f32 v43, v2;
	[tilespmem:v44+s28+$0x0] =	vst.idx.msk $0xffff, v40;
	v40 =	vmov s5  }
0xe0: {  	[tilespmem:v45+s28+$0x0] =	vst.idx.msk $0xffff, v41;
	v40 =	vshrl.u32 v40, $0x3  }
0xe1: {  	[tilespmem:v38+s28+$0x0] =	vst.idx.msk $0xffff, v39;
	v38 =	vshll.u32 v40, v1  }
0xe2: {  	v39 =	vld [tilespmem:s1+$0x80];
	v38 =	vbroadcast v38, $0x0  }
0xe3: {  	v40 =	vld [tilespmem:s1+$0x90]  }
0xe4: {  	v41 =	vld [tilespmem:s1+$0xA0];
	v42 =	vadd.s32 v26, v38  }
0xe5: {  	v44 =	vadd.s32 v27, v38;
	v43 =	vld [tilespmem:s1+$0xB0]  }
0xe6: {  	v45 =	vadd.s32 v28, v38  }
0xe7: {  	v38 =	vadd.s32 v29, v38;
	v39 =	vmul.f32 v39, v5  }
0xe8: {  	v40 =	vmul.f32 v40, v3  }
0xe9: {  	s5 =	sadd.s32 $0xFFFFFFFF, s2;
	v41 =	vmul.f32 v41, v4;
	[tilespmem:v42+s28+$0x0] =	vst.idx.msk $0xffff, v39  }
0xea: {  	v39 =	vmul.f32 v43, v2;
	[tilespmem:v44+s28+$0x0] =	vst.idx.msk $0xffff, v40;
	v40 =	vmov s5  }
0xeb: {  	[tilespmem:v45+s28+$0x0] =	vst.idx.msk $0xffff, v41;
	v40 =	vshrl.u32 v40, $0x3  }
0xec: {  	[tilespmem:v38+s28+$0x0] =	vst.idx.msk $0xffff, v39;
	v38 =	vshll.u32 v40, v1  }
0xed: {  	v39 =	vld [tilespmem:s1+$0x100];
	v38 =	vbroadcast v38, $0x0  }
0xee: {  	v40 =	vld [tilespmem:s1+$0x110]  }
0xef: {  	v41 =	vld [tilespmem:s1+$0x120];
	v42 =	vadd.s32 v30, v38  }
0xf0: {  	v44 =	vadd.s32 v31, v38;
	v43 =	vld [tilespmem:s1+$0x130]  }
0xf1: {  	v45 =	vadd.s32 v32, v38  }
0xf2: {  	v38 =	vadd.s32 v33, v38;
	v39 =	vmul.f32 v39, v5  }
0xf3: {  	v40 =	vmul.f32 v40, v3  }
0xf4: {  	v41 =	vmul.f32 v41, v4;
	[tilespmem:v42+s28+$0x0] =	vst.idx.msk $0xffff, v39  }
0xf5: {  	v39 =	vmul.f32 v43, v2;
	[tilespmem:v44+s28+$0x0] =	vst.idx.msk $0xffff, v40;
	v40 =	vmov s2;
	s2 =	smov.u32 s24  }
0xf6: {  	[tilespmem:v45+s28+$0x0] =	vst.idx.msk $0xffff, v41;
	v40 =	vshrl.u32 v40, $0x3  }
0xf7: {  	[tilespmem:v38+s28+$0x0] =	vst.idx.msk $0xffff, v39;
	v38 =	vshll.u32 v40, v1  }
0xf8: {  	v39 =	vld [tilespmem:s1+$0x180];
	v38 =	vbroadcast v38, $0x0  }
0xf9: {  	v40 =	vld [tilespmem:s1+$0x190]  }
0xfa: {  	v41 =	vld [tilespmem:s1+$0x1A0];
	v42 =	vadd.s32 v34, v38  }
0xfb: {  	v44 =	vadd.s32 v35, v38;
	v43 =	vld [tilespmem:s1+$0x1B0]  }
0xfc: {  	v45 =	vadd.s32 v36, v38  }
.Ltmp1:
0xfd: {  	v38 =	vadd.s32 v37, v38;
	v39 =	vmul.f32 v39, v5;
	(pc) =	sbr.rel @p0 .LBB2_4-.Ltmp1, $4  }
0xfe: {  	v40 =	vmul.f32 v40, v3  }
0xff: {  	s5 =	sadd.s32 $0xFFFFFFF9, s2;
	v41 =	vmul.f32 v41, v4;
	[tilespmem:v42+s28+$0x0] =	vst.idx.msk $0xffff, v39  }
0x100: {  	v42 =	vmov s5;
	v39 =	vmul.f32 v43, v2;
	[tilespmem:v44+s28+$0x0] =	vst.idx.msk $0xffff, v40  }
0x101: {  	v40 =	vshrl.u32 v42, $0x3;
	[tilespmem:v45+s28+$0x0] =	vst.idx.msk $0xffff, v41  }
0x102: {  	_ =	sdelay $0x3  }
0x103: {  	v40 =	vshll.u32 v40, v1;
	[tilespmem:v38+s28+$0x0] =	vst.idx.msk $0xffff, v39;
	s1 =	sadd.s32 $0x400, s1  }
0x104: {  	v38 =	vld [tilespmem:s1+$0xFFFFFE00];
	v54 =	vbroadcast v40, $0x0  }
0x105: {  	v55 =	vld [tilespmem:s1+$0xFFFFFE10]  }
0x106: {  	v41 =	vld [tilespmem:s1+$0xFFFFFE20];
	v42 =	vadd.s32 v6, v54  }
0x107: {  	v43 =	vld [tilespmem:s1+$0xFFFFFE30];
	v44 =	vadd.s32 v7, v54  }
0x108: {  	v45 =	vadd.s32 v8, v54  }
0x109: {  	v39 =	vadd.s32 v9, v54;
	v38 =	vmul.f32 v38, v5  }
0x10a: {  	v40 =	vmul.f32 v55, v3  }
0x10b: {  	s5 =	sadd.s32 $0xFFFFFFFA, s2;
	v41 =	vmul.f32 v41, v4;
	[tilespmem:v42+s28+$0x0] =	vst.idx.msk $0xffff, v38  }
0x10c: {  	v57 =	vmov s5;
	v56 =	vmul.f32 v43, v2;
	[tilespmem:v44+s28+$0x0] =	vst.idx.msk $0xffff, v40  }
0x10d: {  	v40 =	vshrl.u32 v57, $0x3;
	[tilespmem:v45+s28+$0x0] =	vst.idx.msk $0xffff, v41  }
0x10e: {  	v58 =	vshll.u32 v40, v1;
	[tilespmem:v39+s28+$0x0] =	vst.idx.msk $0xffff, v56  }
0x10f: {  	v38 =	vbroadcast v58, $0x0;
	v39 =	vld [tilespmem:s1+$0xFFFFFE80]  }
0x110: {  	v59 =	vld [tilespmem:s1+$0xFFFFFE90]  }
0x111: {  	v41 =	vld [tilespmem:s1+$0xFFFFFEA0];
	v60 =	vadd.s32 v10, v38  }
0x112: {  	v61 =	vld [tilespmem:s1+$0xFFFFFEB0];
	v62 =	vadd.s32 v11, v38  }
0x113: {  	v63 =	vadd.s32 v12, v38  }
0x114: {  	v38 =	vadd.s32 v13, v38;
	v39 =	vmul.f32 v39, v5  }
0x115: {  	v40 =	vmul.f32 v59, v3  }
0x116: {  	s24 =	sadd.s32 $0xFFFFFFFB, s2;
	v41 =	vmul.f32 v41, v4;
	[tilespmem:v60+s28+$0x0] =	vst.idx.msk $0xffff, v39  }
0x117: {  	v49 =	vmov s24;
	v48 =	vmul.f32 v61, v2;
	[tilespmem:v62+s28+$0x0] =	vst.idx.msk $0xffff, v40  }
0x118: {  	v40 =	vshrl.u32 v49, $0x3;
	[tilespmem:v63+s28+$0x0] =	vst.idx.msk $0xffff, v41  }
0x119: {  	v50 =	vshll.u32 v40, v1;
	[tilespmem:v38+s28+$0x0] =	vst.idx.msk $0xffff, v48  }
0x11a: {  	v38 =	vbroadcast v50, $0x0;
	v39 =	vld [tilespmem:s1+$0xFFFFFF00]  }
0x11b: {  	v51 =	vld [tilespmem:s1+$0xFFFFFF10]  }
0x11c: {  	v41 =	vld [tilespmem:s1+$0xFFFFFF20];
	v52 =	vadd.s32 v14, v38  }
0x11d: {  	v53 =	vld [tilespmem:s1+$0xFFFFFF30];
	v54 =	vadd.s32 v15, v38  }
0x11e: {  	v55 =	vadd.s32 v16, v38  }
0x11f: {  	v38 =	vadd.s32 v17, v38;
	v39 =	vmul.f32 v39, v5  }
0x120: {  	v40 =	vmul.f32 v51, v3  }
0x121: {  	s6 =	sadd.s32 $0xFFFFFFFC, s2;
	v41 =	vmul.f32 v41, v4;
	[tilespmem:v52+s28+$0x0] =	vst.idx.msk $0xffff, v39  }
0x122: {  	v57 =	vmov s6;
	v56 =	vmul.f32 v53, v2;
	[tilespmem:v54+s28+$0x0] =	vst.idx.msk $0xffff, v40  }
0x123: {  	v40 =	vshrl.u32 v57, $0x3;
	[tilespmem:v55+s28+$0x0] =	vst.idx.msk $0xffff, v41  }
0x124: {  	v58 =	vshll.u32 v40, v1;
	[tilespmem:v38+s28+$0x0] =	vst.idx.msk $0xffff, v56  }
0x125: {  	v38 =	vbroadcast v58, $0x0;
	v39 =	vld [tilespmem:s1+$0xFFFFFF80]  }
0x126: {  	v59 =	vld [tilespmem:s1+$0xFFFFFF90]  }
0x127: {  	v41 =	vld [tilespmem:s1+$0xFFFFFFA0];
	v60 =	vadd.s32 v18, v38  }
0x128: {  	v61 =	vld [tilespmem:s1+$0xFFFFFFB0];
	v62 =	vadd.s32 v19, v38  }
0x129: {  	v63 =	vadd.s32 v20, v38  }
0x12a: {  	v38 =	vadd.s32 v21, v38;
	v39 =	vmul.f32 v39, v5  }
0x12b: {  	v40 =	vmul.f32 v59, v3  }
0x12c: {  	s7 =	sadd.s32 $0xFFFFFFFD, s2;
	v41 =	vmul.f32 v41, v4;
	[tilespmem:v60+s28+$0x0] =	vst.idx.msk $0xffff, v39  }
0x12d: {  	v49 =	vmov s7;
	v48 =	vmul.f32 v61, v2;
	[tilespmem:v62+s28+$0x0] =	vst.idx.msk $0xffff, v40  }
0x12e: {  	v40 =	vshrl.u32 v49, $0x3;
	[tilespmem:v63+s28+$0x0] =	vst.idx.msk $0xffff, v41  }
0x12f: {  	v50 =	vshll.u32 v40, v1;
	[tilespmem:v38+s28+$0x0] =	vst.idx.msk $0xffff, v48  }
0x130: {  	v38 =	vbroadcast v50, $0x0;
	v39 =	vld [tilespmem:s1+$0x0]  }
0x131: {  	v51 =	vld [tilespmem:s1+$0x10]  }
0x132: {  	v41 =	vld [tilespmem:s1+$0x20];
	v52 =	vadd.s32 v22, v38  }
0x133: {  	v53 =	vld [tilespmem:s1+$0x30];
	v54 =	vadd.s32 v23, v38  }
0x134: {  	v55 =	vadd.s32 v24, v38  }
0x135: {  	v38 =	vadd.s32 v25, v38;
	v39 =	vmul.f32 v39, v5  }
0x136: {  	v40 =	vmul.f32 v51, v3  }
0x137: {  	s22 =	sadd.s32 $0xFFFFFFFE, s2;
	v41 =	vmul.f32 v41, v4;
	[tilespmem:v52+s28+$0x0] =	vst.idx.msk $0xffff, v39  }
0x138: {  	v57 =	vmov s22;
	v56 =	vmul.f32 v53, v2;
	[tilespmem:v54+s28+$0x0] =	vst.idx.msk $0xffff, v40  }
0x139: {  	v40 =	vshrl.u32 v57, $0x3;
	[tilespmem:v55+s28+$0x0] =	vst.idx.msk $0xffff, v41  }
0x13a: {  	v58 =	vshll.u32 v40, v1;
	[tilespmem:v38+s28+$0x0] =	vst.idx.msk $0xffff, v56  }
0x13b: {  	v38 =	vbroadcast v58, $0x0;
	v39 =	vld [tilespmem:s1+$0x80]  }
0x13c: {  	v59 =	vld [tilespmem:s1+$0x90]  }
0x13d: {  	v41 =	vld [tilespmem:s1+$0xA0];
	v60 =	vadd.s32 v26, v38  }
0x13e: {  	v61 =	vld [tilespmem:s1+$0xB0];
	v62 =	vadd.s32 v27, v38  }
0x13f: {  	v63 =	vadd.s32 v28, v38  }
0x140: {  	v38 =	vadd.s32 v29, v38;
	v39 =	vmul.f32 v39, v5  }
0x141: {  	v40 =	vmul.f32 v59, v3  }
0x142: {  	s24 =	sadd.s32 $0xFFFFFFFF, s2;
	v41 =	vmul.f32 v41, v4;
	[tilespmem:v60+s28+$0x0] =	vst.idx.msk $0xffff, v39  }
0x143: {  	v49 =	vmov s24;
	v48 =	vmul.f32 v61, v2;
	[tilespmem:v62+s28+$0x0] =	vst.idx.msk $0xffff, v40  }
0x144: {  	v40 =	vshrl.u32 v49, $0x3;
	[tilespmem:v63+s28+$0x0] =	vst.idx.msk $0xffff, v41  }
0x145: {  	v50 =	vshll.u32 v40, v1;
	[tilespmem:v38+s28+$0x0] =	vst.idx.msk $0xffff, v48  }
0x146: {  	v38 =	vbroadcast v50, $0x0;
	v39 =	vld [tilespmem:s1+$0x100]  }
0x147: {  	v51 =	vld [tilespmem:s1+$0x110]  }
0x148: {  	v41 =	vld [tilespmem:s1+$0x120];
	v52 =	vadd.s32 v30, v38  }
0x149: {  	v53 =	vld [tilespmem:s1+$0x130];
	v54 =	vadd.s32 v31, v38  }
0x14a: {  	v55 =	vadd.s32 v32, v38  }
0x14b: {  	v38 =	vadd.s32 v33, v38;
	v39 =	vmul.f32 v39, v5  }
0x14c: {  	v40 =	vmul.f32 v51, v3  }
0x14d: {  	v41 =	vmul.f32 v41, v4;
	[tilespmem:v52+s28+$0x0] =	vst.idx.msk $0xffff, v39  }
0x14e: {  	v57 =	vmov s2;
	v56 =	vmul.f32 v53, v2;
	[tilespmem:v54+s28+$0x0] =	vst.idx.msk $0xffff, v40  }
0x14f: {  	v40 =	vshrl.u32 v57, $0x3;
	[tilespmem:v55+s28+$0x0] =	vst.idx.msk $0xffff, v41  }
0x150: {  	v58 =	vshll.u32 v40, v1;
	[tilespmem:v38+s28+$0x0] =	vst.idx.msk $0xffff, v56  }
0x151: {  	v38 =	vbroadcast v58, $0x0;
	v39 =	vld [tilespmem:s1+$0x180]  }
0x152: {  	v59 =	vld [tilespmem:s1+$0x190]  }
0x153: {  	v41 =	vld [tilespmem:s1+$0x1A0];
	v60 =	vadd.s32 v34, v38  }
0x154: {  	v61 =	vld [tilespmem:s1+$0x1B0];
	v62 =	vadd.s32 v35, v38  }
0x155: {  	v63 =	vadd.s32 v36, v38  }
0x156: {  	v38 =	vadd.s32 v37, v38;
	v39 =	vmul.f32 v39, v5  }
0x157: {  	v40 =	vmul.f32 v59, v3  }
0x158: {  	v41 =	vmul.f32 v41, v4;
	[tilespmem:v60+s28+$0x0] =	vst.idx.msk $0xffff, v39  }
0x159: {  	v47 =	vmul.f32 v61, v2;
	[tilespmem:v62+s28+$0x0] =	vst.idx.msk $0xffff, v40  }
0x15a: {  	[tilespmem:v63+s28+$0x0] =	vst.idx.msk $0xffff, v41  }
0x15b: {  	s5 =	rddreg [dreg:$0x7];
	[tilespmem:v38+s28+$0x0] =	vst.idx.msk $0xffff, v47  }
0x15c: {  	[hbm4b:s5+s4] =	stream.linear.scatter [tilespmem:s28], [sflag:$0x3], $0x8000, $0x38;
	[tilespmem:$0x18100] =	vst v63  }
0x15d: {  	s6 =	simm.s32 $0x0  }
0x15e: {  	[tilespmem:s4], [sflag:$0x1] =	stream.linear.gather [hbm4b:s8+s4], $0x4000, $0x38;
	[tilespmem:$0x18100] =	vst v63  }
0x15f: {  	v48 =	vmov s6;
	_ =	swait.ge [sflag:s29], $0x4000  }
0x160: {  	v38 =	vshrl.u32 v48, $0x3;
	[sflag:s29] =	ssyncset.done $0x0  }
0x161: {  	s1 =	simm.s32 $0x4200;
	v38 =	vshll.u32 v38, v1;
	[sflag:s29] =	ssyncadd.s32 $0xFFFFC000  }
0x162: {  	v38 =	vbroadcast v38, $0x0;
	v49 =	vld [tilespmem:s1+$0xFFFFFE00]  }
0x163: {  	v50 =	vld [tilespmem:s1+$0xFFFFFE10]  }
0x164: {  	v52 =	vadd.s32 v6, v38;
	v51 =	vld [tilespmem:s1+$0xFFFFFE20]  }
0x165: {  	v54 =	vadd.s32 v7, v38;
	v53 =	vld [tilespmem:s1+$0xFFFFFE30]  }
0x166: {  	v55 =	vadd.s32 v8, v38  }
0x167: {  	v38 =	vadd.s32 v9, v38;
	v39 =	vmul.f32 v49, v5  }
0x168: {  	v40 =	vmul.f32 v50, v3  }
0x169: {  	s7 =	simm.s32 $0x1;
	v41 =	vmul.f32 v51, v4;
	[tilespmem:v52+s30+$0x0] =	vst.idx.msk $0xffff, v39  }
0x16a: {  	v57 =	vmov s7;
	v56 =	vmul.f32 v53, v2;
	[tilespmem:v54+s30+$0x0] =	vst.idx.msk $0xffff, v40  }
0x16b: {  	v40 =	vshrl.u32 v57, $0x3;
	[tilespmem:v55+s30+$0x0] =	vst.idx.msk $0xffff, v41  }
0x16c: {  	v58 =	vshll.u32 v40, v1;
	[tilespmem:v38+s30+$0x0] =	vst.idx.msk $0xffff, v56  }
0x16d: {  	v38 =	vbroadcast v58, $0x0;
	v39 =	vld [tilespmem:s1+$0xFFFFFE80]  }
0x16e: {  	v59 =	vld [tilespmem:s1+$0xFFFFFE90]  }
0x16f: {  	v41 =	vld [tilespmem:s1+$0xFFFFFEA0];
	v60 =	vadd.s32 v10, v38  }
0x170: {  	v61 =	vld [tilespmem:s1+$0xFFFFFEB0];
	v62 =	vadd.s32 v11, v38  }
0x171: {  	v63 =	vadd.s32 v12, v38  }
0x172: {  	v38 =	vadd.s32 v13, v38;
	v39 =	vmul.f32 v39, v5  }
0x173: {  	v40 =	vmul.f32 v59, v3  }
0x174: {  	s22 =	simm.s32 $0x2;
	v41 =	vmul.f32 v41, v4;
	[tilespmem:v60+s30+$0x0] =	vst.idx.msk $0xffff, v39  }
0x175: {  	v49 =	vmov s22;
	v48 =	vmul.f32 v61, v2;
	[tilespmem:v62+s30+$0x0] =	vst.idx.msk $0xffff, v40  }
0x176: {  	v40 =	vshrl.u32 v49, $0x3;
	[tilespmem:v63+s30+$0x0] =	vst.idx.msk $0xffff, v41  }
0x177: {  	v50 =	vshll.u32 v40, v1;
	[tilespmem:v38+s30+$0x0] =	vst.idx.msk $0xffff, v48  }
0x178: {  	v38 =	vbroadcast v50, $0x0;
	v39 =	vld [tilespmem:s1+$0xFFFFFF00]  }
0x179: {  	v51 =	vld [tilespmem:s1+$0xFFFFFF10]  }
0x17a: {  	v41 =	vld [tilespmem:s1+$0xFFFFFF20];
	v52 =	vadd.s32 v14, v38  }
0x17b: {  	v53 =	vld [tilespmem:s1+$0xFFFFFF30];
	v54 =	vadd.s32 v15, v38  }
0x17c: {  	v55 =	vadd.s32 v16, v38  }
0x17d: {  	v38 =	vadd.s32 v17, v38;
	v39 =	vmul.f32 v39, v5  }
0x17e: {  	v40 =	vmul.f32 v51, v3  }
0x17f: {  	s24 =	simm.s32 $0x3;
	v41 =	vmul.f32 v41, v4;
	[tilespmem:v52+s30+$0x0] =	vst.idx.msk $0xffff, v39  }
0x180: {  	v57 =	vmov s24;
	v56 =	vmul.f32 v53, v2;
	[tilespmem:v54+s30+$0x0] =	vst.idx.msk $0xffff, v40  }
0x181: {  	v40 =	vshrl.u32 v57, $0x3;
	[tilespmem:v55+s30+$0x0] =	vst.idx.msk $0xffff, v41  }
0x182: {  	v58 =	vshll.u32 v40, v1;
	[tilespmem:v38+s30+$0x0] =	vst.idx.msk $0xffff, v56  }
0x183: {  	v38 =	vbroadcast v58, $0x0;
	v39 =	vld [tilespmem:s1+$0xFFFFFF80]  }
0x184: {  	v59 =	vld [tilespmem:s1+$0xFFFFFF90]  }
0x185: {  	v41 =	vld [tilespmem:s1+$0xFFFFFFA0];
	v60 =	vadd.s32 v18, v38  }
0x186: {  	v61 =	vld [tilespmem:s1+$0xFFFFFFB0];
	v62 =	vadd.s32 v19, v38  }
0x187: {  	v63 =	vadd.s32 v20, v38  }
0x188: {  	v38 =	vadd.s32 v21, v38;
	v39 =	vmul.f32 v39, v5  }
0x189: {  	v40 =	vmul.f32 v59, v3  }
0x18a: {  	s5 =	simm.s32 $0x4;
	v41 =	vmul.f32 v41, v4;
	[tilespmem:v60+s30+$0x0] =	vst.idx.msk $0xffff, v39  }
0x18b: {  	v49 =	vmov s5;
	v48 =	vmul.f32 v61, v2;
	[tilespmem:v62+s30+$0x0] =	vst.idx.msk $0xffff, v40  }
0x18c: {  	v40 =	vshrl.u32 v49, $0x3;
	[tilespmem:v63+s30+$0x0] =	vst.idx.msk $0xffff, v41  }
0x18d: {  	v50 =	vshll.u32 v40, v1;
	[tilespmem:v38+s30+$0x0] =	vst.idx.msk $0xffff, v48  }
0x18e: {  	v38 =	vbroadcast v50, $0x0;
	v39 =	vld [tilespmem:s1+$0x0]  }
0x18f: {  	v51 =	vld [tilespmem:s1+$0x10]  }
0x190: {  	v41 =	vld [tilespmem:s1+$0x20];
	v52 =	vadd.s32 v22, v38  }
0x191: {  	v53 =	vld [tilespmem:s1+$0x30];
	v54 =	vadd.s32 v23, v38  }
0x192: {  	v55 =	vadd.s32 v24, v38  }
0x193: {  	v38 =	vadd.s32 v25, v38;
	v39 =	vmul.f32 v39, v5  }
0x194: {  	v40 =	vmul.f32 v51, v3  }
0x195: {  	s6 =	simm.s32 $0x5;
	v41 =	vmul.f32 v41, v4;
	[tilespmem:v52+s30+$0x0] =	vst.idx.msk $0xffff, v39  }
0x196: {  	v57 =	vmov s6;
	v56 =	vmul.f32 v53, v2;
	[tilespmem:v54+s30+$0x0] =	vst.idx.msk $0xffff, v40  }
0x197: {  	v40 =	vshrl.u32 v57, $0x3;
	[tilespmem:v55+s30+$0x0] =	vst.idx.msk $0xffff, v41  }
0x198: {  	v58 =	vshll.u32 v40, v1;
	[tilespmem:v38+s30+$0x0] =	vst.idx.msk $0xffff, v56  }
0x199: {  	v38 =	vbroadcast v58, $0x0;
	v39 =	vld [tilespmem:s1+$0x80]  }
0x19a: {  	v59 =	vld [tilespmem:s1+$0x90]  }
0x19b: {  	v41 =	vld [tilespmem:s1+$0xA0];
	v60 =	vadd.s32 v26, v38  }
0x19c: {  	v61 =	vld [tilespmem:s1+$0xB0];
	v62 =	vadd.s32 v27, v38  }
0x19d: {  	v63 =	vadd.s32 v28, v38  }
0x19e: {  	v38 =	vadd.s32 v29, v38;
	v39 =	vmul.f32 v39, v5  }
0x19f: {  	v40 =	vmul.f32 v59, v3  }
0x1a0: {  	s7 =	simm.s32 $0x6;
	v41 =	vmul.f32 v41, v4;
	[tilespmem:v60+s30+$0x0] =	vst.idx.msk $0xffff, v39  }
0x1a1: {  	v49 =	vmov s7;
	v48 =	vmul.f32 v61, v2;
	[tilespmem:v62+s30+$0x0] =	vst.idx.msk $0xffff, v40  }
0x1a2: {  	v40 =	vshrl.u32 v49, $0x3;
	[tilespmem:v63+s30+$0x0] =	vst.idx.msk $0xffff, v41  }
0x1a3: {  	v50 =	vshll.u32 v40, v1;
	[tilespmem:v38+s30+$0x0] =	vst.idx.msk $0xffff, v48  }
0x1a4: {  	v38 =	vbroadcast v50, $0x0;
	v39 =	vld [tilespmem:s1+$0x100]  }
0x1a5: {  	v51 =	vld [tilespmem:s1+$0x110]  }
0x1a6: {  	v41 =	vld [tilespmem:s1+$0x120];
	v52 =	vadd.s32 v30, v38  }
0x1a7: {  	v53 =	vld [tilespmem:s1+$0x130];
	v54 =	vadd.s32 v31, v38  }
0x1a8: {  	v55 =	vadd.s32 v32, v38  }
0x1a9: {  	v38 =	vadd.s32 v33, v38;
	v39 =	vmul.f32 v39, v5  }
0x1aa: {  	v40 =	vmul.f32 v51, v3  }
0x1ab: {  	s22 =	simm.s32 $0x7;
	v41 =	vmul.f32 v41, v4;
	[tilespmem:v52+s30+$0x0] =	vst.idx.msk $0xffff, v39  }
0x1ac: {  	v57 =	vmov s22;
	v56 =	vmul.f32 v53, v2;
	[tilespmem:v54+s30+$0x0] =	vst.idx.msk $0xffff, v40  }
0x1ad: {  	v40 =	vshrl.u32 v57, $0x3;
	[tilespmem:v55+s30+$0x0] =	vst.idx.msk $0xffff, v41  }
0x1ae: {  	v58 =	vshll.u32 v40, v1;
	[tilespmem:v38+s30+$0x0] =	vst.idx.msk $0xffff, v56  }
0x1af: {  	v38 =	vbroadcast v58, $0x0;
	v39 =	vld [tilespmem:s1+$0x180]  }
0x1b0: {  	v59 =	vld [tilespmem:s1+$0x190]  }
0x1b1: {  	v41 =	vld [tilespmem:s1+$0x1A0];
	v60 =	vadd.s32 v34, v38  }
0x1b2: {  	v61 =	vadd.s32 v35, v38  }
0x1b3: {  	v44 =	vld [tilespmem:s1+$0x1B0];
	v62 =	vadd.s32 v36, v38  }
0x1b4: {  	v39 =	vmul.f32 v39, v5  }
0x1b5: {  	v38 =	vadd.s32 v37, v38;
	v40 =	vmul.f32 v59, v3  }
0x1b6: {  	s24 =	simm.s32 $0x8;
	v41 =	vmul.f32 v41, v4;
	[tilespmem:v60+s30+$0x0] =	vst.idx.msk $0xffff, v39  }
0x1b7: {  	v63 =	vmov s24;
	[tilespmem:v61+s30+$0x0] =	vst.idx.msk $0xffff, v40  }
0x1b8: {  	s2 =	simm.s32 $0xF;
	s22 =	simm.s32 $0x17;
	v39 =	vmul.f32 v44, v2;
	v40 =	vshrl.u32 v63, $0x3;
	[tilespmem:v62+s30+$0x0] =	vst.idx.msk $0xffff, v41  }
.LBB2_6:
0x1b9: {  	p0 =	sne.s32 s22, $0x7F  }
0x1ba: {  	v40 =	vshll.u32 v40, v1;
	[tilespmem:v38+s30+$0x0] =	vst.idx.msk $0xffff, v39;
	s1 =	sadd.s32 $0x400, s1;
	s24 =	smov.u32 s22;
	s22 =	sadd.s32 $0x8, s22  }
0x1bb: {  	v38 =	vld [tilespmem:s1+$0xFFFFFE00];
	v39 =	vbroadcast v40, $0x0  }
0x1bc: {  	v40 =	vld [tilespmem:s1+$0xFFFFFE10]  }
0x1bd: {  	v41 =	vld [tilespmem:s1+$0xFFFFFE20];
	v42 =	vadd.s32 v6, v39  }
0x1be: {  	v44 =	vadd.s32 v7, v39;
	v43 =	vld [tilespmem:s1+$0xFFFFFE30]  }
0x1bf: {  	v45 =	vadd.s32 v8, v39  }
0x1c0: {  	v39 =	vadd.s32 v9, v39;
	v38 =	vmul.f32 v38, v5  }
0x1c1: {  	v40 =	vmul.f32 v40, v3  }
0x1c2: {  	s5 =	sadd.s32 $0xFFFFFFFA, s2;
	v41 =	vmul.f32 v41, v4;
	[tilespmem:v42+s30+$0x0] =	vst.idx.msk $0xffff, v38  }
0x1c3: {  	v38 =	vmul.f32 v43, v2;
	[tilespmem:v44+s30+$0x0] =	vst.idx.msk $0xffff, v40;
	v40 =	vmov s5  }
0x1c4: {  	[tilespmem:v45+s30+$0x0] =	vst.idx.msk $0xffff, v41;
	v40 =	vshrl.u32 v40, $0x3  }
0x1c5: {  	[tilespmem:v39+s30+$0x0] =	vst.idx.msk $0xffff, v38;
	v38 =	vshll.u32 v40, v1  }
0x1c6: {  	v39 =	vld [tilespmem:s1+$0xFFFFFE80];
	v38 =	vbroadcast v38, $0x0  }
0x1c7: {  	v40 =	vld [tilespmem:s1+$0xFFFFFE90]  }
0x1c8: {  	v41 =	vld [tilespmem:s1+$0xFFFFFEA0];
	v42 =	vadd.s32 v10, v38  }
0x1c9: {  	v44 =	vadd.s32 v11, v38;
	v43 =	vld [tilespmem:s1+$0xFFFFFEB0]  }
0x1ca: {  	v45 =	vadd.s32 v12, v38  }
0x1cb: {  	v38 =	vadd.s32 v13, v38;
	v39 =	vmul.f32 v39, v5  }
0x1cc: {  	v40 =	vmul.f32 v40, v3  }
0x1cd: {  	s5 =	sadd.s32 $0xFFFFFFFB, s2;
	v41 =	vmul.f32 v41, v4;
	[tilespmem:v42+s30+$0x0] =	vst.idx.msk $0xffff, v39  }
0x1ce: {  	v39 =	vmul.f32 v43, v2;
	[tilespmem:v44+s30+$0x0] =	vst.idx.msk $0xffff, v40;
	v40 =	vmov s5  }
0x1cf: {  	[tilespmem:v45+s30+$0x0] =	vst.idx.msk $0xffff, v41;
	v40 =	vshrl.u32 v40, $0x3  }
0x1d0: {  	[tilespmem:v38+s30+$0x0] =	vst.idx.msk $0xffff, v39;
	v38 =	vshll.u32 v40, v1  }
0x1d1: {  	v39 =	vld [tilespmem:s1+$0xFFFFFF00];
	v38 =	vbroadcast v38, $0x0  }
0x1d2: {  	v40 =	vld [tilespmem:s1+$0xFFFFFF10]  }
0x1d3: {  	v41 =	vld [tilespmem:s1+$0xFFFFFF20];
	v42 =	vadd.s32 v14, v38  }
0x1d4: {  	v44 =	vadd.s32 v15, v38;
	v43 =	vld [tilespmem:s1+$0xFFFFFF30]  }
0x1d5: {  	v45 =	vadd.s32 v16, v38  }
0x1d6: {  	v38 =	vadd.s32 v17, v38;
	v39 =	vmul.f32 v39, v5  }
0x1d7: {  	v40 =	vmul.f32 v40, v3  }
0x1d8: {  	s5 =	sadd.s32 $0xFFFFFFFC, s2;
	v41 =	vmul.f32 v41, v4;
	[tilespmem:v42+s30+$0x0] =	vst.idx.msk $0xffff, v39  }
0x1d9: {  	v39 =	vmul.f32 v43, v2;
	[tilespmem:v44+s30+$0x0] =	vst.idx.msk $0xffff, v40;
	v40 =	vmov s5  }
0x1da: {  	[tilespmem:v45+s30+$0x0] =	vst.idx.msk $0xffff, v41;
	v40 =	vshrl.u32 v40, $0x3  }
0x1db: {  	[tilespmem:v38+s30+$0x0] =	vst.idx.msk $0xffff, v39;
	v38 =	vshll.u32 v40, v1  }
0x1dc: {  	v39 =	vld [tilespmem:s1+$0xFFFFFF80];
	v38 =	vbroadcast v38, $0x0  }
0x1dd: {  	v40 =	vld [tilespmem:s1+$0xFFFFFF90]  }
0x1de: {  	v41 =	vld [tilespmem:s1+$0xFFFFFFA0];
	v42 =	vadd.s32 v18, v38  }
0x1df: {  	v44 =	vadd.s32 v19, v38;
	v43 =	vld [tilespmem:s1+$0xFFFFFFB0]  }
0x1e0: {  	v45 =	vadd.s32 v20, v38  }
0x1e1: {  	v38 =	vadd.s32 v21, v38;
	v39 =	vmul.f32 v39, v5  }
0x1e2: {  	v40 =	vmul.f32 v40, v3  }
0x1e3: {  	s5 =	sadd.s32 $0xFFFFFFFD, s2;
	v41 =	vmul.f32 v41, v4;
	[tilespmem:v42+s30+$0x0] =	vst.idx.msk $0xffff, v39  }
0x1e4: {  	v39 =	vmul.f32 v43, v2;
	[tilespmem:v44+s30+$0x0] =	vst.idx.msk $0xffff, v40;
	v40 =	vmov s5  }
0x1e5: {  	[tilespmem:v45+s30+$0x0] =	vst.idx.msk $0xffff, v41;
	v40 =	vshrl.u32 v40, $0x3  }
0x1e6: {  	[tilespmem:v38+s30+$0x0] =	vst.idx.msk $0xffff, v39;
	v38 =	vshll.u32 v40, v1  }
0x1e7: {  	v39 =	vld [tilespmem:s1+$0x0];
	v38 =	vbroadcast v38, $0x0  }
0x1e8: {  	v40 =	vld [tilespmem:s1+$0x10]  }
0x1e9: {  	v41 =	vld [tilespmem:s1+$0x20];
	v42 =	vadd.s32 v22, v38  }
0x1ea: {  	v44 =	vadd.s32 v23, v38;
	v43 =	vld [tilespmem:s1+$0x30]  }
0x1eb: {  	v45 =	vadd.s32 v24, v38  }
0x1ec: {  	v38 =	vadd.s32 v25, v38;
	v39 =	vmul.f32 v39, v5  }
0x1ed: {  	v40 =	vmul.f32 v40, v3  }
0x1ee: {  	s5 =	sadd.s32 $0xFFFFFFFE, s2;
	v41 =	vmul.f32 v41, v4;
	[tilespmem:v42+s30+$0x0] =	vst.idx.msk $0xffff, v39  }
0x1ef: {  	v39 =	vmul.f32 v43, v2;
	[tilespmem:v44+s30+$0x0] =	vst.idx.msk $0xffff, v40;
	v40 =	vmov s5  }
0x1f0: {  	[tilespmem:v45+s30+$0x0] =	vst.idx.msk $0xffff, v41;
	v40 =	vshrl.u32 v40, $0x3  }
0x1f1: {  	[tilespmem:v38+s30+$0x0] =	vst.idx.msk $0xffff, v39;
	v38 =	vshll.u32 v40, v1  }
0x1f2: {  	v39 =	vld [tilespmem:s1+$0x80];
	v38 =	vbroadcast v38, $0x0  }
0x1f3: {  	v40 =	vld [tilespmem:s1+$0x90]  }
0x1f4: {  	v41 =	vld [tilespmem:s1+$0xA0];
	v42 =	vadd.s32 v26, v38  }
0x1f5: {  	v44 =	vadd.s32 v27, v38;
	v43 =	vld [tilespmem:s1+$0xB0]  }
0x1f6: {  	v45 =	vadd.s32 v28, v38  }
0x1f7: {  	v38 =	vadd.s32 v29, v38;
	v39 =	vmul.f32 v39, v5  }
0x1f8: {  	v40 =	vmul.f32 v40, v3  }
0x1f9: {  	s5 =	sadd.s32 $0xFFFFFFFF, s2;
	v41 =	vmul.f32 v41, v4;
	[tilespmem:v42+s30+$0x0] =	vst.idx.msk $0xffff, v39  }
0x1fa: {  	v39 =	vmul.f32 v43, v2;
	[tilespmem:v44+s30+$0x0] =	vst.idx.msk $0xffff, v40;
	v40 =	vmov s5  }
0x1fb: {  	[tilespmem:v45+s30+$0x0] =	vst.idx.msk $0xffff, v41;
	v40 =	vshrl.u32 v40, $0x3  }
0x1fc: {  	[tilespmem:v38+s30+$0x0] =	vst.idx.msk $0xffff, v39;
	v38 =	vshll.u32 v40, v1  }
0x1fd: {  	v39 =	vld [tilespmem:s1+$0x100];
	v38 =	vbroadcast v38, $0x0  }
0x1fe: {  	v40 =	vld [tilespmem:s1+$0x110]  }
0x1ff: {  	v41 =	vld [tilespmem:s1+$0x120];
	v42 =	vadd.s32 v30, v38  }
0x200: {  	v44 =	vadd.s32 v31, v38;
	v43 =	vld [tilespmem:s1+$0x130]  }
0x201: {  	v45 =	vadd.s32 v32, v38  }
0x202: {  	v38 =	vadd.s32 v33, v38;
	v39 =	vmul.f32 v39, v5  }
0x203: {  	v40 =	vmul.f32 v40, v3  }
0x204: {  	v41 =	vmul.f32 v41, v4;
	[tilespmem:v42+s30+$0x0] =	vst.idx.msk $0xffff, v39  }
0x205: {  	v39 =	vmul.f32 v43, v2;
	[tilespmem:v44+s30+$0x0] =	vst.idx.msk $0xffff, v40;
	v40 =	vmov s2;
	s2 =	smov.u32 s24  }
0x206: {  	[tilespmem:v45+s30+$0x0] =	vst.idx.msk $0xffff, v41;
	v40 =	vshrl.u32 v40, $0x3  }
0x207: {  	[tilespmem:v38+s30+$0x0] =	vst.idx.msk $0xffff, v39;
	v38 =	vshll.u32 v40, v1  }
0x208: {  	v39 =	vld [tilespmem:s1+$0x180];
	v38 =	vbroadcast v38, $0x0  }
0x209: {  	v40 =	vld [tilespmem:s1+$0x190]  }
0x20a: {  	v41 =	vld [tilespmem:s1+$0x1A0];
	v42 =	vadd.s32 v34, v38  }
0x20b: {  	v44 =	vadd.s32 v35, v38;
	v43 =	vld [tilespmem:s1+$0x1B0]  }
0x20c: {  	v45 =	vadd.s32 v36, v38  }
.Ltmp2:
0x20d: {  	v38 =	vadd.s32 v37, v38;
	v39 =	vmul.f32 v39, v5;
	(pc) =	sbr.rel @p0 .LBB2_6-.Ltmp2, $4  }
0x20e: {  	v40 =	vmul.f32 v40, v3  }
0x20f: {  	s5 =	sadd.s32 $0xFFFFFFF9, s2;
	v41 =	vmul.f32 v41, v4;
	[tilespmem:v42+s30+$0x0] =	vst.idx.msk $0xffff, v39  }
0x210: {  	v42 =	vmov s5;
	v39 =	vmul.f32 v43, v2;
	[tilespmem:v44+s30+$0x0] =	vst.idx.msk $0xffff, v40  }
0x211: {  	v40 =	vshrl.u32 v42, $0x3;
	[tilespmem:v45+s30+$0x0] =	vst.idx.msk $0xffff, v41  }
0x212: {  	_ =	sdelay $0x3  }
0x213: {  	v40 =	vshll.u32 v40, v1;
	[tilespmem:v38+s30+$0x0] =	vst.idx.msk $0xffff, v39;
	s1 =	sadd.s32 $0x400, s1  }
0x214: {  	v38 =	vld [tilespmem:s1+$0xFFFFFE00];
	v54 =	vbroadcast v40, $0x0  }
0x215: {  	v55 =	vld [tilespmem:s1+$0xFFFFFE10]  }
0x216: {  	v41 =	vld [tilespmem:s1+$0xFFFFFE20];
	v42 =	vadd.s32 v6, v54  }
0x217: {  	v43 =	vld [tilespmem:s1+$0xFFFFFE30];
	v44 =	vadd.s32 v7, v54  }
0x218: {  	v45 =	vadd.s32 v8, v54  }
0x219: {  	v39 =	vadd.s32 v9, v54;
	v38 =	vmul.f32 v38, v5  }
0x21a: {  	v40 =	vmul.f32 v55, v3  }
0x21b: {  	s5 =	sadd.s32 $0xFFFFFFFA, s2;
	v41 =	vmul.f32 v41, v4;
	[tilespmem:v42+s30+$0x0] =	vst.idx.msk $0xffff, v38  }
0x21c: {  	v57 =	vmov s5;
	v56 =	vmul.f32 v43, v2;
	[tilespmem:v44+s30+$0x0] =	vst.idx.msk $0xffff, v40  }
0x21d: {  	v40 =	vshrl.u32 v57, $0x3;
	[tilespmem:v45+s30+$0x0] =	vst.idx.msk $0xffff, v41  }
0x21e: {  	v58 =	vshll.u32 v40, v1;
	[tilespmem:v39+s30+$0x0] =	vst.idx.msk $0xffff, v56  }
0x21f: {  	v38 =	vbroadcast v58, $0x0;
	v39 =	vld [tilespmem:s1+$0xFFFFFE80]  }
0x220: {  	v59 =	vld [tilespmem:s1+$0xFFFFFE90]  }
0x221: {  	v41 =	vld [tilespmem:s1+$0xFFFFFEA0];
	v60 =	vadd.s32 v10, v38  }
0x222: {  	v61 =	vld [tilespmem:s1+$0xFFFFFEB0];
	v62 =	vadd.s32 v11, v38  }
0x223: {  	v63 =	vadd.s32 v12, v38  }
0x224: {  	v38 =	vadd.s32 v13, v38;
	v39 =	vmul.f32 v39, v5  }
0x225: {  	v40 =	vmul.f32 v59, v3  }
0x226: {  	s24 =	sadd.s32 $0xFFFFFFFB, s2;
	v41 =	vmul.f32 v41, v4;
	[tilespmem:v60+s30+$0x0] =	vst.idx.msk $0xffff, v39  }
0x227: {  	v49 =	vmov s24;
	v48 =	vmul.f32 v61, v2;
	[tilespmem:v62+s30+$0x0] =	vst.idx.msk $0xffff, v40  }
0x228: {  	v40 =	vshrl.u32 v49, $0x3;
	[tilespmem:v63+s30+$0x0] =	vst.idx.msk $0xffff, v41  }
0x229: {  	v50 =	vshll.u32 v40, v1;
	[tilespmem:v38+s30+$0x0] =	vst.idx.msk $0xffff, v48  }
0x22a: {  	v38 =	vbroadcast v50, $0x0;
	v39 =	vld [tilespmem:s1+$0xFFFFFF00]  }
0x22b: {  	v51 =	vld [tilespmem:s1+$0xFFFFFF10]  }
0x22c: {  	v41 =	vld [tilespmem:s1+$0xFFFFFF20];
	v52 =	vadd.s32 v14, v38  }
0x22d: {  	v53 =	vld [tilespmem:s1+$0xFFFFFF30];
	v54 =	vadd.s32 v15, v38  }
0x22e: {  	v55 =	vadd.s32 v16, v38  }
0x22f: {  	v38 =	vadd.s32 v17, v38;
	v39 =	vmul.f32 v39, v5  }
0x230: {  	v40 =	vmul.f32 v51, v3  }
0x231: {  	s6 =	sadd.s32 $0xFFFFFFFC, s2;
	v41 =	vmul.f32 v41, v4;
	[tilespmem:v52+s30+$0x0] =	vst.idx.msk $0xffff, v39  }
0x232: {  	v57 =	vmov s6;
	v56 =	vmul.f32 v53, v2;
	[tilespmem:v54+s30+$0x0] =	vst.idx.msk $0xffff, v40  }
0x233: {  	v40 =	vshrl.u32 v57, $0x3;
	[tilespmem:v55+s30+$0x0] =	vst.idx.msk $0xffff, v41  }
0x234: {  	v58 =	vshll.u32 v40, v1;
	[tilespmem:v38+s30+$0x0] =	vst.idx.msk $0xffff, v56  }
0x235: {  	v38 =	vbroadcast v58, $0x0;
	v39 =	vld [tilespmem:s1+$0xFFFFFF80]  }
0x236: {  	v59 =	vld [tilespmem:s1+$0xFFFFFF90]  }
0x237: {  	v41 =	vld [tilespmem:s1+$0xFFFFFFA0];
	v60 =	vadd.s32 v18, v38  }
0x238: {  	v61 =	vld [tilespmem:s1+$0xFFFFFFB0];
	v62 =	vadd.s32 v19, v38  }
0x239: {  	v63 =	vadd.s32 v20, v38  }
0x23a: {  	v38 =	vadd.s32 v21, v38;
	v39 =	vmul.f32 v39, v5  }
0x23b: {  	v40 =	vmul.f32 v59, v3  }
0x23c: {  	s7 =	sadd.s32 $0xFFFFFFFD, s2;
	v41 =	vmul.f32 v41, v4;
	[tilespmem:v60+s30+$0x0] =	vst.idx.msk $0xffff, v39  }
0x23d: {  	v49 =	vmov s7;
	v48 =	vmul.f32 v61, v2;
	[tilespmem:v62+s30+$0x0] =	vst.idx.msk $0xffff, v40  }
0x23e: {  	v40 =	vshrl.u32 v49, $0x3;
	[tilespmem:v63+s30+$0x0] =	vst.idx.msk $0xffff, v41  }
0x23f: {  	v50 =	vshll.u32 v40, v1;
	[tilespmem:v38+s30+$0x0] =	vst.idx.msk $0xffff, v48  }
0x240: {  	v38 =	vbroadcast v50, $0x0;
	v39 =	vld [tilespmem:s1+$0x0]  }
0x241: {  	v51 =	vld [tilespmem:s1+$0x10]  }
0x242: {  	v41 =	vld [tilespmem:s1+$0x20];
	v52 =	vadd.s32 v22, v38  }
0x243: {  	v53 =	vld [tilespmem:s1+$0x30];
	v54 =	vadd.s32 v23, v38  }
0x244: {  	v55 =	vadd.s32 v24, v38  }
0x245: {  	v38 =	vadd.s32 v25, v38;
	v39 =	vmul.f32 v39, v5  }
0x246: {  	v40 =	vmul.f32 v51, v3  }
0x247: {  	s22 =	sadd.s32 $0xFFFFFFFE, s2;
	v41 =	vmul.f32 v41, v4;
	[tilespmem:v52+s30+$0x0] =	vst.idx.msk $0xffff, v39  }
0x248: {  	v57 =	vmov s22;
	v56 =	vmul.f32 v53, v2;
	[tilespmem:v54+s30+$0x0] =	vst.idx.msk $0xffff, v40  }
0x249: {  	v40 =	vshrl.u32 v57, $0x3;
	[tilespmem:v55+s30+$0x0] =	vst.idx.msk $0xffff, v41  }
0x24a: {  	v58 =	vshll.u32 v40, v1;
	[tilespmem:v38+s30+$0x0] =	vst.idx.msk $0xffff, v56  }
0x24b: {  	v38 =	vbroadcast v58, $0x0;
	v39 =	vld [tilespmem:s1+$0x80]  }
0x24c: {  	v59 =	vld [tilespmem:s1+$0x90]  }
0x24d: {  	v41 =	vld [tilespmem:s1+$0xA0];
	v60 =	vadd.s32 v26, v38  }
0x24e: {  	v61 =	vld [tilespmem:s1+$0xB0];
	v62 =	vadd.s32 v27, v38  }
0x24f: {  	v63 =	vadd.s32 v28, v38  }
0x250: {  	v38 =	vadd.s32 v29, v38;
	v39 =	vmul.f32 v39, v5  }
0x251: {  	v40 =	vmul.f32 v59, v3  }
0x252: {  	s24 =	sadd.s32 $0xFFFFFFFF, s2;
	v41 =	vmul.f32 v41, v4;
	[tilespmem:v60+s30+$0x0] =	vst.idx.msk $0xffff, v39  }
0x253: {  	v49 =	vmov s24;
	v48 =	vmul.f32 v61, v2;
	[tilespmem:v62+s30+$0x0] =	vst.idx.msk $0xffff, v40  }
0x254: {  	v40 =	vshrl.u32 v49, $0x3;
	[tilespmem:v63+s30+$0x0] =	vst.idx.msk $0xffff, v41  }
0x255: {  	v50 =	vshll.u32 v40, v1;
	[tilespmem:v38+s30+$0x0] =	vst.idx.msk $0xffff, v48  }
0x256: {  	v38 =	vbroadcast v50, $0x0;
	v39 =	vld [tilespmem:s1+$0x100]  }
0x257: {  	v51 =	vld [tilespmem:s1+$0x110]  }
0x258: {  	v41 =	vld [tilespmem:s1+$0x120];
	v52 =	vadd.s32 v30, v38  }
0x259: {  	v53 =	vld [tilespmem:s1+$0x130];
	v54 =	vadd.s32 v31, v38  }
0x25a: {  	v55 =	vadd.s32 v32, v38  }
0x25b: {  	v38 =	vadd.s32 v33, v38;
	v39 =	vmul.f32 v39, v5  }
0x25c: {  	v40 =	vmul.f32 v51, v3  }
0x25d: {  	v41 =	vmul.f32 v41, v4;
	[tilespmem:v52+s30+$0x0] =	vst.idx.msk $0xffff, v39  }
0x25e: {  	v57 =	vmov s2;
	v56 =	vmul.f32 v53, v2;
	[tilespmem:v54+s30+$0x0] =	vst.idx.msk $0xffff, v40  }
0x25f: {  	v40 =	vshrl.u32 v57, $0x3;
	[tilespmem:v55+s30+$0x0] =	vst.idx.msk $0xffff, v41  }
0x260: {  	v58 =	vshll.u32 v40, v1;
	[tilespmem:v38+s30+$0x0] =	vst.idx.msk $0xffff, v56  }
0x261: {  	v38 =	vbroadcast v58, $0x0;
	v39 =	vld [tilespmem:s1+$0x180]  }
0x262: {  	v59 =	vld [tilespmem:s1+$0x190]  }
0x263: {  	v41 =	vld [tilespmem:s1+$0x1A0];
	v60 =	vadd.s32 v34, v38  }
0x264: {  	v61 =	vld [tilespmem:s1+$0x1B0];
	v62 =	vadd.s32 v35, v38  }
0x265: {  	v63 =	vadd.s32 v36, v38  }
0x266: {  	v38 =	vadd.s32 v37, v38;
	v39 =	vmul.f32 v39, v5  }
0x267: {  	v40 =	vmul.f32 v59, v3  }
0x268: {  	v41 =	vmul.f32 v41, v4;
	[tilespmem:v60+s30+$0x0] =	vst.idx.msk $0xffff, v39  }
0x269: {  	v47 =	vmul.f32 v61, v2;
	[tilespmem:v62+s30+$0x0] =	vst.idx.msk $0xffff, v40  }
0x26a: {  	[tilespmem:v63+s30+$0x0] =	vst.idx.msk $0xffff, v41  }
0x26b: {  	[tilespmem:v38+s30+$0x0] =	vst.idx.msk $0xffff, v47  }
0x26c: {  	[hbm4b:s9+s4] =	stream.linear.scatter [tilespmem:s30], [sflag:$0x4], $0x8000, $0x38;
	[tilespmem:$0x18100] =	vst v63  }
0x26d: {  	_ = 	snop  }
0x26e: {  	[tilespmem:s25], [sflag:$0x2] =	stream.linear.gather [hbm4b:s10+s4], $0x4000, $0x38;
	[tilespmem:$0x18100] =	vst v63  }
0x26f: {  	_ =	swait.ge [sflag:s26], $0x4000  }
0x270: {  	[sflag:s26] =	ssyncset.done $0x0  }
0x271: {  	s6 =	simm.s32 $0x0;
	[sflag:s26] =	ssyncadd.s32 $0xFFFFC000  }
0x272: {  	v48 =	vmov s6;
	_ =	swait.ge [sflag:s31], $0x8000  }
0x273: {  	v38 =	vshrl.u32 v48, $0x3;
	[sflag:s31] =	ssyncset.done $0x0  }
0x274: {  	s1 =	simm.s32 $0x200;
	v38 =	vshll.u32 v38, v1;
	[sflag:s31] =	ssyncadd.s32 $0xFFFF8000  }
0x275: {  	v38 =	vbroadcast v38, $0x0;
	v49 =	vld [tilespmem:s1+$0xFFFFFE00]  }
0x276: {  	v50 =	vld [tilespmem:s1+$0xFFFFFE10]  }
0x277: {  	v52 =	vadd.s32 v6, v38;
	v51 =	vld [tilespmem:s1+$0xFFFFFE20]  }
0x278: {  	v54 =	vadd.s32 v7, v38;
	v53 =	vld [tilespmem:s1+$0xFFFFFE30]  }
0x279: {  	v55 =	vadd.s32 v8, v38  }
0x27a: {  	v38 =	vadd.s32 v9, v38;
	v39 =	vmul.f32 v49, v5  }
0x27b: {  	v40 =	vmul.f32 v50, v3  }
0x27c: {  	s7 =	simm.s32 $0x1;
	v41 =	vmul.f32 v51, v4;
	[tilespmem:v52+s28+$0x0] =	vst.idx.msk $0xffff, v39  }
0x27d: {  	v57 =	vmov s7;
	v56 =	vmul.f32 v53, v2;
	[tilespmem:v54+s28+$0x0] =	vst.idx.msk $0xffff, v40  }
0x27e: {  	v40 =	vshrl.u32 v57, $0x3;
	[tilespmem:v55+s28+$0x0] =	vst.idx.msk $0xffff, v41  }
0x27f: {  	v58 =	vshll.u32 v40, v1;
	[tilespmem:v38+s28+$0x0] =	vst.idx.msk $0xffff, v56  }
0x280: {  	v38 =	vbroadcast v58, $0x0;
	v39 =	vld [tilespmem:s1+$0xFFFFFE80]  }
0x281: {  	v59 =	vld [tilespmem:s1+$0xFFFFFE90]  }
0x282: {  	v41 =	vld [tilespmem:s1+$0xFFFFFEA0];
	v60 =	vadd.s32 v10, v38  }
0x283: {  	v61 =	vld [tilespmem:s1+$0xFFFFFEB0];
	v62 =	vadd.s32 v11, v38  }
0x284: {  	v63 =	vadd.s32 v12, v38  }
0x285: {  	v38 =	vadd.s32 v13, v38;
	v39 =	vmul.f32 v39, v5  }
0x286: {  	v40 =	vmul.f32 v59, v3  }
0x287: {  	s22 =	simm.s32 $0x2;
	v41 =	vmul.f32 v41, v4;
	[tilespmem:v60+s28+$0x0] =	vst.idx.msk $0xffff, v39  }
0x288: {  	v49 =	vmov s22;
	v48 =	vmul.f32 v61, v2;
	[tilespmem:v62+s28+$0x0] =	vst.idx.msk $0xffff, v40  }
0x289: {  	v40 =	vshrl.u32 v49, $0x3;
	[tilespmem:v63+s28+$0x0] =	vst.idx.msk $0xffff, v41  }
0x28a: {  	v50 =	vshll.u32 v40, v1;
	[tilespmem:v38+s28+$0x0] =	vst.idx.msk $0xffff, v48  }
0x28b: {  	v38 =	vbroadcast v50, $0x0;
	v39 =	vld [tilespmem:s1+$0xFFFFFF00]  }
0x28c: {  	v51 =	vld [tilespmem:s1+$0xFFFFFF10]  }
0x28d: {  	v41 =	vld [tilespmem:s1+$0xFFFFFF20];
	v52 =	vadd.s32 v14, v38  }
0x28e: {  	v53 =	vld [tilespmem:s1+$0xFFFFFF30];
	v54 =	vadd.s32 v15, v38  }
0x28f: {  	v55 =	vadd.s32 v16, v38  }
0x290: {  	v38 =	vadd.s32 v17, v38;
	v39 =	vmul.f32 v39, v5  }
0x291: {  	v40 =	vmul.f32 v51, v3  }
0x292: {  	s24 =	simm.s32 $0x3;
	v41 =	vmul.f32 v41, v4;
	[tilespmem:v52+s28+$0x0] =	vst.idx.msk $0xffff, v39  }
0x293: {  	v57 =	vmov s24;
	v56 =	vmul.f32 v53, v2;
	[tilespmem:v54+s28+$0x0] =	vst.idx.msk $0xffff, v40  }
0x294: {  	v40 =	vshrl.u32 v57, $0x3;
	[tilespmem:v55+s28+$0x0] =	vst.idx.msk $0xffff, v41  }
0x295: {  	v58 =	vshll.u32 v40, v1;
	[tilespmem:v38+s28+$0x0] =	vst.idx.msk $0xffff, v56  }
0x296: {  	v38 =	vbroadcast v58, $0x0;
	v39 =	vld [tilespmem:s1+$0xFFFFFF80]  }
0x297: {  	v59 =	vld [tilespmem:s1+$0xFFFFFF90]  }
0x298: {  	v41 =	vld [tilespmem:s1+$0xFFFFFFA0];
	v60 =	vadd.s32 v18, v38  }
0x299: {  	v61 =	vld [tilespmem:s1+$0xFFFFFFB0];
	v62 =	vadd.s32 v19, v38  }
0x29a: {  	v63 =	vadd.s32 v20, v38  }
0x29b: {  	v38 =	vadd.s32 v21, v38;
	v39 =	vmul.f32 v39, v5  }
0x29c: {  	v40 =	vmul.f32 v59, v3  }
0x29d: {  	s5 =	simm.s32 $0x4;
	v41 =	vmul.f32 v41, v4;
	[tilespmem:v60+s28+$0x0] =	vst.idx.msk $0xffff, v39  }
0x29e: {  	v49 =	vmov s5;
	v48 =	vmul.f32 v61, v2;
	[tilespmem:v62+s28+$0x0] =	vst.idx.msk $0xffff, v40  }
0x29f: {  	v40 =	vshrl.u32 v49, $0x3;
	[tilespmem:v63+s28+$0x0] =	vst.idx.msk $0xffff, v41  }
0x2a0: {  	v50 =	vshll.u32 v40, v1;
	[tilespmem:v38+s28+$0x0] =	vst.idx.msk $0xffff, v48  }
0x2a1: {  	v38 =	vbroadcast v50, $0x0;
	v39 =	vld [tilespmem:s1+$0x0]  }
0x2a2: {  	v51 =	vld [tilespmem:s1+$0x10]  }
0x2a3: {  	v41 =	vld [tilespmem:s1+$0x20];
	v52 =	vadd.s32 v22, v38  }
0x2a4: {  	v53 =	vld [tilespmem:s1+$0x30];
	v54 =	vadd.s32 v23, v38  }
0x2a5: {  	v55 =	vadd.s32 v24, v38  }
0x2a6: {  	v38 =	vadd.s32 v25, v38;
	v39 =	vmul.f32 v39, v5  }
0x2a7: {  	v40 =	vmul.f32 v51, v3  }
0x2a8: {  	s6 =	simm.s32 $0x5;
	v41 =	vmul.f32 v41, v4;
	[tilespmem:v52+s28+$0x0] =	vst.idx.msk $0xffff, v39  }
0x2a9: {  	v57 =	vmov s6;
	v56 =	vmul.f32 v53, v2;
	[tilespmem:v54+s28+$0x0] =	vst.idx.msk $0xffff, v40  }
0x2aa: {  	v40 =	vshrl.u32 v57, $0x3;
	[tilespmem:v55+s28+$0x0] =	vst.idx.msk $0xffff, v41  }
0x2ab: {  	v58 =	vshll.u32 v40, v1;
	[tilespmem:v38+s28+$0x0] =	vst.idx.msk $0xffff, v56  }
0x2ac: {  	v38 =	vbroadcast v58, $0x0;
	v39 =	vld [tilespmem:s1+$0x80]  }
0x2ad: {  	v59 =	vld [tilespmem:s1+$0x90]  }
0x2ae: {  	v41 =	vld [tilespmem:s1+$0xA0];
	v60 =	vadd.s32 v26, v38  }
0x2af: {  	v61 =	vld [tilespmem:s1+$0xB0];
	v62 =	vadd.s32 v27, v38  }
0x2b0: {  	v63 =	vadd.s32 v28, v38  }
0x2b1: {  	v38 =	vadd.s32 v29, v38;
	v39 =	vmul.f32 v39, v5  }
0x2b2: {  	v40 =	vmul.f32 v59, v3  }
0x2b3: {  	s7 =	simm.s32 $0x6;
	v41 =	vmul.f32 v41, v4;
	[tilespmem:v60+s28+$0x0] =	vst.idx.msk $0xffff, v39  }
0x2b4: {  	v49 =	vmov s7;
	v48 =	vmul.f32 v61, v2;
	[tilespmem:v62+s28+$0x0] =	vst.idx.msk $0xffff, v40  }
0x2b5: {  	v40 =	vshrl.u32 v49, $0x3;
	[tilespmem:v63+s28+$0x0] =	vst.idx.msk $0xffff, v41  }
0x2b6: {  	v50 =	vshll.u32 v40, v1;
	[tilespmem:v38+s28+$0x0] =	vst.idx.msk $0xffff, v48  }
0x2b7: {  	v38 =	vbroadcast v50, $0x0;
	v39 =	vld [tilespmem:s1+$0x100]  }
0x2b8: {  	v51 =	vld [tilespmem:s1+$0x110]  }
0x2b9: {  	v41 =	vld [tilespmem:s1+$0x120];
	v52 =	vadd.s32 v30, v38  }
0x2ba: {  	v53 =	vld [tilespmem:s1+$0x130];
	v54 =	vadd.s32 v31, v38  }
0x2bb: {  	v55 =	vadd.s32 v32, v38  }
0x2bc: {  	v38 =	vadd.s32 v33, v38;
	v39 =	vmul.f32 v39, v5  }
0x2bd: {  	v40 =	vmul.f32 v51, v3  }
0x2be: {  	s22 =	simm.s32 $0x7;
	v41 =	vmul.f32 v41, v4;
	[tilespmem:v52+s28+$0x0] =	vst.idx.msk $0xffff, v39  }
0x2bf: {  	v57 =	vmov s22;
	v56 =	vmul.f32 v53, v2;
	[tilespmem:v54+s28+$0x0] =	vst.idx.msk $0xffff, v40  }
0x2c0: {  	v40 =	vshrl.u32 v57, $0x3;
	[tilespmem:v55+s28+$0x0] =	vst.idx.msk $0xffff, v41  }
0x2c1: {  	v58 =	vshll.u32 v40, v1;
	[tilespmem:v38+s28+$0x0] =	vst.idx.msk $0xffff, v56  }
0x2c2: {  	v38 =	vbroadcast v58, $0x0;
	v39 =	vld [tilespmem:s1+$0x180]  }
0x2c3: {  	v59 =	vld [tilespmem:s1+$0x190]  }
0x2c4: {  	v41 =	vld [tilespmem:s1+$0x1A0];
	v60 =	vadd.s32 v34, v38  }
0x2c5: {  	v61 =	vadd.s32 v35, v38  }
0x2c6: {  	v44 =	vld [tilespmem:s1+$0x1B0];
	v62 =	vadd.s32 v36, v38  }
0x2c7: {  	v39 =	vmul.f32 v39, v5  }
0x2c8: {  	v38 =	vadd.s32 v37, v38;
	v40 =	vmul.f32 v59, v3  }
0x2c9: {  	s24 =	simm.s32 $0x8;
	v41 =	vmul.f32 v41, v4;
	[tilespmem:v60+s28+$0x0] =	vst.idx.msk $0xffff, v39  }
0x2ca: {  	v63 =	vmov s24;
	[tilespmem:v61+s28+$0x0] =	vst.idx.msk $0xffff, v40  }
0x2cb: {  	s2 =	simm.s32 $0xF;
	s22 =	simm.s32 $0x17;
	v39 =	vmul.f32 v44, v2;
	v40 =	vshrl.u32 v63, $0x3;
	[tilespmem:v62+s28+$0x0] =	vst.idx.msk $0xffff, v41  }
.LBB2_8:
0x2cc: {  	p0 =	sne.s32 s22, $0x7F  }
0x2cd: {  	v40 =	vshll.u32 v40, v1;
	[tilespmem:v38+s28+$0x0] =	vst.idx.msk $0xffff, v39;
	s1 =	sadd.s32 $0x400, s1;
	s24 =	smov.u32 s22;
	s22 =	sadd.s32 $0x8, s22  }
0x2ce: {  	v38 =	vld [tilespmem:s1+$0xFFFFFE00];
	v39 =	vbroadcast v40, $0x0  }
0x2cf: {  	v40 =	vld [tilespmem:s1+$0xFFFFFE10]  }
0x2d0: {  	v41 =	vld [tilespmem:s1+$0xFFFFFE20];
	v42 =	vadd.s32 v6, v39  }
0x2d1: {  	v44 =	vadd.s32 v7, v39;
	v43 =	vld [tilespmem:s1+$0xFFFFFE30]  }
0x2d2: {  	v45 =	vadd.s32 v8, v39  }
0x2d3: {  	v39 =	vadd.s32 v9, v39;
	v38 =	vmul.f32 v38, v5  }
0x2d4: {  	v40 =	vmul.f32 v40, v3  }
0x2d5: {  	s5 =	sadd.s32 $0xFFFFFFFA, s2;
	v41 =	vmul.f32 v41, v4;
	[tilespmem:v42+s28+$0x0] =	vst.idx.msk $0xffff, v38  }
0x2d6: {  	v38 =	vmul.f32 v43, v2;
	[tilespmem:v44+s28+$0x0] =	vst.idx.msk $0xffff, v40;
	v40 =	vmov s5  }
0x2d7: {  	[tilespmem:v45+s28+$0x0] =	vst.idx.msk $0xffff, v41;
	v40 =	vshrl.u32 v40, $0x3  }
0x2d8: {  	[tilespmem:v39+s28+$0x0] =	vst.idx.msk $0xffff, v38;
	v38 =	vshll.u32 v40, v1  }
0x2d9: {  	v39 =	vld [tilespmem:s1+$0xFFFFFE80];
	v38 =	vbroadcast v38, $0x0  }
0x2da: {  	v40 =	vld [tilespmem:s1+$0xFFFFFE90]  }
0x2db: {  	v41 =	vld [tilespmem:s1+$0xFFFFFEA0];
	v42 =	vadd.s32 v10, v38  }
0x2dc: {  	v44 =	vadd.s32 v11, v38;
	v43 =	vld [tilespmem:s1+$0xFFFFFEB0]  }
0x2dd: {  	v45 =	vadd.s32 v12, v38  }
0x2de: {  	v38 =	vadd.s32 v13, v38;
	v39 =	vmul.f32 v39, v5  }
0x2df: {  	v40 =	vmul.f32 v40, v3  }
0x2e0: {  	s5 =	sadd.s32 $0xFFFFFFFB, s2;
	v41 =	vmul.f32 v41, v4;
	[tilespmem:v42+s28+$0x0] =	vst.idx.msk $0xffff, v39  }
0x2e1: {  	v39 =	vmul.f32 v43, v2;
	[tilespmem:v44+s28+$0x0] =	vst.idx.msk $0xffff, v40;
	v40 =	vmov s5  }
0x2e2: {  	[tilespmem:v45+s28+$0x0] =	vst.idx.msk $0xffff, v41;
	v40 =	vshrl.u32 v40, $0x3  }
0x2e3: {  	[tilespmem:v38+s28+$0x0] =	vst.idx.msk $0xffff, v39;
	v38 =	vshll.u32 v40, v1  }
0x2e4: {  	v39 =	vld [tilespmem:s1+$0xFFFFFF00];
	v38 =	vbroadcast v38, $0x0  }
0x2e5: {  	v40 =	vld [tilespmem:s1+$0xFFFFFF10]  }
0x2e6: {  	v41 =	vld [tilespmem:s1+$0xFFFFFF20];
	v42 =	vadd.s32 v14, v38  }
0x2e7: {  	v44 =	vadd.s32 v15, v38;
	v43 =	vld [tilespmem:s1+$0xFFFFFF30]  }
0x2e8: {  	v45 =	vadd.s32 v16, v38  }
0x2e9: {  	v38 =	vadd.s32 v17, v38;
	v39 =	vmul.f32 v39, v5  }
0x2ea: {  	v40 =	vmul.f32 v40, v3  }
0x2eb: {  	s5 =	sadd.s32 $0xFFFFFFFC, s2;
	v41 =	vmul.f32 v41, v4;
	[tilespmem:v42+s28+$0x0] =	vst.idx.msk $0xffff, v39  }
0x2ec: {  	v39 =	vmul.f32 v43, v2;
	[tilespmem:v44+s28+$0x0] =	vst.idx.msk $0xffff, v40;
	v40 =	vmov s5  }
0x2ed: {  	[tilespmem:v45+s28+$0x0] =	vst.idx.msk $0xffff, v41;
	v40 =	vshrl.u32 v40, $0x3  }
0x2ee: {  	[tilespmem:v38+s28+$0x0] =	vst.idx.msk $0xffff, v39;
	v38 =	vshll.u32 v40, v1  }
0x2ef: {  	v39 =	vld [tilespmem:s1+$0xFFFFFF80];
	v38 =	vbroadcast v38, $0x0  }
0x2f0: {  	v40 =	vld [tilespmem:s1+$0xFFFFFF90]  }
0x2f1: {  	v41 =	vld [tilespmem:s1+$0xFFFFFFA0];
	v42 =	vadd.s32 v18, v38  }
0x2f2: {  	v44 =	vadd.s32 v19, v38;
	v43 =	vld [tilespmem:s1+$0xFFFFFFB0]  }
0x2f3: {  	v45 =	vadd.s32 v20, v38  }
0x2f4: {  	v38 =	vadd.s32 v21, v38;
	v39 =	vmul.f32 v39, v5  }
0x2f5: {  	v40 =	vmul.f32 v40, v3  }
0x2f6: {  	s5 =	sadd.s32 $0xFFFFFFFD, s2;
	v41 =	vmul.f32 v41, v4;
	[tilespmem:v42+s28+$0x0] =	vst.idx.msk $0xffff, v39  }
0x2f7: {  	v39 =	vmul.f32 v43, v2;
	[tilespmem:v44+s28+$0x0] =	vst.idx.msk $0xffff, v40;
	v40 =	vmov s5  }
0x2f8: {  	[tilespmem:v45+s28+$0x0] =	vst.idx.msk $0xffff, v41;
	v40 =	vshrl.u32 v40, $0x3  }
0x2f9: {  	[tilespmem:v38+s28+$0x0] =	vst.idx.msk $0xffff, v39;
	v38 =	vshll.u32 v40, v1  }
0x2fa: {  	v39 =	vld [tilespmem:s1+$0x0];
	v38 =	vbroadcast v38, $0x0  }
0x2fb: {  	v40 =	vld [tilespmem:s1+$0x10]  }
0x2fc: {  	v41 =	vld [tilespmem:s1+$0x20];
	v42 =	vadd.s32 v22, v38  }
0x2fd: {  	v44 =	vadd.s32 v23, v38;
	v43 =	vld [tilespmem:s1+$0x30]  }
0x2fe: {  	v45 =	vadd.s32 v24, v38  }
0x2ff: {  	v38 =	vadd.s32 v25, v38;
	v39 =	vmul.f32 v39, v5  }
0x300: {  	v40 =	vmul.f32 v40, v3  }
0x301: {  	s5 =	sadd.s32 $0xFFFFFFFE, s2;
	v41 =	vmul.f32 v41, v4;
	[tilespmem:v42+s28+$0x0] =	vst.idx.msk $0xffff, v39  }
0x302: {  	v39 =	vmul.f32 v43, v2;
	[tilespmem:v44+s28+$0x0] =	vst.idx.msk $0xffff, v40;
	v40 =	vmov s5  }
0x303: {  	[tilespmem:v45+s28+$0x0] =	vst.idx.msk $0xffff, v41;
	v40 =	vshrl.u32 v40, $0x3  }
0x304: {  	[tilespmem:v38+s28+$0x0] =	vst.idx.msk $0xffff, v39;
	v38 =	vshll.u32 v40, v1  }
0x305: {  	v39 =	vld [tilespmem:s1+$0x80];
	v38 =	vbroadcast v38, $0x0  }
0x306: {  	v40 =	vld [tilespmem:s1+$0x90]  }
0x307: {  	v41 =	vld [tilespmem:s1+$0xA0];
	v42 =	vadd.s32 v26, v38  }
0x308: {  	v44 =	vadd.s32 v27, v38;
	v43 =	vld [tilespmem:s1+$0xB0]  }
0x309: {  	v45 =	vadd.s32 v28, v38  }
0x30a: {  	v38 =	vadd.s32 v29, v38;
	v39 =	vmul.f32 v39, v5  }
0x30b: {  	v40 =	vmul.f32 v40, v3  }
0x30c: {  	s5 =	sadd.s32 $0xFFFFFFFF, s2;
	v41 =	vmul.f32 v41, v4;
	[tilespmem:v42+s28+$0x0] =	vst.idx.msk $0xffff, v39  }
0x30d: {  	v39 =	vmul.f32 v43, v2;
	[tilespmem:v44+s28+$0x0] =	vst.idx.msk $0xffff, v40;
	v40 =	vmov s5  }
0x30e: {  	[tilespmem:v45+s28+$0x0] =	vst.idx.msk $0xffff, v41;
	v40 =	vshrl.u32 v40, $0x3  }
0x30f: {  	[tilespmem:v38+s28+$0x0] =	vst.idx.msk $0xffff, v39;
	v38 =	vshll.u32 v40, v1  }
0x310: {  	v39 =	vld [tilespmem:s1+$0x100];
	v38 =	vbroadcast v38, $0x0  }
0x311: {  	v40 =	vld [tilespmem:s1+$0x110]  }
0x312: {  	v41 =	vld [tilespmem:s1+$0x120];
	v42 =	vadd.s32 v30, v38  }
0x313: {  	v44 =	vadd.s32 v31, v38;
	v43 =	vld [tilespmem:s1+$0x130]  }
0x314: {  	v45 =	vadd.s32 v32, v38  }
0x315: {  	v38 =	vadd.s32 v33, v38;
	v39 =	vmul.f32 v39, v5  }
0x316: {  	v40 =	vmul.f32 v40, v3  }
0x317: {  	v41 =	vmul.f32 v41, v4;
	[tilespmem:v42+s28+$0x0] =	vst.idx.msk $0xffff, v39  }
0x318: {  	v39 =	vmul.f32 v43, v2;
	[tilespmem:v44+s28+$0x0] =	vst.idx.msk $0xffff, v40;
	v40 =	vmov s2;
	s2 =	smov.u32 s24  }
0x319: {  	[tilespmem:v45+s28+$0x0] =	vst.idx.msk $0xffff, v41;
	v40 =	vshrl.u32 v40, $0x3  }
0x31a: {  	[tilespmem:v38+s28+$0x0] =	vst.idx.msk $0xffff, v39;
	v38 =	vshll.u32 v40, v1  }
0x31b: {  	v39 =	vld [tilespmem:s1+$0x180];
	v38 =	vbroadcast v38, $0x0  }
0x31c: {  	v40 =	vld [tilespmem:s1+$0x190]  }
0x31d: {  	v41 =	vld [tilespmem:s1+$0x1A0];
	v42 =	vadd.s32 v34, v38  }
0x31e: {  	v44 =	vadd.s32 v35, v38;
	v43 =	vld [tilespmem:s1+$0x1B0]  }
0x31f: {  	v45 =	vadd.s32 v36, v38  }
.Ltmp3:
0x320: {  	v38 =	vadd.s32 v37, v38;
	v39 =	vmul.f32 v39, v5;
	(pc) =	sbr.rel @p0 .LBB2_8-.Ltmp3, $4  }
0x321: {  	v40 =	vmul.f32 v40, v3  }
0x322: {  	s5 =	sadd.s32 $0xFFFFFFF9, s2;
	v41 =	vmul.f32 v41, v4;
	[tilespmem:v42+s28+$0x0] =	vst.idx.msk $0xffff, v39  }
0x323: {  	v42 =	vmov s5;
	v39 =	vmul.f32 v43, v2;
	[tilespmem:v44+s28+$0x0] =	vst.idx.msk $0xffff, v40  }
0x324: {  	v40 =	vshrl.u32 v42, $0x3;
	[tilespmem:v45+s28+$0x0] =	vst.idx.msk $0xffff, v41  }
0x325: {  	_ =	sdelay $0x3  }
0x326: {  	v40 =	vshll.u32 v40, v1;
	[tilespmem:v38+s28+$0x0] =	vst.idx.msk $0xffff, v39;
	s1 =	sadd.s32 $0x400, s1  }
0x327: {  	v38 =	vld [tilespmem:s1+$0xFFFFFE00];
	v54 =	vbroadcast v40, $0x0  }
0x328: {  	v55 =	vld [tilespmem:s1+$0xFFFFFE10]  }
0x329: {  	v41 =	vld [tilespmem:s1+$0xFFFFFE20];
	v42 =	vadd.s32 v6, v54  }
0x32a: {  	v43 =	vld [tilespmem:s1+$0xFFFFFE30];
	v44 =	vadd.s32 v7, v54  }
0x32b: {  	v45 =	vadd.s32 v8, v54  }
0x32c: {  	v39 =	vadd.s32 v9, v54;
	v38 =	vmul.f32 v38, v5  }
0x32d: {  	v40 =	vmul.f32 v55, v3  }
0x32e: {  	s5 =	sadd.s32 $0xFFFFFFFA, s2;
	v41 =	vmul.f32 v41, v4;
	[tilespmem:v42+s28+$0x0] =	vst.idx.msk $0xffff, v38  }
0x32f: {  	v57 =	vmov s5;
	v56 =	vmul.f32 v43, v2;
	[tilespmem:v44+s28+$0x0] =	vst.idx.msk $0xffff, v40  }
0x330: {  	v40 =	vshrl.u32 v57, $0x3;
	[tilespmem:v45+s28+$0x0] =	vst.idx.msk $0xffff, v41  }
0x331: {  	v58 =	vshll.u32 v40, v1;
	[tilespmem:v39+s28+$0x0] =	vst.idx.msk $0xffff, v56  }
0x332: {  	v38 =	vbroadcast v58, $0x0;
	v39 =	vld [tilespmem:s1+$0xFFFFFE80]  }
0x333: {  	v59 =	vld [tilespmem:s1+$0xFFFFFE90]  }
0x334: {  	v41 =	vld [tilespmem:s1+$0xFFFFFEA0];
	v60 =	vadd.s32 v10, v38  }
0x335: {  	v61 =	vld [tilespmem:s1+$0xFFFFFEB0];
	v62 =	vadd.s32 v11, v38  }
0x336: {  	v63 =	vadd.s32 v12, v38  }
0x337: {  	v38 =	vadd.s32 v13, v38;
	v39 =	vmul.f32 v39, v5  }
0x338: {  	v40 =	vmul.f32 v59, v3  }
0x339: {  	s24 =	sadd.s32 $0xFFFFFFFB, s2;
	v41 =	vmul.f32 v41, v4;
	[tilespmem:v60+s28+$0x0] =	vst.idx.msk $0xffff, v39  }
0x33a: {  	v49 =	vmov s24;
	v48 =	vmul.f32 v61, v2;
	[tilespmem:v62+s28+$0x0] =	vst.idx.msk $0xffff, v40  }
0x33b: {  	v40 =	vshrl.u32 v49, $0x3;
	[tilespmem:v63+s28+$0x0] =	vst.idx.msk $0xffff, v41  }
0x33c: {  	v50 =	vshll.u32 v40, v1;
	[tilespmem:v38+s28+$0x0] =	vst.idx.msk $0xffff, v48  }
0x33d: {  	v38 =	vbroadcast v50, $0x0;
	v39 =	vld [tilespmem:s1+$0xFFFFFF00]  }
0x33e: {  	v51 =	vld [tilespmem:s1+$0xFFFFFF10]  }
0x33f: {  	v41 =	vld [tilespmem:s1+$0xFFFFFF20];
	v52 =	vadd.s32 v14, v38  }
0x340: {  	v53 =	vld [tilespmem:s1+$0xFFFFFF30];
	v54 =	vadd.s32 v15, v38  }
0x341: {  	v55 =	vadd.s32 v16, v38  }
0x342: {  	v38 =	vadd.s32 v17, v38;
	v39 =	vmul.f32 v39, v5  }
0x343: {  	v40 =	vmul.f32 v51, v3  }
0x344: {  	s6 =	sadd.s32 $0xFFFFFFFC, s2;
	v41 =	vmul.f32 v41, v4;
	[tilespmem:v52+s28+$0x0] =	vst.idx.msk $0xffff, v39  }
0x345: {  	v57 =	vmov s6;
	v56 =	vmul.f32 v53, v2;
	[tilespmem:v54+s28+$0x0] =	vst.idx.msk $0xffff, v40  }
0x346: {  	v40 =	vshrl.u32 v57, $0x3;
	[tilespmem:v55+s28+$0x0] =	vst.idx.msk $0xffff, v41  }
0x347: {  	v58 =	vshll.u32 v40, v1;
	[tilespmem:v38+s28+$0x0] =	vst.idx.msk $0xffff, v56  }
0x348: {  	v38 =	vbroadcast v58, $0x0;
	v39 =	vld [tilespmem:s1+$0xFFFFFF80]  }
0x349: {  	v59 =	vld [tilespmem:s1+$0xFFFFFF90]  }
0x34a: {  	v41 =	vld [tilespmem:s1+$0xFFFFFFA0];
	v60 =	vadd.s32 v18, v38  }
0x34b: {  	v61 =	vld [tilespmem:s1+$0xFFFFFFB0];
	v62 =	vadd.s32 v19, v38  }
0x34c: {  	v63 =	vadd.s32 v20, v38  }
0x34d: {  	v38 =	vadd.s32 v21, v38;
	v39 =	vmul.f32 v39, v5  }
0x34e: {  	v40 =	vmul.f32 v59, v3  }
0x34f: {  	s7 =	sadd.s32 $0xFFFFFFFD, s2;
	v41 =	vmul.f32 v41, v4;
	[tilespmem:v60+s28+$0x0] =	vst.idx.msk $0xffff, v39  }
0x350: {  	v49 =	vmov s7;
	v48 =	vmul.f32 v61, v2;
	[tilespmem:v62+s28+$0x0] =	vst.idx.msk $0xffff, v40  }
0x351: {  	v40 =	vshrl.u32 v49, $0x3;
	[tilespmem:v63+s28+$0x0] =	vst.idx.msk $0xffff, v41  }
0x352: {  	v50 =	vshll.u32 v40, v1;
	[tilespmem:v38+s28+$0x0] =	vst.idx.msk $0xffff, v48  }
0x353: {  	v38 =	vbroadcast v50, $0x0;
	v39 =	vld [tilespmem:s1+$0x0]  }
0x354: {  	v51 =	vld [tilespmem:s1+$0x10]  }
0x355: {  	v41 =	vld [tilespmem:s1+$0x20];
	v52 =	vadd.s32 v22, v38  }
0x356: {  	v53 =	vld [tilespmem:s1+$0x30];
	v54 =	vadd.s32 v23, v38  }
0x357: {  	v55 =	vadd.s32 v24, v38  }
0x358: {  	v38 =	vadd.s32 v25, v38;
	v39 =	vmul.f32 v39, v5  }
0x359: {  	v40 =	vmul.f32 v51, v3  }
0x35a: {  	s22 =	sadd.s32 $0xFFFFFFFE, s2;
	v41 =	vmul.f32 v41, v4;
	[tilespmem:v52+s28+$0x0] =	vst.idx.msk $0xffff, v39  }
0x35b: {  	v57 =	vmov s22;
	v56 =	vmul.f32 v53, v2;
	[tilespmem:v54+s28+$0x0] =	vst.idx.msk $0xffff, v40  }
0x35c: {  	v40 =	vshrl.u32 v57, $0x3;
	[tilespmem:v55+s28+$0x0] =	vst.idx.msk $0xffff, v41  }
0x35d: {  	v58 =	vshll.u32 v40, v1;
	[tilespmem:v38+s28+$0x0] =	vst.idx.msk $0xffff, v56  }
0x35e: {  	v38 =	vbroadcast v58, $0x0;
	v39 =	vld [tilespmem:s1+$0x80]  }
0x35f: {  	v59 =	vld [tilespmem:s1+$0x90]  }
0x360: {  	v41 =	vld [tilespmem:s1+$0xA0];
	v60 =	vadd.s32 v26, v38  }
0x361: {  	v61 =	vld [tilespmem:s1+$0xB0];
	v62 =	vadd.s32 v27, v38  }
0x362: {  	v63 =	vadd.s32 v28, v38  }
0x363: {  	v38 =	vadd.s32 v29, v38;
	v39 =	vmul.f32 v39, v5  }
0x364: {  	v40 =	vmul.f32 v59, v3  }
0x365: {  	s24 =	sadd.s32 $0xFFFFFFFF, s2;
	v41 =	vmul.f32 v41, v4;
	[tilespmem:v60+s28+$0x0] =	vst.idx.msk $0xffff, v39  }
0x366: {  	v49 =	vmov s24;
	v48 =	vmul.f32 v61, v2;
	[tilespmem:v62+s28+$0x0] =	vst.idx.msk $0xffff, v40  }
0x367: {  	v40 =	vshrl.u32 v49, $0x3;
	[tilespmem:v63+s28+$0x0] =	vst.idx.msk $0xffff, v41  }
0x368: {  	v50 =	vshll.u32 v40, v1;
	[tilespmem:v38+s28+$0x0] =	vst.idx.msk $0xffff, v48  }
0x369: {  	v38 =	vbroadcast v50, $0x0;
	v39 =	vld [tilespmem:s1+$0x100]  }
0x36a: {  	v51 =	vld [tilespmem:s1+$0x110]  }
0x36b: {  	v41 =	vld [tilespmem:s1+$0x120];
	v52 =	vadd.s32 v30, v38  }
0x36c: {  	v53 =	vld [tilespmem:s1+$0x130];
	v54 =	vadd.s32 v31, v38  }
0x36d: {  	v55 =	vadd.s32 v32, v38  }
0x36e: {  	v38 =	vadd.s32 v33, v38;
	v39 =	vmul.f32 v39, v5  }
0x36f: {  	v40 =	vmul.f32 v51, v3  }
0x370: {  	v41 =	vmul.f32 v41, v4;
	[tilespmem:v52+s28+$0x0] =	vst.idx.msk $0xffff, v39  }
0x371: {  	v57 =	vmov s2;
	v56 =	vmul.f32 v53, v2;
	[tilespmem:v54+s28+$0x0] =	vst.idx.msk $0xffff, v40  }
0x372: {  	v40 =	vshrl.u32 v57, $0x3;
	[tilespmem:v55+s28+$0x0] =	vst.idx.msk $0xffff, v41  }
0x373: {  	v58 =	vshll.u32 v40, v1;
	[tilespmem:v38+s28+$0x0] =	vst.idx.msk $0xffff, v56  }
0x374: {  	v38 =	vbroadcast v58, $0x0;
	v39 =	vld [tilespmem:s1+$0x180]  }
0x375: {  	v59 =	vld [tilespmem:s1+$0x190]  }
0x376: {  	v41 =	vld [tilespmem:s1+$0x1A0];
	v60 =	vadd.s32 v34, v38  }
0x377: {  	v61 =	vld [tilespmem:s1+$0x1B0];
	v62 =	vadd.s32 v35, v38  }
0x378: {  	v63 =	vadd.s32 v36, v38  }
0x379: {  	v38 =	vadd.s32 v37, v38;
	v39 =	vmul.f32 v39, v5  }
0x37a: {  	v40 =	vmul.f32 v59, v3  }
0x37b: {  	v41 =	vmul.f32 v41, v4;
	[tilespmem:v60+s28+$0x0] =	vst.idx.msk $0xffff, v39  }
0x37c: {  	v47 =	vmul.f32 v61, v2;
	[tilespmem:v62+s28+$0x0] =	vst.idx.msk $0xffff, v40  }
0x37d: {  	[tilespmem:v63+s28+$0x0] =	vst.idx.msk $0xffff, v41  }
0x37e: {  	[tilespmem:v38+s28+$0x0] =	vst.idx.msk $0xffff, v47  }
0x37f: {  	[hbm4b:s11+s4] =	stream.linear.scatter [tilespmem:s28], [sflag:$0x3], $0x8000, $0x38;
	[tilespmem:$0x18100] =	vst v63  }
0x380: {  	_ = 	snop  }
0x381: {  	[tilespmem:s4], [sflag:$0x1] =	stream.linear.gather [hbm4b:s12+s4], $0x4000, $0x38;
	[tilespmem:$0x18100] =	vst v63  }
0x382: {  	_ =	swait.ge [sflag:s29], $0x4000  }
0x383: {  	[sflag:s29] =	ssyncset.done $0x0  }
0x384: {  	s6 =	simm.s32 $0x0;
	[sflag:s29] =	ssyncadd.s32 $0xFFFFC000  }
0x385: {  	v48 =	vmov s6;
	_ =	swait.ge [sflag:s0], $0x8000  }
0x386: {  	v38 =	vshrl.u32 v48, $0x3;
	[sflag:s0] =	ssyncset.done $0x0  }
0x387: {  	s1 =	simm.s32 $0x4200;
	v38 =	vshll.u32 v38, v1;
	[sflag:s0] =	ssyncadd.s32 $0xFFFF8000  }
0x388: {  	v38 =	vbroadcast v38, $0x0;
	v49 =	vld [tilespmem:s1+$0xFFFFFE00]  }
0x389: {  	v50 =	vld [tilespmem:s1+$0xFFFFFE10]  }
0x38a: {  	v52 =	vadd.s32 v6, v38;
	v51 =	vld [tilespmem:s1+$0xFFFFFE20]  }
0x38b: {  	v54 =	vadd.s32 v7, v38;
	v53 =	vld [tilespmem:s1+$0xFFFFFE30]  }
0x38c: {  	v55 =	vadd.s32 v8, v38  }
0x38d: {  	v38 =	vadd.s32 v9, v38;
	v39 =	vmul.f32 v49, v5  }
0x38e: {  	v40 =	vmul.f32 v50, v3  }
0x38f: {  	s7 =	simm.s32 $0x1;
	v41 =	vmul.f32 v51, v4;
	[tilespmem:v52+s30+$0x0] =	vst.idx.msk $0xffff, v39  }
0x390: {  	v57 =	vmov s7;
	v56 =	vmul.f32 v53, v2;
	[tilespmem:v54+s30+$0x0] =	vst.idx.msk $0xffff, v40  }
0x391: {  	v40 =	vshrl.u32 v57, $0x3;
	[tilespmem:v55+s30+$0x0] =	vst.idx.msk $0xffff, v41  }
0x392: {  	v58 =	vshll.u32 v40, v1;
	[tilespmem:v38+s30+$0x0] =	vst.idx.msk $0xffff, v56  }
0x393: {  	v38 =	vbroadcast v58, $0x0;
	v39 =	vld [tilespmem:s1+$0xFFFFFE80]  }
0x394: {  	v59 =	vld [tilespmem:s1+$0xFFFFFE90]  }
0x395: {  	v41 =	vld [tilespmem:s1+$0xFFFFFEA0];
	v60 =	vadd.s32 v10, v38  }
0x396: {  	v61 =	vld [tilespmem:s1+$0xFFFFFEB0];
	v62 =	vadd.s32 v11, v38  }
0x397: {  	v63 =	vadd.s32 v12, v38  }
0x398: {  	v38 =	vadd.s32 v13, v38;
	v39 =	vmul.f32 v39, v5  }
0x399: {  	v40 =	vmul.f32 v59, v3  }
0x39a: {  	s22 =	simm.s32 $0x2;
	v41 =	vmul.f32 v41, v4;
	[tilespmem:v60+s30+$0x0] =	vst.idx.msk $0xffff, v39  }
0x39b: {  	v49 =	vmov s22;
	v48 =	vmul.f32 v61, v2;
	[tilespmem:v62+s30+$0x0] =	vst.idx.msk $0xffff, v40  }
0x39c: {  	v40 =	vshrl.u32 v49, $0x3;
	[tilespmem:v63+s30+$0x0] =	vst.idx.msk $0xffff, v41  }
0x39d: {  	v50 =	vshll.u32 v40, v1;
	[tilespmem:v38+s30+$0x0] =	vst.idx.msk $0xffff, v48  }
0x39e: {  	v38 =	vbroadcast v50, $0x0;
	v39 =	vld [tilespmem:s1+$0xFFFFFF00]  }
0x39f: {  	v51 =	vld [tilespmem:s1+$0xFFFFFF10]  }
0x3a0: {  	v41 =	vld [tilespmem:s1+$0xFFFFFF20];
	v52 =	vadd.s32 v14, v38  }
0x3a1: {  	v53 =	vld [tilespmem:s1+$0xFFFFFF30];
	v54 =	vadd.s32 v15, v38  }
0x3a2: {  	v55 =	vadd.s32 v16, v38  }
0x3a3: {  	v38 =	vadd.s32 v17, v38;
	v39 =	vmul.f32 v39, v5  }
0x3a4: {  	v40 =	vmul.f32 v51, v3  }
0x3a5: {  	s24 =	simm.s32 $0x3;
	v41 =	vmul.f32 v41, v4;
	[tilespmem:v52+s30+$0x0] =	vst.idx.msk $0xffff, v39  }
0x3a6: {  	v57 =	vmov s24;
	v56 =	vmul.f32 v53, v2;
	[tilespmem:v54+s30+$0x0] =	vst.idx.msk $0xffff, v40  }
0x3a7: {  	v40 =	vshrl.u32 v57, $0x3;
	[tilespmem:v55+s30+$0x0] =	vst.idx.msk $0xffff, v41  }
0x3a8: {  	v58 =	vshll.u32 v40, v1;
	[tilespmem:v38+s30+$0x0] =	vst.idx.msk $0xffff, v56  }
0x3a9: {  	v38 =	vbroadcast v58, $0x0;
	v39 =	vld [tilespmem:s1+$0xFFFFFF80]  }
0x3aa: {  	v59 =	vld [tilespmem:s1+$0xFFFFFF90]  }
0x3ab: {  	v41 =	vld [tilespmem:s1+$0xFFFFFFA0];
	v60 =	vadd.s32 v18, v38  }
0x3ac: {  	v61 =	vld [tilespmem:s1+$0xFFFFFFB0];
	v62 =	vadd.s32 v19, v38  }
0x3ad: {  	v63 =	vadd.s32 v20, v38  }
0x3ae: {  	v38 =	vadd.s32 v21, v38;
	v39 =	vmul.f32 v39, v5  }
0x3af: {  	v40 =	vmul.f32 v59, v3  }
0x3b0: {  	s5 =	simm.s32 $0x4;
	v41 =	vmul.f32 v41, v4;
	[tilespmem:v60+s30+$0x0] =	vst.idx.msk $0xffff, v39  }
0x3b1: {  	v49 =	vmov s5;
	v48 =	vmul.f32 v61, v2;
	[tilespmem:v62+s30+$0x0] =	vst.idx.msk $0xffff, v40  }
0x3b2: {  	v40 =	vshrl.u32 v49, $0x3;
	[tilespmem:v63+s30+$0x0] =	vst.idx.msk $0xffff, v41  }
0x3b3: {  	v50 =	vshll.u32 v40, v1;
	[tilespmem:v38+s30+$0x0] =	vst.idx.msk $0xffff, v48  }
0x3b4: {  	v38 =	vbroadcast v50, $0x0;
	v39 =	vld [tilespmem:s1+$0x0]  }
0x3b5: {  	v51 =	vld [tilespmem:s1+$0x10]  }
0x3b6: {  	v41 =	vld [tilespmem:s1+$0x20];
	v52 =	vadd.s32 v22, v38  }
0x3b7: {  	v53 =	vld [tilespmem:s1+$0x30];
	v54 =	vadd.s32 v23, v38  }
0x3b8: {  	v55 =	vadd.s32 v24, v38  }
0x3b9: {  	v38 =	vadd.s32 v25, v38;
	v39 =	vmul.f32 v39, v5  }
0x3ba: {  	v40 =	vmul.f32 v51, v3  }
0x3bb: {  	s6 =	simm.s32 $0x5;
	v41 =	vmul.f32 v41, v4;
	[tilespmem:v52+s30+$0x0] =	vst.idx.msk $0xffff, v39  }
0x3bc: {  	v57 =	vmov s6;
	v56 =	vmul.f32 v53, v2;
	[tilespmem:v54+s30+$0x0] =	vst.idx.msk $0xffff, v40  }
0x3bd: {  	v40 =	vshrl.u32 v57, $0x3;
	[tilespmem:v55+s30+$0x0] =	vst.idx.msk $0xffff, v41  }
0x3be: {  	v58 =	vshll.u32 v40, v1;
	[tilespmem:v38+s30+$0x0] =	vst.idx.msk $0xffff, v56  }
0x3bf: {  	v38 =	vbroadcast v58, $0x0;
	v39 =	vld [tilespmem:s1+$0x80]  }
0x3c0: {  	v59 =	vld [tilespmem:s1+$0x90]  }
0x3c1: {  	v41 =	vld [tilespmem:s1+$0xA0];
	v60 =	vadd.s32 v26, v38  }
0x3c2: {  	v61 =	vld [tilespmem:s1+$0xB0];
	v62 =	vadd.s32 v27, v38  }
0x3c3: {  	v63 =	vadd.s32 v28, v38  }
0x3c4: {  	v38 =	vadd.s32 v29, v38;
	v39 =	vmul.f32 v39, v5  }
0x3c5: {  	v40 =	vmul.f32 v59, v3  }
0x3c6: {  	s7 =	simm.s32 $0x6;
	v41 =	vmul.f32 v41, v4;
	[tilespmem:v60+s30+$0x0] =	vst.idx.msk $0xffff, v39  }
0x3c7: {  	v49 =	vmov s7;
	v48 =	vmul.f32 v61, v2;
	[tilespmem:v62+s30+$0x0] =	vst.idx.msk $0xffff, v40  }
0x3c8: {  	v40 =	vshrl.u32 v49, $0x3;
	[tilespmem:v63+s30+$0x0] =	vst.idx.msk $0xffff, v41  }
0x3c9: {  	v50 =	vshll.u32 v40, v1;
	[tilespmem:v38+s30+$0x0] =	vst.idx.msk $0xffff, v48  }
0x3ca: {  	v38 =	vbroadcast v50, $0x0;
	v39 =	vld [tilespmem:s1+$0x100]  }
0x3cb: {  	v51 =	vld [tilespmem:s1+$0x110]  }
0x3cc: {  	v41 =	vld [tilespmem:s1+$0x120];
	v52 =	vadd.s32 v30, v38  }
0x3cd: {  	v53 =	vld [tilespmem:s1+$0x130];
	v54 =	vadd.s32 v31, v38  }
0x3ce: {  	v55 =	vadd.s32 v32, v38  }
0x3cf: {  	v38 =	vadd.s32 v33, v38;
	v39 =	vmul.f32 v39, v5  }
0x3d0: {  	v40 =	vmul.f32 v51, v3  }
0x3d1: {  	s22 =	simm.s32 $0x7;
	v41 =	vmul.f32 v41, v4;
	[tilespmem:v52+s30+$0x0] =	vst.idx.msk $0xffff, v39  }
0x3d2: {  	v57 =	vmov s22;
	v56 =	vmul.f32 v53, v2;
	[tilespmem:v54+s30+$0x0] =	vst.idx.msk $0xffff, v40  }
0x3d3: {  	v40 =	vshrl.u32 v57, $0x3;
	[tilespmem:v55+s30+$0x0] =	vst.idx.msk $0xffff, v41  }
0x3d4: {  	v58 =	vshll.u32 v40, v1;
	[tilespmem:v38+s30+$0x0] =	vst.idx.msk $0xffff, v56  }
0x3d5: {  	v38 =	vbroadcast v58, $0x0;
	v39 =	vld [tilespmem:s1+$0x180]  }
0x3d6: {  	v59 =	vld [tilespmem:s1+$0x190]  }
0x3d7: {  	v41 =	vld [tilespmem:s1+$0x1A0];
	v60 =	vadd.s32 v34, v38  }
0x3d8: {  	v61 =	vadd.s32 v35, v38  }
0x3d9: {  	v44 =	vld [tilespmem:s1+$0x1B0];
	v62 =	vadd.s32 v36, v38  }
0x3da: {  	v39 =	vmul.f32 v39, v5  }
0x3db: {  	v38 =	vadd.s32 v37, v38;
	v40 =	vmul.f32 v59, v3  }
0x3dc: {  	s24 =	simm.s32 $0x8;
	v41 =	vmul.f32 v41, v4;
	[tilespmem:v60+s30+$0x0] =	vst.idx.msk $0xffff, v39  }
0x3dd: {  	v63 =	vmov s24;
	[tilespmem:v61+s30+$0x0] =	vst.idx.msk $0xffff, v40  }
0x3de: {  	s2 =	simm.s32 $0xF;
	s22 =	simm.s32 $0x17;
	v39 =	vmul.f32 v44, v2;
	v40 =	vshrl.u32 v63, $0x3;
	[tilespmem:v62+s30+$0x0] =	vst.idx.msk $0xffff, v41  }
.LBB2_10:
0x3df: {  	p0 =	sne.s32 s22, $0x7F  }
0x3e0: {  	v40 =	vshll.u32 v40, v1;
	[tilespmem:v38+s30+$0x0] =	vst.idx.msk $0xffff, v39;
	s1 =	sadd.s32 $0x400, s1;
	s24 =	smov.u32 s22;
	s22 =	sadd.s32 $0x8, s22  }
0x3e1: {  	v38 =	vld [tilespmem:s1+$0xFFFFFE00];
	v39 =	vbroadcast v40, $0x0  }
0x3e2: {  	v40 =	vld [tilespmem:s1+$0xFFFFFE10]  }
0x3e3: {  	v41 =	vld [tilespmem:s1+$0xFFFFFE20];
	v42 =	vadd.s32 v6, v39  }
0x3e4: {  	v44 =	vadd.s32 v7, v39;
	v43 =	vld [tilespmem:s1+$0xFFFFFE30]  }
0x3e5: {  	v45 =	vadd.s32 v8, v39  }
0x3e6: {  	v39 =	vadd.s32 v9, v39;
	v38 =	vmul.f32 v38, v5  }
0x3e7: {  	v40 =	vmul.f32 v40, v3  }
0x3e8: {  	s5 =	sadd.s32 $0xFFFFFFFA, s2;
	v41 =	vmul.f32 v41, v4;
	[tilespmem:v42+s30+$0x0] =	vst.idx.msk $0xffff, v38  }
0x3e9: {  	v38 =	vmul.f32 v43, v2;
	[tilespmem:v44+s30+$0x0] =	vst.idx.msk $0xffff, v40;
	v40 =	vmov s5  }
0x3ea: {  	[tilespmem:v45+s30+$0x0] =	vst.idx.msk $0xffff, v41;
	v40 =	vshrl.u32 v40, $0x3  }
0x3eb: {  	[tilespmem:v39+s30+$0x0] =	vst.idx.msk $0xffff, v38;
	v38 =	vshll.u32 v40, v1  }
0x3ec: {  	v39 =	vld [tilespmem:s1+$0xFFFFFE80];
	v38 =	vbroadcast v38, $0x0  }
0x3ed: {  	v40 =	vld [tilespmem:s1+$0xFFFFFE90]  }
0x3ee: {  	v41 =	vld [tilespmem:s1+$0xFFFFFEA0];
	v42 =	vadd.s32 v10, v38  }
0x3ef: {  	v44 =	vadd.s32 v11, v38;
	v43 =	vld [tilespmem:s1+$0xFFFFFEB0]  }
0x3f0: {  	v45 =	vadd.s32 v12, v38  }
0x3f1: {  	v38 =	vadd.s32 v13, v38;
	v39 =	vmul.f32 v39, v5  }
0x3f2: {  	v40 =	vmul.f32 v40, v3  }
0x3f3: {  	s5 =	sadd.s32 $0xFFFFFFFB, s2;
	v41 =	vmul.f32 v41, v4;
	[tilespmem:v42+s30+$0x0] =	vst.idx.msk $0xffff, v39  }
0x3f4: {  	v39 =	vmul.f32 v43, v2;
	[tilespmem:v44+s30+$0x0] =	vst.idx.msk $0xffff, v40;
	v40 =	vmov s5  }
0x3f5: {  	[tilespmem:v45+s30+$0x0] =	vst.idx.msk $0xffff, v41;
	v40 =	vshrl.u32 v40, $0x3  }
0x3f6: {  	[tilespmem:v38+s30+$0x0] =	vst.idx.msk $0xffff, v39;
	v38 =	vshll.u32 v40, v1  }
0x3f7: {  	v39 =	vld [tilespmem:s1+$0xFFFFFF00];
	v38 =	vbroadcast v38, $0x0  }
0x3f8: {  	v40 =	vld [tilespmem:s1+$0xFFFFFF10]  }
0x3f9: {  	v41 =	vld [tilespmem:s1+$0xFFFFFF20];
	v42 =	vadd.s32 v14, v38  }
0x3fa: {  	v44 =	vadd.s32 v15, v38;
	v43 =	vld [tilespmem:s1+$0xFFFFFF30]  }
0x3fb: {  	v45 =	vadd.s32 v16, v38  }
0x3fc: {  	v38 =	vadd.s32 v17, v38;
	v39 =	vmul.f32 v39, v5  }
0x3fd: {  	v40 =	vmul.f32 v40, v3  }
0x3fe: {  	s5 =	sadd.s32 $0xFFFFFFFC, s2;
	v41 =	vmul.f32 v41, v4;
	[tilespmem:v42+s30+$0x0] =	vst.idx.msk $0xffff, v39  }
0x3ff: {  	v39 =	vmul.f32 v43, v2;
	[tilespmem:v44+s30+$0x0] =	vst.idx.msk $0xffff, v40;
	v40 =	vmov s5  }
0x400: {  	[tilespmem:v45+s30+$0x0] =	vst.idx.msk $0xffff, v41;
	v40 =	vshrl.u32 v40, $0x3  }
0x401: {  	[tilespmem:v38+s30+$0x0] =	vst.idx.msk $0xffff, v39;
	v38 =	vshll.u32 v40, v1  }
0x402: {  	v39 =	vld [tilespmem:s1+$0xFFFFFF80];
	v38 =	vbroadcast v38, $0x0  }
0x403: {  	v40 =	vld [tilespmem:s1+$0xFFFFFF90]  }
0x404: {  	v41 =	vld [tilespmem:s1+$0xFFFFFFA0];
	v42 =	vadd.s32 v18, v38  }
0x405: {  	v44 =	vadd.s32 v19, v38;
	v43 =	vld [tilespmem:s1+$0xFFFFFFB0]  }
0x406: {  	v45 =	vadd.s32 v20, v38  }
0x407: {  	v38 =	vadd.s32 v21, v38;
	v39 =	vmul.f32 v39, v5  }
0x408: {  	v40 =	vmul.f32 v40, v3  }
0x409: {  	s5 =	sadd.s32 $0xFFFFFFFD, s2;
	v41 =	vmul.f32 v41, v4;
	[tilespmem:v42+s30+$0x0] =	vst.idx.msk $0xffff, v39  }
0x40a: {  	v39 =	vmul.f32 v43, v2;
	[tilespmem:v44+s30+$0x0] =	vst.idx.msk $0xffff, v40;
	v40 =	vmov s5  }
0x40b: {  	[tilespmem:v45+s30+$0x0] =	vst.idx.msk $0xffff, v41;
	v40 =	vshrl.u32 v40, $0x3  }
0x40c: {  	[tilespmem:v38+s30+$0x0] =	vst.idx.msk $0xffff, v39;
	v38 =	vshll.u32 v40, v1  }
0x40d: {  	v39 =	vld [tilespmem:s1+$0x0];
	v38 =	vbroadcast v38, $0x0  }
0x40e: {  	v40 =	vld [tilespmem:s1+$0x10]  }
0x40f: {  	v41 =	vld [tilespmem:s1+$0x20];
	v42 =	vadd.s32 v22, v38  }
0x410: {  	v44 =	vadd.s32 v23, v38;
	v43 =	vld [tilespmem:s1+$0x30]  }
0x411: {  	v45 =	vadd.s32 v24, v38  }
0x412: {  	v38 =	vadd.s32 v25, v38;
	v39 =	vmul.f32 v39, v5  }
0x413: {  	v40 =	vmul.f32 v40, v3  }
0x414: {  	s5 =	sadd.s32 $0xFFFFFFFE, s2;
	v41 =	vmul.f32 v41, v4;
	[tilespmem:v42+s30+$0x0] =	vst.idx.msk $0xffff, v39  }
0x415: {  	v39 =	vmul.f32 v43, v2;
	[tilespmem:v44+s30+$0x0] =	vst.idx.msk $0xffff, v40;
	v40 =	vmov s5  }
0x416: {  	[tilespmem:v45+s30+$0x0] =	vst.idx.msk $0xffff, v41;
	v40 =	vshrl.u32 v40, $0x3  }
0x417: {  	[tilespmem:v38+s30+$0x0] =	vst.idx.msk $0xffff, v39;
	v38 =	vshll.u32 v40, v1  }
0x418: {  	v39 =	vld [tilespmem:s1+$0x80];
	v38 =	vbroadcast v38, $0x0  }
0x419: {  	v40 =	vld [tilespmem:s1+$0x90]  }
0x41a: {  	v41 =	vld [tilespmem:s1+$0xA0];
	v42 =	vadd.s32 v26, v38  }
0x41b: {  	v44 =	vadd.s32 v27, v38;
	v43 =	vld [tilespmem:s1+$0xB0]  }
0x41c: {  	v45 =	vadd.s32 v28, v38  }
0x41d: {  	v38 =	vadd.s32 v29, v38;
	v39 =	vmul.f32 v39, v5  }
0x41e: {  	v40 =	vmul.f32 v40, v3  }
0x41f: {  	s5 =	sadd.s32 $0xFFFFFFFF, s2;
	v41 =	vmul.f32 v41, v4;
	[tilespmem:v42+s30+$0x0] =	vst.idx.msk $0xffff, v39  }
0x420: {  	v39 =	vmul.f32 v43, v2;
	[tilespmem:v44+s30+$0x0] =	vst.idx.msk $0xffff, v40;
	v40 =	vmov s5  }
0x421: {  	[tilespmem:v45+s30+$0x0] =	vst.idx.msk $0xffff, v41;
	v40 =	vshrl.u32 v40, $0x3  }
0x422: {  	[tilespmem:v38+s30+$0x0] =	vst.idx.msk $0xffff, v39;
	v38 =	vshll.u32 v40, v1  }
0x423: {  	v39 =	vld [tilespmem:s1+$0x100];
	v38 =	vbroadcast v38, $0x0  }
0x424: {  	v40 =	vld [tilespmem:s1+$0x110]  }
0x425: {  	v41 =	vld [tilespmem:s1+$0x120];
	v42 =	vadd.s32 v30, v38  }
0x426: {  	v44 =	vadd.s32 v31, v38;
	v43 =	vld [tilespmem:s1+$0x130]  }
0x427: {  	v45 =	vadd.s32 v32, v38  }
0x428: {  	v38 =	vadd.s32 v33, v38;
	v39 =	vmul.f32 v39, v5  }
0x429: {  	v40 =	vmul.f32 v40, v3  }
0x42a: {  	v41 =	vmul.f32 v41, v4;
	[tilespmem:v42+s30+$0x0] =	vst.idx.msk $0xffff, v39  }
0x42b: {  	v39 =	vmul.f32 v43, v2;
	[tilespmem:v44+s30+$0x0] =	vst.idx.msk $0xffff, v40;
	v40 =	vmov s2;
	s2 =	smov.u32 s24  }
0x42c: {  	[tilespmem:v45+s30+$0x0] =	vst.idx.msk $0xffff, v41;
	v40 =	vshrl.u32 v40, $0x3  }
0x42d: {  	[tilespmem:v38+s30+$0x0] =	vst.idx.msk $0xffff, v39;
	v38 =	vshll.u32 v40, v1  }
0x42e: {  	v39 =	vld [tilespmem:s1+$0x180];
	v38 =	vbroadcast v38, $0x0  }
0x42f: {  	v40 =	vld [tilespmem:s1+$0x190]  }
0x430: {  	v41 =	vld [tilespmem:s1+$0x1A0];
	v42 =	vadd.s32 v34, v38  }
0x431: {  	v44 =	vadd.s32 v35, v38;
	v43 =	vld [tilespmem:s1+$0x1B0]  }
0x432: {  	v45 =	vadd.s32 v36, v38  }
.Ltmp4:
0x433: {  	v38 =	vadd.s32 v37, v38;
	v39 =	vmul.f32 v39, v5;
	(pc) =	sbr.rel @p0 .LBB2_10-.Ltmp4, $4  }
0x434: {  	v40 =	vmul.f32 v40, v3  }
0x435: {  	s5 =	sadd.s32 $0xFFFFFFF9, s2;
	v41 =	vmul.f32 v41, v4;
	[tilespmem:v42+s30+$0x0] =	vst.idx.msk $0xffff, v39  }
0x436: {  	v42 =	vmov s5;
	v39 =	vmul.f32 v43, v2;
	[tilespmem:v44+s30+$0x0] =	vst.idx.msk $0xffff, v40  }
0x437: {  	v40 =	vshrl.u32 v42, $0x3;
	[tilespmem:v45+s30+$0x0] =	vst.idx.msk $0xffff, v41  }
0x438: {  	_ =	sdelay $0x3  }
0x439: {  	v40 =	vshll.u32 v40, v1;
	[tilespmem:v38+s30+$0x0] =	vst.idx.msk $0xffff, v39;
	s1 =	sadd.s32 $0x400, s1  }
0x43a: {  	v38 =	vld [tilespmem:s1+$0xFFFFFE00];
	v54 =	vbroadcast v40, $0x0  }
0x43b: {  	v55 =	vld [tilespmem:s1+$0xFFFFFE10]  }
0x43c: {  	v41 =	vld [tilespmem:s1+$0xFFFFFE20];
	v42 =	vadd.s32 v6, v54  }
0x43d: {  	v43 =	vld [tilespmem:s1+$0xFFFFFE30];
	v44 =	vadd.s32 v7, v54  }
0x43e: {  	v45 =	vadd.s32 v8, v54  }
0x43f: {  	v39 =	vadd.s32 v9, v54;
	v38 =	vmul.f32 v38, v5  }
0x440: {  	v40 =	vmul.f32 v55, v3  }
0x441: {  	s5 =	sadd.s32 $0xFFFFFFFA, s2;
	v41 =	vmul.f32 v41, v4;
	[tilespmem:v42+s30+$0x0] =	vst.idx.msk $0xffff, v38  }
0x442: {  	v57 =	vmov s5;
	v56 =	vmul.f32 v43, v2;
	[tilespmem:v44+s30+$0x0] =	vst.idx.msk $0xffff, v40  }
0x443: {  	v40 =	vshrl.u32 v57, $0x3;
	[tilespmem:v45+s30+$0x0] =	vst.idx.msk $0xffff, v41  }
0x444: {  	v58 =	vshll.u32 v40, v1;
	[tilespmem:v39+s30+$0x0] =	vst.idx.msk $0xffff, v56  }
0x445: {  	v38 =	vbroadcast v58, $0x0;
	v39 =	vld [tilespmem:s1+$0xFFFFFE80]  }
0x446: {  	v59 =	vld [tilespmem:s1+$0xFFFFFE90]  }
0x447: {  	v41 =	vld [tilespmem:s1+$0xFFFFFEA0];
	v60 =	vadd.s32 v10, v38  }
0x448: {  	v61 =	vld [tilespmem:s1+$0xFFFFFEB0];
	v62 =	vadd.s32 v11, v38  }
0x449: {  	v63 =	vadd.s32 v12, v38  }
0x44a: {  	v38 =	vadd.s32 v13, v38;
	v39 =	vmul.f32 v39, v5  }
0x44b: {  	v40 =	vmul.f32 v59, v3  }
0x44c: {  	s24 =	sadd.s32 $0xFFFFFFFB, s2;
	v41 =	vmul.f32 v41, v4;
	[tilespmem:v60+s30+$0x0] =	vst.idx.msk $0xffff, v39  }
0x44d: {  	v49 =	vmov s24;
	v48 =	vmul.f32 v61, v2;
	[tilespmem:v62+s30+$0x0] =	vst.idx.msk $0xffff, v40  }
0x44e: {  	v40 =	vshrl.u32 v49, $0x3;
	[tilespmem:v63+s30+$0x0] =	vst.idx.msk $0xffff, v41  }
0x44f: {  	v50 =	vshll.u32 v40, v1;
	[tilespmem:v38+s30+$0x0] =	vst.idx.msk $0xffff, v48  }
0x450: {  	v38 =	vbroadcast v50, $0x0;
	v39 =	vld [tilespmem:s1+$0xFFFFFF00]  }
0x451: {  	v51 =	vld [tilespmem:s1+$0xFFFFFF10]  }
0x452: {  	v41 =	vld [tilespmem:s1+$0xFFFFFF20];
	v52 =	vadd.s32 v14, v38  }
0x453: {  	v53 =	vld [tilespmem:s1+$0xFFFFFF30];
	v54 =	vadd.s32 v15, v38  }
0x454: {  	v55 =	vadd.s32 v16, v38  }
0x455: {  	v38 =	vadd.s32 v17, v38;
	v39 =	vmul.f32 v39, v5  }
0x456: {  	v40 =	vmul.f32 v51, v3  }
0x457: {  	s6 =	sadd.s32 $0xFFFFFFFC, s2;
	v41 =	vmul.f32 v41, v4;
	[tilespmem:v52+s30+$0x0] =	vst.idx.msk $0xffff, v39  }
0x458: {  	v57 =	vmov s6;
	v56 =	vmul.f32 v53, v2;
	[tilespmem:v54+s30+$0x0] =	vst.idx.msk $0xffff, v40  }
0x459: {  	v40 =	vshrl.u32 v57, $0x3;
	[tilespmem:v55+s30+$0x0] =	vst.idx.msk $0xffff, v41  }
0x45a: {  	v58 =	vshll.u32 v40, v1;
	[tilespmem:v38+s30+$0x0] =	vst.idx.msk $0xffff, v56  }
0x45b: {  	v38 =	vbroadcast v58, $0x0;
	v39 =	vld [tilespmem:s1+$0xFFFFFF80]  }
0x45c: {  	v59 =	vld [tilespmem:s1+$0xFFFFFF90]  }
0x45d: {  	v41 =	vld [tilespmem:s1+$0xFFFFFFA0];
	v60 =	vadd.s32 v18, v38  }
0x45e: {  	v61 =	vld [tilespmem:s1+$0xFFFFFFB0];
	v62 =	vadd.s32 v19, v38  }
0x45f: {  	v63 =	vadd.s32 v20, v38  }
0x460: {  	v38 =	vadd.s32 v21, v38;
	v39 =	vmul.f32 v39, v5  }
0x461: {  	v40 =	vmul.f32 v59, v3  }
0x462: {  	s7 =	sadd.s32 $0xFFFFFFFD, s2;
	v41 =	vmul.f32 v41, v4;
	[tilespmem:v60+s30+$0x0] =	vst.idx.msk $0xffff, v39  }
0x463: {  	v49 =	vmov s7;
	v48 =	vmul.f32 v61, v2;
	[tilespmem:v62+s30+$0x0] =	vst.idx.msk $0xffff, v40  }
0x464: {  	v40 =	vshrl.u32 v49, $0x3;
	[tilespmem:v63+s30+$0x0] =	vst.idx.msk $0xffff, v41  }
0x465: {  	v50 =	vshll.u32 v40, v1;
	[tilespmem:v38+s30+$0x0] =	vst.idx.msk $0xffff, v48  }
0x466: {  	v38 =	vbroadcast v50, $0x0;
	v39 =	vld [tilespmem:s1+$0x0]  }
0x467: {  	v51 =	vld [tilespmem:s1+$0x10]  }
0x468: {  	v41 =	vld [tilespmem:s1+$0x20];
	v52 =	vadd.s32 v22, v38  }
0x469: {  	v53 =	vld [tilespmem:s1+$0x30];
	v54 =	vadd.s32 v23, v38  }
0x46a: {  	v55 =	vadd.s32 v24, v38  }
0x46b: {  	v38 =	vadd.s32 v25, v38;
	v39 =	vmul.f32 v39, v5  }
0x46c: {  	v40 =	vmul.f32 v51, v3  }
0x46d: {  	s22 =	sadd.s32 $0xFFFFFFFE, s2;
	v41 =	vmul.f32 v41, v4;
	[tilespmem:v52+s30+$0x0] =	vst.idx.msk $0xffff, v39  }
0x46e: {  	v57 =	vmov s22;
	v56 =	vmul.f32 v53, v2;
	[tilespmem:v54+s30+$0x0] =	vst.idx.msk $0xffff, v40  }
0x46f: {  	v40 =	vshrl.u32 v57, $0x3;
	[tilespmem:v55+s30+$0x0] =	vst.idx.msk $0xffff, v41  }
0x470: {  	v58 =	vshll.u32 v40, v1;
	[tilespmem:v38+s30+$0x0] =	vst.idx.msk $0xffff, v56  }
0x471: {  	v38 =	vbroadcast v58, $0x0;
	v39 =	vld [tilespmem:s1+$0x80]  }
0x472: {  	v59 =	vld [tilespmem:s1+$0x90]  }
0x473: {  	v41 =	vld [tilespmem:s1+$0xA0];
	v60 =	vadd.s32 v26, v38  }
0x474: {  	v61 =	vld [tilespmem:s1+$0xB0];
	v62 =	vadd.s32 v27, v38  }
0x475: {  	v63 =	vadd.s32 v28, v38  }
0x476: {  	v38 =	vadd.s32 v29, v38;
	v39 =	vmul.f32 v39, v5  }
0x477: {  	v40 =	vmul.f32 v59, v3  }
0x478: {  	s24 =	sadd.s32 $0xFFFFFFFF, s2;
	v41 =	vmul.f32 v41, v4;
	[tilespmem:v60+s30+$0x0] =	vst.idx.msk $0xffff, v39  }
0x479: {  	v49 =	vmov s24;
	v48 =	vmul.f32 v61, v2;
	[tilespmem:v62+s30+$0x0] =	vst.idx.msk $0xffff, v40  }
0x47a: {  	v40 =	vshrl.u32 v49, $0x3;
	[tilespmem:v63+s30+$0x0] =	vst.idx.msk $0xffff, v41  }
0x47b: {  	v50 =	vshll.u32 v40, v1;
	[tilespmem:v38+s30+$0x0] =	vst.idx.msk $0xffff, v48  }
0x47c: {  	v38 =	vbroadcast v50, $0x0;
	v39 =	vld [tilespmem:s1+$0x100]  }
0x47d: {  	v51 =	vld [tilespmem:s1+$0x110]  }
0x47e: {  	v41 =	vld [tilespmem:s1+$0x120];
	v52 =	vadd.s32 v30, v38  }
0x47f: {  	v53 =	vld [tilespmem:s1+$0x130];
	v54 =	vadd.s32 v31, v38  }
0x480: {  	v55 =	vadd.s32 v32, v38  }
0x481: {  	v38 =	vadd.s32 v33, v38;
	v39 =	vmul.f32 v39, v5  }
0x482: {  	v40 =	vmul.f32 v51, v3  }
0x483: {  	v41 =	vmul.f32 v41, v4;
	[tilespmem:v52+s30+$0x0] =	vst.idx.msk $0xffff, v39  }
0x484: {  	v57 =	vmov s2;
	v56 =	vmul.f32 v53, v2;
	[tilespmem:v54+s30+$0x0] =	vst.idx.msk $0xffff, v40  }
0x485: {  	v40 =	vshrl.u32 v57, $0x3;
	[tilespmem:v55+s30+$0x0] =	vst.idx.msk $0xffff, v41  }
0x486: {  	v58 =	vshll.u32 v40, v1;
	[tilespmem:v38+s30+$0x0] =	vst.idx.msk $0xffff, v56  }
0x487: {  	v38 =	vbroadcast v58, $0x0;
	v39 =	vld [tilespmem:s1+$0x180]  }
0x488: {  	v59 =	vld [tilespmem:s1+$0x190]  }
0x489: {  	v41 =	vld [tilespmem:s1+$0x1A0];
	v60 =	vadd.s32 v34, v38  }
0x48a: {  	v61 =	vld [tilespmem:s1+$0x1B0];
	v62 =	vadd.s32 v35, v38  }
0x48b: {  	v63 =	vadd.s32 v36, v38  }
0x48c: {  	v38 =	vadd.s32 v37, v38;
	v39 =	vmul.f32 v39, v5  }
0x48d: {  	v40 =	vmul.f32 v59, v3  }
0x48e: {  	v41 =	vmul.f32 v41, v4;
	[tilespmem:v60+s30+$0x0] =	vst.idx.msk $0xffff, v39  }
0x48f: {  	v47 =	vmul.f32 v61, v2;
	[tilespmem:v62+s30+$0x0] =	vst.idx.msk $0xffff, v40  }
0x490: {  	[tilespmem:v63+s30+$0x0] =	vst.idx.msk $0xffff, v41  }
0x491: {  	[tilespmem:v38+s30+$0x0] =	vst.idx.msk $0xffff, v47  }
0x492: {  	[hbm4b:s13+s4] =	stream.linear.scatter [tilespmem:s30], [sflag:$0x4], $0x8000, $0x38;
	[tilespmem:$0x18100] =	vst v63  }
0x493: {  	_ = 	snop  }
0x494: {  	[tilespmem:s25], [sflag:$0x2] =	stream.linear.gather [hbm4b:s14+s4], $0x4000, $0x38;
	[tilespmem:$0x18100] =	vst v63  }
0x495: {  	_ =	swait.ge [sflag:s26], $0x4000  }
0x496: {  	[sflag:s26] =	ssyncset.done $0x0  }
0x497: {  	s6 =	simm.s32 $0x0;
	[sflag:s26] =	ssyncadd.s32 $0xFFFFC000  }
0x498: {  	v48 =	vmov s6;
	_ =	swait.ge [sflag:s31], $0x8000  }
0x499: {  	v38 =	vshrl.u32 v48, $0x3;
	[sflag:s31] =	ssyncset.done $0x0  }
0x49a: {  	s1 =	simm.s32 $0x200;
	v38 =	vshll.u32 v38, v1;
	[sflag:s31] =	ssyncadd.s32 $0xFFFF8000  }
0x49b: {  	v38 =	vbroadcast v38, $0x0;
	v49 =	vld [tilespmem:s1+$0xFFFFFE00]  }
0x49c: {  	v50 =	vld [tilespmem:s1+$0xFFFFFE10]  }
0x49d: {  	v52 =	vadd.s32 v6, v38;
	v51 =	vld [tilespmem:s1+$0xFFFFFE20]  }
0x49e: {  	v54 =	vadd.s32 v7, v38;
	v53 =	vld [tilespmem:s1+$0xFFFFFE30]  }
0x49f: {  	v55 =	vadd.s32 v8, v38  }
0x4a0: {  	v38 =	vadd.s32 v9, v38;
	v39 =	vmul.f32 v49, v5  }
0x4a1: {  	v40 =	vmul.f32 v50, v3  }
0x4a2: {  	s7 =	simm.s32 $0x1;
	v41 =	vmul.f32 v51, v4;
	[tilespmem:v52+s28+$0x0] =	vst.idx.msk $0xffff, v39  }
0x4a3: {  	v57 =	vmov s7;
	v56 =	vmul.f32 v53, v2;
	[tilespmem:v54+s28+$0x0] =	vst.idx.msk $0xffff, v40  }
0x4a4: {  	v40 =	vshrl.u32 v57, $0x3;
	[tilespmem:v55+s28+$0x0] =	vst.idx.msk $0xffff, v41  }
0x4a5: {  	v58 =	vshll.u32 v40, v1;
	[tilespmem:v38+s28+$0x0] =	vst.idx.msk $0xffff, v56  }
0x4a6: {  	v38 =	vbroadcast v58, $0x0;
	v39 =	vld [tilespmem:s1+$0xFFFFFE80]  }
0x4a7: {  	v59 =	vld [tilespmem:s1+$0xFFFFFE90]  }
0x4a8: {  	v41 =	vld [tilespmem:s1+$0xFFFFFEA0];
	v60 =	vadd.s32 v10, v38  }
0x4a9: {  	v61 =	vld [tilespmem:s1+$0xFFFFFEB0];
	v62 =	vadd.s32 v11, v38  }
0x4aa: {  	v63 =	vadd.s32 v12, v38  }
0x4ab: {  	v38 =	vadd.s32 v13, v38;
	v39 =	vmul.f32 v39, v5  }
0x4ac: {  	v40 =	vmul.f32 v59, v3  }
0x4ad: {  	s22 =	simm.s32 $0x2;
	v41 =	vmul.f32 v41, v4;
	[tilespmem:v60+s28+$0x0] =	vst.idx.msk $0xffff, v39  }
0x4ae: {  	v49 =	vmov s22;
	v48 =	vmul.f32 v61, v2;
	[tilespmem:v62+s28+$0x0] =	vst.idx.msk $0xffff, v40  }
0x4af: {  	v40 =	vshrl.u32 v49, $0x3;
	[tilespmem:v63+s28+$0x0] =	vst.idx.msk $0xffff, v41  }
0x4b0: {  	v50 =	vshll.u32 v40, v1;
	[tilespmem:v38+s28+$0x0] =	vst.idx.msk $0xffff, v48  }
0x4b1: {  	v38 =	vbroadcast v50, $0x0;
	v39 =	vld [tilespmem:s1+$0xFFFFFF00]  }
0x4b2: {  	v51 =	vld [tilespmem:s1+$0xFFFFFF10]  }
0x4b3: {  	v41 =	vld [tilespmem:s1+$0xFFFFFF20];
	v52 =	vadd.s32 v14, v38  }
0x4b4: {  	v53 =	vld [tilespmem:s1+$0xFFFFFF30];
	v54 =	vadd.s32 v15, v38  }
0x4b5: {  	v55 =	vadd.s32 v16, v38  }
0x4b6: {  	v38 =	vadd.s32 v17, v38;
	v39 =	vmul.f32 v39, v5  }
0x4b7: {  	v40 =	vmul.f32 v51, v3  }
0x4b8: {  	s24 =	simm.s32 $0x3;
	v41 =	vmul.f32 v41, v4;
	[tilespmem:v52+s28+$0x0] =	vst.idx.msk $0xffff, v39  }
0x4b9: {  	v57 =	vmov s24;
	v56 =	vmul.f32 v53, v2;
	[tilespmem:v54+s28+$0x0] =	vst.idx.msk $0xffff, v40  }
0x4ba: {  	v40 =	vshrl.u32 v57, $0x3;
	[tilespmem:v55+s28+$0x0] =	vst.idx.msk $0xffff, v41  }
0x4bb: {  	v58 =	vshll.u32 v40, v1;
	[tilespmem:v38+s28+$0x0] =	vst.idx.msk $0xffff, v56  }
0x4bc: {  	v38 =	vbroadcast v58, $0x0;
	v39 =	vld [tilespmem:s1+$0xFFFFFF80]  }
0x4bd: {  	v59 =	vld [tilespmem:s1+$0xFFFFFF90]  }
0x4be: {  	v41 =	vld [tilespmem:s1+$0xFFFFFFA0];
	v60 =	vadd.s32 v18, v38  }
0x4bf: {  	v61 =	vld [tilespmem:s1+$0xFFFFFFB0];
	v62 =	vadd.s32 v19, v38  }
0x4c0: {  	v63 =	vadd.s32 v20, v38  }
0x4c1: {  	v38 =	vadd.s32 v21, v38;
	v39 =	vmul.f32 v39, v5  }
0x4c2: {  	v40 =	vmul.f32 v59, v3  }
0x4c3: {  	s5 =	simm.s32 $0x4;
	v41 =	vmul.f32 v41, v4;
	[tilespmem:v60+s28+$0x0] =	vst.idx.msk $0xffff, v39  }
0x4c4: {  	v49 =	vmov s5;
	v48 =	vmul.f32 v61, v2;
	[tilespmem:v62+s28+$0x0] =	vst.idx.msk $0xffff, v40  }
0x4c5: {  	v40 =	vshrl.u32 v49, $0x3;
	[tilespmem:v63+s28+$0x0] =	vst.idx.msk $0xffff, v41  }
0x4c6: {  	v50 =	vshll.u32 v40, v1;
	[tilespmem:v38+s28+$0x0] =	vst.idx.msk $0xffff, v48  }
0x4c7: {  	v38 =	vbroadcast v50, $0x0;
	v39 =	vld [tilespmem:s1+$0x0]  }
0x4c8: {  	v51 =	vld [tilespmem:s1+$0x10]  }
0x4c9: {  	v41 =	vld [tilespmem:s1+$0x20];
	v52 =	vadd.s32 v22, v38  }
0x4ca: {  	v53 =	vld [tilespmem:s1+$0x30];
	v54 =	vadd.s32 v23, v38  }
0x4cb: {  	v55 =	vadd.s32 v24, v38  }
0x4cc: {  	v38 =	vadd.s32 v25, v38;
	v39 =	vmul.f32 v39, v5  }
0x4cd: {  	v40 =	vmul.f32 v51, v3  }
0x4ce: {  	s6 =	simm.s32 $0x5;
	v41 =	vmul.f32 v41, v4;
	[tilespmem:v52+s28+$0x0] =	vst.idx.msk $0xffff, v39  }
0x4cf: {  	v57 =	vmov s6;
	v56 =	vmul.f32 v53, v2;
	[tilespmem:v54+s28+$0x0] =	vst.idx.msk $0xffff, v40  }
0x4d0: {  	v40 =	vshrl.u32 v57, $0x3;
	[tilespmem:v55+s28+$0x0] =	vst.idx.msk $0xffff, v41  }
0x4d1: {  	v58 =	vshll.u32 v40, v1;
	[tilespmem:v38+s28+$0x0] =	vst.idx.msk $0xffff, v56  }
0x4d2: {  	v38 =	vbroadcast v58, $0x0;
	v39 =	vld [tilespmem:s1+$0x80]  }
0x4d3: {  	v59 =	vld [tilespmem:s1+$0x90]  }
0x4d4: {  	v41 =	vld [tilespmem:s1+$0xA0];
	v60 =	vadd.s32 v26, v38  }
0x4d5: {  	v61 =	vld [tilespmem:s1+$0xB0];
	v62 =	vadd.s32 v27, v38  }
0x4d6: {  	v63 =	vadd.s32 v28, v38  }
0x4d7: {  	v38 =	vadd.s32 v29, v38;
	v39 =	vmul.f32 v39, v5  }
0x4d8: {  	v40 =	vmul.f32 v59, v3  }
0x4d9: {  	s7 =	simm.s32 $0x6;
	v41 =	vmul.f32 v41, v4;
	[tilespmem:v60+s28+$0x0] =	vst.idx.msk $0xffff, v39  }
0x4da: {  	v49 =	vmov s7;
	v48 =	vmul.f32 v61, v2;
	[tilespmem:v62+s28+$0x0] =	vst.idx.msk $0xffff, v40  }
0x4db: {  	v40 =	vshrl.u32 v49, $0x3;
	[tilespmem:v63+s28+$0x0] =	vst.idx.msk $0xffff, v41  }
0x4dc: {  	v50 =	vshll.u32 v40, v1;
	[tilespmem:v38+s28+$0x0] =	vst.idx.msk $0xffff, v48  }
0x4dd: {  	v38 =	vbroadcast v50, $0x0;
	v39 =	vld [tilespmem:s1+$0x100]  }
0x4de: {  	v51 =	vld [tilespmem:s1+$0x110]  }
0x4df: {  	v41 =	vld [tilespmem:s1+$0x120];
	v52 =	vadd.s32 v30, v38  }
0x4e0: {  	v53 =	vld [tilespmem:s1+$0x130];
	v54 =	vadd.s32 v31, v38  }
0x4e1: {  	v55 =	vadd.s32 v32, v38  }
0x4e2: {  	v38 =	vadd.s32 v33, v38;
	v39 =	vmul.f32 v39, v5  }
0x4e3: {  	v40 =	vmul.f32 v51, v3  }
0x4e4: {  	s22 =	simm.s32 $0x7;
	v41 =	vmul.f32 v41, v4;
	[tilespmem:v52+s28+$0x0] =	vst.idx.msk $0xffff, v39  }
0x4e5: {  	v57 =	vmov s22;
	v56 =	vmul.f32 v53, v2;
	[tilespmem:v54+s28+$0x0] =	vst.idx.msk $0xffff, v40  }
0x4e6: {  	v40 =	vshrl.u32 v57, $0x3;
	[tilespmem:v55+s28+$0x0] =	vst.idx.msk $0xffff, v41  }
0x4e7: {  	v58 =	vshll.u32 v40, v1;
	[tilespmem:v38+s28+$0x0] =	vst.idx.msk $0xffff, v56  }
0x4e8: {  	v38 =	vbroadcast v58, $0x0;
	v39 =	vld [tilespmem:s1+$0x180]  }
0x4e9: {  	v59 =	vld [tilespmem:s1+$0x190]  }
0x4ea: {  	v41 =	vld [tilespmem:s1+$0x1A0];
	v60 =	vadd.s32 v34, v38  }
0x4eb: {  	v61 =	vadd.s32 v35, v38  }
0x4ec: {  	v44 =	vld [tilespmem:s1+$0x1B0];
	v62 =	vadd.s32 v36, v38  }
0x4ed: {  	v39 =	vmul.f32 v39, v5  }
0x4ee: {  	v38 =	vadd.s32 v37, v38;
	v40 =	vmul.f32 v59, v3  }
0x4ef: {  	s24 =	simm.s32 $0x8;
	v41 =	vmul.f32 v41, v4;
	[tilespmem:v60+s28+$0x0] =	vst.idx.msk $0xffff, v39  }
0x4f0: {  	v63 =	vmov s24;
	[tilespmem:v61+s28+$0x0] =	vst.idx.msk $0xffff, v40  }
0x4f1: {  	s2 =	simm.s32 $0xF;
	s22 =	simm.s32 $0x17;
	v39 =	vmul.f32 v44, v2;
	v40 =	vshrl.u32 v63, $0x3;
	[tilespmem:v62+s28+$0x0] =	vst.idx.msk $0xffff, v41  }
.LBB2_12:
0x4f2: {  	p0 =	sne.s32 s22, $0x7F  }
0x4f3: {  	v40 =	vshll.u32 v40, v1;
	[tilespmem:v38+s28+$0x0] =	vst.idx.msk $0xffff, v39;
	s1 =	sadd.s32 $0x400, s1;
	s24 =	smov.u32 s22;
	s22 =	sadd.s32 $0x8, s22  }
0x4f4: {  	v38 =	vld [tilespmem:s1+$0xFFFFFE00];
	v39 =	vbroadcast v40, $0x0  }
0x4f5: {  	v40 =	vld [tilespmem:s1+$0xFFFFFE10]  }
0x4f6: {  	v41 =	vld [tilespmem:s1+$0xFFFFFE20];
	v42 =	vadd.s32 v6, v39  }
0x4f7: {  	v44 =	vadd.s32 v7, v39;
	v43 =	vld [tilespmem:s1+$0xFFFFFE30]  }
0x4f8: {  	v45 =	vadd.s32 v8, v39  }
0x4f9: {  	v39 =	vadd.s32 v9, v39;
	v38 =	vmul.f32 v38, v5  }
0x4fa: {  	v40 =	vmul.f32 v40, v3  }
0x4fb: {  	s5 =	sadd.s32 $0xFFFFFFFA, s2;
	v41 =	vmul.f32 v41, v4;
	[tilespmem:v42+s28+$0x0] =	vst.idx.msk $0xffff, v38  }
0x4fc: {  	v38 =	vmul.f32 v43, v2;
	[tilespmem:v44+s28+$0x0] =	vst.idx.msk $0xffff, v40;
	v40 =	vmov s5  }
0x4fd: {  	[tilespmem:v45+s28+$0x0] =	vst.idx.msk $0xffff, v41;
	v40 =	vshrl.u32 v40, $0x3  }
0x4fe: {  	[tilespmem:v39+s28+$0x0] =	vst.idx.msk $0xffff, v38;
	v38 =	vshll.u32 v40, v1  }
0x4ff: {  	v39 =	vld [tilespmem:s1+$0xFFFFFE80];
	v38 =	vbroadcast v38, $0x0  }
0x500: {  	v40 =	vld [tilespmem:s1+$0xFFFFFE90]  }
0x501: {  	v41 =	vld [tilespmem:s1+$0xFFFFFEA0];
	v42 =	vadd.s32 v10, v38  }
0x502: {  	v44 =	vadd.s32 v11, v38;
	v43 =	vld [tilespmem:s1+$0xFFFFFEB0]  }
0x503: {  	v45 =	vadd.s32 v12, v38  }
0x504: {  	v38 =	vadd.s32 v13, v38;
	v39 =	vmul.f32 v39, v5  }
0x505: {  	v40 =	vmul.f32 v40, v3  }
0x506: {  	s5 =	sadd.s32 $0xFFFFFFFB, s2;
	v41 =	vmul.f32 v41, v4;
	[tilespmem:v42+s28+$0x0] =	vst.idx.msk $0xffff, v39  }
0x507: {  	v39 =	vmul.f32 v43, v2;
	[tilespmem:v44+s28+$0x0] =	vst.idx.msk $0xffff, v40;
	v40 =	vmov s5  }
0x508: {  	[tilespmem:v45+s28+$0x0] =	vst.idx.msk $0xffff, v41;
	v40 =	vshrl.u32 v40, $0x3  }
0x509: {  	[tilespmem:v38+s28+$0x0] =	vst.idx.msk $0xffff, v39;
	v38 =	vshll.u32 v40, v1  }
0x50a: {  	v39 =	vld [tilespmem:s1+$0xFFFFFF00];
	v38 =	vbroadcast v38, $0x0  }
0x50b: {  	v40 =	vld [tilespmem:s1+$0xFFFFFF10]  }
0x50c: {  	v41 =	vld [tilespmem:s1+$0xFFFFFF20];
	v42 =	vadd.s32 v14, v38  }
0x50d: {  	v44 =	vadd.s32 v15, v38;
	v43 =	vld [tilespmem:s1+$0xFFFFFF30]  }
0x50e: {  	v45 =	vadd.s32 v16, v38  }
0x50f: {  	v38 =	vadd.s32 v17, v38;
	v39 =	vmul.f32 v39, v5  }
0x510: {  	v40 =	vmul.f32 v40, v3  }
0x511: {  	s5 =	sadd.s32 $0xFFFFFFFC, s2;
	v41 =	vmul.f32 v41, v4;
	[tilespmem:v42+s28+$0x0] =	vst.idx.msk $0xffff, v39  }
0x512: {  	v39 =	vmul.f32 v43, v2;
	[tilespmem:v44+s28+$0x0] =	vst.idx.msk $0xffff, v40;
	v40 =	vmov s5  }
0x513: {  	[tilespmem:v45+s28+$0x0] =	vst.idx.msk $0xffff, v41;
	v40 =	vshrl.u32 v40, $0x3  }
0x514: {  	[tilespmem:v38+s28+$0x0] =	vst.idx.msk $0xffff, v39;
	v38 =	vshll.u32 v40, v1  }
0x515: {  	v39 =	vld [tilespmem:s1+$0xFFFFFF80];
	v38 =	vbroadcast v38, $0x0  }
0x516: {  	v40 =	vld [tilespmem:s1+$0xFFFFFF90]  }
0x517: {  	v41 =	vld [tilespmem:s1+$0xFFFFFFA0];
	v42 =	vadd.s32 v18, v38  }
0x518: {  	v44 =	vadd.s32 v19, v38;
	v43 =	vld [tilespmem:s1+$0xFFFFFFB0]  }
0x519: {  	v45 =	vadd.s32 v20, v38  }
0x51a: {  	v38 =	vadd.s32 v21, v38;
	v39 =	vmul.f32 v39, v5  }
0x51b: {  	v40 =	vmul.f32 v40, v3  }
0x51c: {  	s5 =	sadd.s32 $0xFFFFFFFD, s2;
	v41 =	vmul.f32 v41, v4;
	[tilespmem:v42+s28+$0x0] =	vst.idx.msk $0xffff, v39  }
0x51d: {  	v39 =	vmul.f32 v43, v2;
	[tilespmem:v44+s28+$0x0] =	vst.idx.msk $0xffff, v40;
	v40 =	vmov s5  }
0x51e: {  	[tilespmem:v45+s28+$0x0] =	vst.idx.msk $0xffff, v41;
	v40 =	vshrl.u32 v40, $0x3  }
0x51f: {  	[tilespmem:v38+s28+$0x0] =	vst.idx.msk $0xffff, v39;
	v38 =	vshll.u32 v40, v1  }
0x520: {  	v39 =	vld [tilespmem:s1+$0x0];
	v38 =	vbroadcast v38, $0x0  }
0x521: {  	v40 =	vld [tilespmem:s1+$0x10]  }
0x522: {  	v41 =	vld [tilespmem:s1+$0x20];
	v42 =	vadd.s32 v22, v38  }
0x523: {  	v44 =	vadd.s32 v23, v38;
	v43 =	vld [tilespmem:s1+$0x30]  }
0x524: {  	v45 =	vadd.s32 v24, v38  }
0x525: {  	v38 =	vadd.s32 v25, v38;
	v39 =	vmul.f32 v39, v5  }
0x526: {  	v40 =	vmul.f32 v40, v3  }
0x527: {  	s5 =	sadd.s32 $0xFFFFFFFE, s2;
	v41 =	vmul.f32 v41, v4;
	[tilespmem:v42+s28+$0x0] =	vst.idx.msk $0xffff, v39  }
0x528: {  	v39 =	vmul.f32 v43, v2;
	[tilespmem:v44+s28+$0x0] =	vst.idx.msk $0xffff, v40;
	v40 =	vmov s5  }
0x529: {  	[tilespmem:v45+s28+$0x0] =	vst.idx.msk $0xffff, v41;
	v40 =	vshrl.u32 v40, $0x3  }
0x52a: {  	[tilespmem:v38+s28+$0x0] =	vst.idx.msk $0xffff, v39;
	v38 =	vshll.u32 v40, v1  }
0x52b: {  	v39 =	vld [tilespmem:s1+$0x80];
	v38 =	vbroadcast v38, $0x0  }
0x52c: {  	v40 =	vld [tilespmem:s1+$0x90]  }
0x52d: {  	v41 =	vld [tilespmem:s1+$0xA0];
	v42 =	vadd.s32 v26, v38  }
0x52e: {  	v44 =	vadd.s32 v27, v38;
	v43 =	vld [tilespmem:s1+$0xB0]  }
0x52f: {  	v45 =	vadd.s32 v28, v38  }
0x530: {  	v38 =	vadd.s32 v29, v38;
	v39 =	vmul.f32 v39, v5  }
0x531: {  	v40 =	vmul.f32 v40, v3  }
0x532: {  	s5 =	sadd.s32 $0xFFFFFFFF, s2;
	v41 =	vmul.f32 v41, v4;
	[tilespmem:v42+s28+$0x0] =	vst.idx.msk $0xffff, v39  }
0x533: {  	v39 =	vmul.f32 v43, v2;
	[tilespmem:v44+s28+$0x0] =	vst.idx.msk $0xffff, v40;
	v40 =	vmov s5  }
0x534: {  	[tilespmem:v45+s28+$0x0] =	vst.idx.msk $0xffff, v41;
	v40 =	vshrl.u32 v40, $0x3  }
0x535: {  	[tilespmem:v38+s28+$0x0] =	vst.idx.msk $0xffff, v39;
	v38 =	vshll.u32 v40, v1  }
0x536: {  	v39 =	vld [tilespmem:s1+$0x100];
	v38 =	vbroadcast v38, $0x0  }
0x537: {  	v40 =	vld [tilespmem:s1+$0x110]  }
0x538: {  	v41 =	vld [tilespmem:s1+$0x120];
	v42 =	vadd.s32 v30, v38  }
0x539: {  	v44 =	vadd.s32 v31, v38;
	v43 =	vld [tilespmem:s1+$0x130]  }
0x53a: {  	v45 =	vadd.s32 v32, v38  }
0x53b: {  	v38 =	vadd.s32 v33, v38;
	v39 =	vmul.f32 v39, v5  }
0x53c: {  	v40 =	vmul.f32 v40, v3  }
0x53d: {  	v41 =	vmul.f32 v41, v4;
	[tilespmem:v42+s28+$0x0] =	vst.idx.msk $0xffff, v39  }
0x53e: {  	v39 =	vmul.f32 v43, v2;
	[tilespmem:v44+s28+$0x0] =	vst.idx.msk $0xffff, v40;
	v40 =	vmov s2;
	s2 =	smov.u32 s24  }
0x53f: {  	[tilespmem:v45+s28+$0x0] =	vst.idx.msk $0xffff, v41;
	v40 =	vshrl.u32 v40, $0x3  }
0x540: {  	[tilespmem:v38+s28+$0x0] =	vst.idx.msk $0xffff, v39;
	v38 =	vshll.u32 v40, v1  }
0x541: {  	v39 =	vld [tilespmem:s1+$0x180];
	v38 =	vbroadcast v38, $0x0  }
0x542: {  	v40 =	vld [tilespmem:s1+$0x190]  }
0x543: {  	v41 =	vld [tilespmem:s1+$0x1A0];
	v42 =	vadd.s32 v34, v38  }
0x544: {  	v44 =	vadd.s32 v35, v38;
	v43 =	vld [tilespmem:s1+$0x1B0]  }
0x545: {  	v45 =	vadd.s32 v36, v38  }
.Ltmp5:
0x546: {  	v38 =	vadd.s32 v37, v38;
	v39 =	vmul.f32 v39, v5;
	(pc) =	sbr.rel @p0 .LBB2_12-.Ltmp5, $4  }
0x547: {  	v40 =	vmul.f32 v40, v3  }
0x548: {  	s5 =	sadd.s32 $0xFFFFFFF9, s2;
	v41 =	vmul.f32 v41, v4;
	[tilespmem:v42+s28+$0x0] =	vst.idx.msk $0xffff, v39  }
0x549: {  	v42 =	vmov s5;
	v39 =	vmul.f32 v43, v2;
	[tilespmem:v44+s28+$0x0] =	vst.idx.msk $0xffff, v40  }
0x54a: {  	v40 =	vshrl.u32 v42, $0x3;
	[tilespmem:v45+s28+$0x0] =	vst.idx.msk $0xffff, v41  }
0x54b: {  	_ =	sdelay $0x3  }
0x54c: {  	v40 =	vshll.u32 v40, v1;
	[tilespmem:v38+s28+$0x0] =	vst.idx.msk $0xffff, v39;
	s1 =	sadd.s32 $0x400, s1  }
0x54d: {  	v38 =	vld [tilespmem:s1+$0xFFFFFE00];
	v54 =	vbroadcast v40, $0x0  }
0x54e: {  	v55 =	vld [tilespmem:s1+$0xFFFFFE10]  }
0x54f: {  	v41 =	vld [tilespmem:s1+$0xFFFFFE20];
	v42 =	vadd.s32 v6, v54  }
0x550: {  	v43 =	vld [tilespmem:s1+$0xFFFFFE30];
	v44 =	vadd.s32 v7, v54  }
0x551: {  	v45 =	vadd.s32 v8, v54  }
0x552: {  	v39 =	vadd.s32 v9, v54;
	v38 =	vmul.f32 v38, v5  }
0x553: {  	v40 =	vmul.f32 v55, v3  }
0x554: {  	s5 =	sadd.s32 $0xFFFFFFFA, s2;
	v41 =	vmul.f32 v41, v4;
	[tilespmem:v42+s28+$0x0] =	vst.idx.msk $0xffff, v38  }
0x555: {  	v57 =	vmov s5;
	v56 =	vmul.f32 v43, v2;
	[tilespmem:v44+s28+$0x0] =	vst.idx.msk $0xffff, v40  }
0x556: {  	v40 =	vshrl.u32 v57, $0x3;
	[tilespmem:v45+s28+$0x0] =	vst.idx.msk $0xffff, v41  }
0x557: {  	v58 =	vshll.u32 v40, v1;
	[tilespmem:v39+s28+$0x0] =	vst.idx.msk $0xffff, v56  }
0x558: {  	v38 =	vbroadcast v58, $0x0;
	v39 =	vld [tilespmem:s1+$0xFFFFFE80]  }
0x559: {  	v59 =	vld [tilespmem:s1+$0xFFFFFE90]  }
0x55a: {  	v41 =	vld [tilespmem:s1+$0xFFFFFEA0];
	v60 =	vadd.s32 v10, v38  }
0x55b: {  	v61 =	vld [tilespmem:s1+$0xFFFFFEB0];
	v62 =	vadd.s32 v11, v38  }
0x55c: {  	v63 =	vadd.s32 v12, v38  }
0x55d: {  	v38 =	vadd.s32 v13, v38;
	v39 =	vmul.f32 v39, v5  }
0x55e: {  	v40 =	vmul.f32 v59, v3  }
0x55f: {  	s24 =	sadd.s32 $0xFFFFFFFB, s2;
	v41 =	vmul.f32 v41, v4;
	[tilespmem:v60+s28+$0x0] =	vst.idx.msk $0xffff, v39  }
0x560: {  	v49 =	vmov s24;
	v48 =	vmul.f32 v61, v2;
	[tilespmem:v62+s28+$0x0] =	vst.idx.msk $0xffff, v40  }
0x561: {  	v40 =	vshrl.u32 v49, $0x3;
	[tilespmem:v63+s28+$0x0] =	vst.idx.msk $0xffff, v41  }
0x562: {  	v50 =	vshll.u32 v40, v1;
	[tilespmem:v38+s28+$0x0] =	vst.idx.msk $0xffff, v48  }
0x563: {  	v38 =	vbroadcast v50, $0x0;
	v39 =	vld [tilespmem:s1+$0xFFFFFF00]  }
0x564: {  	v51 =	vld [tilespmem:s1+$0xFFFFFF10]  }
0x565: {  	v41 =	vld [tilespmem:s1+$0xFFFFFF20];
	v52 =	vadd.s32 v14, v38  }
0x566: {  	v53 =	vld [tilespmem:s1+$0xFFFFFF30];
	v54 =	vadd.s32 v15, v38  }
0x567: {  	v55 =	vadd.s32 v16, v38  }
0x568: {  	v38 =	vadd.s32 v17, v38;
	v39 =	vmul.f32 v39, v5  }
0x569: {  	v40 =	vmul.f32 v51, v3  }
0x56a: {  	s6 =	sadd.s32 $0xFFFFFFFC, s2;
	v41 =	vmul.f32 v41, v4;
	[tilespmem:v52+s28+$0x0] =	vst.idx.msk $0xffff, v39  }
0x56b: {  	v57 =	vmov s6;
	v56 =	vmul.f32 v53, v2;
	[tilespmem:v54+s28+$0x0] =	vst.idx.msk $0xffff, v40  }
0x56c: {  	v40 =	vshrl.u32 v57, $0x3;
	[tilespmem:v55+s28+$0x0] =	vst.idx.msk $0xffff, v41  }
0x56d: {  	v58 =	vshll.u32 v40, v1;
	[tilespmem:v38+s28+$0x0] =	vst.idx.msk $0xffff, v56  }
0x56e: {  	v38 =	vbroadcast v58, $0x0;
	v39 =	vld [tilespmem:s1+$0xFFFFFF80]  }
0x56f: {  	v59 =	vld [tilespmem:s1+$0xFFFFFF90]  }
0x570: {  	v41 =	vld [tilespmem:s1+$0xFFFFFFA0];
	v60 =	vadd.s32 v18, v38  }
0x571: {  	v61 =	vld [tilespmem:s1+$0xFFFFFFB0];
	v62 =	vadd.s32 v19, v38  }
0x572: {  	v63 =	vadd.s32 v20, v38  }
0x573: {  	v38 =	vadd.s32 v21, v38;
	v39 =	vmul.f32 v39, v5  }
0x574: {  	v40 =	vmul.f32 v59, v3  }
0x575: {  	s7 =	sadd.s32 $0xFFFFFFFD, s2;
	v41 =	vmul.f32 v41, v4;
	[tilespmem:v60+s28+$0x0] =	vst.idx.msk $0xffff, v39  }
0x576: {  	v49 =	vmov s7;
	v48 =	vmul.f32 v61, v2;
	[tilespmem:v62+s28+$0x0] =	vst.idx.msk $0xffff, v40  }
0x577: {  	v40 =	vshrl.u32 v49, $0x3;
	[tilespmem:v63+s28+$0x0] =	vst.idx.msk $0xffff, v41  }
0x578: {  	v50 =	vshll.u32 v40, v1;
	[tilespmem:v38+s28+$0x0] =	vst.idx.msk $0xffff, v48  }
0x579: {  	v38 =	vbroadcast v50, $0x0;
	v39 =	vld [tilespmem:s1+$0x0]  }
0x57a: {  	v51 =	vld [tilespmem:s1+$0x10]  }
0x57b: {  	v41 =	vld [tilespmem:s1+$0x20];
	v52 =	vadd.s32 v22, v38  }
0x57c: {  	v53 =	vld [tilespmem:s1+$0x30];
	v54 =	vadd.s32 v23, v38  }
0x57d: {  	v55 =	vadd.s32 v24, v38  }
0x57e: {  	v38 =	vadd.s32 v25, v38;
	v39 =	vmul.f32 v39, v5  }
0x57f: {  	v40 =	vmul.f32 v51, v3  }
0x580: {  	s22 =	sadd.s32 $0xFFFFFFFE, s2;
	v41 =	vmul.f32 v41, v4;
	[tilespmem:v52+s28+$0x0] =	vst.idx.msk $0xffff, v39  }
0x581: {  	v57 =	vmov s22;
	v56 =	vmul.f32 v53, v2;
	[tilespmem:v54+s28+$0x0] =	vst.idx.msk $0xffff, v40  }
0x582: {  	v40 =	vshrl.u32 v57, $0x3;
	[tilespmem:v55+s28+$0x0] =	vst.idx.msk $0xffff, v41  }
0x583: {  	v58 =	vshll.u32 v40, v1;
	[tilespmem:v38+s28+$0x0] =	vst.idx.msk $0xffff, v56  }
0x584: {  	v38 =	vbroadcast v58, $0x0;
	v39 =	vld [tilespmem:s1+$0x80]  }
0x585: {  	v59 =	vld [tilespmem:s1+$0x90]  }
0x586: {  	v41 =	vld [tilespmem:s1+$0xA0];
	v60 =	vadd.s32 v26, v38  }
0x587: {  	v61 =	vld [tilespmem:s1+$0xB0];
	v62 =	vadd.s32 v27, v38  }
0x588: {  	v63 =	vadd.s32 v28, v38  }
0x589: {  	v38 =	vadd.s32 v29, v38;
	v39 =	vmul.f32 v39, v5  }
0x58a: {  	v40 =	vmul.f32 v59, v3  }
0x58b: {  	s24 =	sadd.s32 $0xFFFFFFFF, s2;
	v41 =	vmul.f32 v41, v4;
	[tilespmem:v60+s28+$0x0] =	vst.idx.msk $0xffff, v39  }
0x58c: {  	v49 =	vmov s24;
	v48 =	vmul.f32 v61, v2;
	[tilespmem:v62+s28+$0x0] =	vst.idx.msk $0xffff, v40  }
0x58d: {  	v40 =	vshrl.u32 v49, $0x3;
	[tilespmem:v63+s28+$0x0] =	vst.idx.msk $0xffff, v41  }
0x58e: {  	v50 =	vshll.u32 v40, v1;
	[tilespmem:v38+s28+$0x0] =	vst.idx.msk $0xffff, v48  }
0x58f: {  	v38 =	vbroadcast v50, $0x0;
	v39 =	vld [tilespmem:s1+$0x100]  }
0x590: {  	v51 =	vld [tilespmem:s1+$0x110]  }
0x591: {  	v41 =	vld [tilespmem:s1+$0x120];
	v52 =	vadd.s32 v30, v38  }
0x592: {  	v53 =	vld [tilespmem:s1+$0x130];
	v54 =	vadd.s32 v31, v38  }
0x593: {  	v55 =	vadd.s32 v32, v38  }
0x594: {  	v38 =	vadd.s32 v33, v38;
	v39 =	vmul.f32 v39, v5  }
0x595: {  	v40 =	vmul.f32 v51, v3  }
0x596: {  	v41 =	vmul.f32 v41, v4;
	[tilespmem:v52+s28+$0x0] =	vst.idx.msk $0xffff, v39  }
0x597: {  	v57 =	vmov s2;
	v56 =	vmul.f32 v53, v2;
	[tilespmem:v54+s28+$0x0] =	vst.idx.msk $0xffff, v40  }
0x598: {  	v40 =	vshrl.u32 v57, $0x3;
	[tilespmem:v55+s28+$0x0] =	vst.idx.msk $0xffff, v41  }
0x599: {  	v58 =	vshll.u32 v40, v1;
	[tilespmem:v38+s28+$0x0] =	vst.idx.msk $0xffff, v56  }
0x59a: {  	v38 =	vbroadcast v58, $0x0;
	v39 =	vld [tilespmem:s1+$0x180]  }
0x59b: {  	v59 =	vld [tilespmem:s1+$0x190]  }
0x59c: {  	v41 =	vld [tilespmem:s1+$0x1A0];
	v60 =	vadd.s32 v34, v38  }
0x59d: {  	v61 =	vld [tilespmem:s1+$0x1B0];
	v62 =	vadd.s32 v35, v38  }
0x59e: {  	v63 =	vadd.s32 v36, v38  }
0x59f: {  	v38 =	vadd.s32 v37, v38;
	v39 =	vmul.f32 v39, v5  }
0x5a0: {  	v40 =	vmul.f32 v59, v3  }
0x5a1: {  	v41 =	vmul.f32 v41, v4;
	[tilespmem:v60+s28+$0x0] =	vst.idx.msk $0xffff, v39  }
0x5a2: {  	v47 =	vmul.f32 v61, v2;
	[tilespmem:v62+s28+$0x0] =	vst.idx.msk $0xffff, v40  }
0x5a3: {  	[tilespmem:v63+s28+$0x0] =	vst.idx.msk $0xffff, v41  }
0x5a4: {  	[tilespmem:v38+s28+$0x0] =	vst.idx.msk $0xffff, v47  }
0x5a5: {  	[hbm4b:s15+s4] =	stream.linear.scatter [tilespmem:s28], [sflag:$0x3], $0x8000, $0x38;
	[tilespmem:$0x18100] =	vst v63  }
0x5a6: {  	_ = 	snop  }
0x5a7: {  	[tilespmem:s4], [sflag:$0x1] =	stream.linear.gather [hbm4b:s16+s4], $0x4000, $0x38;
	[tilespmem:$0x18100] =	vst v63  }
0x5a8: {  	_ =	swait.ge [sflag:s29], $0x4000  }
0x5a9: {  	[sflag:s29] =	ssyncset.done $0x0  }
0x5aa: {  	s6 =	simm.s32 $0x0;
	[sflag:s29] =	ssyncadd.s32 $0xFFFFC000  }
0x5ab: {  	v48 =	vmov s6;
	_ =	swait.ge [sflag:s0], $0x8000  }
0x5ac: {  	v38 =	vshrl.u32 v48, $0x3;
	[sflag:s0] =	ssyncset.done $0x0  }
0x5ad: {  	s1 =	simm.s32 $0x4200;
	v38 =	vshll.u32 v38, v1;
	[sflag:s0] =	ssyncadd.s32 $0xFFFF8000  }
0x5ae: {  	v38 =	vbroadcast v38, $0x0;
	v49 =	vld [tilespmem:s1+$0xFFFFFE00]  }
0x5af: {  	v50 =	vld [tilespmem:s1+$0xFFFFFE10]  }
0x5b0: {  	v52 =	vadd.s32 v6, v38;
	v51 =	vld [tilespmem:s1+$0xFFFFFE20]  }
0x5b1: {  	v54 =	vadd.s32 v7, v38;
	v53 =	vld [tilespmem:s1+$0xFFFFFE30]  }
0x5b2: {  	v55 =	vadd.s32 v8, v38  }
0x5b3: {  	v38 =	vadd.s32 v9, v38;
	v39 =	vmul.f32 v49, v5  }
0x5b4: {  	v40 =	vmul.f32 v50, v3  }
0x5b5: {  	s7 =	simm.s32 $0x1;
	v41 =	vmul.f32 v51, v4;
	[tilespmem:v52+s30+$0x0] =	vst.idx.msk $0xffff, v39  }
0x5b6: {  	v57 =	vmov s7;
	v56 =	vmul.f32 v53, v2;
	[tilespmem:v54+s30+$0x0] =	vst.idx.msk $0xffff, v40  }
0x5b7: {  	v40 =	vshrl.u32 v57, $0x3;
	[tilespmem:v55+s30+$0x0] =	vst.idx.msk $0xffff, v41  }
0x5b8: {  	v58 =	vshll.u32 v40, v1;
	[tilespmem:v38+s30+$0x0] =	vst.idx.msk $0xffff, v56  }
0x5b9: {  	v38 =	vbroadcast v58, $0x0;
	v39 =	vld [tilespmem:s1+$0xFFFFFE80]  }
0x5ba: {  	v59 =	vld [tilespmem:s1+$0xFFFFFE90]  }
0x5bb: {  	v41 =	vld [tilespmem:s1+$0xFFFFFEA0];
	v60 =	vadd.s32 v10, v38  }
0x5bc: {  	v61 =	vld [tilespmem:s1+$0xFFFFFEB0];
	v62 =	vadd.s32 v11, v38  }
0x5bd: {  	v63 =	vadd.s32 v12, v38  }
0x5be: {  	v38 =	vadd.s32 v13, v38;
	v39 =	vmul.f32 v39, v5  }
0x5bf: {  	v40 =	vmul.f32 v59, v3  }
0x5c0: {  	s22 =	simm.s32 $0x2;
	v41 =	vmul.f32 v41, v4;
	[tilespmem:v60+s30+$0x0] =	vst.idx.msk $0xffff, v39  }
0x5c1: {  	v49 =	vmov s22;
	v48 =	vmul.f32 v61, v2;
	[tilespmem:v62+s30+$0x0] =	vst.idx.msk $0xffff, v40  }
0x5c2: {  	v40 =	vshrl.u32 v49, $0x3;
	[tilespmem:v63+s30+$0x0] =	vst.idx.msk $0xffff, v41  }
0x5c3: {  	v50 =	vshll.u32 v40, v1;
	[tilespmem:v38+s30+$0x0] =	vst.idx.msk $0xffff, v48  }
0x5c4: {  	v38 =	vbroadcast v50, $0x0;
	v39 =	vld [tilespmem:s1+$0xFFFFFF00]  }
0x5c5: {  	v51 =	vld [tilespmem:s1+$0xFFFFFF10]  }
0x5c6: {  	v41 =	vld [tilespmem:s1+$0xFFFFFF20];
	v52 =	vadd.s32 v14, v38  }
0x5c7: {  	v53 =	vld [tilespmem:s1+$0xFFFFFF30];
	v54 =	vadd.s32 v15, v38  }
0x5c8: {  	v55 =	vadd.s32 v16, v38  }
0x5c9: {  	v38 =	vadd.s32 v17, v38;
	v39 =	vmul.f32 v39, v5  }
0x5ca: {  	v40 =	vmul.f32 v51, v3  }
0x5cb: {  	s24 =	simm.s32 $0x3;
	v41 =	vmul.f32 v41, v4;
	[tilespmem:v52+s30+$0x0] =	vst.idx.msk $0xffff, v39  }
0x5cc: {  	v57 =	vmov s24;
	v56 =	vmul.f32 v53, v2;
	[tilespmem:v54+s30+$0x0] =	vst.idx.msk $0xffff, v40  }
0x5cd: {  	v40 =	vshrl.u32 v57, $0x3;
	[tilespmem:v55+s30+$0x0] =	vst.idx.msk $0xffff, v41  }
0x5ce: {  	v58 =	vshll.u32 v40, v1;
	[tilespmem:v38+s30+$0x0] =	vst.idx.msk $0xffff, v56  }
0x5cf: {  	v38 =	vbroadcast v58, $0x0;
	v39 =	vld [tilespmem:s1+$0xFFFFFF80]  }
0x5d0: {  	v59 =	vld [tilespmem:s1+$0xFFFFFF90]  }
0x5d1: {  	v41 =	vld [tilespmem:s1+$0xFFFFFFA0];
	v60 =	vadd.s32 v18, v38  }
0x5d2: {  	v61 =	vld [tilespmem:s1+$0xFFFFFFB0];
	v62 =	vadd.s32 v19, v38  }
0x5d3: {  	v63 =	vadd.s32 v20, v38  }
0x5d4: {  	v38 =	vadd.s32 v21, v38;
	v39 =	vmul.f32 v39, v5  }
0x5d5: {  	v40 =	vmul.f32 v59, v3  }
0x5d6: {  	s5 =	simm.s32 $0x4;
	v41 =	vmul.f32 v41, v4;
	[tilespmem:v60+s30+$0x0] =	vst.idx.msk $0xffff, v39  }
0x5d7: {  	v49 =	vmov s5;
	v48 =	vmul.f32 v61, v2;
	[tilespmem:v62+s30+$0x0] =	vst.idx.msk $0xffff, v40  }
0x5d8: {  	v40 =	vshrl.u32 v49, $0x3;
	[tilespmem:v63+s30+$0x0] =	vst.idx.msk $0xffff, v41  }
0x5d9: {  	v50 =	vshll.u32 v40, v1;
	[tilespmem:v38+s30+$0x0] =	vst.idx.msk $0xffff, v48  }
0x5da: {  	v38 =	vbroadcast v50, $0x0;
	v39 =	vld [tilespmem:s1+$0x0]  }
0x5db: {  	v51 =	vld [tilespmem:s1+$0x10]  }
0x5dc: {  	v41 =	vld [tilespmem:s1+$0x20];
	v52 =	vadd.s32 v22, v38  }
0x5dd: {  	v53 =	vld [tilespmem:s1+$0x30];
	v54 =	vadd.s32 v23, v38  }
0x5de: {  	v55 =	vadd.s32 v24, v38  }
0x5df: {  	v38 =	vadd.s32 v25, v38;
	v39 =	vmul.f32 v39, v5  }
0x5e0: {  	v40 =	vmul.f32 v51, v3  }
0x5e1: {  	s6 =	simm.s32 $0x5;
	v41 =	vmul.f32 v41, v4;
	[tilespmem:v52+s30+$0x0] =	vst.idx.msk $0xffff, v39  }
0x5e2: {  	v57 =	vmov s6;
	v56 =	vmul.f32 v53, v2;
	[tilespmem:v54+s30+$0x0] =	vst.idx.msk $0xffff, v40  }
0x5e3: {  	v40 =	vshrl.u32 v57, $0x3;
	[tilespmem:v55+s30+$0x0] =	vst.idx.msk $0xffff, v41  }
0x5e4: {  	v58 =	vshll.u32 v40, v1;
	[tilespmem:v38+s30+$0x0] =	vst.idx.msk $0xffff, v56  }
0x5e5: {  	v38 =	vbroadcast v58, $0x0;
	v39 =	vld [tilespmem:s1+$0x80]  }
0x5e6: {  	v59 =	vld [tilespmem:s1+$0x90]  }
0x5e7: {  	v41 =	vld [tilespmem:s1+$0xA0];
	v60 =	vadd.s32 v26, v38  }
0x5e8: {  	v61 =	vld [tilespmem:s1+$0xB0];
	v62 =	vadd.s32 v27, v38  }
0x5e9: {  	v63 =	vadd.s32 v28, v38  }
0x5ea: {  	v38 =	vadd.s32 v29, v38;
	v39 =	vmul.f32 v39, v5  }
0x5eb: {  	v40 =	vmul.f32 v59, v3  }
0x5ec: {  	s7 =	simm.s32 $0x6;
	v41 =	vmul.f32 v41, v4;
	[tilespmem:v60+s30+$0x0] =	vst.idx.msk $0xffff, v39  }
0x5ed: {  	v49 =	vmov s7;
	v48 =	vmul.f32 v61, v2;
	[tilespmem:v62+s30+$0x0] =	vst.idx.msk $0xffff, v40  }
0x5ee: {  	v40 =	vshrl.u32 v49, $0x3;
	[tilespmem:v63+s30+$0x0] =	vst.idx.msk $0xffff, v41  }
0x5ef: {  	v50 =	vshll.u32 v40, v1;
	[tilespmem:v38+s30+$0x0] =	vst.idx.msk $0xffff, v48  }
0x5f0: {  	v38 =	vbroadcast v50, $0x0;
	v39 =	vld [tilespmem:s1+$0x100]  }
0x5f1: {  	v51 =	vld [tilespmem:s1+$0x110]  }
0x5f2: {  	v41 =	vld [tilespmem:s1+$0x120];
	v52 =	vadd.s32 v30, v38  }
0x5f3: {  	v53 =	vld [tilespmem:s1+$0x130];
	v54 =	vadd.s32 v31, v38  }
0x5f4: {  	v55 =	vadd.s32 v32, v38  }
0x5f5: {  	v38 =	vadd.s32 v33, v38;
	v39 =	vmul.f32 v39, v5  }
0x5f6: {  	v40 =	vmul.f32 v51, v3  }
0x5f7: {  	s22 =	simm.s32 $0x7;
	v41 =	vmul.f32 v41, v4;
	[tilespmem:v52+s30+$0x0] =	vst.idx.msk $0xffff, v39  }
0x5f8: {  	v57 =	vmov s22;
	v56 =	vmul.f32 v53, v2;
	[tilespmem:v54+s30+$0x0] =	vst.idx.msk $0xffff, v40  }
0x5f9: {  	v40 =	vshrl.u32 v57, $0x3;
	[tilespmem:v55+s30+$0x0] =	vst.idx.msk $0xffff, v41  }
0x5fa: {  	v58 =	vshll.u32 v40, v1;
	[tilespmem:v38+s30+$0x0] =	vst.idx.msk $0xffff, v56  }
0x5fb: {  	v38 =	vbroadcast v58, $0x0;
	v39 =	vld [tilespmem:s1+$0x180]  }
0x5fc: {  	v59 =	vld [tilespmem:s1+$0x190]  }
0x5fd: {  	v41 =	vld [tilespmem:s1+$0x1A0];
	v60 =	vadd.s32 v34, v38  }
0x5fe: {  	v61 =	vadd.s32 v35, v38  }
0x5ff: {  	v44 =	vld [tilespmem:s1+$0x1B0];
	v62 =	vadd.s32 v36, v38  }
0x600: {  	v39 =	vmul.f32 v39, v5  }
0x601: {  	v38 =	vadd.s32 v37, v38;
	v40 =	vmul.f32 v59, v3  }
0x602: {  	s24 =	simm.s32 $0x8;
	v41 =	vmul.f32 v41, v4;
	[tilespmem:v60+s30+$0x0] =	vst.idx.msk $0xffff, v39  }
0x603: {  	v63 =	vmov s24;
	[tilespmem:v61+s30+$0x0] =	vst.idx.msk $0xffff, v40  }
0x604: {  	s2 =	simm.s32 $0xF;
	s22 =	simm.s32 $0x17;
	v39 =	vmul.f32 v44, v2;
	v40 =	vshrl.u32 v63, $0x3;
	[tilespmem:v62+s30+$0x0] =	vst.idx.msk $0xffff, v41  }
.LBB2_14:
0x605: {  	p0 =	sne.s32 s22, $0x7F  }
0x606: {  	v40 =	vshll.u32 v40, v1;
	[tilespmem:v38+s30+$0x0] =	vst.idx.msk $0xffff, v39;
	s1 =	sadd.s32 $0x400, s1;
	s24 =	smov.u32 s22;
	s22 =	sadd.s32 $0x8, s22  }
0x607: {  	v38 =	vld [tilespmem:s1+$0xFFFFFE00];
	v39 =	vbroadcast v40, $0x0  }
0x608: {  	v40 =	vld [tilespmem:s1+$0xFFFFFE10]  }
0x609: {  	v41 =	vld [tilespmem:s1+$0xFFFFFE20];
	v42 =	vadd.s32 v6, v39  }
0x60a: {  	v44 =	vadd.s32 v7, v39;
	v43 =	vld [tilespmem:s1+$0xFFFFFE30]  }
0x60b: {  	v45 =	vadd.s32 v8, v39  }
0x60c: {  	v39 =	vadd.s32 v9, v39;
	v38 =	vmul.f32 v38, v5  }
0x60d: {  	v40 =	vmul.f32 v40, v3  }
0x60e: {  	s5 =	sadd.s32 $0xFFFFFFFA, s2;
	v41 =	vmul.f32 v41, v4;
	[tilespmem:v42+s30+$0x0] =	vst.idx.msk $0xffff, v38  }
0x60f: {  	v38 =	vmul.f32 v43, v2;
	[tilespmem:v44+s30+$0x0] =	vst.idx.msk $0xffff, v40;
	v40 =	vmov s5  }
0x610: {  	[tilespmem:v45+s30+$0x0] =	vst.idx.msk $0xffff, v41;
	v40 =	vshrl.u32 v40, $0x3  }
0x611: {  	[tilespmem:v39+s30+$0x0] =	vst.idx.msk $0xffff, v38;
	v38 =	vshll.u32 v40, v1  }
0x612: {  	v39 =	vld [tilespmem:s1+$0xFFFFFE80];
	v38 =	vbroadcast v38, $0x0  }
0x613: {  	v40 =	vld [tilespmem:s1+$0xFFFFFE90]  }
0x614: {  	v41 =	vld [tilespmem:s1+$0xFFFFFEA0];
	v42 =	vadd.s32 v10, v38  }
0x615: {  	v44 =	vadd.s32 v11, v38;
	v43 =	vld [tilespmem:s1+$0xFFFFFEB0]  }
0x616: {  	v45 =	vadd.s32 v12, v38  }
0x617: {  	v38 =	vadd.s32 v13, v38;
	v39 =	vmul.f32 v39, v5  }
0x618: {  	v40 =	vmul.f32 v40, v3  }
0x619: {  	s5 =	sadd.s32 $0xFFFFFFFB, s2;
	v41 =	vmul.f32 v41, v4;
	[tilespmem:v42+s30+$0x0] =	vst.idx.msk $0xffff, v39  }
0x61a: {  	v39 =	vmul.f32 v43, v2;
	[tilespmem:v44+s30+$0x0] =	vst.idx.msk $0xffff, v40;
	v40 =	vmov s5  }
0x61b: {  	[tilespmem:v45+s30+$0x0] =	vst.idx.msk $0xffff, v41;
	v40 =	vshrl.u32 v40, $0x3  }
0x61c: {  	[tilespmem:v38+s30+$0x0] =	vst.idx.msk $0xffff, v39;
	v38 =	vshll.u32 v40, v1  }
0x61d: {  	v39 =	vld [tilespmem:s1+$0xFFFFFF00];
	v38 =	vbroadcast v38, $0x0  }
0x61e: {  	v40 =	vld [tilespmem:s1+$0xFFFFFF10]  }
0x61f: {  	v41 =	vld [tilespmem:s1+$0xFFFFFF20];
	v42 =	vadd.s32 v14, v38  }
0x620: {  	v44 =	vadd.s32 v15, v38;
	v43 =	vld [tilespmem:s1+$0xFFFFFF30]  }
0x621: {  	v45 =	vadd.s32 v16, v38  }
0x622: {  	v38 =	vadd.s32 v17, v38;
	v39 =	vmul.f32 v39, v5  }
0x623: {  	v40 =	vmul.f32 v40, v3  }
0x624: {  	s5 =	sadd.s32 $0xFFFFFFFC, s2;
	v41 =	vmul.f32 v41, v4;
	[tilespmem:v42+s30+$0x0] =	vst.idx.msk $0xffff, v39  }
0x625: {  	v39 =	vmul.f32 v43, v2;
	[tilespmem:v44+s30+$0x0] =	vst.idx.msk $0xffff, v40;
	v40 =	vmov s5  }
0x626: {  	[tilespmem:v45+s30+$0x0] =	vst.idx.msk $0xffff, v41;
	v40 =	vshrl.u32 v40, $0x3  }
0x627: {  	[tilespmem:v38+s30+$0x0] =	vst.idx.msk $0xffff, v39;
	v38 =	vshll.u32 v40, v1  }
0x628: {  	v39 =	vld [tilespmem:s1+$0xFFFFFF80];
	v38 =	vbroadcast v38, $0x0  }
0x629: {  	v40 =	vld [tilespmem:s1+$0xFFFFFF90]  }
0x62a: {  	v41 =	vld [tilespmem:s1+$0xFFFFFFA0];
	v42 =	vadd.s32 v18, v38  }
0x62b: {  	v44 =	vadd.s32 v19, v38;
	v43 =	vld [tilespmem:s1+$0xFFFFFFB0]  }
0x62c: {  	v45 =	vadd.s32 v20, v38  }
0x62d: {  	v38 =	vadd.s32 v21, v38;
	v39 =	vmul.f32 v39, v5  }
0x62e: {  	v40 =	vmul.f32 v40, v3  }
0x62f: {  	s5 =	sadd.s32 $0xFFFFFFFD, s2;
	v41 =	vmul.f32 v41, v4;
	[tilespmem:v42+s30+$0x0] =	vst.idx.msk $0xffff, v39  }
0x630: {  	v39 =	vmul.f32 v43, v2;
	[tilespmem:v44+s30+$0x0] =	vst.idx.msk $0xffff, v40;
	v40 =	vmov s5  }
0x631: {  	[tilespmem:v45+s30+$0x0] =	vst.idx.msk $0xffff, v41;
	v40 =	vshrl.u32 v40, $0x3  }
0x632: {  	[tilespmem:v38+s30+$0x0] =	vst.idx.msk $0xffff, v39;
	v38 =	vshll.u32 v40, v1  }
0x633: {  	v39 =	vld [tilespmem:s1+$0x0];
	v38 =	vbroadcast v38, $0x0  }
0x634: {  	v40 =	vld [tilespmem:s1+$0x10]  }
0x635: {  	v41 =	vld [tilespmem:s1+$0x20];
	v42 =	vadd.s32 v22, v38  }
0x636: {  	v44 =	vadd.s32 v23, v38;
	v43 =	vld [tilespmem:s1+$0x30]  }
0x637: {  	v45 =	vadd.s32 v24, v38  }
0x638: {  	v38 =	vadd.s32 v25, v38;
	v39 =	vmul.f32 v39, v5  }
0x639: {  	v40 =	vmul.f32 v40, v3  }
0x63a: {  	s5 =	sadd.s32 $0xFFFFFFFE, s2;
	v41 =	vmul.f32 v41, v4;
	[tilespmem:v42+s30+$0x0] =	vst.idx.msk $0xffff, v39  }
0x63b: {  	v39 =	vmul.f32 v43, v2;
	[tilespmem:v44+s30+$0x0] =	vst.idx.msk $0xffff, v40;
	v40 =	vmov s5  }
0x63c: {  	[tilespmem:v45+s30+$0x0] =	vst.idx.msk $0xffff, v41;
	v40 =	vshrl.u32 v40, $0x3  }
0x63d: {  	[tilespmem:v38+s30+$0x0] =	vst.idx.msk $0xffff, v39;
	v38 =	vshll.u32 v40, v1  }
0x63e: {  	v39 =	vld [tilespmem:s1+$0x80];
	v38 =	vbroadcast v38, $0x0  }
0x63f: {  	v40 =	vld [tilespmem:s1+$0x90]  }
0x640: {  	v41 =	vld [tilespmem:s1+$0xA0];
	v42 =	vadd.s32 v26, v38  }
0x641: {  	v44 =	vadd.s32 v27, v38;
	v43 =	vld [tilespmem:s1+$0xB0]  }
0x642: {  	v45 =	vadd.s32 v28, v38  }
0x643: {  	v38 =	vadd.s32 v29, v38;
	v39 =	vmul.f32 v39, v5  }
0x644: {  	v40 =	vmul.f32 v40, v3  }
0x645: {  	s5 =	sadd.s32 $0xFFFFFFFF, s2;
	v41 =	vmul.f32 v41, v4;
	[tilespmem:v42+s30+$0x0] =	vst.idx.msk $0xffff, v39  }
0x646: {  	v39 =	vmul.f32 v43, v2;
	[tilespmem:v44+s30+$0x0] =	vst.idx.msk $0xffff, v40;
	v40 =	vmov s5  }
0x647: {  	[tilespmem:v45+s30+$0x0] =	vst.idx.msk $0xffff, v41;
	v40 =	vshrl.u32 v40, $0x3  }
0x648: {  	[tilespmem:v38+s30+$0x0] =	vst.idx.msk $0xffff, v39;
	v38 =	vshll.u32 v40, v1  }
0x649: {  	v39 =	vld [tilespmem:s1+$0x100];
	v38 =	vbroadcast v38, $0x0  }
0x64a: {  	v40 =	vld [tilespmem:s1+$0x110]  }
0x64b: {  	v41 =	vld [tilespmem:s1+$0x120];
	v42 =	vadd.s32 v30, v38  }
0x64c: {  	v44 =	vadd.s32 v31, v38;
	v43 =	vld [tilespmem:s1+$0x130]  }
0x64d: {  	v45 =	vadd.s32 v32, v38  }
0x64e: {  	v38 =	vadd.s32 v33, v38;
	v39 =	vmul.f32 v39, v5  }
0x64f: {  	v40 =	vmul.f32 v40, v3  }
0x650: {  	v41 =	vmul.f32 v41, v4;
	[tilespmem:v42+s30+$0x0] =	vst.idx.msk $0xffff, v39  }
0x651: {  	v39 =	vmul.f32 v43, v2;
	[tilespmem:v44+s30+$0x0] =	vst.idx.msk $0xffff, v40;
	v40 =	vmov s2;
	s2 =	smov.u32 s24  }
0x652: {  	[tilespmem:v45+s30+$0x0] =	vst.idx.msk $0xffff, v41;
	v40 =	vshrl.u32 v40, $0x3  }
0x653: {  	[tilespmem:v38+s30+$0x0] =	vst.idx.msk $0xffff, v39;
	v38 =	vshll.u32 v40, v1  }
0x654: {  	v39 =	vld [tilespmem:s1+$0x180];
	v38 =	vbroadcast v38, $0x0  }
0x655: {  	v40 =	vld [tilespmem:s1+$0x190]  }
0x656: {  	v41 =	vld [tilespmem:s1+$0x1A0];
	v42 =	vadd.s32 v34, v38  }
0x657: {  	v44 =	vadd.s32 v35, v38;
	v43 =	vld [tilespmem:s1+$0x1B0]  }
0x658: {  	v45 =	vadd.s32 v36, v38  }
.Ltmp6:
0x659: {  	v38 =	vadd.s32 v37, v38;
	v39 =	vmul.f32 v39, v5;
	(pc) =	sbr.rel @p0 .LBB2_14-.Ltmp6, $4  }
0x65a: {  	v40 =	vmul.f32 v40, v3  }
0x65b: {  	s5 =	sadd.s32 $0xFFFFFFF9, s2;
	v41 =	vmul.f32 v41, v4;
	[tilespmem:v42+s30+$0x0] =	vst.idx.msk $0xffff, v39  }
0x65c: {  	v42 =	vmov s5;
	v39 =	vmul.f32 v43, v2;
	[tilespmem:v44+s30+$0x0] =	vst.idx.msk $0xffff, v40  }
0x65d: {  	v40 =	vshrl.u32 v42, $0x3;
	[tilespmem:v45+s30+$0x0] =	vst.idx.msk $0xffff, v41  }
0x65e: {  	_ =	sdelay $0x3  }
0x65f: {  	v40 =	vshll.u32 v40, v1;
	[tilespmem:v38+s30+$0x0] =	vst.idx.msk $0xffff, v39;
	s1 =	sadd.s32 $0x400, s1  }
0x660: {  	v38 =	vld [tilespmem:s1+$0xFFFFFE00];
	v54 =	vbroadcast v40, $0x0  }
0x661: {  	v55 =	vld [tilespmem:s1+$0xFFFFFE10]  }
0x662: {  	v41 =	vld [tilespmem:s1+$0xFFFFFE20];
	v42 =	vadd.s32 v6, v54  }
0x663: {  	v43 =	vld [tilespmem:s1+$0xFFFFFE30];
	v44 =	vadd.s32 v7, v54  }
0x664: {  	v45 =	vadd.s32 v8, v54  }
0x665: {  	v39 =	vadd.s32 v9, v54;
	v38 =	vmul.f32 v38, v5  }
0x666: {  	v40 =	vmul.f32 v55, v3  }
0x667: {  	s5 =	sadd.s32 $0xFFFFFFFA, s2;
	v41 =	vmul.f32 v41, v4;
	[tilespmem:v42+s30+$0x0] =	vst.idx.msk $0xffff, v38  }
0x668: {  	v57 =	vmov s5;
	v56 =	vmul.f32 v43, v2;
	[tilespmem:v44+s30+$0x0] =	vst.idx.msk $0xffff, v40  }
0x669: {  	v40 =	vshrl.u32 v57, $0x3;
	[tilespmem:v45+s30+$0x0] =	vst.idx.msk $0xffff, v41  }
0x66a: {  	v58 =	vshll.u32 v40, v1;
	[tilespmem:v39+s30+$0x0] =	vst.idx.msk $0xffff, v56  }
0x66b: {  	v38 =	vbroadcast v58, $0x0;
	v39 =	vld [tilespmem:s1+$0xFFFFFE80]  }
0x66c: {  	v59 =	vld [tilespmem:s1+$0xFFFFFE90]  }
0x66d: {  	v41 =	vld [tilespmem:s1+$0xFFFFFEA0];
	v60 =	vadd.s32 v10, v38  }
0x66e: {  	v61 =	vld [tilespmem:s1+$0xFFFFFEB0];
	v62 =	vadd.s32 v11, v38  }
0x66f: {  	v63 =	vadd.s32 v12, v38  }
0x670: {  	v38 =	vadd.s32 v13, v38;
	v39 =	vmul.f32 v39, v5  }
0x671: {  	v40 =	vmul.f32 v59, v3  }
0x672: {  	s24 =	sadd.s32 $0xFFFFFFFB, s2;
	v41 =	vmul.f32 v41, v4;
	[tilespmem:v60+s30+$0x0] =	vst.idx.msk $0xffff, v39  }
0x673: {  	v49 =	vmov s24;
	v48 =	vmul.f32 v61, v2;
	[tilespmem:v62+s30+$0x0] =	vst.idx.msk $0xffff, v40  }
0x674: {  	v40 =	vshrl.u32 v49, $0x3;
	[tilespmem:v63+s30+$0x0] =	vst.idx.msk $0xffff, v41  }
0x675: {  	v50 =	vshll.u32 v40, v1;
	[tilespmem:v38+s30+$0x0] =	vst.idx.msk $0xffff, v48  }
0x676: {  	v38 =	vbroadcast v50, $0x0;
	v39 =	vld [tilespmem:s1+$0xFFFFFF00]  }
0x677: {  	v51 =	vld [tilespmem:s1+$0xFFFFFF10]  }
0x678: {  	v41 =	vld [tilespmem:s1+$0xFFFFFF20];
	v52 =	vadd.s32 v14, v38  }
0x679: {  	v53 =	vld [tilespmem:s1+$0xFFFFFF30];
	v54 =	vadd.s32 v15, v38  }
0x67a: {  	v55 =	vadd.s32 v16, v38  }
0x67b: {  	v38 =	vadd.s32 v17, v38;
	v39 =	vmul.f32 v39, v5  }
0x67c: {  	v40 =	vmul.f32 v51, v3  }
0x67d: {  	s6 =	sadd.s32 $0xFFFFFFFC, s2;
	v41 =	vmul.f32 v41, v4;
	[tilespmem:v52+s30+$0x0] =	vst.idx.msk $0xffff, v39  }
0x67e: {  	v57 =	vmov s6;
	v56 =	vmul.f32 v53, v2;
	[tilespmem:v54+s30+$0x0] =	vst.idx.msk $0xffff, v40  }
0x67f: {  	v40 =	vshrl.u32 v57, $0x3;
	[tilespmem:v55+s30+$0x0] =	vst.idx.msk $0xffff, v41  }
0x680: {  	v58 =	vshll.u32 v40, v1;
	[tilespmem:v38+s30+$0x0] =	vst.idx.msk $0xffff, v56  }
0x681: {  	v38 =	vbroadcast v58, $0x0;
	v39 =	vld [tilespmem:s1+$0xFFFFFF80]  }
0x682: {  	v59 =	vld [tilespmem:s1+$0xFFFFFF90]  }
0x683: {  	v41 =	vld [tilespmem:s1+$0xFFFFFFA0];
	v60 =	vadd.s32 v18, v38  }
0x684: {  	v61 =	vld [tilespmem:s1+$0xFFFFFFB0];
	v62 =	vadd.s32 v19, v38  }
0x685: {  	v63 =	vadd.s32 v20, v38  }
0x686: {  	v38 =	vadd.s32 v21, v38;
	v39 =	vmul.f32 v39, v5  }
0x687: {  	v40 =	vmul.f32 v59, v3  }
0x688: {  	s7 =	sadd.s32 $0xFFFFFFFD, s2;
	v41 =	vmul.f32 v41, v4;
	[tilespmem:v60+s30+$0x0] =	vst.idx.msk $0xffff, v39  }
0x689: {  	v49 =	vmov s7;
	v48 =	vmul.f32 v61, v2;
	[tilespmem:v62+s30+$0x0] =	vst.idx.msk $0xffff, v40  }
0x68a: {  	v40 =	vshrl.u32 v49, $0x3;
	[tilespmem:v63+s30+$0x0] =	vst.idx.msk $0xffff, v41  }
0x68b: {  	v50 =	vshll.u32 v40, v1;
	[tilespmem:v38+s30+$0x0] =	vst.idx.msk $0xffff, v48  }
0x68c: {  	v38 =	vbroadcast v50, $0x0;
	v39 =	vld [tilespmem:s1+$0x0]  }
0x68d: {  	v51 =	vld [tilespmem:s1+$0x10]  }
0x68e: {  	v41 =	vld [tilespmem:s1+$0x20];
	v52 =	vadd.s32 v22, v38  }
0x68f: {  	v53 =	vld [tilespmem:s1+$0x30];
	v54 =	vadd.s32 v23, v38  }
0x690: {  	v55 =	vadd.s32 v24, v38  }
0x691: {  	v38 =	vadd.s32 v25, v38;
	v39 =	vmul.f32 v39, v5  }
0x692: {  	v40 =	vmul.f32 v51, v3  }
0x693: {  	s22 =	sadd.s32 $0xFFFFFFFE, s2;
	v41 =	vmul.f32 v41, v4;
	[tilespmem:v52+s30+$0x0] =	vst.idx.msk $0xffff, v39  }
0x694: {  	v57 =	vmov s22;
	v56 =	vmul.f32 v53, v2;
	[tilespmem:v54+s30+$0x0] =	vst.idx.msk $0xffff, v40  }
0x695: {  	v40 =	vshrl.u32 v57, $0x3;
	[tilespmem:v55+s30+$0x0] =	vst.idx.msk $0xffff, v41  }
0x696: {  	v58 =	vshll.u32 v40, v1;
	[tilespmem:v38+s30+$0x0] =	vst.idx.msk $0xffff, v56  }
0x697: {  	v38 =	vbroadcast v58, $0x0;
	v39 =	vld [tilespmem:s1+$0x80]  }
0x698: {  	v59 =	vld [tilespmem:s1+$0x90]  }
0x699: {  	v41 =	vld [tilespmem:s1+$0xA0];
	v60 =	vadd.s32 v26, v38  }
0x69a: {  	v61 =	vld [tilespmem:s1+$0xB0];
	v62 =	vadd.s32 v27, v38  }
0x69b: {  	v63 =	vadd.s32 v28, v38  }
0x69c: {  	v38 =	vadd.s32 v29, v38;
	v39 =	vmul.f32 v39, v5  }
0x69d: {  	v40 =	vmul.f32 v59, v3  }
0x69e: {  	s24 =	sadd.s32 $0xFFFFFFFF, s2;
	v41 =	vmul.f32 v41, v4;
	[tilespmem:v60+s30+$0x0] =	vst.idx.msk $0xffff, v39  }
0x69f: {  	v49 =	vmov s24;
	v48 =	vmul.f32 v61, v2;
	[tilespmem:v62+s30+$0x0] =	vst.idx.msk $0xffff, v40  }
0x6a0: {  	v40 =	vshrl.u32 v49, $0x3;
	[tilespmem:v63+s30+$0x0] =	vst.idx.msk $0xffff, v41  }
0x6a1: {  	v50 =	vshll.u32 v40, v1;
	[tilespmem:v38+s30+$0x0] =	vst.idx.msk $0xffff, v48  }
0x6a2: {  	v38 =	vbroadcast v50, $0x0;
	v39 =	vld [tilespmem:s1+$0x100]  }
0x6a3: {  	v51 =	vld [tilespmem:s1+$0x110]  }
0x6a4: {  	v41 =	vld [tilespmem:s1+$0x120];
	v52 =	vadd.s32 v30, v38  }
0x6a5: {  	v53 =	vld [tilespmem:s1+$0x130];
	v54 =	vadd.s32 v31, v38  }
0x6a6: {  	v55 =	vadd.s32 v32, v38  }
0x6a7: {  	v38 =	vadd.s32 v33, v38;
	v39 =	vmul.f32 v39, v5  }
0x6a8: {  	v40 =	vmul.f32 v51, v3  }
0x6a9: {  	v41 =	vmul.f32 v41, v4;
	[tilespmem:v52+s30+$0x0] =	vst.idx.msk $0xffff, v39  }
0x6aa: {  	v57 =	vmov s2;
	v56 =	vmul.f32 v53, v2;
	[tilespmem:v54+s30+$0x0] =	vst.idx.msk $0xffff, v40  }
0x6ab: {  	v40 =	vshrl.u32 v57, $0x3;
	[tilespmem:v55+s30+$0x0] =	vst.idx.msk $0xffff, v41  }
0x6ac: {  	v58 =	vshll.u32 v40, v1;
	[tilespmem:v38+s30+$0x0] =	vst.idx.msk $0xffff, v56  }
0x6ad: {  	v38 =	vbroadcast v58, $0x0;
	v39 =	vld [tilespmem:s1+$0x180]  }
0x6ae: {  	v59 =	vld [tilespmem:s1+$0x190]  }
0x6af: {  	v41 =	vld [tilespmem:s1+$0x1A0];
	v60 =	vadd.s32 v34, v38  }
0x6b0: {  	v61 =	vld [tilespmem:s1+$0x1B0];
	v62 =	vadd.s32 v35, v38  }
0x6b1: {  	v63 =	vadd.s32 v36, v38  }
0x6b2: {  	v38 =	vadd.s32 v37, v38;
	v39 =	vmul.f32 v39, v5  }
0x6b3: {  	v40 =	vmul.f32 v59, v3  }
0x6b4: {  	v41 =	vmul.f32 v41, v4;
	[tilespmem:v60+s30+$0x0] =	vst.idx.msk $0xffff, v39  }
0x6b5: {  	v47 =	vmul.f32 v61, v2;
	[tilespmem:v62+s30+$0x0] =	vst.idx.msk $0xffff, v40  }
0x6b6: {  	[tilespmem:v63+s30+$0x0] =	vst.idx.msk $0xffff, v41  }
0x6b7: {  	[tilespmem:v38+s30+$0x0] =	vst.idx.msk $0xffff, v47  }
0x6b8: {  	[hbm4b:s17+s4] =	stream.linear.scatter [tilespmem:s30], [sflag:$0x4], $0x8000, $0x38;
	[tilespmem:$0x18100] =	vst v63  }
0x6b9: {  	_ = 	snop  }
0x6ba: {  	[tilespmem:s25], [sflag:$0x2] =	stream.linear.gather [hbm4b:s18+s4], $0x4000, $0x38;
	[tilespmem:$0x18100] =	vst v63  }
0x6bb: {  	_ =	swait.ge [sflag:s26], $0x4000  }
0x6bc: {  	[sflag:s26] =	ssyncset.done $0x0  }
0x6bd: {  	s6 =	simm.s32 $0x0;
	[sflag:s26] =	ssyncadd.s32 $0xFFFFC000  }
0x6be: {  	v48 =	vmov s6;
	_ =	swait.ge [sflag:s31], $0x8000  }
0x6bf: {  	v38 =	vshrl.u32 v48, $0x3;
	[sflag:s31] =	ssyncset.done $0x0  }
0x6c0: {  	s1 =	simm.s32 $0x200;
	v38 =	vshll.u32 v38, v1;
	[sflag:s31] =	ssyncadd.s32 $0xFFFF8000  }
0x6c1: {  	v38 =	vbroadcast v38, $0x0;
	v49 =	vld [tilespmem:s1+$0xFFFFFE00]  }
0x6c2: {  	v50 =	vld [tilespmem:s1+$0xFFFFFE10]  }
0x6c3: {  	v52 =	vadd.s32 v6, v38;
	v51 =	vld [tilespmem:s1+$0xFFFFFE20]  }
0x6c4: {  	v54 =	vadd.s32 v7, v38;
	v53 =	vld [tilespmem:s1+$0xFFFFFE30]  }
0x6c5: {  	v55 =	vadd.s32 v8, v38  }
0x6c6: {  	v38 =	vadd.s32 v9, v38;
	v39 =	vmul.f32 v49, v5  }
0x6c7: {  	v40 =	vmul.f32 v50, v3  }
0x6c8: {  	s7 =	simm.s32 $0x1;
	v41 =	vmul.f32 v51, v4;
	[tilespmem:v52+s28+$0x0] =	vst.idx.msk $0xffff, v39  }
0x6c9: {  	v57 =	vmov s7;
	v56 =	vmul.f32 v53, v2;
	[tilespmem:v54+s28+$0x0] =	vst.idx.msk $0xffff, v40  }
0x6ca: {  	v40 =	vshrl.u32 v57, $0x3;
	[tilespmem:v55+s28+$0x0] =	vst.idx.msk $0xffff, v41  }
0x6cb: {  	v58 =	vshll.u32 v40, v1;
	[tilespmem:v38+s28+$0x0] =	vst.idx.msk $0xffff, v56  }
0x6cc: {  	v38 =	vbroadcast v58, $0x0;
	v39 =	vld [tilespmem:s1+$0xFFFFFE80]  }
0x6cd: {  	v59 =	vld [tilespmem:s1+$0xFFFFFE90]  }
0x6ce: {  	v41 =	vld [tilespmem:s1+$0xFFFFFEA0];
	v60 =	vadd.s32 v10, v38  }
0x6cf: {  	v61 =	vld [tilespmem:s1+$0xFFFFFEB0];
	v62 =	vadd.s32 v11, v38  }
0x6d0: {  	v63 =	vadd.s32 v12, v38  }
0x6d1: {  	v38 =	vadd.s32 v13, v38;
	v39 =	vmul.f32 v39, v5  }
0x6d2: {  	v40 =	vmul.f32 v59, v3  }
0x6d3: {  	s22 =	simm.s32 $0x2;
	v41 =	vmul.f32 v41, v4;
	[tilespmem:v60+s28+$0x0] =	vst.idx.msk $0xffff, v39  }
0x6d4: {  	v49 =	vmov s22;
	v48 =	vmul.f32 v61, v2;
	[tilespmem:v62+s28+$0x0] =	vst.idx.msk $0xffff, v40  }
0x6d5: {  	v40 =	vshrl.u32 v49, $0x3;
	[tilespmem:v63+s28+$0x0] =	vst.idx.msk $0xffff, v41  }
0x6d6: {  	v50 =	vshll.u32 v40, v1;
	[tilespmem:v38+s28+$0x0] =	vst.idx.msk $0xffff, v48  }
0x6d7: {  	v38 =	vbroadcast v50, $0x0;
	v39 =	vld [tilespmem:s1+$0xFFFFFF00]  }
0x6d8: {  	v51 =	vld [tilespmem:s1+$0xFFFFFF10]  }
0x6d9: {  	v41 =	vld [tilespmem:s1+$0xFFFFFF20];
	v52 =	vadd.s32 v14, v38  }
0x6da: {  	v53 =	vld [tilespmem:s1+$0xFFFFFF30];
	v54 =	vadd.s32 v15, v38  }
0x6db: {  	v55 =	vadd.s32 v16, v38  }
0x6dc: {  	v38 =	vadd.s32 v17, v38;
	v39 =	vmul.f32 v39, v5  }
0x6dd: {  	v40 =	vmul.f32 v51, v3  }
0x6de: {  	s24 =	simm.s32 $0x3;
	v41 =	vmul.f32 v41, v4;
	[tilespmem:v52+s28+$0x0] =	vst.idx.msk $0xffff, v39  }
0x6df: {  	v57 =	vmov s24;
	v56 =	vmul.f32 v53, v2;
	[tilespmem:v54+s28+$0x0] =	vst.idx.msk $0xffff, v40  }
0x6e0: {  	v40 =	vshrl.u32 v57, $0x3;
	[tilespmem:v55+s28+$0x0] =	vst.idx.msk $0xffff, v41  }
0x6e1: {  	v58 =	vshll.u32 v40, v1;
	[tilespmem:v38+s28+$0x0] =	vst.idx.msk $0xffff, v56  }
0x6e2: {  	v38 =	vbroadcast v58, $0x0;
	v39 =	vld [tilespmem:s1+$0xFFFFFF80]  }
0x6e3: {  	v59 =	vld [tilespmem:s1+$0xFFFFFF90]  }
0x6e4: {  	v41 =	vld [tilespmem:s1+$0xFFFFFFA0];
	v60 =	vadd.s32 v18, v38  }
0x6e5: {  	v61 =	vld [tilespmem:s1+$0xFFFFFFB0];
	v62 =	vadd.s32 v19, v38  }
0x6e6: {  	v63 =	vadd.s32 v20, v38  }
0x6e7: {  	v38 =	vadd.s32 v21, v38;
	v39 =	vmul.f32 v39, v5  }
0x6e8: {  	v40 =	vmul.f32 v59, v3  }
0x6e9: {  	s5 =	simm.s32 $0x4;
	v41 =	vmul.f32 v41, v4;
	[tilespmem:v60+s28+$0x0] =	vst.idx.msk $0xffff, v39  }
0x6ea: {  	v49 =	vmov s5;
	v48 =	vmul.f32 v61, v2;
	[tilespmem:v62+s28+$0x0] =	vst.idx.msk $0xffff, v40  }
0x6eb: {  	v40 =	vshrl.u32 v49, $0x3;
	[tilespmem:v63+s28+$0x0] =	vst.idx.msk $0xffff, v41  }
0x6ec: {  	v50 =	vshll.u32 v40, v1;
	[tilespmem:v38+s28+$0x0] =	vst.idx.msk $0xffff, v48  }
0x6ed: {  	v38 =	vbroadcast v50, $0x0;
	v39 =	vld [tilespmem:s1+$0x0]  }
0x6ee: {  	v51 =	vld [tilespmem:s1+$0x10]  }
0x6ef: {  	v41 =	vld [tilespmem:s1+$0x20];
	v52 =	vadd.s32 v22, v38  }
0x6f0: {  	v53 =	vld [tilespmem:s1+$0x30];
	v54 =	vadd.s32 v23, v38  }
0x6f1: {  	v55 =	vadd.s32 v24, v38  }
0x6f2: {  	v38 =	vadd.s32 v25, v38;
	v39 =	vmul.f32 v39, v5  }
0x6f3: {  	v40 =	vmul.f32 v51, v3  }
0x6f4: {  	s6 =	simm.s32 $0x5;
	v41 =	vmul.f32 v41, v4;
	[tilespmem:v52+s28+$0x0] =	vst.idx.msk $0xffff, v39  }
0x6f5: {  	v57 =	vmov s6;
	v56 =	vmul.f32 v53, v2;
	[tilespmem:v54+s28+$0x0] =	vst.idx.msk $0xffff, v40  }
0x6f6: {  	v40 =	vshrl.u32 v57, $0x3;
	[tilespmem:v55+s28+$0x0] =	vst.idx.msk $0xffff, v41  }
0x6f7: {  	v58 =	vshll.u32 v40, v1;
	[tilespmem:v38+s28+$0x0] =	vst.idx.msk $0xffff, v56  }
0x6f8: {  	v38 =	vbroadcast v58, $0x0;
	v39 =	vld [tilespmem:s1+$0x80]  }
0x6f9: {  	v59 =	vld [tilespmem:s1+$0x90]  }
0x6fa: {  	v41 =	vld [tilespmem:s1+$0xA0];
	v60 =	vadd.s32 v26, v38  }
0x6fb: {  	v61 =	vld [tilespmem:s1+$0xB0];
	v62 =	vadd.s32 v27, v38  }
0x6fc: {  	v63 =	vadd.s32 v28, v38  }
0x6fd: {  	v38 =	vadd.s32 v29, v38;
	v39 =	vmul.f32 v39, v5  }
0x6fe: {  	v40 =	vmul.f32 v59, v3  }
0x6ff: {  	s7 =	simm.s32 $0x6;
	v41 =	vmul.f32 v41, v4;
	[tilespmem:v60+s28+$0x0] =	vst.idx.msk $0xffff, v39  }
0x700: {  	v49 =	vmov s7;
	v48 =	vmul.f32 v61, v2;
	[tilespmem:v62+s28+$0x0] =	vst.idx.msk $0xffff, v40  }
0x701: {  	v40 =	vshrl.u32 v49, $0x3;
	[tilespmem:v63+s28+$0x0] =	vst.idx.msk $0xffff, v41  }
0x702: {  	v50 =	vshll.u32 v40, v1;
	[tilespmem:v38+s28+$0x0] =	vst.idx.msk $0xffff, v48  }
0x703: {  	v38 =	vbroadcast v50, $0x0;
	v39 =	vld [tilespmem:s1+$0x100]  }
0x704: {  	v51 =	vld [tilespmem:s1+$0x110]  }
0x705: {  	v41 =	vld [tilespmem:s1+$0x120];
	v52 =	vadd.s32 v30, v38  }
0x706: {  	v53 =	vld [tilespmem:s1+$0x130];
	v54 =	vadd.s32 v31, v38  }
0x707: {  	v55 =	vadd.s32 v32, v38  }
0x708: {  	v38 =	vadd.s32 v33, v38;
	v39 =	vmul.f32 v39, v5  }
0x709: {  	v40 =	vmul.f32 v51, v3  }
0x70a: {  	s22 =	simm.s32 $0x7;
	v41 =	vmul.f32 v41, v4;
	[tilespmem:v52+s28+$0x0] =	vst.idx.msk $0xffff, v39  }
0x70b: {  	v57 =	vmov s22;
	v56 =	vmul.f32 v53, v2;
	[tilespmem:v54+s28+$0x0] =	vst.idx.msk $0xffff, v40  }
0x70c: {  	v40 =	vshrl.u32 v57, $0x3;
	[tilespmem:v55+s28+$0x0] =	vst.idx.msk $0xffff, v41  }
0x70d: {  	v58 =	vshll.u32 v40, v1;
	[tilespmem:v38+s28+$0x0] =	vst.idx.msk $0xffff, v56  }
0x70e: {  	v38 =	vbroadcast v58, $0x0;
	v39 =	vld [tilespmem:s1+$0x180]  }
0x70f: {  	v59 =	vld [tilespmem:s1+$0x190]  }
0x710: {  	v41 =	vld [tilespmem:s1+$0x1A0];
	v60 =	vadd.s32 v34, v38  }
0x711: {  	v61 =	vadd.s32 v35, v38  }
0x712: {  	v44 =	vld [tilespmem:s1+$0x1B0];
	v62 =	vadd.s32 v36, v38  }
0x713: {  	v39 =	vmul.f32 v39, v5  }
0x714: {  	v38 =	vadd.s32 v37, v38;
	v40 =	vmul.f32 v59, v3  }
0x715: {  	s24 =	simm.s32 $0x8;
	v41 =	vmul.f32 v41, v4;
	[tilespmem:v60+s28+$0x0] =	vst.idx.msk $0xffff, v39  }
0x716: {  	v63 =	vmov s24;
	[tilespmem:v61+s28+$0x0] =	vst.idx.msk $0xffff, v40  }
0x717: {  	s2 =	simm.s32 $0xF;
	s22 =	simm.s32 $0x17;
	v39 =	vmul.f32 v44, v2;
	v40 =	vshrl.u32 v63, $0x3;
	[tilespmem:v62+s28+$0x0] =	vst.idx.msk $0xffff, v41  }
.LBB2_16:
0x718: {  	p0 =	sne.s32 s22, $0x7F  }
0x719: {  	v40 =	vshll.u32 v40, v1;
	[tilespmem:v38+s28+$0x0] =	vst.idx.msk $0xffff, v39;
	s1 =	sadd.s32 $0x400, s1;
	s24 =	smov.u32 s22;
	s22 =	sadd.s32 $0x8, s22  }
0x71a: {  	v38 =	vld [tilespmem:s1+$0xFFFFFE00];
	v39 =	vbroadcast v40, $0x0  }
0x71b: {  	v40 =	vld [tilespmem:s1+$0xFFFFFE10]  }
0x71c: {  	v41 =	vld [tilespmem:s1+$0xFFFFFE20];
	v42 =	vadd.s32 v6, v39  }
0x71d: {  	v44 =	vadd.s32 v7, v39;
	v43 =	vld [tilespmem:s1+$0xFFFFFE30]  }
0x71e: {  	v45 =	vadd.s32 v8, v39  }
0x71f: {  	v39 =	vadd.s32 v9, v39;
	v38 =	vmul.f32 v38, v5  }
0x720: {  	v40 =	vmul.f32 v40, v3  }
0x721: {  	s5 =	sadd.s32 $0xFFFFFFFA, s2;
	v41 =	vmul.f32 v41, v4;
	[tilespmem:v42+s28+$0x0] =	vst.idx.msk $0xffff, v38  }
0x722: {  	v38 =	vmul.f32 v43, v2;
	[tilespmem:v44+s28+$0x0] =	vst.idx.msk $0xffff, v40;
	v40 =	vmov s5  }
0x723: {  	[tilespmem:v45+s28+$0x0] =	vst.idx.msk $0xffff, v41;
	v40 =	vshrl.u32 v40, $0x3  }
0x724: {  	[tilespmem:v39+s28+$0x0] =	vst.idx.msk $0xffff, v38;
	v38 =	vshll.u32 v40, v1  }
0x725: {  	v39 =	vld [tilespmem:s1+$0xFFFFFE80];
	v38 =	vbroadcast v38, $0x0  }
0x726: {  	v40 =	vld [tilespmem:s1+$0xFFFFFE90]  }
0x727: {  	v41 =	vld [tilespmem:s1+$0xFFFFFEA0];
	v42 =	vadd.s32 v10, v38  }
0x728: {  	v44 =	vadd.s32 v11, v38;
	v43 =	vld [tilespmem:s1+$0xFFFFFEB0]  }
0x729: {  	v45 =	vadd.s32 v12, v38  }
0x72a: {  	v38 =	vadd.s32 v13, v38;
	v39 =	vmul.f32 v39, v5  }
0x72b: {  	v40 =	vmul.f32 v40, v3  }
0x72c: {  	s5 =	sadd.s32 $0xFFFFFFFB, s2;
	v41 =	vmul.f32 v41, v4;
	[tilespmem:v42+s28+$0x0] =	vst.idx.msk $0xffff, v39  }
0x72d: {  	v39 =	vmul.f32 v43, v2;
	[tilespmem:v44+s28+$0x0] =	vst.idx.msk $0xffff, v40;
	v40 =	vmov s5  }
0x72e: {  	[tilespmem:v45+s28+$0x0] =	vst.idx.msk $0xffff, v41;
	v40 =	vshrl.u32 v40, $0x3  }
0x72f: {  	[tilespmem:v38+s28+$0x0] =	vst.idx.msk $0xffff, v39;
	v38 =	vshll.u32 v40, v1  }
0x730: {  	v39 =	vld [tilespmem:s1+$0xFFFFFF00];
	v38 =	vbroadcast v38, $0x0  }
0x731: {  	v40 =	vld [tilespmem:s1+$0xFFFFFF10]  }
0x732: {  	v41 =	vld [tilespmem:s1+$0xFFFFFF20];
	v42 =	vadd.s32 v14, v38  }
0x733: {  	v44 =	vadd.s32 v15, v38;
	v43 =	vld [tilespmem:s1+$0xFFFFFF30]  }
0x734: {  	v45 =	vadd.s32 v16, v38  }
0x735: {  	v38 =	vadd.s32 v17, v38;
	v39 =	vmul.f32 v39, v5  }
0x736: {  	v40 =	vmul.f32 v40, v3  }
0x737: {  	s5 =	sadd.s32 $0xFFFFFFFC, s2;
	v41 =	vmul.f32 v41, v4;
	[tilespmem:v42+s28+$0x0] =	vst.idx.msk $0xffff, v39  }
0x738: {  	v39 =	vmul.f32 v43, v2;
	[tilespmem:v44+s28+$0x0] =	vst.idx.msk $0xffff, v40;
	v40 =	vmov s5  }
0x739: {  	[tilespmem:v45+s28+$0x0] =	vst.idx.msk $0xffff, v41;
	v40 =	vshrl.u32 v40, $0x3  }
0x73a: {  	[tilespmem:v38+s28+$0x0] =	vst.idx.msk $0xffff, v39;
	v38 =	vshll.u32 v40, v1  }
0x73b: {  	v39 =	vld [tilespmem:s1+$0xFFFFFF80];
	v38 =	vbroadcast v38, $0x0  }
0x73c: {  	v40 =	vld [tilespmem:s1+$0xFFFFFF90]  }
0x73d: {  	v41 =	vld [tilespmem:s1+$0xFFFFFFA0];
	v42 =	vadd.s32 v18, v38  }
0x73e: {  	v44 =	vadd.s32 v19, v38;
	v43 =	vld [tilespmem:s1+$0xFFFFFFB0]  }
0x73f: {  	v45 =	vadd.s32 v20, v38  }
0x740: {  	v38 =	vadd.s32 v21, v38;
	v39 =	vmul.f32 v39, v5  }
0x741: {  	v40 =	vmul.f32 v40, v3  }
0x742: {  	s5 =	sadd.s32 $0xFFFFFFFD, s2;
	v41 =	vmul.f32 v41, v4;
	[tilespmem:v42+s28+$0x0] =	vst.idx.msk $0xffff, v39  }
0x743: {  	v39 =	vmul.f32 v43, v2;
	[tilespmem:v44+s28+$0x0] =	vst.idx.msk $0xffff, v40;
	v40 =	vmov s5  }
0x744: {  	[tilespmem:v45+s28+$0x0] =	vst.idx.msk $0xffff, v41;
	v40 =	vshrl.u32 v40, $0x3  }
0x745: {  	[tilespmem:v38+s28+$0x0] =	vst.idx.msk $0xffff, v39;
	v38 =	vshll.u32 v40, v1  }
0x746: {  	v39 =	vld [tilespmem:s1+$0x0];
	v38 =	vbroadcast v38, $0x0  }
0x747: {  	v40 =	vld [tilespmem:s1+$0x10]  }
0x748: {  	v41 =	vld [tilespmem:s1+$0x20];
	v42 =	vadd.s32 v22, v38  }
0x749: {  	v44 =	vadd.s32 v23, v38;
	v43 =	vld [tilespmem:s1+$0x30]  }
0x74a: {  	v45 =	vadd.s32 v24, v38  }
0x74b: {  	v38 =	vadd.s32 v25, v38;
	v39 =	vmul.f32 v39, v5  }
0x74c: {  	v40 =	vmul.f32 v40, v3  }
0x74d: {  	s5 =	sadd.s32 $0xFFFFFFFE, s2;
	v41 =	vmul.f32 v41, v4;
	[tilespmem:v42+s28+$0x0] =	vst.idx.msk $0xffff, v39  }
0x74e: {  	v39 =	vmul.f32 v43, v2;
	[tilespmem:v44+s28+$0x0] =	vst.idx.msk $0xffff, v40;
	v40 =	vmov s5  }
0x74f: {  	[tilespmem:v45+s28+$0x0] =	vst.idx.msk $0xffff, v41;
	v40 =	vshrl.u32 v40, $0x3  }
0x750: {  	[tilespmem:v38+s28+$0x0] =	vst.idx.msk $0xffff, v39;
	v38 =	vshll.u32 v40, v1  }
0x751: {  	v39 =	vld [tilespmem:s1+$0x80];
	v38 =	vbroadcast v38, $0x0  }
0x752: {  	v40 =	vld [tilespmem:s1+$0x90]  }
0x753: {  	v41 =	vld [tilespmem:s1+$0xA0];
	v42 =	vadd.s32 v26, v38  }
0x754: {  	v44 =	vadd.s32 v27, v38;
	v43 =	vld [tilespmem:s1+$0xB0]  }
0x755: {  	v45 =	vadd.s32 v28, v38  }
0x756: {  	v38 =	vadd.s32 v29, v38;
	v39 =	vmul.f32 v39, v5  }
0x757: {  	v40 =	vmul.f32 v40, v3  }
0x758: {  	s5 =	sadd.s32 $0xFFFFFFFF, s2;
	v41 =	vmul.f32 v41, v4;
	[tilespmem:v42+s28+$0x0] =	vst.idx.msk $0xffff, v39  }
0x759: {  	v39 =	vmul.f32 v43, v2;
	[tilespmem:v44+s28+$0x0] =	vst.idx.msk $0xffff, v40;
	v40 =	vmov s5  }
0x75a: {  	[tilespmem:v45+s28+$0x0] =	vst.idx.msk $0xffff, v41;
	v40 =	vshrl.u32 v40, $0x3  }
0x75b: {  	[tilespmem:v38+s28+$0x0] =	vst.idx.msk $0xffff, v39;
	v38 =	vshll.u32 v40, v1  }
0x75c: {  	v39 =	vld [tilespmem:s1+$0x100];
	v38 =	vbroadcast v38, $0x0  }
0x75d: {  	v40 =	vld [tilespmem:s1+$0x110]  }
0x75e: {  	v41 =	vld [tilespmem:s1+$0x120];
	v42 =	vadd.s32 v30, v38  }
0x75f: {  	v44 =	vadd.s32 v31, v38;
	v43 =	vld [tilespmem:s1+$0x130]  }
0x760: {  	v45 =	vadd.s32 v32, v38  }
0x761: {  	v38 =	vadd.s32 v33, v38;
	v39 =	vmul.f32 v39, v5  }
0x762: {  	v40 =	vmul.f32 v40, v3  }
0x763: {  	v41 =	vmul.f32 v41, v4;
	[tilespmem:v42+s28+$0x0] =	vst.idx.msk $0xffff, v39  }
0x764: {  	v39 =	vmul.f32 v43, v2;
	[tilespmem:v44+s28+$0x0] =	vst.idx.msk $0xffff, v40;
	v40 =	vmov s2;
	s2 =	smov.u32 s24  }
0x765: {  	[tilespmem:v45+s28+$0x0] =	vst.idx.msk $0xffff, v41;
	v40 =	vshrl.u32 v40, $0x3  }
0x766: {  	[tilespmem:v38+s28+$0x0] =	vst.idx.msk $0xffff, v39;
	v38 =	vshll.u32 v40, v1  }
0x767: {  	v39 =	vld [tilespmem:s1+$0x180];
	v38 =	vbroadcast v38, $0x0  }
0x768: {  	v40 =	vld [tilespmem:s1+$0x190]  }
0x769: {  	v41 =	vld [tilespmem:s1+$0x1A0];
	v42 =	vadd.s32 v34, v38  }
0x76a: {  	v44 =	vadd.s32 v35, v38;
	v43 =	vld [tilespmem:s1+$0x1B0]  }
0x76b: {  	v45 =	vadd.s32 v36, v38  }
.Ltmp7:
0x76c: {  	v38 =	vadd.s32 v37, v38;
	v39 =	vmul.f32 v39, v5;
	(pc) =	sbr.rel @p0 .LBB2_16-.Ltmp7, $4  }
0x76d: {  	v40 =	vmul.f32 v40, v3  }
0x76e: {  	s5 =	sadd.s32 $0xFFFFFFF9, s2;
	v41 =	vmul.f32 v41, v4;
	[tilespmem:v42+s28+$0x0] =	vst.idx.msk $0xffff, v39  }
0x76f: {  	v42 =	vmov s5;
	v39 =	vmul.f32 v43, v2;
	[tilespmem:v44+s28+$0x0] =	vst.idx.msk $0xffff, v40  }
0x770: {  	v40 =	vshrl.u32 v42, $0x3;
	[tilespmem:v45+s28+$0x0] =	vst.idx.msk $0xffff, v41  }
0x771: {  	_ =	sdelay $0x3  }
0x772: {  	v40 =	vshll.u32 v40, v1;
	[tilespmem:v38+s28+$0x0] =	vst.idx.msk $0xffff, v39;
	s1 =	sadd.s32 $0x400, s1  }
0x773: {  	v38 =	vld [tilespmem:s1+$0xFFFFFE00];
	v54 =	vbroadcast v40, $0x0  }
0x774: {  	v55 =	vld [tilespmem:s1+$0xFFFFFE10]  }
0x775: {  	v41 =	vld [tilespmem:s1+$0xFFFFFE20];
	v42 =	vadd.s32 v6, v54  }
0x776: {  	v43 =	vld [tilespmem:s1+$0xFFFFFE30];
	v44 =	vadd.s32 v7, v54  }
0x777: {  	v45 =	vadd.s32 v8, v54  }
0x778: {  	v39 =	vadd.s32 v9, v54;
	v38 =	vmul.f32 v38, v5  }
0x779: {  	v40 =	vmul.f32 v55, v3  }
0x77a: {  	s5 =	sadd.s32 $0xFFFFFFFA, s2;
	v41 =	vmul.f32 v41, v4;
	[tilespmem:v42+s28+$0x0] =	vst.idx.msk $0xffff, v38  }
0x77b: {  	v57 =	vmov s5;
	v56 =	vmul.f32 v43, v2;
	[tilespmem:v44+s28+$0x0] =	vst.idx.msk $0xffff, v40  }
0x77c: {  	v40 =	vshrl.u32 v57, $0x3;
	[tilespmem:v45+s28+$0x0] =	vst.idx.msk $0xffff, v41  }
0x77d: {  	v58 =	vshll.u32 v40, v1;
	[tilespmem:v39+s28+$0x0] =	vst.idx.msk $0xffff, v56  }
0x77e: {  	v38 =	vbroadcast v58, $0x0;
	v39 =	vld [tilespmem:s1+$0xFFFFFE80]  }
0x77f: {  	v59 =	vld [tilespmem:s1+$0xFFFFFE90]  }
0x780: {  	v41 =	vld [tilespmem:s1+$0xFFFFFEA0];
	v60 =	vadd.s32 v10, v38  }
0x781: {  	v61 =	vld [tilespmem:s1+$0xFFFFFEB0];
	v62 =	vadd.s32 v11, v38  }
0x782: {  	v63 =	vadd.s32 v12, v38  }
0x783: {  	v38 =	vadd.s32 v13, v38;
	v39 =	vmul.f32 v39, v5  }
0x784: {  	v40 =	vmul.f32 v59, v3  }
0x785: {  	s24 =	sadd.s32 $0xFFFFFFFB, s2;
	v41 =	vmul.f32 v41, v4;
	[tilespmem:v60+s28+$0x0] =	vst.idx.msk $0xffff, v39  }
0x786: {  	v49 =	vmov s24;
	v48 =	vmul.f32 v61, v2;
	[tilespmem:v62+s28+$0x0] =	vst.idx.msk $0xffff, v40  }
0x787: {  	v40 =	vshrl.u32 v49, $0x3;
	[tilespmem:v63+s28+$0x0] =	vst.idx.msk $0xffff, v41  }
0x788: {  	v50 =	vshll.u32 v40, v1;
	[tilespmem:v38+s28+$0x0] =	vst.idx.msk $0xffff, v48  }
0x789: {  	v38 =	vbroadcast v50, $0x0;
	v39 =	vld [tilespmem:s1+$0xFFFFFF00]  }
0x78a: {  	v51 =	vld [tilespmem:s1+$0xFFFFFF10]  }
0x78b: {  	v41 =	vld [tilespmem:s1+$0xFFFFFF20];
	v52 =	vadd.s32 v14, v38  }
0x78c: {  	v53 =	vld [tilespmem:s1+$0xFFFFFF30];
	v54 =	vadd.s32 v15, v38  }
0x78d: {  	v55 =	vadd.s32 v16, v38  }
0x78e: {  	v38 =	vadd.s32 v17, v38;
	v39 =	vmul.f32 v39, v5  }
0x78f: {  	v40 =	vmul.f32 v51, v3  }
0x790: {  	s6 =	sadd.s32 $0xFFFFFFFC, s2;
	v41 =	vmul.f32 v41, v4;
	[tilespmem:v52+s28+$0x0] =	vst.idx.msk $0xffff, v39  }
0x791: {  	v57 =	vmov s6;
	v56 =	vmul.f32 v53, v2;
	[tilespmem:v54+s28+$0x0] =	vst.idx.msk $0xffff, v40  }
0x792: {  	v40 =	vshrl.u32 v57, $0x3;
	[tilespmem:v55+s28+$0x0] =	vst.idx.msk $0xffff, v41  }
0x793: {  	v58 =	vshll.u32 v40, v1;
	[tilespmem:v38+s28+$0x0] =	vst.idx.msk $0xffff, v56  }
0x794: {  	v38 =	vbroadcast v58, $0x0;
	v39 =	vld [tilespmem:s1+$0xFFFFFF80]  }
0x795: {  	v59 =	vld [tilespmem:s1+$0xFFFFFF90]  }
0x796: {  	v41 =	vld [tilespmem:s1+$0xFFFFFFA0];
	v60 =	vadd.s32 v18, v38  }
0x797: {  	v61 =	vld [tilespmem:s1+$0xFFFFFFB0];
	v62 =	vadd.s32 v19, v38  }
0x798: {  	v63 =	vadd.s32 v20, v38  }
0x799: {  	v38 =	vadd.s32 v21, v38;
	v39 =	vmul.f32 v39, v5  }
0x79a: {  	v40 =	vmul.f32 v59, v3  }
0x79b: {  	s7 =	sadd.s32 $0xFFFFFFFD, s2;
	v41 =	vmul.f32 v41, v4;
	[tilespmem:v60+s28+$0x0] =	vst.idx.msk $0xffff, v39  }
0x79c: {  	v49 =	vmov s7;
	v48 =	vmul.f32 v61, v2;
	[tilespmem:v62+s28+$0x0] =	vst.idx.msk $0xffff, v40  }
0x79d: {  	v40 =	vshrl.u32 v49, $0x3;
	[tilespmem:v63+s28+$0x0] =	vst.idx.msk $0xffff, v41  }
0x79e: {  	v50 =	vshll.u32 v40, v1;
	[tilespmem:v38+s28+$0x0] =	vst.idx.msk $0xffff, v48  }
0x79f: {  	v38 =	vbroadcast v50, $0x0;
	v39 =	vld [tilespmem:s1+$0x0]  }
0x7a0: {  	v51 =	vld [tilespmem:s1+$0x10]  }
0x7a1: {  	v41 =	vld [tilespmem:s1+$0x20];
	v52 =	vadd.s32 v22, v38  }
0x7a2: {  	v53 =	vld [tilespmem:s1+$0x30];
	v54 =	vadd.s32 v23, v38  }
0x7a3: {  	v55 =	vadd.s32 v24, v38  }
0x7a4: {  	v38 =	vadd.s32 v25, v38;
	v39 =	vmul.f32 v39, v5  }
0x7a5: {  	v40 =	vmul.f32 v51, v3  }
0x7a6: {  	s22 =	sadd.s32 $0xFFFFFFFE, s2;
	v41 =	vmul.f32 v41, v4;
	[tilespmem:v52+s28+$0x0] =	vst.idx.msk $0xffff, v39  }
0x7a7: {  	v57 =	vmov s22;
	v56 =	vmul.f32 v53, v2;
	[tilespmem:v54+s28+$0x0] =	vst.idx.msk $0xffff, v40  }
0x7a8: {  	v40 =	vshrl.u32 v57, $0x3;
	[tilespmem:v55+s28+$0x0] =	vst.idx.msk $0xffff, v41  }
0x7a9: {  	v58 =	vshll.u32 v40, v1;
	[tilespmem:v38+s28+$0x0] =	vst.idx.msk $0xffff, v56  }
0x7aa: {  	v38 =	vbroadcast v58, $0x0;
	v39 =	vld [tilespmem:s1+$0x80]  }
0x7ab: {  	v59 =	vld [tilespmem:s1+$0x90]  }
0x7ac: {  	v41 =	vld [tilespmem:s1+$0xA0];
	v60 =	vadd.s32 v26, v38  }
0x7ad: {  	v61 =	vld [tilespmem:s1+$0xB0];
	v62 =	vadd.s32 v27, v38  }
0x7ae: {  	v63 =	vadd.s32 v28, v38  }
0x7af: {  	v38 =	vadd.s32 v29, v38;
	v39 =	vmul.f32 v39, v5  }
0x7b0: {  	v40 =	vmul.f32 v59, v3  }
0x7b1: {  	s24 =	sadd.s32 $0xFFFFFFFF, s2;
	v41 =	vmul.f32 v41, v4;
	[tilespmem:v60+s28+$0x0] =	vst.idx.msk $0xffff, v39  }
0x7b2: {  	v49 =	vmov s24;
	v48 =	vmul.f32 v61, v2;
	[tilespmem:v62+s28+$0x0] =	vst.idx.msk $0xffff, v40  }
0x7b3: {  	v40 =	vshrl.u32 v49, $0x3;
	[tilespmem:v63+s28+$0x0] =	vst.idx.msk $0xffff, v41  }
0x7b4: {  	v50 =	vshll.u32 v40, v1;
	[tilespmem:v38+s28+$0x0] =	vst.idx.msk $0xffff, v48  }
0x7b5: {  	v38 =	vbroadcast v50, $0x0;
	v39 =	vld [tilespmem:s1+$0x100]  }
0x7b6: {  	v51 =	vld [tilespmem:s1+$0x110]  }
0x7b7: {  	v41 =	vld [tilespmem:s1+$0x120];
	v52 =	vadd.s32 v30, v38  }
0x7b8: {  	v53 =	vld [tilespmem:s1+$0x130];
	v54 =	vadd.s32 v31, v38  }
0x7b9: {  	v55 =	vadd.s32 v32, v38  }
0x7ba: {  	v38 =	vadd.s32 v33, v38;
	v39 =	vmul.f32 v39, v5  }
0x7bb: {  	v40 =	vmul.f32 v51, v3  }
0x7bc: {  	v41 =	vmul.f32 v41, v4;
	[tilespmem:v52+s28+$0x0] =	vst.idx.msk $0xffff, v39  }
0x7bd: {  	v57 =	vmov s2;
	v56 =	vmul.f32 v53, v2;
	[tilespmem:v54+s28+$0x0] =	vst.idx.msk $0xffff, v40  }
0x7be: {  	v40 =	vshrl.u32 v57, $0x3;
	[tilespmem:v55+s28+$0x0] =	vst.idx.msk $0xffff, v41  }
0x7bf: {  	v58 =	vshll.u32 v40, v1;
	[tilespmem:v38+s28+$0x0] =	vst.idx.msk $0xffff, v56  }
0x7c0: {  	v38 =	vbroadcast v58, $0x0;
	v39 =	vld [tilespmem:s1+$0x180]  }
0x7c1: {  	v59 =	vld [tilespmem:s1+$0x190]  }
0x7c2: {  	v41 =	vld [tilespmem:s1+$0x1A0];
	v60 =	vadd.s32 v34, v38  }
0x7c3: {  	v61 =	vld [tilespmem:s1+$0x1B0];
	v62 =	vadd.s32 v35, v38  }
0x7c4: {  	v63 =	vadd.s32 v36, v38  }
0x7c5: {  	v38 =	vadd.s32 v37, v38;
	v39 =	vmul.f32 v39, v5  }
0x7c6: {  	v40 =	vmul.f32 v59, v3  }
0x7c7: {  	v41 =	vmul.f32 v41, v4;
	[tilespmem:v60+s28+$0x0] =	vst.idx.msk $0xffff, v39  }
0x7c8: {  	v47 =	vmul.f32 v61, v2;
	[tilespmem:v62+s28+$0x0] =	vst.idx.msk $0xffff, v40  }
0x7c9: {  	[tilespmem:v63+s28+$0x0] =	vst.idx.msk $0xffff, v41  }
0x7ca: {  	[tilespmem:v38+s28+$0x0] =	vst.idx.msk $0xffff, v47  }
0x7cb: {  	[hbm4b:s19+s4] =	stream.linear.scatter [tilespmem:s28], [sflag:$0x3], $0x8000, $0x38;
	[tilespmem:$0x18100] =	vst v63  }
0x7cc: {  	_ =	swait.ge [sflag:s29], $0x4000  }
0x7cd: {  	[sflag:s29] =	ssyncset.done $0x0  }
0x7ce: {  	s6 =	simm.s32 $0x0;
	[sflag:s29] =	ssyncadd.s32 $0xFFFFC000  }
0x7cf: {  	v48 =	vmov s6;
	_ =	swait.ge [sflag:s0], $0x8000  }
0x7d0: {  	v38 =	vshrl.u32 v48, $0x3;
	[sflag:s0] =	ssyncset.done $0x0  }
0x7d1: {  	s1 =	simm.s32 $0x4200;
	v38 =	vshll.u32 v38, v1;
	[sflag:s0] =	ssyncadd.s32 $0xFFFF8000  }
0x7d2: {  	v38 =	vbroadcast v38, $0x0;
	v49 =	vld [tilespmem:s1+$0xFFFFFE00]  }
0x7d3: {  	v50 =	vld [tilespmem:s1+$0xFFFFFE10]  }
0x7d4: {  	v52 =	vadd.s32 v6, v38;
	v51 =	vld [tilespmem:s1+$0xFFFFFE20]  }
0x7d5: {  	v54 =	vadd.s32 v7, v38;
	v53 =	vld [tilespmem:s1+$0xFFFFFE30]  }
0x7d6: {  	v55 =	vadd.s32 v8, v38  }
0x7d7: {  	v38 =	vadd.s32 v9, v38;
	v39 =	vmul.f32 v49, v5  }
0x7d8: {  	v40 =	vmul.f32 v50, v3  }
0x7d9: {  	s7 =	simm.s32 $0x1;
	v41 =	vmul.f32 v51, v4;
	[tilespmem:v52+s30+$0x0] =	vst.idx.msk $0xffff, v39  }
0x7da: {  	v57 =	vmov s7;
	v56 =	vmul.f32 v53, v2;
	[tilespmem:v54+s30+$0x0] =	vst.idx.msk $0xffff, v40  }
0x7db: {  	v40 =	vshrl.u32 v57, $0x3;
	[tilespmem:v55+s30+$0x0] =	vst.idx.msk $0xffff, v41  }
0x7dc: {  	v58 =	vshll.u32 v40, v1;
	[tilespmem:v38+s30+$0x0] =	vst.idx.msk $0xffff, v56  }
0x7dd: {  	v38 =	vbroadcast v58, $0x0;
	v39 =	vld [tilespmem:s1+$0xFFFFFE80]  }
0x7de: {  	v59 =	vld [tilespmem:s1+$0xFFFFFE90]  }
0x7df: {  	v41 =	vld [tilespmem:s1+$0xFFFFFEA0];
	v60 =	vadd.s32 v10, v38  }
0x7e0: {  	v61 =	vld [tilespmem:s1+$0xFFFFFEB0];
	v62 =	vadd.s32 v11, v38  }
0x7e1: {  	v63 =	vadd.s32 v12, v38  }
0x7e2: {  	v38 =	vadd.s32 v13, v38;
	v39 =	vmul.f32 v39, v5  }
0x7e3: {  	v40 =	vmul.f32 v59, v3  }
0x7e4: {  	s22 =	simm.s32 $0x2;
	v41 =	vmul.f32 v41, v4;
	[tilespmem:v60+s30+$0x0] =	vst.idx.msk $0xffff, v39  }
0x7e5: {  	v49 =	vmov s22;
	v48 =	vmul.f32 v61, v2;
	[tilespmem:v62+s30+$0x0] =	vst.idx.msk $0xffff, v40  }
0x7e6: {  	v40 =	vshrl.u32 v49, $0x3;
	[tilespmem:v63+s30+$0x0] =	vst.idx.msk $0xffff, v41  }
0x7e7: {  	v50 =	vshll.u32 v40, v1;
	[tilespmem:v38+s30+$0x0] =	vst.idx.msk $0xffff, v48  }
0x7e8: {  	v38 =	vbroadcast v50, $0x0;
	v39 =	vld [tilespmem:s1+$0xFFFFFF00]  }
0x7e9: {  	v51 =	vld [tilespmem:s1+$0xFFFFFF10]  }
0x7ea: {  	v41 =	vld [tilespmem:s1+$0xFFFFFF20];
	v52 =	vadd.s32 v14, v38  }
0x7eb: {  	v53 =	vld [tilespmem:s1+$0xFFFFFF30];
	v54 =	vadd.s32 v15, v38  }
0x7ec: {  	v55 =	vadd.s32 v16, v38  }
0x7ed: {  	v38 =	vadd.s32 v17, v38;
	v39 =	vmul.f32 v39, v5  }
0x7ee: {  	v40 =	vmul.f32 v51, v3  }
0x7ef: {  	s24 =	simm.s32 $0x3;
	v41 =	vmul.f32 v41, v4;
	[tilespmem:v52+s30+$0x0] =	vst.idx.msk $0xffff, v39  }
0x7f0: {  	v57 =	vmov s24;
	v56 =	vmul.f32 v53, v2;
	[tilespmem:v54+s30+$0x0] =	vst.idx.msk $0xffff, v40  }
0x7f1: {  	v40 =	vshrl.u32 v57, $0x3;
	[tilespmem:v55+s30+$0x0] =	vst.idx.msk $0xffff, v41  }
0x7f2: {  	v58 =	vshll.u32 v40, v1;
	[tilespmem:v38+s30+$0x0] =	vst.idx.msk $0xffff, v56  }
0x7f3: {  	v38 =	vbroadcast v58, $0x0;
	v39 =	vld [tilespmem:s1+$0xFFFFFF80]  }
0x7f4: {  	v59 =	vld [tilespmem:s1+$0xFFFFFF90]  }
0x7f5: {  	v41 =	vld [tilespmem:s1+$0xFFFFFFA0];
	v60 =	vadd.s32 v18, v38  }
0x7f6: {  	v61 =	vld [tilespmem:s1+$0xFFFFFFB0];
	v62 =	vadd.s32 v19, v38  }
0x7f7: {  	v63 =	vadd.s32 v20, v38  }
0x7f8: {  	v38 =	vadd.s32 v21, v38;
	v39 =	vmul.f32 v39, v5  }
0x7f9: {  	v40 =	vmul.f32 v59, v3  }
0x7fa: {  	s5 =	simm.s32 $0x4;
	v41 =	vmul.f32 v41, v4;
	[tilespmem:v60+s30+$0x0] =	vst.idx.msk $0xffff, v39  }
0x7fb: {  	v49 =	vmov s5;
	v48 =	vmul.f32 v61, v2;
	[tilespmem:v62+s30+$0x0] =	vst.idx.msk $0xffff, v40  }
0x7fc: {  	v40 =	vshrl.u32 v49, $0x3;
	[tilespmem:v63+s30+$0x0] =	vst.idx.msk $0xffff, v41  }
0x7fd: {  	v50 =	vshll.u32 v40, v1;
	[tilespmem:v38+s30+$0x0] =	vst.idx.msk $0xffff, v48  }
0x7fe: {  	v38 =	vbroadcast v50, $0x0;
	v39 =	vld [tilespmem:s1+$0x0]  }
0x7ff: {  	v51 =	vld [tilespmem:s1+$0x10]  }
0x800: {  	v41 =	vld [tilespmem:s1+$0x20];
	v52 =	vadd.s32 v22, v38  }
0x801: {  	v53 =	vld [tilespmem:s1+$0x30];
	v54 =	vadd.s32 v23, v38  }
0x802: {  	v55 =	vadd.s32 v24, v38  }
0x803: {  	v38 =	vadd.s32 v25, v38;
	v39 =	vmul.f32 v39, v5  }
0x804: {  	v40 =	vmul.f32 v51, v3  }
0x805: {  	s6 =	simm.s32 $0x5;
	v41 =	vmul.f32 v41, v4;
	[tilespmem:v52+s30+$0x0] =	vst.idx.msk $0xffff, v39  }
0x806: {  	v57 =	vmov s6;
	v56 =	vmul.f32 v53, v2;
	[tilespmem:v54+s30+$0x0] =	vst.idx.msk $0xffff, v40  }
0x807: {  	v40 =	vshrl.u32 v57, $0x3;
	[tilespmem:v55+s30+$0x0] =	vst.idx.msk $0xffff, v41  }
0x808: {  	v58 =	vshll.u32 v40, v1;
	[tilespmem:v38+s30+$0x0] =	vst.idx.msk $0xffff, v56  }
0x809: {  	v38 =	vbroadcast v58, $0x0;
	v39 =	vld [tilespmem:s1+$0x80]  }
0x80a: {  	v59 =	vld [tilespmem:s1+$0x90]  }
0x80b: {  	v41 =	vld [tilespmem:s1+$0xA0];
	v60 =	vadd.s32 v26, v38  }
0x80c: {  	v61 =	vld [tilespmem:s1+$0xB0];
	v62 =	vadd.s32 v27, v38  }
0x80d: {  	v63 =	vadd.s32 v28, v38  }
0x80e: {  	v38 =	vadd.s32 v29, v38;
	v39 =	vmul.f32 v39, v5  }
0x80f: {  	v40 =	vmul.f32 v59, v3  }
0x810: {  	s7 =	simm.s32 $0x6;
	v41 =	vmul.f32 v41, v4;
	[tilespmem:v60+s30+$0x0] =	vst.idx.msk $0xffff, v39  }
0x811: {  	v49 =	vmov s7;
	v48 =	vmul.f32 v61, v2;
	[tilespmem:v62+s30+$0x0] =	vst.idx.msk $0xffff, v40  }
0x812: {  	v40 =	vshrl.u32 v49, $0x3;
	[tilespmem:v63+s30+$0x0] =	vst.idx.msk $0xffff, v41  }
0x813: {  	v50 =	vshll.u32 v40, v1;
	[tilespmem:v38+s30+$0x0] =	vst.idx.msk $0xffff, v48  }
0x814: {  	v38 =	vbroadcast v50, $0x0;
	v39 =	vld [tilespmem:s1+$0x100]  }
0x815: {  	v51 =	vld [tilespmem:s1+$0x110]  }
0x816: {  	v41 =	vld [tilespmem:s1+$0x120];
	v52 =	vadd.s32 v30, v38  }
0x817: {  	v53 =	vld [tilespmem:s1+$0x130];
	v54 =	vadd.s32 v31, v38  }
0x818: {  	v55 =	vadd.s32 v32, v38  }
0x819: {  	v38 =	vadd.s32 v33, v38;
	v39 =	vmul.f32 v39, v5  }
0x81a: {  	v40 =	vmul.f32 v51, v3  }
0x81b: {  	s22 =	simm.s32 $0x7;
	v41 =	vmul.f32 v41, v4;
	[tilespmem:v52+s30+$0x0] =	vst.idx.msk $0xffff, v39  }
0x81c: {  	v57 =	vmov s22;
	v56 =	vmul.f32 v53, v2;
	[tilespmem:v54+s30+$0x0] =	vst.idx.msk $0xffff, v40  }
0x81d: {  	v40 =	vshrl.u32 v57, $0x3;
	[tilespmem:v55+s30+$0x0] =	vst.idx.msk $0xffff, v41  }
0x81e: {  	v58 =	vshll.u32 v40, v1;
	[tilespmem:v38+s30+$0x0] =	vst.idx.msk $0xffff, v56  }
0x81f: {  	v38 =	vbroadcast v58, $0x0;
	v39 =	vld [tilespmem:s1+$0x180]  }
0x820: {  	v59 =	vld [tilespmem:s1+$0x190]  }
0x821: {  	v41 =	vld [tilespmem:s1+$0x1A0];
	v60 =	vadd.s32 v34, v38  }
0x822: {  	v61 =	vadd.s32 v35, v38  }
0x823: {  	v44 =	vld [tilespmem:s1+$0x1B0];
	v62 =	vadd.s32 v36, v38  }
0x824: {  	v39 =	vmul.f32 v39, v5  }
0x825: {  	v38 =	vadd.s32 v37, v38;
	v40 =	vmul.f32 v59, v3  }
0x826: {  	s24 =	simm.s32 $0x8;
	v41 =	vmul.f32 v41, v4;
	[tilespmem:v60+s30+$0x0] =	vst.idx.msk $0xffff, v39  }
0x827: {  	v63 =	vmov s24;
	[tilespmem:v61+s30+$0x0] =	vst.idx.msk $0xffff, v40  }
0x828: {  	s2 =	simm.s32 $0xF;
	s22 =	simm.s32 $0x17;
	v39 =	vmul.f32 v44, v2;
	v40 =	vshrl.u32 v63, $0x3;
	[tilespmem:v62+s30+$0x0] =	vst.idx.msk $0xffff, v41  }
.LBB2_18:
0x829: {  	p0 =	sne.s32 s22, $0x7F  }
0x82a: {  	v40 =	vshll.u32 v40, v1;
	[tilespmem:v38+s30+$0x0] =	vst.idx.msk $0xffff, v39;
	s1 =	sadd.s32 $0x400, s1;
	s24 =	smov.u32 s22;
	s22 =	sadd.s32 $0x8, s22  }
0x82b: {  	v38 =	vld [tilespmem:s1+$0xFFFFFE00];
	v39 =	vbroadcast v40, $0x0  }
0x82c: {  	v40 =	vld [tilespmem:s1+$0xFFFFFE10]  }
0x82d: {  	v41 =	vld [tilespmem:s1+$0xFFFFFE20];
	v42 =	vadd.s32 v6, v39  }
0x82e: {  	v44 =	vadd.s32 v7, v39;
	v43 =	vld [tilespmem:s1+$0xFFFFFE30]  }
0x82f: {  	v45 =	vadd.s32 v8, v39  }
0x830: {  	v39 =	vadd.s32 v9, v39;
	v38 =	vmul.f32 v38, v5  }
0x831: {  	v40 =	vmul.f32 v40, v3  }
0x832: {  	s5 =	sadd.s32 $0xFFFFFFFA, s2;
	v41 =	vmul.f32 v41, v4;
	[tilespmem:v42+s30+$0x0] =	vst.idx.msk $0xffff, v38  }
0x833: {  	v38 =	vmul.f32 v43, v2;
	[tilespmem:v44+s30+$0x0] =	vst.idx.msk $0xffff, v40;
	v40 =	vmov s5  }
0x834: {  	[tilespmem:v45+s30+$0x0] =	vst.idx.msk $0xffff, v41;
	v40 =	vshrl.u32 v40, $0x3  }
0x835: {  	[tilespmem:v39+s30+$0x0] =	vst.idx.msk $0xffff, v38;
	v38 =	vshll.u32 v40, v1  }
0x836: {  	v39 =	vld [tilespmem:s1+$0xFFFFFE80];
	v38 =	vbroadcast v38, $0x0  }
0x837: {  	v40 =	vld [tilespmem:s1+$0xFFFFFE90]  }
0x838: {  	v41 =	vld [tilespmem:s1+$0xFFFFFEA0];
	v42 =	vadd.s32 v10, v38  }
0x839: {  	v44 =	vadd.s32 v11, v38;
	v43 =	vld [tilespmem:s1+$0xFFFFFEB0]  }
0x83a: {  	v45 =	vadd.s32 v12, v38  }
0x83b: {  	v38 =	vadd.s32 v13, v38;
	v39 =	vmul.f32 v39, v5  }
0x83c: {  	v40 =	vmul.f32 v40, v3  }
0x83d: {  	s5 =	sadd.s32 $0xFFFFFFFB, s2;
	v41 =	vmul.f32 v41, v4;
	[tilespmem:v42+s30+$0x0] =	vst.idx.msk $0xffff, v39  }
0x83e: {  	v39 =	vmul.f32 v43, v2;
	[tilespmem:v44+s30+$0x0] =	vst.idx.msk $0xffff, v40;
	v40 =	vmov s5  }
0x83f: {  	[tilespmem:v45+s30+$0x0] =	vst.idx.msk $0xffff, v41;
	v40 =	vshrl.u32 v40, $0x3  }
0x840: {  	[tilespmem:v38+s30+$0x0] =	vst.idx.msk $0xffff, v39;
	v38 =	vshll.u32 v40, v1  }
0x841: {  	v39 =	vld [tilespmem:s1+$0xFFFFFF00];
	v38 =	vbroadcast v38, $0x0  }
0x842: {  	v40 =	vld [tilespmem:s1+$0xFFFFFF10]  }
0x843: {  	v41 =	vld [tilespmem:s1+$0xFFFFFF20];
	v42 =	vadd.s32 v14, v38  }
0x844: {  	v44 =	vadd.s32 v15, v38;
	v43 =	vld [tilespmem:s1+$0xFFFFFF30]  }
0x845: {  	v45 =	vadd.s32 v16, v38  }
0x846: {  	v38 =	vadd.s32 v17, v38;
	v39 =	vmul.f32 v39, v5  }
0x847: {  	v40 =	vmul.f32 v40, v3  }
0x848: {  	s5 =	sadd.s32 $0xFFFFFFFC, s2;
	v41 =	vmul.f32 v41, v4;
	[tilespmem:v42+s30+$0x0] =	vst.idx.msk $0xffff, v39  }
0x849: {  	v39 =	vmul.f32 v43, v2;
	[tilespmem:v44+s30+$0x0] =	vst.idx.msk $0xffff, v40;
	v40 =	vmov s5  }
0x84a: {  	[tilespmem:v45+s30+$0x0] =	vst.idx.msk $0xffff, v41;
	v40 =	vshrl.u32 v40, $0x3  }
0x84b: {  	[tilespmem:v38+s30+$0x0] =	vst.idx.msk $0xffff, v39;
	v38 =	vshll.u32 v40, v1  }
0x84c: {  	v39 =	vld [tilespmem:s1+$0xFFFFFF80];
	v38 =	vbroadcast v38, $0x0  }
0x84d: {  	v40 =	vld [tilespmem:s1+$0xFFFFFF90]  }
0x84e: {  	v41 =	vld [tilespmem:s1+$0xFFFFFFA0];
	v42 =	vadd.s32 v18, v38  }
0x84f: {  	v44 =	vadd.s32 v19, v38;
	v43 =	vld [tilespmem:s1+$0xFFFFFFB0]  }
0x850: {  	v45 =	vadd.s32 v20, v38  }
0x851: {  	v38 =	vadd.s32 v21, v38;
	v39 =	vmul.f32 v39, v5  }
0x852: {  	v40 =	vmul.f32 v40, v3  }
0x853: {  	s5 =	sadd.s32 $0xFFFFFFFD, s2;
	v41 =	vmul.f32 v41, v4;
	[tilespmem:v42+s30+$0x0] =	vst.idx.msk $0xffff, v39  }
0x854: {  	v39 =	vmul.f32 v43, v2;
	[tilespmem:v44+s30+$0x0] =	vst.idx.msk $0xffff, v40;
	v40 =	vmov s5  }
0x855: {  	[tilespmem:v45+s30+$0x0] =	vst.idx.msk $0xffff, v41;
	v40 =	vshrl.u32 v40, $0x3  }
0x856: {  	[tilespmem:v38+s30+$0x0] =	vst.idx.msk $0xffff, v39;
	v38 =	vshll.u32 v40, v1  }
0x857: {  	v39 =	vld [tilespmem:s1+$0x0];
	v38 =	vbroadcast v38, $0x0  }
0x858: {  	v40 =	vld [tilespmem:s1+$0x10]  }
0x859: {  	v41 =	vld [tilespmem:s1+$0x20];
	v42 =	vadd.s32 v22, v38  }
0x85a: {  	v44 =	vadd.s32 v23, v38;
	v43 =	vld [tilespmem:s1+$0x30]  }
0x85b: {  	v45 =	vadd.s32 v24, v38  }
0x85c: {  	v38 =	vadd.s32 v25, v38;
	v39 =	vmul.f32 v39, v5  }
0x85d: {  	v40 =	vmul.f32 v40, v3  }
0x85e: {  	s5 =	sadd.s32 $0xFFFFFFFE, s2;
	v41 =	vmul.f32 v41, v4;
	[tilespmem:v42+s30+$0x0] =	vst.idx.msk $0xffff, v39  }
0x85f: {  	v39 =	vmul.f32 v43, v2;
	[tilespmem:v44+s30+$0x0] =	vst.idx.msk $0xffff, v40;
	v40 =	vmov s5  }
0x860: {  	[tilespmem:v45+s30+$0x0] =	vst.idx.msk $0xffff, v41;
	v40 =	vshrl.u32 v40, $0x3  }
0x861: {  	[tilespmem:v38+s30+$0x0] =	vst.idx.msk $0xffff, v39;
	v38 =	vshll.u32 v40, v1  }
0x862: {  	v39 =	vld [tilespmem:s1+$0x80];
	v38 =	vbroadcast v38, $0x0  }
0x863: {  	v40 =	vld [tilespmem:s1+$0x90]  }
0x864: {  	v41 =	vld [tilespmem:s1+$0xA0];
	v42 =	vadd.s32 v26, v38  }
0x865: {  	v44 =	vadd.s32 v27, v38;
	v43 =	vld [tilespmem:s1+$0xB0]  }
0x866: {  	v45 =	vadd.s32 v28, v38  }
0x867: {  	v38 =	vadd.s32 v29, v38;
	v39 =	vmul.f32 v39, v5  }
0x868: {  	v40 =	vmul.f32 v40, v3  }
0x869: {  	s5 =	sadd.s32 $0xFFFFFFFF, s2;
	v41 =	vmul.f32 v41, v4;
	[tilespmem:v42+s30+$0x0] =	vst.idx.msk $0xffff, v39  }
0x86a: {  	v39 =	vmul.f32 v43, v2;
	[tilespmem:v44+s30+$0x0] =	vst.idx.msk $0xffff, v40;
	v40 =	vmov s5  }
0x86b: {  	[tilespmem:v45+s30+$0x0] =	vst.idx.msk $0xffff, v41;
	v40 =	vshrl.u32 v40, $0x3  }
0x86c: {  	[tilespmem:v38+s30+$0x0] =	vst.idx.msk $0xffff, v39;
	v38 =	vshll.u32 v40, v1  }
0x86d: {  	v39 =	vld [tilespmem:s1+$0x100];
	v38 =	vbroadcast v38, $0x0  }
0x86e: {  	v40 =	vld [tilespmem:s1+$0x110]  }
0x86f: {  	v41 =	vld [tilespmem:s1+$0x120];
	v42 =	vadd.s32 v30, v38  }
0x870: {  	v44 =	vadd.s32 v31, v38;
	v43 =	vld [tilespmem:s1+$0x130]  }
0x871: {  	v45 =	vadd.s32 v32, v38  }
0x872: {  	v38 =	vadd.s32 v33, v38;
	v39 =	vmul.f32 v39, v5  }
0x873: {  	v40 =	vmul.f32 v40, v3  }
0x874: {  	v41 =	vmul.f32 v41, v4;
	[tilespmem:v42+s30+$0x0] =	vst.idx.msk $0xffff, v39  }
0x875: {  	v39 =	vmul.f32 v43, v2;
	[tilespmem:v44+s30+$0x0] =	vst.idx.msk $0xffff, v40;
	v40 =	vmov s2;
	s2 =	smov.u32 s24  }
0x876: {  	[tilespmem:v45+s30+$0x0] =	vst.idx.msk $0xffff, v41;
	v40 =	vshrl.u32 v40, $0x3  }
0x877: {  	[tilespmem:v38+s30+$0x0] =	vst.idx.msk $0xffff, v39;
	v38 =	vshll.u32 v40, v1  }
0x878: {  	v39 =	vld [tilespmem:s1+$0x180];
	v38 =	vbroadcast v38, $0x0  }
0x879: {  	v40 =	vld [tilespmem:s1+$0x190]  }
0x87a: {  	v41 =	vld [tilespmem:s1+$0x1A0];
	v42 =	vadd.s32 v34, v38  }
0x87b: {  	v44 =	vadd.s32 v35, v38;
	v43 =	vld [tilespmem:s1+$0x1B0]  }
0x87c: {  	v45 =	vadd.s32 v36, v38  }
.Ltmp8:
0x87d: {  	v38 =	vadd.s32 v37, v38;
	v39 =	vmul.f32 v39, v5;
	(pc) =	sbr.rel @p0 .LBB2_18-.Ltmp8, $4  }
0x87e: {  	v40 =	vmul.f32 v40, v3  }
0x87f: {  	s5 =	sadd.s32 $0xFFFFFFF9, s2;
	v41 =	vmul.f32 v41, v4;
	[tilespmem:v42+s30+$0x0] =	vst.idx.msk $0xffff, v39  }
0x880: {  	v42 =	vmov s5;
	v39 =	vmul.f32 v43, v2;
	[tilespmem:v44+s30+$0x0] =	vst.idx.msk $0xffff, v40  }
0x881: {  	v40 =	vshrl.u32 v42, $0x3;
	[tilespmem:v45+s30+$0x0] =	vst.idx.msk $0xffff, v41  }
0x882: {  	_ =	sdelay $0x3  }
0x883: {  	v40 =	vshll.u32 v40, v1;
	[tilespmem:v38+s30+$0x0] =	vst.idx.msk $0xffff, v39;
	s1 =	sadd.s32 $0x400, s1  }
0x884: {  	v38 =	vld [tilespmem:s1+$0xFFFFFE00];
	v62 =	vbroadcast v40, $0x0  }
0x885: {  	v63 =	vld [tilespmem:s1+$0xFFFFFE10]  }
0x886: {  	v41 =	vld [tilespmem:s1+$0xFFFFFE20];
	v6 =	vadd.s32 v6, v62  }
0x887: {  	v42 =	vld [tilespmem:s1+$0xFFFFFE30];
	v7 =	vadd.s32 v7, v62  }
0x888: {  	v8 =	vadd.s32 v8, v62  }
0x889: {  	v9 =	vadd.s32 v9, v62;
	v38 =	vmul.f32 v38, v5  }
0x88a: {  	v44 =	vmul.f32 v63, v3  }
0x88b: {  	s5 =	sadd.s32 $0xFFFFFFFA, s2;
	v45 =	vmul.f32 v41, v4;
	[tilespmem:v6+s30+$0x0] =	vst.idx.msk $0xffff, v38  }
0x88c: {  	v47 =	vmov s5;
	v46 =	vmul.f32 v42, v2;
	[tilespmem:v7+s30+$0x0] =	vst.idx.msk $0xffff, v44  }
0x88d: {  	v7 =	vshrl.u32 v47, $0x3;
	[tilespmem:v8+s30+$0x0] =	vst.idx.msk $0xffff, v45  }
0x88e: {  	v48 =	vshll.u32 v7, v1;
	[tilespmem:v9+s30+$0x0] =	vst.idx.msk $0xffff, v46  }
0x88f: {  	v6 =	vbroadcast v48, $0x0;
	v49 =	vld [tilespmem:s1+$0xFFFFFE80]  }
0x890: {  	v8 =	vld [tilespmem:s1+$0xFFFFFE90]  }
0x891: {  	v9 =	vld [tilespmem:s1+$0xFFFFFEA0];
	v10 =	vadd.s32 v10, v6  }
0x892: {  	v38 =	vld [tilespmem:s1+$0xFFFFFEB0];
	v11 =	vadd.s32 v11, v6  }
0x893: {  	v12 =	vadd.s32 v12, v6  }
0x894: {  	v6 =	vadd.s32 v13, v6;
	v7 =	vmul.f32 v49, v5  }
0x895: {  	v8 =	vmul.f32 v8, v3  }
0x896: {  	s24 =	sadd.s32 $0xFFFFFFFB, s2;
	v9 =	vmul.f32 v9, v4;
	[tilespmem:v10+s30+$0x0] =	vst.idx.msk $0xffff, v7  }
0x897: {  	v51 =	vmov s24;
	v50 =	vmul.f32 v38, v2;
	[tilespmem:v11+s30+$0x0] =	vst.idx.msk $0xffff, v8  }
0x898: {  	v8 =	vshrl.u32 v51, $0x3;
	[tilespmem:v12+s30+$0x0] =	vst.idx.msk $0xffff, v9  }
0x899: {  	v52 =	vshll.u32 v8, v1;
	[tilespmem:v6+s30+$0x0] =	vst.idx.msk $0xffff, v50  }
0x89a: {  	v6 =	vbroadcast v52, $0x0;
	v7 =	vld [tilespmem:s1+$0xFFFFFF00]  }
0x89b: {  	v53 =	vld [tilespmem:s1+$0xFFFFFF10]  }
0x89c: {  	v9 =	vld [tilespmem:s1+$0xFFFFFF20];
	v54 =	vadd.s32 v14, v6  }
0x89d: {  	v11 =	vld [tilespmem:s1+$0xFFFFFF30];
	v55 =	vadd.s32 v15, v6  }
0x89e: {  	v56 =	vadd.s32 v16, v6  }
0x89f: {  	v6 =	vadd.s32 v17, v6;
	v7 =	vmul.f32 v7, v5  }
0x8a0: {  	v8 =	vmul.f32 v53, v3  }
0x8a1: {  	s6 =	sadd.s32 $0xFFFFFFFC, s2;
	v9 =	vmul.f32 v9, v4;
	[tilespmem:v54+s30+$0x0] =	vst.idx.msk $0xffff, v7  }
0x8a2: {  	v58 =	vmov s6;
	v57 =	vmul.f32 v11, v2;
	[tilespmem:v55+s30+$0x0] =	vst.idx.msk $0xffff, v8  }
0x8a3: {  	v8 =	vshrl.u32 v58, $0x3;
	[tilespmem:v56+s30+$0x0] =	vst.idx.msk $0xffff, v9  }
0x8a4: {  	v59 =	vshll.u32 v8, v1;
	[tilespmem:v6+s30+$0x0] =	vst.idx.msk $0xffff, v57  }
0x8a5: {  	v6 =	vbroadcast v59, $0x0;
	v7 =	vld [tilespmem:s1+$0xFFFFFF80]  }
0x8a6: {  	v60 =	vld [tilespmem:s1+$0xFFFFFF90]  }
0x8a7: {  	v9 =	vld [tilespmem:s1+$0xFFFFFFA0];
	v61 =	vadd.s32 v18, v6  }
0x8a8: {  	v62 =	vld [tilespmem:s1+$0xFFFFFFB0];
	v63 =	vadd.s32 v19, v6  }
0x8a9: {  	v16 =	vadd.s32 v20, v6  }
0x8aa: {  	v6 =	vadd.s32 v21, v6;
	v7 =	vmul.f32 v7, v5  }
0x8ab: {  	v8 =	vmul.f32 v60, v3  }
0x8ac: {  	s7 =	sadd.s32 $0xFFFFFFFD, s2;
	v9 =	vmul.f32 v9, v4;
	[tilespmem:v61+s30+$0x0] =	vst.idx.msk $0xffff, v7  }
0x8ad: {  	v18 =	vmov s7;
	v17 =	vmul.f32 v62, v2;
	[tilespmem:v63+s30+$0x0] =	vst.idx.msk $0xffff, v8  }
0x8ae: {  	v8 =	vshrl.u32 v18, $0x3;
	[tilespmem:v16+s30+$0x0] =	vst.idx.msk $0xffff, v9  }
0x8af: {  	v19 =	vshll.u32 v8, v1;
	[tilespmem:v6+s30+$0x0] =	vst.idx.msk $0xffff, v17  }
0x8b0: {  	v6 =	vbroadcast v19, $0x0;
	v7 =	vld [tilespmem:s1+$0x0]  }
0x8b1: {  	v20 =	vld [tilespmem:s1+$0x10]  }
0x8b2: {  	v9 =	vld [tilespmem:s1+$0x20];
	v21 =	vadd.s32 v22, v6  }
0x8b3: {  	v22 =	vld [tilespmem:s1+$0x30];
	v23 =	vadd.s32 v23, v6  }
0x8b4: {  	v24 =	vadd.s32 v24, v6  }
0x8b5: {  	v6 =	vadd.s32 v25, v6;
	v7 =	vmul.f32 v7, v5  }
0x8b6: {  	v8 =	vmul.f32 v20, v3  }
0x8b7: {  	s22 =	sadd.s32 $0xFFFFFFFE, s2;
	v9 =	vmul.f32 v9, v4;
	[tilespmem:v21+s30+$0x0] =	vst.idx.msk $0xffff, v7  }
0x8b8: {  	v39 =	vmov s22;
	v38 =	vmul.f32 v22, v2;
	[tilespmem:v23+s30+$0x0] =	vst.idx.msk $0xffff, v8  }
0x8b9: {  	v8 =	vshrl.u32 v39, $0x3;
	[tilespmem:v24+s30+$0x0] =	vst.idx.msk $0xffff, v9  }
0x8ba: {  	v40 =	vshll.u32 v8, v1;
	[tilespmem:v6+s30+$0x0] =	vst.idx.msk $0xffff, v38  }
0x8bb: {  	v6 =	vbroadcast v40, $0x0;
	v7 =	vld [tilespmem:s1+$0x80]  }
0x8bc: {  	v41 =	vld [tilespmem:s1+$0x90]  }
0x8bd: {  	v9 =	vld [tilespmem:s1+$0xA0];
	v42 =	vadd.s32 v26, v6  }
0x8be: {  	v43 =	vld [tilespmem:s1+$0xB0];
	v44 =	vadd.s32 v27, v6  }
0x8bf: {  	v45 =	vadd.s32 v28, v6  }
0x8c0: {  	v6 =	vadd.s32 v29, v6;
	v7 =	vmul.f32 v7, v5  }
0x8c1: {  	v8 =	vmul.f32 v41, v3  }
0x8c2: {  	s24 =	sadd.s32 $0xFFFFFFFF, s2;
	v9 =	vmul.f32 v9, v4;
	[tilespmem:v42+s30+$0x0] =	vst.idx.msk $0xffff, v7  }
0x8c3: {  	v47 =	vmov s24;
	v46 =	vmul.f32 v43, v2;
	[tilespmem:v44+s30+$0x0] =	vst.idx.msk $0xffff, v8  }
0x8c4: {  	v8 =	vshrl.u32 v47, $0x3;
	[tilespmem:v45+s30+$0x0] =	vst.idx.msk $0xffff, v9  }
0x8c5: {  	v48 =	vshll.u32 v8, v1;
	[tilespmem:v6+s30+$0x0] =	vst.idx.msk $0xffff, v46  }
0x8c6: {  	v6 =	vbroadcast v48, $0x0;
	v7 =	vld [tilespmem:s1+$0x100]  }
0x8c7: {  	v49 =	vld [tilespmem:s1+$0x110]  }
0x8c8: {  	v9 =	vld [tilespmem:s1+$0x120];
	v50 =	vadd.s32 v30, v6  }
0x8c9: {  	v51 =	vld [tilespmem:s1+$0x130];
	v52 =	vadd.s32 v31, v6  }
0x8ca: {  	v53 =	vadd.s32 v32, v6  }
0x8cb: {  	v6 =	vadd.s32 v33, v6;
	v7 =	vmul.f32 v7, v5  }
0x8cc: {  	v8 =	vmul.f32 v49, v3  }
0x8cd: {  	v9 =	vmul.f32 v9, v4;
	[tilespmem:v50+s30+$0x0] =	vst.idx.msk $0xffff, v7  }
0x8ce: {  	v55 =	vmov s2;
	v54 =	vmul.f32 v51, v2;
	[tilespmem:v52+s30+$0x0] =	vst.idx.msk $0xffff, v8  }
0x8cf: {  	v8 =	vshrl.u32 v55, $0x3;
	[tilespmem:v53+s30+$0x0] =	vst.idx.msk $0xffff, v9  }
0x8d0: {  	v56 =	vshll.u32 v8, v1;
	[tilespmem:v6+s30+$0x0] =	vst.idx.msk $0xffff, v54  }
0x8d1: {  	v6 =	vbroadcast v56, $0x0;
	v7 =	vld [tilespmem:s1+$0x180]  }
0x8d2: {  	v57 =	vld [tilespmem:s1+$0x190]  }
0x8d3: {  	v9 =	vld [tilespmem:s1+$0x1A0];
	v58 =	vadd.s32 v34, v6  }
0x8d4: {  	v59 =	vld [tilespmem:s1+$0x1B0];
	v60 =	vadd.s32 v35, v6  }
0x8d5: {  	v61 =	vadd.s32 v36, v6  }
0x8d6: {  	v6 =	vadd.s32 v37, v6;
	v62 =	vmul.f32 v7, v5  }
0x8d7: {  	v3 =	vmul.f32 v57, v3  }
0x8d8: {  	v63 =	vmul.f32 v9, v4;
	[tilespmem:v58+s30+$0x0] =	vst.idx.msk $0xffff, v62  }
0x8d9: {  	v2 =	vmul.f32 v59, v2;
	[tilespmem:v60+s30+$0x0] =	vst.idx.msk $0xffff, v3  }
0x8da: {  	[tilespmem:v61+s30+$0x0] =	vst.idx.msk $0xffff, v63  }
0x8db: {  	s3 =	sadd.s32 $0x1, s3;
	[tilespmem:v6+s30+$0x0] =	vst.idx.msk $0xffff, v2  }
0x8dc: {  	[hbm4b:s20+s4] =	stream.linear.scatter [tilespmem:s30], [sflag:$0x4], $0x8000, $0x38;
	[tilespmem:$0x18100] =	vst v63  }
0x8dd: {  	p0 =	sne.s32 s3, s21;
	_ =	swait.ge [sflag:s31], $0x8000  }
.Ltmp9:
0x8de: {  	[sflag:s31] =	ssyncset.done $0x0;
	(pc) =	sbr.rel @p0 .LBB2_1-.Ltmp9, $4  }
0x8df: {  	[sflag:s31] =	ssyncadd.s32 $0xFFFF8000  }
0x8e0: {  	_ =	swait.ge [sflag:s0], $0x8000  }
0x8e1: {  	[sflag:s0] =	ssyncset.done $0x0  }
0x8e2: {  	[sflag:s0] =	ssyncadd.s32 $0xFFFF8000  }
0x8e3: {  	_ =	sfence.sel $0x180000  }
0x8e4: {  	[bflag:$0x0] =	sbarrier.arrive $0xFFFF  }
0x8e5: {  	_ =	strace $0x90000047  }
0x8e6: {  	s0 =	stileid.u32;
	[bflag:$0x2] =	sbarrier.arrive $0xFFFF  }
0x8e7: {  	p0 =	sne.s32 s0, $0x0;
	s0 =	rddreg [dreg:$0x4]  }
0x8e8: {  	s0 =	sadd.s32 @!p0 $0x100000, s0  }
0x8e9: {  	[sflag:s0] =	ssyncadd.tile.s32 @!p0 $0x1;
	_ =	shalt  }
.Lfunc_end2:
_tile_overlayer_lowered:
.L_overlay_start_2:
0x8ea: {  	(tag) =	ssettag $0x2  }
0x8eb: {  	s0 =	rddreg [dreg:$0x0];
	s2 =	stileid.u32  }
0x8ec: {  	s1 =	rddreg [dreg:$0x1];
	p0 =	sne.s32 s2, $0x0  }
0x8ed: {  	s3 =	rddreg [dreg:$0x2];
	[bflag:$0x3] =	sbarrier.arrive $0xFFFF;
	s2 =	simm.s32 @!p0 $0x1C05  }
0x8ee: {  	[timem:s3], [sflag:s2] =	dma.local @!p0 [hbm:s0], s1  }
0x8ef: {  	s0 =	simm.s32 @!p0 $0x5  }
0x8f0: {  	_ =	swait.ge @!p0 [sflag:s0], s1  }
0x8f1: {  	s1 =	ssub.s32 @!p0 $0x0, s1;
	[sflag:s0] =	ssyncset.done @!p0 $0x0  }
0x8f2: {  	[sflag:s0] =	ssyncadd.s32 @!p0 s1  }
0x8f3: {  	[bflag:$0x3] =	sbarrier.arrive $0xFFFF  }
0x8f4: {  	_ =	shalt  }

</sc_bundles>
